<compile_context>
chip_gen: v7x
topology: tpu7x:2x2x1
jax: 0.10.2.dev20260603
libtpu: 0.0.44.dev20260713+nightly
codegen_flags: <defaults>
</compile_context>

<pallas_src>
import functools

import jax
import jax.numpy as jnp
import numpy as np
from jax import lax
from jax.experimental import pallas as pl
from jax.experimental.pallas import tpu as pltpu
from jax.experimental.pallas import tpu_sc as plsc

_N, _E, _D, _H, _O = 10000, 320000, 128, 128, 64
_NC, _NS = 2, 16
_NW = _NC * _NS
_CW = 128
_CH = 80
_EPW = _CH * _CW
_EPAD = _NW * _EPW
_NPAD = 10112
_RPT = _NPAD // _NS
_CNT = _NPAD
_CPT = _CNT // _NS
_SZS = (128, 128, 128, 128, 120)
_SZA = (64,) * 9 + (56,)
_BLK = 2000
_PADK = np.arange(_NW * _CH * _CW - _E, dtype=np.int32)
_PAD_SRC = (_PADK * 997) % _N
_PAD_DST = (_N + _PADK % (_NPAD - _N)).astype(np.int32)


_MESH = plsc.VectorSubcoreMesh(core_axis_name="c", subcore_axis_name="s",
                               num_cores=_NC, num_subcores=_NS)


@functools.partial(
    pl.kernel, mesh=_MESH,
    out_type=jax.ShapeDtypeStruct((_NC, _NPAD, _H), jnp.float32),
    scratch_types=[
        pltpu.VMEM((16, _CW), jnp.int32),
        pltpu.VMEM((16, _CW), jnp.int32),
        pltpu.VMEM((_CW, _H), jnp.float32),
        pltpu.VMEM((_CW, _H), jnp.float32),
        pltpu.VMEM_SHARED((_NPAD, _H), jnp.float32),
        pltpu.SemaphoreType.DMA,
        pltpu.SemaphoreType.DMA,
    ])
def _segsum(y_hbm, srcw_hbm, dstw_hbm, part_hbm, src_v, dst_v, rows_v,
            rows2_v, acc_sh, sem_a, sem_b):
    cid = lax.axis_index("c")
    sid = lax.axis_index("s")
    wid = sid * _NC + cid

    zero16 = jnp.zeros((16,), jnp.float32)

    def _zrow(i, carry):
        for c in range(8):
            rows_v[i, pl.ds(c * 16, 16)] = zero16
        return carry

    lax.fori_loop(0, _CW, _zrow, 0)

    base = sid * _RPT
    off = 0
    for sz in _SZS:
        pltpu.sync_copy(rows_v.at[pl.ds(0, sz)],
                        acc_sh.at[pl.ds(base + off, sz)])
        off += sz
    plsc.subcore_barrier()

    def _pair(p, carry):
        j0 = 2 * p
        pltpu.make_async_copy(y_hbm.at[src_v.at[j0]], rows_v, sem_a).wait()
        pltpu.sync_copy(rows_v, acc_sh.at[dst_v.at[j0]], add=True)
        pltpu.async_copy(y_hbm.at[src_v.at[j0 + 2]], rows_v, sem_a)
        pltpu.make_async_copy(y_hbm.at[src_v.at[j0 + 1]], rows2_v, sem_b).wait()
        pltpu.sync_copy(rows2_v, acc_sh.at[dst_v.at[j0 + 1]], add=True)
        pltpu.async_copy(y_hbm.at[src_v.at[j0 + 3]], rows2_v, sem_b)
        return carry

    def _blk(h, carry):
        pltpu.sync_copy(srcw_hbm.at[wid, pl.ds(h * 16, 16)], src_v)
        pltpu.sync_copy(dstw_hbm.at[wid, pl.ds(h * 16, 16)], dst_v)
        pltpu.async_copy(y_hbm.at[src_v.at[0]], rows_v, sem_a)
        pltpu.async_copy(y_hbm.at[src_v.at[1]], rows2_v, sem_b)
        lax.fori_loop(0, 7, _pair, 0)
        pltpu.make_async_copy(y_hbm.at[src_v.at[14]], rows_v, sem_a).wait()
        pltpu.sync_copy(rows_v, acc_sh.at[dst_v.at[14]], add=True)
        pltpu.make_async_copy(y_hbm.at[src_v.at[15]], rows2_v, sem_b).wait()
        pltpu.sync_copy(rows2_v, acc_sh.at[dst_v.at[15]], add=True)
        return carry

    lax.fori_loop(0, _CH // 16, _blk, 0)
    plsc.subcore_barrier()

    off = 0
    for sz in _SZS:
        pltpu.sync_copy(acc_sh.at[pl.ds(base + off, sz)],
                        rows_v.at[pl.ds(0, sz)])
        pltpu.sync_copy(rows_v.at[pl.ds(0, sz)],
                        part_hbm.at[cid, pl.ds(base + off, sz)])
        off += sz


@functools.partial(
    pl.kernel, mesh=_MESH,
    out_type=jax.ShapeDtypeStruct((_NC, _CNT, 16), jnp.float32),
    scratch_types=[
        pltpu.VMEM((_CH, _CW), jnp.int32),
        pltpu.VMEM((_CW, 16), jnp.float32),
        pltpu.VMEM((128, 16), jnp.float32),
        pltpu.VMEM_SHARED((_CNT, 16), jnp.float32),
        pltpu.SemaphoreType.DMA,
    ])
def _segcnt(dstw_hbm, cnt_hbm, dst_v, ones_v, zc_v, cnt_sh, sem_c):
    cid = lax.axis_index("c")
    sid = lax.axis_index("s")
    wid = sid * _NC + cid

    zero16 = jnp.zeros((16,), jnp.float32)
    one16 = jnp.ones((16,), jnp.float32)

    def _fill(i, carry):
        zc_v[i, :] = zero16
        return carry

    def _fill_ones(i, carry):
        ones_v[i, :] = one16
        return carry

    lax.fori_loop(0, 128, _fill, 0)
    lax.fori_loop(0, _CW, _fill_ones, 0)

    cb = sid * _CPT
    off = 0
    for sz in _SZS:
        pltpu.sync_copy(zc_v.at[pl.ds(0, sz)],
                        cnt_sh.at[pl.ds(cb + off, sz)])
        off += sz
    plsc.subcore_barrier()

    pltpu.sync_copy(dstw_hbm.at[wid], dst_v)

    def _chunk(j, carry):
        pltpu.async_copy(ones_v, cnt_sh.at[dst_v.at[j]], sem_c, add=True)
        return carry

    def _drain(j, carry):
        pltpu.make_async_copy(ones_v, cnt_sh.at[dst_v.at[j]], sem_c).wait()
        return carry

    lax.fori_loop(0, _CH, _chunk, 0)
    lax.fori_loop(0, _CH, _drain, 0)
    plsc.subcore_barrier()

    off = 0
    for sz in _SZS:
        pltpu.sync_copy(cnt_sh.at[pl.ds(cb + off, sz)],
                        zc_v.at[pl.ds(0, sz)])
        pltpu.sync_copy(zc_v.at[pl.ds(0, sz)],
                        cnt_hbm.at[cid, pl.ds(cb + off, sz)])
        off += sz


def _dot(a, b, preferred_element_type=jnp.float32):
    return jax.lax.dot(a, b, preferred_element_type=preferred_element_type)


def _lin_relu_body(x_ref, w_ref, b_ref, o_ref):
    o_ref[...] = jnp.maximum(
        _dot(x_ref[...], w_ref[...], preferred_element_type=jnp.float32)
        + b_ref[...], 0.0)


def _mid_body(x_ref, p_ref, c_ref, wa_ref, wb_ref, ba_ref,
              wl_ref, bl_ref, h_ref, y_ref):
    cnt = jnp.maximum(c_ref[0, :, 0:1] + c_ref[1, :, 0:1], 1.0)
    aggr = (p_ref[0] + p_ref[1]) / cnt
    pre = (_dot(x_ref[...], wa_ref[...], preferred_element_type=jnp.float32)
           + _dot(aggr, wb_ref[...], preferred_element_type=jnp.float32)
           + ba_ref[...])
    h = jnp.maximum(pre, 0.0)
    nrm = jnp.maximum(jnp.sqrt(jnp.sum(h * h, axis=1, keepdims=True)), 1e-12)
    h = h / nrm
    h_ref[...] = h
    y_ref[...] = jnp.maximum(
        _dot(h, wl_ref[...], preferred_element_type=jnp.float32)
        + bl_ref[...], 0.0)


def _out_body(h_ref, p_ref, c_ref, wa_ref, wb_ref, ba_ref,
              w1_ref, b1_ref, w2_ref, b2_ref, o_ref):
    cnt = jnp.maximum(c_ref[0, :, 0:1] + c_ref[1, :, 0:1], 1.0)
    aggr = (p_ref[0] + p_ref[1]) / cnt
    pre = (_dot(h_ref[...], wa_ref[...], preferred_element_type=jnp.float32)
           + _dot(aggr, wb_ref[...], preferred_element_type=jnp.float32)
           + ba_ref[...])
    h2 = jnp.maximum(pre, 0.0)
    nrm = jnp.maximum(jnp.sqrt(jnp.sum(h2 * h2, axis=1, keepdims=True)), 1e-12)
    h2 = h2 / nrm
    t = _dot(h2, w1_ref[...], preferred_element_type=jnp.float32) + b1_ref[...]
    o = _dot(t, w2_ref[...], preferred_element_type=jnp.float32) + b2_ref[...]
    m = jnp.max(o, axis=1, keepdims=True)
    lse = jnp.log(jnp.sum(jnp.exp(o - m), axis=1, keepdims=True)) + m
    o_ref[...] = o - lse


def _row_spec(cols):
    return pl.BlockSpec((_BLK, cols), lambda i: (i, 0))


def _pair_spec(cols):
    return pl.BlockSpec((2, _BLK, cols), lambda i: (0, i, 0))


def _full_spec(r, c):
    return pl.BlockSpec((r, c), lambda i: (0, 0))


_GRID = (_N // _BLK,)

_lin_relu = pl.pallas_call(
    _lin_relu_body,
    grid=_GRID,
    in_specs=[_row_spec(_D), _full_spec(_D, _H), _full_spec(1, _H)],
    out_specs=_row_spec(_H),
    out_shape=jax.ShapeDtypeStruct((_N, _H), jnp.float32),
)

_mid = pl.pallas_call(
    _mid_body,
    grid=_GRID,
    in_specs=[_row_spec(_D), _pair_spec(_H), _pair_spec(16),
              _full_spec(_D, _H), _full_spec(_H, _H), _full_spec(1, _H),
              _full_spec(_H, _H), _full_spec(1, _H)],
    out_specs=[_row_spec(_H), _row_spec(_H)],
    out_shape=[jax.ShapeDtypeStruct((_N, _H), jnp.float32),
               jax.ShapeDtypeStruct((_N, _H), jnp.float32)],
)

_out = pl.pallas_call(
    _out_body,
    grid=_GRID,
    in_specs=[_row_spec(_H), _pair_spec(_H), _pair_spec(16),
              _full_spec(_H, _H), _full_spec(_H, _H), _full_spec(1, _H),
              _full_spec(_H, _H), _full_spec(1, _H),
              _full_spec(_H, _O), _full_spec(1, _O)],
    out_specs=_row_spec(_O),
    out_shape=jax.ShapeDtypeStruct((_N, _O), jnp.float32),
)


def kernel(x, edge_index, W_lin1, b_lin1, W_agg1, b_agg1, W_lin2, b_lin2,
           W_agg2, b_agg2, W_post1, b_post1, W_post2, b_post2):
    src = edge_index[0]
    dst = edge_index[1]
    src_p = jnp.concatenate([src, jnp.asarray(_PAD_SRC)]).reshape(_NW, _CH, _CW)
    dst_p = jnp.concatenate([dst, jnp.asarray(_PAD_DST)]).reshape(_NW, _CH, _CW)

    y1 = _lin_relu(x, W_lin1, b_lin1.reshape(1, _H))
    cnt1 = _segcnt(dst_p)
    part1 = _segsum(y1, src_p, dst_p)
    h1, y2 = _mid(x, part1, cnt1, W_agg1[:_D], W_agg1[_D:],
                  b_agg1.reshape(1, _H), W_lin2, b_lin2.reshape(1, _H))
    part2 = _segsum(y2, src_p, dst_p)
    return _out(h1, part2, cnt1, W_agg2[:_H], W_agg2[_H:],
                b_agg2.reshape(1, _H), W_post1, b_post1.reshape(1, _H),
                W_post2, b_post2.reshape(1, _O))

# --- scband reference (transcript-rebuilt; emitter-appended) ---
"""Pipeline reference for scband-gnnstack-43336220017044 (READ-ONLY COPY).

The authoritative reference and input builder live on the scoring server;
editing this copy changes nothing except your own understanding.
"""

import jax, jax.numpy as jnp
import numpy as np

N = 10000
E = 320000
D = 128   # input_dim
H = 128   # hidden_dim
O = 64    # output_dim


def _sage_layer(x, src, dst, W_lin, b_lin, W_agg, b_agg):
    # message: x_j = relu(lin(x_j))
    m = jax.nn.relu(x[src] @ W_lin + b_lin)            # [E, H]
    # aggr='mean' over destination nodes
    seg_sum = jax.ops.segment_sum(m, dst, num_segments=x.shape[0])
    cnt = jax.ops.segment_sum(jnp.ones((m.shape[0], 1), dtype=m.dtype), dst, num_segments=x.shape[0])
    aggr = seg_sum / jnp.maximum(cnt, 1.0)             # [N, H]
    # update: relu(agg_lin(cat([x, aggr])))
    h = jax.nn.relu(jnp.concatenate([x, aggr], axis=-1) @ W_agg + b_agg)
    # F.normalize(p=2, dim=1, eps=1e-12)
    nrm = jnp.maximum(jnp.linalg.norm(h, axis=1, keepdims=True), 1e-12)
    return h / nrm


def setup_inputs(seed: int = 0) -> dict:
    key = jax.random.key(seed)
    ks = jax.random.split(key, 16)
    x = jax.random.normal(ks[0], (N, D), dtype=jnp.float32)
    edge_index = jax.random.randint(ks[1], (2, E), 0, N, dtype=jnp.int32)
    def lin_init(k, fan_in, fan_out):
        kw, kb = jax.random.split(k)
        bound = 1.0 / np.sqrt(fan_in)
        W = jax.random.uniform(kw, (fan_in, fan_out), minval=-bound, maxval=bound, dtype=jnp.float32)
        b = jax.random.uniform(kb, (fan_out,), minval=-bound, maxval=bound, dtype=jnp.float32)
        return W, b
    W_lin1, b_lin1 = lin_init(ks[2], D, H)
    W_agg1, b_agg1 = lin_init(ks[3], D + H, H)
    W_lin2, b_lin2 = lin_init(ks[4], H, H)
    W_agg2, b_agg2 = lin_init(ks[5], H + H, H)
    W_post1, b_post1 = lin_init(ks[6], H, H)
    W_post2, b_post2 = lin_init(ks[7], H, O)
    return {
        "x": x, "edge_index": edge_index,
        "W_lin1": W_lin1, "b_lin1": b_lin1, "W_agg1": W_agg1, "b_agg1": b_agg1,
        "W_lin2": W_lin2, "b_lin2": b_lin2, "W_agg2": W_agg2, "b_agg2": b_agg2,
        "W_post1": W_post1, "b_post1": b_post1, "W_post2": W_post2, "b_post2": b_post2,
    }


def reference(x, edge_index, W_lin1, b_lin1, W_agg1, b_agg1, W_lin2, b_lin2, W_agg2, b_agg2, W_post1, b_post1, W_post2, b_post2):
    src, dst = edge_index[0], edge_index[1]
    # layer 1 (GraphSage) + relu + dropout(p=0, eval -> identity)
    h = _sage_layer(x, src, dst, W_lin1, b_lin1, W_agg1, b_agg1)
    h = jax.nn.relu(h)
    # layer 2
    h = _sage_layer(h, src, dst, W_lin2, b_lin2, W_agg2, b_agg2)
    h = jax.nn.relu(h)
    # post_mp: Linear -> Dropout(eval) -> Linear
    h = h @ W_post1 + b_post1
    out = h @ W_post2 + b_post2
    return jax.nn.log_softmax(out, axis=1)

if __name__ == "__main__":
    import jax
    _d = setup_inputs()
    print(jax.jit(kernel)(*tuple(_d.values())))

</pallas_src>

<mosaic_0001>
#map = affine_map<(d0, d1) -> (0, 0)>
#map1 = affine_map<(d0, d1) -> (0, 0, 0)>
module attributes {stable_mosaic.version = 14 : i64} {
  func.func @_segsum(%arg0: i32, %arg1: i32, %arg2: memref<10000x128xf32, #tpu.memory_space<hbm>>, %arg3: memref<32x80x128xi32, #tpu.memory_space<hbm>>, %arg4: memref<32x80x128xi32, #tpu.memory_space<hbm>>, %arg5: memref<2x10112x128xf32, #tpu.memory_space<hbm>>, %arg6: memref<16x128xi32, #tpu.memory_space<vmem>>, %arg7: memref<16x128xi32, #tpu.memory_space<vmem>>, %arg8: memref<128x128xf32, #tpu.memory_space<vmem>>, %arg9: memref<128x128xf32, #tpu.memory_space<vmem>>, %arg10: memref<10112x128xf32, #tpu.memory_space<vmem_shared>>, %arg11: memref<!tpu.dma_semaphore, #tpu.memory_space<semaphore_mem>>, %arg12: memref<!tpu.dma_semaphore, #tpu.memory_space<semaphore_mem>>) attributes {dimension_semantics = [#tpu.dimension_semantics<core_parallel>, #tpu.dimension_semantics<subcore_parallel>], iteration_bounds = array<i64: 2, 16>, scalar_prefetch = 0 : i64, scratch_operands = 7 : i64, tpu.core_type = #tpu.core_type<sc_vector_subcore>, window_params = [{transform_indices = #map}, {transform_indices = #map1}, {transform_indices = #map1}, {transform_indices = #map1}]} {
    %mul3A = arith.constant 2 : i32
    %mul3A_0 = arith.muli %arg1, %mul3A : i32
    %add3A = arith.addi %mul3A_0, %arg0 : i32
    %broadcast_in_dim3A = arith.constant 0.000000e+00 : f32
    %broadcast_in_dim3A_1 = vector.broadcast %broadcast_in_dim3A : f32 to vector<16xf32>
    %scan3A = arith.constant 0 : i32
    %scan3A_2 = arith.constant 0 : i32
    %scan3A_3 = arith.constant 128 : i32
    %scan3A_4 = arith.addi %scan3A_2, %scan3A_3 : i32
    %scan3A_5 = arith.constant 1 : i32
    scf.for %scan3A_46 = %scan3A_2 to %scan3A_4 step %scan3A_5  : i32 {
      %swap3A = arith.index_cast %scan3A_46 : i32 to index
      %swap3A_47 = arith.constant 0 : index
      %swap3A_48 = tpu.vector_load %arg8[%swap3A, %swap3A_47] {strides = array<i32>} : memref<128x128xf32, #tpu.memory_space<vmem>>, vector<1x16xf32>,
      %swap3A_49 = vector.shape_cast %swap3A_48 : vector<1x16xf32> to vector<16xf32>
      %swap3A_50 = vector.shape_cast %broadcast_in_dim3A_1 : vector<16xf32> to vector<1x16xf32>
      tpu.vector_store %arg8[%swap3A, %swap3A_47], %swap3A_50 {strides = array<i32>} : memref<128x128xf32, #tpu.memory_space<vmem>>, vector<1x16xf32>,
      %swap3A_51 = arith.index_cast %scan3A_46 : i32 to index
      %swap3A_52 = arith.constant 16 : index
      %swap3A_53 = tpu.vector_load %arg8[%swap3A_51, %swap3A_52] {strides = array<i32>} : memref<128x128xf32, #tpu.memory_space<vmem>>, vector<1x16xf32>,
      %swap3A_54 = vector.shape_cast %swap3A_53 : vector<1x16xf32> to vector<16xf32>
      %swap3A_55 = vector.shape_cast %broadcast_in_dim3A_1 : vector<16xf32> to vector<1x16xf32>
      tpu.vector_store %arg8[%swap3A_51, %swap3A_52], %swap3A_55 {strides = array<i32>} : memref<128x128xf32, #tpu.memory_space<vmem>>, vector<1x16xf32>,
      %swap3A_56 = arith.index_cast %scan3A_46 : i32 to index
      %swap3A_57 = arith.constant 32 : index
      %swap3A_58 = tpu.vector_load %arg8[%swap3A_56, %swap3A_57] {strides = array<i32>} : memref<128x128xf32, #tpu.memory_space<vmem>>, vector<1x16xf32>,
      %swap3A_59 = vector.shape_cast %swap3A_58 : vector<1x16xf32> to vector<16xf32>
      %swap3A_60 = vector.shape_cast %broadcast_in_dim3A_1 : vector<16xf32> to vector<1x16xf32>
      tpu.vector_store %arg8[%swap3A_56, %swap3A_57], %swap3A_60 {strides = array<i32>} : memref<128x128xf32, #tpu.memory_space<vmem>>, vector<1x16xf32>,
      %swap3A_61 = arith.index_cast %scan3A_46 : i32 to index
      %swap3A_62 = arith.constant 48 : index
      %swap3A_63 = tpu.vector_load %arg8[%swap3A_61, %swap3A_62] {strides = array<i32>} : memref<128x128xf32, #tpu.memory_space<vmem>>, vector<1x16xf32>,
      %swap3A_64 = vector.shape_cast %swap3A_63 : vector<1x16xf32> to vector<16xf32>
      %swap3A_65 = vector.shape_cast %broadcast_in_dim3A_1 : vector<16xf32> to vector<1x16xf32>
      tpu.vector_store %arg8[%swap3A_61, %swap3A_62], %swap3A_65 {strides = array<i32>} : memref<128x128xf32, #tpu.memory_space<vmem>>, vector<1x16xf32>,
      %swap3A_66 = arith.index_cast %scan3A_46 : i32 to index
      %swap3A_67 = arith.constant 64 : index
      %swap3A_68 = tpu.vector_load %arg8[%swap3A_66, %swap3A_67] {strides = array<i32>} : memref<128x128xf32, #tpu.memory_space<vmem>>, vector<1x16xf32>,
      %swap3A_69 = vector.shape_cast %swap3A_68 : vector<1x16xf32> to vector<16xf32>
      %swap3A_70 = vector.shape_cast %broadcast_in_dim3A_1 : vector<16xf32> to vector<1x16xf32>
      tpu.vector_store %arg8[%swap3A_66, %swap3A_67], %swap3A_70 {strides = array<i32>} : memref<128x128xf32, #tpu.memory_space<vmem>>, vector<1x16xf32>,
      %swap3A_71 = arith.index_cast %scan3A_46 : i32 to index
      %swap3A_72 = arith.constant 80 : index
      %swap3A_73 = tpu.vector_load %arg8[%swap3A_71, %swap3A_72] {strides = array<i32>} : memref<128x128xf32, #tpu.memory_space<vmem>>, vector<1x16xf32>,
      %swap3A_74 = vector.shape_cast %swap3A_73 : vector<1x16xf32> to vector<16xf32>
      %swap3A_75 = vector.shape_cast %broadcast_in_dim3A_1 : vector<16xf32> to vector<1x16xf32>
      tpu.vector_store %arg8[%swap3A_71, %swap3A_72], %swap3A_75 {strides = array<i32>} : memref<128x128xf32, #tpu.memory_space<vmem>>, vector<1x16xf32>,
      %swap3A_76 = arith.index_cast %scan3A_46 : i32 to index
      %swap3A_77 = arith.constant 96 : index
      %swap3A_78 = tpu.vector_load %arg8[%swap3A_76, %swap3A_77] {strides = array<i32>} : memref<128x128xf32, #tpu.memory_space<vmem>>, vector<1x16xf32>,
      %swap3A_79 = vector.shape_cast %swap3A_78 : vector<1x16xf32> to vector<16xf32>
      %swap3A_80 = vector.shape_cast %broadcast_in_dim3A_1 : vector<16xf32> to vector<1x16xf32>
      tpu.vector_store %arg8[%swap3A_76, %swap3A_77], %swap3A_80 {strides = array<i32>} : memref<128x128xf32, #tpu.memory_space<vmem>>, vector<1x16xf32>,
      %swap3A_81 = arith.index_cast %scan3A_46 : i32 to index
      %swap3A_82 = arith.constant 112 : index
      %swap3A_83 = tpu.vector_load %arg8[%swap3A_81, %swap3A_82] {strides = array<i32>} : memref<128x128xf32, #tpu.memory_space<vmem>>, vector<1x16xf32>,
      %swap3A_84 = vector.shape_cast %swap3A_83 : vector<1x16xf32> to vector<16xf32>
      %swap3A_85 = vector.shape_cast %broadcast_in_dim3A_1 : vector<16xf32> to vector<1x16xf32>
      tpu.vector_store %arg8[%swap3A_81, %swap3A_82], %swap3A_85 {strides = array<i32>} : memref<128x128xf32, #tpu.memory_space<vmem>>, vector<1x16xf32>,
    }
    %scan3A_6 = arith.constant 128 : i32
    %mul3A_7 = arith.constant 632 : i32
    %mul3A_8 = arith.muli %arg1, %mul3A_7 : i32
    %add3A_9 = arith.constant 0 : i32
    %add3A_10 = arith.addi %mul3A_8, %add3A_9 : i32
    "tpu.region"() ({
      %run_scoped3A = tpu.sem_alloc : memref<!tpu.dma_semaphore, #tpu.memory_space<semaphore_mem>>
      %dma_start3A = arith.constant 0 : i32
      %dma_start3A_46 = arith.constant 0 : i32
      %dma_start3A_47 = tpu.memref_slice %arg8[%dma_start3A, %dma_start3A_46] : memref<128x128xf32, #tpu.memory_space<vmem>> -> memref<128x128xf32, #tpu.memory_space<vmem>>
      %dma_start3A_48 = arith.constant 0 : i32
      %dma_start3A_49 = tpu.memref_slice %arg10[%add3A_10, %dma_start3A_48] : memref<10112x128xf32, #tpu.memory_space<vmem_shared>> -> memref<128x128xf32, #tpu.memory_space<vmem_shared>>
      %dma_start3A_50 = arith.constant 0 : i32
      %dma_start3A_51 = tpu.memref_slice %arg10[%add3A_10, %dma_start3A_50] : memref<10112x128xf32, #tpu.memory_space<vmem_shared>> -> memref<128x128xf32, #tpu.memory_space<vmem_shared>>
      %dma_start3A_52 = arith.constant 0 : i32
      %dma_start3A_53 = arith.constant 0 : i32
      %dma_start3A_54 = tpu.memref_slice %arg8[%dma_start3A_52, %dma_start3A_53] : memref<128x128xf32, #tpu.memory_space<vmem>> -> memref<128x128xf32, #tpu.memory_space<vmem>>
      tpu.enqueue_dma source(%dma_start3A_54 : memref<128x128xf32, #tpu.memory_space<vmem>>) target(%dma_start3A_51 : memref<128x128xf32, #tpu.memory_space<vmem_shared>>) target_semaphore(%run_scoped3A : memref<!tpu.dma_semaphore, #tpu.memory_space<semaphore_mem>>)
      %dma_wait3A = arith.constant 0 : i32
      %dma_wait3A_55 = arith.constant 0 : i32
      %dma_wait3A_56 = tpu.memref_slice %arg8[%dma_wait3A, %dma_wait3A_55] : memref<128x128xf32, #tpu.memory_space<vmem>> -> memref<128x128xf32, #tpu.memory_space<vmem>>
      %dma_wait3A_57 = arith.constant 0 : i32
      %dma_wait3A_58 = tpu.memref_slice %arg10[%add3A_10, %dma_wait3A_57] : memref<10112x128xf32, #tpu.memory_space<vmem_shared>> -> memref<128x128xf32, #tpu.memory_space<vmem_shared>>
      %dma_wait3A_59 = arith.constant 0 : i32
      %dma_wait3A_60 = tpu.memref_slice %arg10[%add3A_10, %dma_wait3A_59] : memref<10112x128xf32, #tpu.memory_space<vmem_shared>> -> memref<128x128xf32, #tpu.memory_space<vmem_shared>>
      %dma_wait3A_61 = arith.constant 0 : i32
      %dma_wait3A_62 = arith.constant 0 : i32
      %dma_wait3A_63 = tpu.memref_slice %arg8[%dma_wait3A_61, %dma_wait3A_62] : memref<128x128xf32, #tpu.memory_space<vmem>> -> memref<128x128xf32, #tpu.memory_space<vmem>>
      tpu.wait_dma2 semaphore(%run_scoped3A : memref<!tpu.dma_semaphore, #tpu.memory_space<semaphore_mem>>) src(%dma_wait3A_63 : memref<128x128xf32, #tpu.memory_space<vmem>>) dst(%dma_wait3A_60 : memref<128x128xf32, #tpu.memory_space<vmem_shared>>)
      tpu.yield
    }) : () -> ()
    %add3A_11 = arith.constant 128 : i32
    %add3A_12 = arith.addi %mul3A_8, %add3A_11 : i32
    "tpu.region"() ({
      %run_scoped3A = tpu.sem_alloc : memref<!tpu.dma_semaphore, #tpu.memory_space<semaphore_mem>>
      %dma_start3A = arith.constant 0 : i32
      %dma_start3A_46 = arith.constant 0 : i32
      %dma_start3A_47 = tpu.memref_slice %arg8[%dma_start3A, %dma_start3A_46] : memref<128x128xf32, #tpu.memory_space<vmem>> -> memref<128x128xf32, #tpu.memory_space<vmem>>
      %dma_start3A_48 = arith.constant 0 : i32
      %dma_start3A_49 = tpu.memref_slice %arg10[%add3A_12, %dma_start3A_48] : memref<10112x128xf32, #tpu.memory_space<vmem_shared>> -> memref<128x128xf32, #tpu.memory_space<vmem_shared>>
      %dma_start3A_50 = arith.constant 0 : i32
      %dma_start3A_51 = tpu.memref_slice %arg10[%add3A_12, %dma_start3A_50] : memref<10112x128xf32, #tpu.memory_space<vmem_shared>> -> memref<128x128xf32, #tpu.memory_space<vmem_shared>>
      %dma_start3A_52 = arith.constant 0 : i32
      %dma_start3A_53 = arith.constant 0 : i32
      %dma_start3A_54 = tpu.memref_slice %arg8[%dma_start3A_52, %dma_start3A_53] : memref<128x128xf32, #tpu.memory_space<vmem>> -> memref<128x128xf32, #tpu.memory_space<vmem>>
      tpu.enqueue_dma source(%dma_start3A_54 : memref<128x128xf32, #tpu.memory_space<vmem>>) target(%dma_start3A_51 : memref<128x128xf32, #tpu.memory_space<vmem_shared>>) target_semaphore(%run_scoped3A : memref<!tpu.dma_semaphore, #tpu.memory_space<semaphore_mem>>)
      %dma_wait3A = arith.constant 0 : i32
      %dma_wait3A_55 = arith.constant 0 : i32
      %dma_wait3A_56 = tpu.memref_slice %arg8[%dma_wait3A, %dma_wait3A_55] : memref<128x128xf32, #tpu.memory_space<vmem>> -> memref<128x128xf32, #tpu.memory_space<vmem>>
      %dma_wait3A_57 = arith.constant 0 : i32
      %dma_wait3A_58 = tpu.memref_slice %arg10[%add3A_12, %dma_wait3A_57] : memref<10112x128xf32, #tpu.memory_space<vmem_shared>> -> memref<128x128xf32, #tpu.memory_space<vmem_shared>>
      %dma_wait3A_59 = arith.constant 0 : i32
      %dma_wait3A_60 = tpu.memref_slice %arg10[%add3A_12, %dma_wait3A_59] : memref<10112x128xf32, #tpu.memory_space<vmem_shared>> -> memref<128x128xf32, #tpu.memory_space<vmem_shared>>
      %dma_wait3A_61 = arith.constant 0 : i32
      %dma_wait3A_62 = arith.constant 0 : i32
      %dma_wait3A_63 = tpu.memref_slice %arg8[%dma_wait3A_61, %dma_wait3A_62] : memref<128x128xf32, #tpu.memory_space<vmem>> -> memref<128x128xf32, #tpu.memory_space<vmem>>
      tpu.wait_dma2 semaphore(%run_scoped3A : memref<!tpu.dma_semaphore, #tpu.memory_space<semaphore_mem>>) src(%dma_wait3A_63 : memref<128x128xf32, #tpu.memory_space<vmem>>) dst(%dma_wait3A_60 : memref<128x128xf32, #tpu.memory_space<vmem_shared>>)
      tpu.yield
    }) : () -> ()
    %add3A_13 = arith.constant 256 : i32
    %add3A_14 = arith.addi %mul3A_8, %add3A_13 : i32
    "tpu.region"() ({
      %run_scoped3A = tpu.sem_alloc : memref<!tpu.dma_semaphore, #tpu.memory_space<semaphore_mem>>
      %dma_start3A = arith.constant 0 : i32
      %dma_start3A_46 = arith.constant 0 : i32
      %dma_start3A_47 = tpu.memref_slice %arg8[%dma_start3A, %dma_start3A_46] : memref<128x128xf32, #tpu.memory_space<vmem>> -> memref<128x128xf32, #tpu.memory_space<vmem>>
      %dma_start3A_48 = arith.constant 0 : i32
      %dma_start3A_49 = tpu.memref_slice %arg10[%add3A_14, %dma_start3A_48] : memref<10112x128xf32, #tpu.memory_space<vmem_shared>> -> memref<128x128xf32, #tpu.memory_space<vmem_shared>>
      %dma_start3A_50 = arith.constant 0 : i32
      %dma_start3A_51 = tpu.memref_slice %arg10[%add3A_14, %dma_start3A_50] : memref<10112x128xf32, #tpu.memory_space<vmem_shared>> -> memref<128x128xf32, #tpu.memory_space<vmem_shared>>
      %dma_start3A_52 = arith.constant 0 : i32
      %dma_start3A_53 = arith.constant 0 : i32
      %dma_start3A_54 = tpu.memref_slice %arg8[%dma_start3A_52, %dma_start3A_53] : memref<128x128xf32, #tpu.memory_space<vmem>> -> memref<128x128xf32, #tpu.memory_space<vmem>>
      tpu.enqueue_dma source(%dma_start3A_54 : memref<128x128xf32, #tpu.memory_space<vmem>>) target(%dma_start3A_51 : memref<128x128xf32, #tpu.memory_space<vmem_shared>>) target_semaphore(%run_scoped3A : memref<!tpu.dma_semaphore, #tpu.memory_space<semaphore_mem>>)
      %dma_wait3A = arith.constant 0 : i32
      %dma_wait3A_55 = arith.constant 0 : i32
      %dma_wait3A_56 = tpu.memref_slice %arg8[%dma_wait3A, %dma_wait3A_55] : memref<128x128xf32, #tpu.memory_space<vmem>> -> memref<128x128xf32, #tpu.memory_space<vmem>>
      %dma_wait3A_57 = arith.constant 0 : i32
      %dma_wait3A_58 = tpu.memref_slice %arg10[%add3A_14, %dma_wait3A_57] : memref<10112x128xf32, #tpu.memory_space<vmem_shared>> -> memref<128x128xf32, #tpu.memory_space<vmem_shared>>
      %dma_wait3A_59 = arith.constant 0 : i32
      %dma_wait3A_60 = tpu.memref_slice %arg10[%add3A_14, %dma_wait3A_59] : memref<10112x128xf32, #tpu.memory_space<vmem_shared>> -> memref<128x128xf32, #tpu.memory_space<vmem_shared>>
      %dma_wait3A_61 = arith.constant 0 : i32
      %dma_wait3A_62 = arith.constant 0 : i32
      %dma_wait3A_63 = tpu.memref_slice %arg8[%dma_wait3A_61, %dma_wait3A_62] : memref<128x128xf32, #tpu.memory_space<vmem>> -> memref<128x128xf32, #tpu.memory_space<vmem>>
      tpu.wait_dma2 semaphore(%run_scoped3A : memref<!tpu.dma_semaphore, #tpu.memory_space<semaphore_mem>>) src(%dma_wait3A_63 : memref<128x128xf32, #tpu.memory_space<vmem>>) dst(%dma_wait3A_60 : memref<128x128xf32, #tpu.memory_space<vmem_shared>>)
      tpu.yield
    }) : () -> ()
    %add3A_15 = arith.constant 384 : i32
    %add3A_16 = arith.addi %mul3A_8, %add3A_15 : i32
    "tpu.region"() ({
      %run_scoped3A = tpu.sem_alloc : memref<!tpu.dma_semaphore, #tpu.memory_space<semaphore_mem>>
      %dma_start3A = arith.constant 0 : i32
      %dma_start3A_46 = arith.constant 0 : i32
      %dma_start3A_47 = tpu.memref_slice %arg8[%dma_start3A, %dma_start3A_46] : memref<128x128xf32, #tpu.memory_space<vmem>> -> memref<128x128xf32, #tpu.memory_space<vmem>>
      %dma_start3A_48 = arith.constant 0 : i32
      %dma_start3A_49 = tpu.memref_slice %arg10[%add3A_16, %dma_start3A_48] : memref<10112x128xf32, #tpu.memory_space<vmem_shared>> -> memref<128x128xf32, #tpu.memory_space<vmem_shared>>
      %dma_start3A_50 = arith.constant 0 : i32
      %dma_start3A_51 = tpu.memref_slice %arg10[%add3A_16, %dma_start3A_50] : memref<10112x128xf32, #tpu.memory_space<vmem_shared>> -> memref<128x128xf32, #tpu.memory_space<vmem_shared>>
      %dma_start3A_52 = arith.constant 0 : i32
      %dma_start3A_53 = arith.constant 0 : i32
      %dma_start3A_54 = tpu.memref_slice %arg8[%dma_start3A_52, %dma_start3A_53] : memref<128x128xf32, #tpu.memory_space<vmem>> -> memref<128x128xf32, #tpu.memory_space<vmem>>
      tpu.enqueue_dma source(%dma_start3A_54 : memref<128x128xf32, #tpu.memory_space<vmem>>) target(%dma_start3A_51 : memref<128x128xf32, #tpu.memory_space<vmem_shared>>) target_semaphore(%run_scoped3A : memref<!tpu.dma_semaphore, #tpu.memory_space<semaphore_mem>>)
      %dma_wait3A = arith.constant 0 : i32
      %dma_wait3A_55 = arith.constant 0 : i32
      %dma_wait3A_56 = tpu.memref_slice %arg8[%dma_wait3A, %dma_wait3A_55] : memref<128x128xf32, #tpu.memory_space<vmem>> -> memref<128x128xf32, #tpu.memory_space<vmem>>
      %dma_wait3A_57 = arith.constant 0 : i32
      %dma_wait3A_58 = tpu.memref_slice %arg10[%add3A_16, %dma_wait3A_57] : memref<10112x128xf32, #tpu.memory_space<vmem_shared>> -> memref<128x128xf32, #tpu.memory_space<vmem_shared>>
      %dma_wait3A_59 = arith.constant 0 : i32
      %dma_wait3A_60 = tpu.memref_slice %arg10[%add3A_16, %dma_wait3A_59] : memref<10112x128xf32, #tpu.memory_space<vmem_shared>> -> memref<128x128xf32, #tpu.memory_space<vmem_shared>>
      %dma_wait3A_61 = arith.constant 0 : i32
      %dma_wait3A_62 = arith.constant 0 : i32
      %dma_wait3A_63 = tpu.memref_slice %arg8[%dma_wait3A_61, %dma_wait3A_62] : memref<128x128xf32, #tpu.memory_space<vmem>> -> memref<128x128xf32, #tpu.memory_space<vmem>>
      tpu.wait_dma2 semaphore(%run_scoped3A : memref<!tpu.dma_semaphore, #tpu.memory_space<semaphore_mem>>) src(%dma_wait3A_63 : memref<128x128xf32, #tpu.memory_space<vmem>>) dst(%dma_wait3A_60 : memref<128x128xf32, #tpu.memory_space<vmem_shared>>)
      tpu.yield
    }) : () -> ()
    %add3A_17 = arith.constant 512 : i32
    %add3A_18 = arith.addi %mul3A_8, %add3A_17 : i32
    "tpu.region"() ({
      %run_scoped3A = tpu.sem_alloc : memref<!tpu.dma_semaphore, #tpu.memory_space<semaphore_mem>>
      %dma_start3A = arith.constant 0 : i32
      %dma_start3A_46 = arith.constant 0 : i32
      %dma_start3A_47 = tpu.memref_slice %arg8[%dma_start3A, %dma_start3A_46] : memref<128x128xf32, #tpu.memory_space<vmem>> -> memref<120x128xf32, #tpu.memory_space<vmem>>
      %dma_start3A_48 = arith.constant 0 : i32
      %dma_start3A_49 = tpu.memref_slice %arg10[%add3A_18, %dma_start3A_48] : memref<10112x128xf32, #tpu.memory_space<vmem_shared>> -> memref<120x128xf32, #tpu.memory_space<vmem_shared>>
      %dma_start3A_50 = arith.constant 0 : i32
      %dma_start3A_51 = tpu.memref_slice %arg10[%add3A_18, %dma_start3A_50] : memref<10112x128xf32, #tpu.memory_space<vmem_shared>> -> memref<120x128xf32, #tpu.memory_space<vmem_shared>>
      %dma_start3A_52 = arith.constant 0 : i32
      %dma_start3A_53 = arith.constant 0 : i32
      %dma_start3A_54 = tpu.memref_slice %arg8[%dma_start3A_52, %dma_start3A_53] : memref<128x128xf32, #tpu.memory_space<vmem>> -> memref<120x128xf32, #tpu.memory_space<vmem>>
      tpu.enqueue_dma source(%dma_start3A_54 : memref<120x128xf32, #tpu.memory_space<vmem>>) target(%dma_start3A_51 : memref<120x128xf32, #tpu.memory_space<vmem_shared>>) target_semaphore(%run_scoped3A : memref<!tpu.dma_semaphore, #tpu.memory_space<semaphore_mem>>)
      %dma_wait3A = arith.constant 0 : i32
      %dma_wait3A_55 = arith.constant 0 : i32
      %dma_wait3A_56 = tpu.memref_slice %arg8[%dma_wait3A, %dma_wait3A_55] : memref<128x128xf32, #tpu.memory_space<vmem>> -> memref<120x128xf32, #tpu.memory_space<vmem>>
      %dma_wait3A_57 = arith.constant 0 : i32
      %dma_wait3A_58 = tpu.memref_slice %arg10[%add3A_18, %dma_wait3A_57] : memref<10112x128xf32, #tpu.memory_space<vmem_shared>> -> memref<120x128xf32, #tpu.memory_space<vmem_shared>>
      %dma_wait3A_59 = arith.constant 0 : i32
      %dma_wait3A_60 = tpu.memref_slice %arg10[%add3A_18, %dma_wait3A_59] : memref<10112x128xf32, #tpu.memory_space<vmem_shared>> -> memref<120x128xf32, #tpu.memory_space<vmem_shared>>
      %dma_wait3A_61 = arith.constant 0 : i32
      %dma_wait3A_62 = arith.constant 0 : i32
      %dma_wait3A_63 = tpu.memref_slice %arg8[%dma_wait3A_61, %dma_wait3A_62] : memref<128x128xf32, #tpu.memory_space<vmem>> -> memref<120x128xf32, #tpu.memory_space<vmem>>
      tpu.wait_dma2 semaphore(%run_scoped3A : memref<!tpu.dma_semaphore, #tpu.memory_space<semaphore_mem>>) src(%dma_wait3A_63 : memref<120x128xf32, #tpu.memory_space<vmem>>) dst(%dma_wait3A_60 : memref<120x128xf32, #tpu.memory_space<vmem_shared>>)
      tpu.yield
    }) : () -> ()
    %barrier3A = arith.constant 0 : index
    tpu.barrier barrier_id(%barrier3A)
    %scan3A_19 = arith.constant 0 : i32
    %scan3A_20 = arith.constant 0 : i32
    %scan3A_21 = arith.constant 5 : i32
    %scan3A_22 = arith.addi %scan3A_20, %scan3A_21 : i32
    %scan3A_23 = arith.constant 1 : i32
    scf.for %scan3A_46 = %scan3A_20 to %scan3A_22 step %scan3A_23  : i32 {
      %mul3A_47 = arith.constant 16 : i32
      %mul3A_48 = arith.muli %scan3A_46, %mul3A_47 : i32
      "tpu.region"() ({
        %run_scoped3A_84 = tpu.sem_alloc : memref<!tpu.dma_semaphore, #tpu.memory_space<semaphore_mem>>
        %dma_start3A_85 = arith.constant 0 : i32
        %dma_start3A_86 = tpu.memref_slice %arg3[%add3A, %mul3A_48, %dma_start3A_85] : memref<32x80x128xi32, #tpu.memory_space<hbm>> -> memref<1x16x128xi32, #tpu.memory_space<hbm>>
        %dma_start3A_87 = tpu.memref_squeeze %dma_start3A_86 : memref<1x16x128xi32, #tpu.memory_space<hbm>> -> memref<16x128xi32, #tpu.memory_space<hbm>>
        %dma_start3A_88 = arith.constant 0 : i32
        %dma_start3A_89 = tpu.memref_slice %arg3[%add3A, %mul3A_48, %dma_start3A_88] : memref<32x80x128xi32, #tpu.memory_space<hbm>> -> memref<1x16x128xi32, #tpu.memory_space<hbm>>
        %dma_start3A_90 = tpu.memref_squeeze %dma_start3A_89 : memref<1x16x128xi32, #tpu.memory_space<hbm>> -> memref<16x128xi32, #tpu.memory_space<hbm>>
        tpu.enqueue_dma source(%dma_start3A_90 : memref<16x128xi32, #tpu.memory_space<hbm>>) target(%arg6 : memref<16x128xi32, #tpu.memory_space<vmem>>) target_semaphore(%run_scoped3A_84 : memref<!tpu.dma_semaphore, #tpu.memory_space<semaphore_mem>>)
        %dma_wait3A_91 = arith.constant 0 : i32
        %dma_wait3A_92 = tpu.memref_slice %arg3[%add3A, %mul3A_48, %dma_wait3A_91] : memref<32x80x128xi32, #tpu.memory_space<hbm>> -> memref<1x16x128xi32, #tpu.memory_space<hbm>>
        %dma_wait3A_93 = tpu.memref_squeeze %dma_wait3A_92 : memref<1x16x128xi32, #tpu.memory_space<hbm>> -> memref<16x128xi32, #tpu.memory_space<hbm>>
        %dma_wait3A_94 = arith.constant 0 : i32
        %dma_wait3A_95 = tpu.memref_slice %arg3[%add3A, %mul3A_48, %dma_wait3A_94] : memref<32x80x128xi32, #tpu.memory_space<hbm>> -> memref<1x16x128xi32, #tpu.memory_space<hbm>>
        %dma_wait3A_96 = tpu.memref_squeeze %dma_wait3A_95 : memref<1x16x128xi32, #tpu.memory_space<hbm>> -> memref<16x128xi32, #tpu.memory_space<hbm>>
        tpu.wait_dma2 semaphore(%run_scoped3A_84 : memref<!tpu.dma_semaphore, #tpu.memory_space<semaphore_mem>>) src(%dma_wait3A_96 : memref<16x128xi32, #tpu.memory_space<hbm>>) dst(%arg6 : memref<16x128xi32, #tpu.memory_space<vmem>>)
        tpu.yield
      }) : () -> ()
      %mul3A_49 = arith.constant 16 : i32
      %mul3A_50 = arith.muli %scan3A_46, %mul3A_49 : i32
      "tpu.region"() ({
        %run_scoped3A_84 = tpu.sem_alloc : memref<!tpu.dma_semaphore, #tpu.memory_space<semaphore_mem>>
        %dma_start3A_85 = arith.constant 0 : i32
        %dma_start3A_86 = tpu.memref_slice %arg4[%add3A, %mul3A_50, %dma_start3A_85] : memref<32x80x128xi32, #tpu.memory_space<hbm>> -> memref<1x16x128xi32, #tpu.memory_space<hbm>>
        %dma_start3A_87 = tpu.memref_squeeze %dma_start3A_86 : memref<1x16x128xi32, #tpu.memory_space<hbm>> -> memref<16x128xi32, #tpu.memory_space<hbm>>
        %dma_start3A_88 = arith.constant 0 : i32
        %dma_start3A_89 = tpu.memref_slice %arg4[%add3A, %mul3A_50, %dma_start3A_88] : memref<32x80x128xi32, #tpu.memory_space<hbm>> -> memref<1x16x128xi32, #tpu.memory_space<hbm>>
        %dma_start3A_90 = tpu.memref_squeeze %dma_start3A_89 : memref<1x16x128xi32, #tpu.memory_space<hbm>> -> memref<16x128xi32, #tpu.memory_space<hbm>>
        tpu.enqueue_dma source(%dma_start3A_90 : memref<16x128xi32, #tpu.memory_space<hbm>>) target(%arg7 : memref<16x128xi32, #tpu.memory_space<vmem>>) target_semaphore(%run_scoped3A_84 : memref<!tpu.dma_semaphore, #tpu.memory_space<semaphore_mem>>)
        %dma_wait3A_91 = arith.constant 0 : i32
        %dma_wait3A_92 = tpu.memref_slice %arg4[%add3A, %mul3A_50, %dma_wait3A_91] : memref<32x80x128xi32, #tpu.memory_space<hbm>> -> memref<1x16x128xi32, #tpu.memory_space<hbm>>
        %dma_wait3A_93 = tpu.memref_squeeze %dma_wait3A_92 : memref<1x16x128xi32, #tpu.memory_space<hbm>> -> memref<16x128xi32, #tpu.memory_space<hbm>>
        %dma_wait3A_94 = arith.constant 0 : i32
        %dma_wait3A_95 = tpu.memref_slice %arg4[%add3A, %mul3A_50, %dma_wait3A_94] : memref<32x80x128xi32, #tpu.memory_space<hbm>> -> memref<1x16x128xi32, #tpu.memory_space<hbm>>
        %dma_wait3A_96 = tpu.memref_squeeze %dma_wait3A_95 : memref<1x16x128xi32, #tpu.memory_space<hbm>> -> memref<16x128xi32, #tpu.memory_space<hbm>>
        tpu.wait_dma2 semaphore(%run_scoped3A_84 : memref<!tpu.dma_semaphore, #tpu.memory_space<semaphore_mem>>) src(%dma_wait3A_96 : memref<16x128xi32, #tpu.memory_space<hbm>>) dst(%arg7 : memref<16x128xi32, #tpu.memory_space<vmem>>)
        tpu.yield
      }) : () -> ()
      %dma_start3A = arith.constant 0 : i32
      %dma_start3A_51 = arith.constant 0 : i32
      %dma_start3A_52 = tpu.memref_slice %arg6[%dma_start3A, %dma_start3A_51] : memref<16x128xi32, #tpu.memory_space<vmem>> -> memref<1x128xi32, #tpu.memory_space<vmem>>
      %dma_start3A_53 = tpu.memref_squeeze %dma_start3A_52 : memref<1x128xi32, #tpu.memory_space<vmem>> -> memref<128xi32, #tpu.memory_space<vmem>>
      %dma_start3A_54 = arith.constant 0 : i32
      %dma_start3A_55 = arith.constant 0 : i32
      %dma_start3A_56 = tpu.memref_slice %arg2[%dma_start3A_54, %dma_start3A_55] : memref<10000x128xf32, #tpu.memory_space<hbm>> -> memref<10000x128xf32, #tpu.memory_space<hbm>>
      tpu.enqueue_indirect_dma source(%dma_start3A_56 : memref<10000x128xf32, #tpu.memory_space<hbm>>) target(%arg8 : memref<128x128xf32, #tpu.memory_space<vmem>>) offsets(%dma_start3A_53 : memref<128xi32, #tpu.memory_space<vmem>>) semaphore(%arg11 : memref<!tpu.dma_semaphore, #tpu.memory_space<semaphore_mem>>)
      %dma_start3A_57 = arith.constant 1 : i32
      %dma_start3A_58 = arith.constant 0 : i32
      %dma_start3A_59 = tpu.memref_slice %arg6[%dma_start3A_57, %dma_start3A_58] : memref<16x128xi32, #tpu.memory_space<vmem>> -> memref<1x128xi32, #tpu.memory_space<vmem>>
      %dma_start3A_60 = tpu.memref_squeeze %dma_start3A_59 : memref<1x128xi32, #tpu.memory_space<vmem>> -> memref<128xi32, #tpu.memory_space<vmem>>
      %dma_start3A_61 = arith.constant 0 : i32
      %dma_start3A_62 = arith.constant 0 : i32
      %dma_start3A_63 = tpu.memref_slice %arg2[%dma_start3A_61, %dma_start3A_62] : memref<10000x128xf32, #tpu.memory_space<hbm>> -> memref<10000x128xf32, #tpu.memory_space<hbm>>
      tpu.enqueue_indirect_dma source(%dma_start3A_63 : memref<10000x128xf32, #tpu.memory_space<hbm>>) target(%arg9 : memref<128x128xf32, #tpu.memory_space<vmem>>) offsets(%dma_start3A_60 : memref<128xi32, #tpu.memory_space<vmem>>) semaphore(%arg12 : memref<!tpu.dma_semaphore, #tpu.memory_space<semaphore_mem>>)
      %scan3A_64 = arith.constant 0 : i32
      %scan3A_65 = arith.constant 0 : i32
      %scan3A_66 = arith.constant 7 : i32
      %scan3A_67 = arith.addi %scan3A_65, %scan3A_66 : i32
      %scan3A_68 = arith.constant 1 : i32
      scf.for %scan3A_84 = %scan3A_65 to %scan3A_67 step %scan3A_68  : i32 {
        %mul3A_85 = arith.constant 2 : i32
        %mul3A_86 = arith.muli %mul3A_85, %scan3A_84 : i32
        %dma_wait3A_87 = arith.constant 0 : i32
        %dma_wait3A_88 = tpu.memref_slice %arg6[%mul3A_86, %dma_wait3A_87] : memref<16x128xi32, #tpu.memory_space<vmem>> -> memref<1x128xi32, #tpu.memory_space<vmem>>
        %dma_wait3A_89 = tpu.memref_squeeze %dma_wait3A_88 : memref<1x128xi32, #tpu.memory_space<vmem>> -> memref<128xi32, #tpu.memory_space<vmem>>
        %dma_wait3A_90 = arith.constant 0 : i32
        %dma_wait3A_91 = arith.constant 0 : i32
        %dma_wait3A_92 = tpu.memref_slice %arg2[%dma_wait3A_90, %dma_wait3A_91] : memref<10000x128xf32, #tpu.memory_space<hbm>> -> memref<10000x128xf32, #tpu.memory_space<hbm>>
        tpu.wait_indirect_dma semaphore(%arg11 : memref<!tpu.dma_semaphore, #tpu.memory_space<semaphore_mem>>) src(%dma_wait3A_92 : memref<10000x128xf32, #tpu.memory_space<hbm>>) dst(%arg8 : memref<128x128xf32, #tpu.memory_space<vmem>>)
        "tpu.region"() ({
          %run_scoped3A_119 = tpu.sem_alloc : memref<!tpu.dma_semaphore, #tpu.memory_space<semaphore_mem>>
          %dma_start3A_120 = arith.constant 0 : i32
          %dma_start3A_121 = tpu.memref_slice %arg7[%mul3A_86, %dma_start3A_120] : memref<16x128xi32, #tpu.memory_space<vmem>> -> memref<1x128xi32, #tpu.memory_space<vmem>>
          %dma_start3A_122 = tpu.memref_squeeze %dma_start3A_121 : memref<1x128xi32, #tpu.memory_space<vmem>> -> memref<128xi32, #tpu.memory_space<vmem>>
          %dma_start3A_123 = arith.constant 0 : i32
          %dma_start3A_124 = arith.constant 0 : i32
          %dma_start3A_125 = tpu.memref_slice %arg10[%dma_start3A_123, %dma_start3A_124] : memref<10112x128xf32, #tpu.memory_space<vmem_shared>> -> memref<10112x128xf32, #tpu.memory_space<vmem_shared>>
          tpu.enqueue_indirect_dma source(%arg8 : memref<128x128xf32, #tpu.memory_space<vmem>>) target(%dma_start3A_125 : memref<10112x128xf32, #tpu.memory_space<vmem_shared>>) offsets(%dma_start3A_122 : memref<128xi32, #tpu.memory_space<vmem>>) semaphore(%run_scoped3A_119 : memref<!tpu.dma_semaphore, #tpu.memory_space<semaphore_mem>>) {add = true}
          %dma_wait3A_126 = arith.constant 0 : i32
          %dma_wait3A_127 = tpu.memref_slice %arg7[%mul3A_86, %dma_wait3A_126] : memref<16x128xi32, #tpu.memory_space<vmem>> -> memref<1x128xi32, #tpu.memory_space<vmem>>
          %dma_wait3A_128 = tpu.memref_squeeze %dma_wait3A_127 : memref<1x128xi32, #tpu.memory_space<vmem>> -> memref<128xi32, #tpu.memory_space<vmem>>
          %dma_wait3A_129 = arith.constant 0 : i32
          %dma_wait3A_130 = arith.constant 0 : i32
          %dma_wait3A_131 = tpu.memref_slice %arg10[%dma_wait3A_129, %dma_wait3A_130] : memref<10112x128xf32, #tpu.memory_space<vmem_shared>> -> memref<10112x128xf32, #tpu.memory_space<vmem_shared>>
          tpu.wait_indirect_dma semaphore(%run_scoped3A_119 : memref<!tpu.dma_semaphore, #tpu.memory_space<semaphore_mem>>) src(%arg8 : memref<128x128xf32, #tpu.memory_space<vmem>>) dst(%dma_wait3A_131 : memref<10112x128xf32, #tpu.memory_space<vmem_shared>>)
          tpu.yield
        }) : () -> ()
        %add3A_93 = arith.constant 2 : i32
        %add3A_94 = arith.addi %mul3A_86, %add3A_93 : i32
        %dma_start3A_95 = arith.constant 0 : i32
        %dma_start3A_96 = tpu.memref_slice %arg6[%add3A_94, %dma_start3A_95] : memref<16x128xi32, #tpu.memory_space<vmem>> -> memref<1x128xi32, #tpu.memory_space<vmem>>
        %dma_start3A_97 = tpu.memref_squeeze %dma_start3A_96 : memref<1x128xi32, #tpu.memory_space<vmem>> -> memref<128xi32, #tpu.memory_space<vmem>>
        %dma_start3A_98 = arith.constant 0 : i32
        %dma_start3A_99 = arith.constant 0 : i32
        %dma_start3A_100 = tpu.memref_slice %arg2[%dma_start3A_98, %dma_start3A_99] : memref<10000x128xf32, #tpu.memory_space<hbm>> -> memref<10000x128xf32, #tpu.memory_space<hbm>>
        tpu.enqueue_indirect_dma source(%dma_start3A_100 : memref<10000x128xf32, #tpu.memory_space<hbm>>) target(%arg8 : memref<128x128xf32, #tpu.memory_space<vmem>>) offsets(%dma_start3A_97 : memref<128xi32, #tpu.memory_space<vmem>>) semaphore(%arg11 : memref<!tpu.dma_semaphore, #tpu.memory_space<semaphore_mem>>)
        %add3A_101 = arith.constant 1 : i32
        %add3A_102 = arith.addi %mul3A_86, %add3A_101 : i32
        %dma_wait3A_103 = arith.constant 0 : i32
        %dma_wait3A_104 = tpu.memref_slice %arg6[%add3A_102, %dma_wait3A_103] : memref<16x128xi32, #tpu.memory_space<vmem>> -> memref<1x128xi32, #tpu.memory_space<vmem>>
        %dma_wait3A_105 = tpu.memref_squeeze %dma_wait3A_104 : memref<1x128xi32, #tpu.memory_space<vmem>> -> memref<128xi32, #tpu.memory_space<vmem>>
        %dma_wait3A_106 = arith.constant 0 : i32
        %dma_wait3A_107 = arith.constant 0 : i32
        %dma_wait3A_108 = tpu.memref_slice %arg2[%dma_wait3A_106, %dma_wait3A_107] : memref<10000x128xf32, #tpu.memory_space<hbm>> -> memref<10000x128xf32, #tpu.memory_space<hbm>>
        tpu.wait_indirect_dma semaphore(%arg12 : memref<!tpu.dma_semaphore, #tpu.memory_space<semaphore_mem>>) src(%dma_wait3A_108 : memref<10000x128xf32, #tpu.memory_space<hbm>>) dst(%arg9 : memref<128x128xf32, #tpu.memory_space<vmem>>)
        %add3A_109 = arith.constant 1 : i32
        %add3A_110 = arith.addi %mul3A_86, %add3A_109 : i32
        "tpu.region"() ({
          %run_scoped3A_119 = tpu.sem_alloc : memref<!tpu.dma_semaphore, #tpu.memory_space<semaphore_mem>>
          %dma_start3A_120 = arith.constant 0 : i32
          %dma_start3A_121 = tpu.memref_slice %arg7[%add3A_110, %dma_start3A_120] : memref<16x128xi32, #tpu.memory_space<vmem>> -> memref<1x128xi32, #tpu.memory_space<vmem>>
          %dma_start3A_122 = tpu.memref_squeeze %dma_start3A_121 : memref<1x128xi32, #tpu.memory_space<vmem>> -> memref<128xi32, #tpu.memory_space<vmem>>
          %dma_start3A_123 = arith.constant 0 : i32
          %dma_start3A_124 = arith.constant 0 : i32
          %dma_start3A_125 = tpu.memref_slice %arg10[%dma_start3A_123, %dma_start3A_124] : memref<10112x128xf32, #tpu.memory_space<vmem_shared>> -> memref<10112x128xf32, #tpu.memory_space<vmem_shared>>
          tpu.enqueue_indirect_dma source(%arg9 : memref<128x128xf32, #tpu.memory_space<vmem>>) target(%dma_start3A_125 : memref<10112x128xf32, #tpu.memory_space<vmem_shared>>) offsets(%dma_start3A_122 : memref<128xi32, #tpu.memory_space<vmem>>) semaphore(%run_scoped3A_119 : memref<!tpu.dma_semaphore, #tpu.memory_space<semaphore_mem>>) {add = true}
          %dma_wait3A_126 = arith.constant 0 : i32
          %dma_wait3A_127 = tpu.memref_slice %arg7[%add3A_110, %dma_wait3A_126] : memref<16x128xi32, #tpu.memory_space<vmem>> -> memref<1x128xi32, #tpu.memory_space<vmem>>
          %dma_wait3A_128 = tpu.memref_squeeze %dma_wait3A_127 : memref<1x128xi32, #tpu.memory_space<vmem>> -> memref<128xi32, #tpu.memory_space<vmem>>
          %dma_wait3A_129 = arith.constant 0 : i32
          %dma_wait3A_130 = arith.constant 0 : i32
          %dma_wait3A_131 = tpu.memref_slice %arg10[%dma_wait3A_129, %dma_wait3A_130] : memref<10112x128xf32, #tpu.memory_space<vmem_shared>> -> memref<10112x128xf32, #tpu.memory_space<vmem_shared>>
          tpu.wait_indirect_dma semaphore(%run_scoped3A_119 : memref<!tpu.dma_semaphore, #tpu.memory_space<semaphore_mem>>) src(%arg9 : memref<128x128xf32, #tpu.memory_space<vmem>>) dst(%dma_wait3A_131 : memref<10112x128xf32, #tpu.memory_space<vmem_shared>>)
          tpu.yield
        }) : () -> ()
        %add3A_111 = arith.constant 3 : i32
        %add3A_112 = arith.addi %mul3A_86, %add3A_111 : i32
        %dma_start3A_113 = arith.constant 0 : i32
        %dma_start3A_114 = tpu.memref_slice %arg6[%add3A_112, %dma_start3A_113] : memref<16x128xi32, #tpu.memory_space<vmem>> -> memref<1x128xi32, #tpu.memory_space<vmem>>
        %dma_start3A_115 = tpu.memref_squeeze %dma_start3A_114 : memref<1x128xi32, #tpu.memory_space<vmem>> -> memref<128xi32, #tpu.memory_space<vmem>>
        %dma_start3A_116 = arith.constant 0 : i32
        %dma_start3A_117 = arith.constant 0 : i32
        %dma_start3A_118 = tpu.memref_slice %arg2[%dma_start3A_116, %dma_start3A_117] : memref<10000x128xf32, #tpu.memory_space<hbm>> -> memref<10000x128xf32, #tpu.memory_space<hbm>>
        tpu.enqueue_indirect_dma source(%dma_start3A_118 : memref<10000x128xf32, #tpu.memory_space<hbm>>) target(%arg9 : memref<128x128xf32, #tpu.memory_space<vmem>>) offsets(%dma_start3A_115 : memref<128xi32, #tpu.memory_space<vmem>>) semaphore(%arg12 : memref<!tpu.dma_semaphore, #tpu.memory_space<semaphore_mem>>)
      }
      %scan3A_69 = arith.constant 7 : i32
      %dma_wait3A = arith.constant 14 : i32
      %dma_wait3A_70 = arith.constant 0 : i32
      %dma_wait3A_71 = tpu.memref_slice %arg6[%dma_wait3A, %dma_wait3A_70] : memref<16x128xi32, #tpu.memory_space<vmem>> -> memref<1x128xi32, #tpu.memory_space<vmem>>
      %dma_wait3A_72 = tpu.memref_squeeze %dma_wait3A_71 : memref<1x128xi32, #tpu.memory_space<vmem>> -> memref<128xi32, #tpu.memory_space<vmem>>
      %dma_wait3A_73 = arith.constant 0 : i32
      %dma_wait3A_74 = arith.constant 0 : i32
      %dma_wait3A_75 = tpu.memref_slice %arg2[%dma_wait3A_73, %dma_wait3A_74] : memref<10000x128xf32, #tpu.memory_space<hbm>> -> memref<10000x128xf32, #tpu.memory_space<hbm>>
      tpu.wait_indirect_dma semaphore(%arg11 : memref<!tpu.dma_semaphore, #tpu.memory_space<semaphore_mem>>) src(%dma_wait3A_75 : memref<10000x128xf32, #tpu.memory_space<hbm>>) dst(%arg8 : memref<128x128xf32, #tpu.memory_space<vmem>>)
      %run_scoped3A = arith.constant 14 : i32
      "tpu.region"() ({
        %run_scoped3A_84 = tpu.sem_alloc : memref<!tpu.dma_semaphore, #tpu.memory_space<semaphore_mem>>
        %dma_start3A_85 = arith.constant 0 : i32
        %dma_start3A_86 = tpu.memref_slice %arg7[%run_scoped3A, %dma_start3A_85] : memref<16x128xi32, #tpu.memory_space<vmem>> -> memref<1x128xi32, #tpu.memory_space<vmem>>
        %dma_start3A_87 = tpu.memref_squeeze %dma_start3A_86 : memref<1x128xi32, #tpu.memory_space<vmem>> -> memref<128xi32, #tpu.memory_space<vmem>>
        %dma_start3A_88 = arith.constant 0 : i32
        %dma_start3A_89 = arith.constant 0 : i32
        %dma_start3A_90 = tpu.memref_slice %arg10[%dma_start3A_88, %dma_start3A_89] : memref<10112x128xf32, #tpu.memory_space<vmem_shared>> -> memref<10112x128xf32, #tpu.memory_space<vmem_shared>>
        tpu.enqueue_indirect_dma source(%arg8 : memref<128x128xf32, #tpu.memory_space<vmem>>) target(%dma_start3A_90 : memref<10112x128xf32, #tpu.memory_space<vmem_shared>>) offsets(%dma_start3A_87 : memref<128xi32, #tpu.memory_space<vmem>>) semaphore(%run_scoped3A_84 : memref<!tpu.dma_semaphore, #tpu.memory_space<semaphore_mem>>) {add = true}
        %dma_wait3A_91 = arith.constant 0 : i32
        %dma_wait3A_92 = tpu.memref_slice %arg7[%run_scoped3A, %dma_wait3A_91] : memref<16x128xi32, #tpu.memory_space<vmem>> -> memref<1x128xi32, #tpu.memory_space<vmem>>
        %dma_wait3A_93 = tpu.memref_squeeze %dma_wait3A_92 : memref<1x128xi32, #tpu.memory_space<vmem>> -> memref<128xi32, #tpu.memory_space<vmem>>
        %dma_wait3A_94 = arith.constant 0 : i32
        %dma_wait3A_95 = arith.constant 0 : i32
        %dma_wait3A_96 = tpu.memref_slice %arg10[%dma_wait3A_94, %dma_wait3A_95] : memref<10112x128xf32, #tpu.memory_space<vmem_shared>> -> memref<10112x128xf32, #tpu.memory_space<vmem_shared>>
        tpu.wait_indirect_dma semaphore(%run_scoped3A_84 : memref<!tpu.dma_semaphore, #tpu.memory_space<semaphore_mem>>) src(%arg8 : memref<128x128xf32, #tpu.memory_space<vmem>>) dst(%dma_wait3A_96 : memref<10112x128xf32, #tpu.memory_space<vmem_shared>>)
        tpu.yield
      }) : () -> ()
      %dma_wait3A_76 = arith.constant 15 : i32
      %dma_wait3A_77 = arith.constant 0 : i32
      %dma_wait3A_78 = tpu.memref_slice %arg6[%dma_wait3A_76, %dma_wait3A_77] : memref<16x128xi32, #tpu.memory_space<vmem>> -> memref<1x128xi32, #tpu.memory_space<vmem>>
      %dma_wait3A_79 = tpu.memref_squeeze %dma_wait3A_78 : memref<1x128xi32, #tpu.memory_space<vmem>> -> memref<128xi32, #tpu.memory_space<vmem>>
      %dma_wait3A_80 = arith.constant 0 : i32
      %dma_wait3A_81 = arith.constant 0 : i32
      %dma_wait3A_82 = tpu.memref_slice %arg2[%dma_wait3A_80, %dma_wait3A_81] : memref<10000x128xf32, #tpu.memory_space<hbm>> -> memref<10000x128xf32, #tpu.memory_space<hbm>>
      tpu.wait_indirect_dma semaphore(%arg12 : memref<!tpu.dma_semaphore, #tpu.memory_space<semaphore_mem>>) src(%dma_wait3A_82 : memref<10000x128xf32, #tpu.memory_space<hbm>>) dst(%arg9 : memref<128x128xf32, #tpu.memory_space<vmem>>)
      %run_scoped3A_83 = arith.constant 15 : i32
      "tpu.region"() ({
        %run_scoped3A_84 = tpu.sem_alloc : memref<!tpu.dma_semaphore, #tpu.memory_space<semaphore_mem>>
        %dma_start3A_85 = arith.constant 0 : i32
        %dma_start3A_86 = tpu.memref_slice %arg7[%run_scoped3A_83, %dma_start3A_85] : memref<16x128xi32, #tpu.memory_space<vmem>> -> memref<1x128xi32, #tpu.memory_space<vmem>>
        %dma_start3A_87 = tpu.memref_squeeze %dma_start3A_86 : memref<1x128xi32, #tpu.memory_space<vmem>> -> memref<128xi32, #tpu.memory_space<vmem>>
        %dma_start3A_88 = arith.constant 0 : i32
        %dma_start3A_89 = arith.constant 0 : i32
        %dma_start3A_90 = tpu.memref_slice %arg10[%dma_start3A_88, %dma_start3A_89] : memref<10112x128xf32, #tpu.memory_space<vmem_shared>> -> memref<10112x128xf32, #tpu.memory_space<vmem_shared>>
        tpu.enqueue_indirect_dma source(%arg9 : memref<128x128xf32, #tpu.memory_space<vmem>>) target(%dma_start3A_90 : memref<10112x128xf32, #tpu.memory_space<vmem_shared>>) offsets(%dma_start3A_87 : memref<128xi32, #tpu.memory_space<vmem>>) semaphore(%run_scoped3A_84 : memref<!tpu.dma_semaphore, #tpu.memory_space<semaphore_mem>>) {add = true}
        %dma_wait3A_91 = arith.constant 0 : i32
        %dma_wait3A_92 = tpu.memref_slice %arg7[%run_scoped3A_83, %dma_wait3A_91] : memref<16x128xi32, #tpu.memory_space<vmem>> -> memref<1x128xi32, #tpu.memory_space<vmem>>
        %dma_wait3A_93 = tpu.memref_squeeze %dma_wait3A_92 : memref<1x128xi32, #tpu.memory_space<vmem>> -> memref<128xi32, #tpu.memory_space<vmem>>
        %dma_wait3A_94 = arith.constant 0 : i32
        %dma_wait3A_95 = arith.constant 0 : i32
        %dma_wait3A_96 = tpu.memref_slice %arg10[%dma_wait3A_94, %dma_wait3A_95] : memref<10112x128xf32, #tpu.memory_space<vmem_shared>> -> memref<10112x128xf32, #tpu.memory_space<vmem_shared>>
        tpu.wait_indirect_dma semaphore(%run_scoped3A_84 : memref<!tpu.dma_semaphore, #tpu.memory_space<semaphore_mem>>) src(%arg9 : memref<128x128xf32, #tpu.memory_space<vmem>>) dst(%dma_wait3A_96 : memref<10112x128xf32, #tpu.memory_space<vmem_shared>>)
        tpu.yield
      }) : () -> ()
    }
    %scan3A_24 = arith.constant 5 : i32
    %barrier3A_25 = arith.constant 0 : index
    tpu.barrier barrier_id(%barrier3A_25)
    %add3A_26 = arith.constant 0 : i32
    %add3A_27 = arith.addi %mul3A_8, %add3A_26 : i32
    "tpu.region"() ({
      %run_scoped3A = tpu.sem_alloc : memref<!tpu.dma_semaphore, #tpu.memory_space<semaphore_mem>>
      %dma_start3A = arith.constant 0 : i32
      %dma_start3A_46 = arith.constant 0 : i32
      %dma_start3A_47 = tpu.memref_slice %arg8[%dma_start3A, %dma_start3A_46] : memref<128x128xf32, #tpu.memory_space<vmem>> -> memref<128x128xf32, #tpu.memory_space<vmem>>
      %dma_start3A_48 = arith.constant 0 : i32
      %dma_start3A_49 = tpu.memref_slice %arg10[%add3A_27, %dma_start3A_48] : memref<10112x128xf32, #tpu.memory_space<vmem_shared>> -> memref<128x128xf32, #tpu.memory_space<vmem_shared>>
      %dma_start3A_50 = arith.constant 0 : i32
      %dma_start3A_51 = arith.constant 0 : i32
      %dma_start3A_52 = tpu.memref_slice %arg8[%dma_start3A_50, %dma_start3A_51] : memref<128x128xf32, #tpu.memory_space<vmem>> -> memref<128x128xf32, #tpu.memory_space<vmem>>
      %dma_start3A_53 = arith.constant 0 : i32
      %dma_start3A_54 = tpu.memref_slice %arg10[%add3A_27, %dma_start3A_53] : memref<10112x128xf32, #tpu.memory_space<vmem_shared>> -> memref<128x128xf32, #tpu.memory_space<vmem_shared>>
      tpu.enqueue_dma source(%dma_start3A_54 : memref<128x128xf32, #tpu.memory_space<vmem_shared>>) target(%dma_start3A_52 : memref<128x128xf32, #tpu.memory_space<vmem>>) target_semaphore(%run_scoped3A : memref<!tpu.dma_semaphore, #tpu.memory_space<semaphore_mem>>)
      %dma_wait3A = arith.constant 0 : i32
      %dma_wait3A_55 = arith.constant 0 : i32
      %dma_wait3A_56 = tpu.memref_slice %arg8[%dma_wait3A, %dma_wait3A_55] : memref<128x128xf32, #tpu.memory_space<vmem>> -> memref<128x128xf32, #tpu.memory_space<vmem>>
      %dma_wait3A_57 = arith.constant 0 : i32
      %dma_wait3A_58 = tpu.memref_slice %arg10[%add3A_27, %dma_wait3A_57] : memref<10112x128xf32, #tpu.memory_space<vmem_shared>> -> memref<128x128xf32, #tpu.memory_space<vmem_shared>>
      %dma_wait3A_59 = arith.constant 0 : i32
      %dma_wait3A_60 = arith.constant 0 : i32
      %dma_wait3A_61 = tpu.memref_slice %arg8[%dma_wait3A_59, %dma_wait3A_60] : memref<128x128xf32, #tpu.memory_space<vmem>> -> memref<128x128xf32, #tpu.memory_space<vmem>>
      %dma_wait3A_62 = arith.constant 0 : i32
      %dma_wait3A_63 = tpu.memref_slice %arg10[%add3A_27, %dma_wait3A_62] : memref<10112x128xf32, #tpu.memory_space<vmem_shared>> -> memref<128x128xf32, #tpu.memory_space<vmem_shared>>
      tpu.wait_dma2 semaphore(%run_scoped3A : memref<!tpu.dma_semaphore, #tpu.memory_space<semaphore_mem>>) src(%dma_wait3A_63 : memref<128x128xf32, #tpu.memory_space<vmem_shared>>) dst(%dma_wait3A_61 : memref<128x128xf32, #tpu.memory_space<vmem>>)
      tpu.yield
    }) : () -> ()
    %add3A_28 = arith.constant 0 : i32
    %add3A_29 = arith.addi %mul3A_8, %add3A_28 : i32
    "tpu.region"() ({
      %run_scoped3A = tpu.sem_alloc : memref<!tpu.dma_semaphore, #tpu.memory_space<semaphore_mem>>
      %dma_start3A = arith.constant 0 : i32
      %dma_start3A_46 = arith.constant 0 : i32
      %dma_start3A_47 = tpu.memref_slice %arg8[%dma_start3A, %dma_start3A_46] : memref<128x128xf32, #tpu.memory_space<vmem>> -> memref<128x128xf32, #tpu.memory_space<vmem>>
      %dma_start3A_48 = arith.constant 0 : i32
      %dma_start3A_49 = tpu.memref_slice %arg5[%arg0, %add3A_29, %dma_start3A_48] : memref<2x10112x128xf32, #tpu.memory_space<hbm>> -> memref<1x128x128xf32, #tpu.memory_space<hbm>>
      %dma_start3A_50 = tpu.memref_squeeze %dma_start3A_49 : memref<1x128x128xf32, #tpu.memory_space<hbm>> -> memref<128x128xf32, #tpu.memory_space<hbm>>
      %dma_start3A_51 = arith.constant 0 : i32
      %dma_start3A_52 = tpu.memref_slice %arg5[%arg0, %add3A_29, %dma_start3A_51] : memref<2x10112x128xf32, #tpu.memory_space<hbm>> -> memref<1x128x128xf32, #tpu.memory_space<hbm>>
      %dma_start3A_53 = tpu.memref_squeeze %dma_start3A_52 : memref<1x128x128xf32, #tpu.memory_space<hbm>> -> memref<128x128xf32, #tpu.memory_space<hbm>>
      %dma_start3A_54 = arith.constant 0 : i32
      %dma_start3A_55 = arith.constant 0 : i32
      %dma_start3A_56 = tpu.memref_slice %arg8[%dma_start3A_54, %dma_start3A_55] : memref<128x128xf32, #tpu.memory_space<vmem>> -> memref<128x128xf32, #tpu.memory_space<vmem>>
      tpu.enqueue_dma source(%dma_start3A_56 : memref<128x128xf32, #tpu.memory_space<vmem>>) target(%dma_start3A_53 : memref<128x128xf32, #tpu.memory_space<hbm>>) target_semaphore(%run_scoped3A : memref<!tpu.dma_semaphore, #tpu.memory_space<semaphore_mem>>)
      %dma_wait3A = arith.constant 0 : i32
      %dma_wait3A_57 = arith.constant 0 : i32
      %dma_wait3A_58 = tpu.memref_slice %arg8[%dma_wait3A, %dma_wait3A_57] : memref<128x128xf32, #tpu.memory_space<vmem>> -> memref<128x128xf32, #tpu.memory_space<vmem>>
      %dma_wait3A_59 = arith.constant 0 : i32
      %dma_wait3A_60 = tpu.memref_slice %arg5[%arg0, %add3A_29, %dma_wait3A_59] : memref<2x10112x128xf32, #tpu.memory_space<hbm>> -> memref<1x128x128xf32, #tpu.memory_space<hbm>>
      %dma_wait3A_61 = tpu.memref_squeeze %dma_wait3A_60 : memref<1x128x128xf32, #tpu.memory_space<hbm>> -> memref<128x128xf32, #tpu.memory_space<hbm>>
      %dma_wait3A_62 = arith.constant 0 : i32
      %dma_wait3A_63 = tpu.memref_slice %arg5[%arg0, %add3A_29, %dma_wait3A_62] : memref<2x10112x128xf32, #tpu.memory_space<hbm>> -> memref<1x128x128xf32, #tpu.memory_space<hbm>>
      %dma_wait3A_64 = tpu.memref_squeeze %dma_wait3A_63 : memref<1x128x128xf32, #tpu.memory_space<hbm>> -> memref<128x128xf32, #tpu.memory_space<hbm>>
      %dma_wait3A_65 = arith.constant 0 : i32
      %dma_wait3A_66 = arith.constant 0 : i32
      %dma_wait3A_67 = tpu.memref_slice %arg8[%dma_wait3A_65, %dma_wait3A_66] : memref<128x128xf32, #tpu.memory_space<vmem>> -> memref<128x128xf32, #tpu.memory_space<vmem>>
      tpu.wait_dma2 semaphore(%run_scoped3A : memref<!tpu.dma_semaphore, #tpu.memory_space<semaphore_mem>>) src(%dma_wait3A_67 : memref<128x128xf32, #tpu.memory_space<vmem>>) dst(%dma_wait3A_64 : memref<128x128xf32, #tpu.memory_space<hbm>>)
      tpu.yield
    }) : () -> ()
    %add3A_30 = arith.constant 128 : i32
    %add3A_31 = arith.addi %mul3A_8, %add3A_30 : i32
    "tpu.region"() ({
      %run_scoped3A = tpu.sem_alloc : memref<!tpu.dma_semaphore, #tpu.memory_space<semaphore_mem>>
      %dma_start3A = arith.constant 0 : i32
      %dma_start3A_46 = arith.constant 0 : i32
      %dma_start3A_47 = tpu.memref_slice %arg8[%dma_start3A, %dma_start3A_46] : memref<128x128xf32, #tpu.memory_space<vmem>> -> memref<128x128xf32, #tpu.memory_space<vmem>>
      %dma_start3A_48 = arith.constant 0 : i32
      %dma_start3A_49 = tpu.memref_slice %arg10[%add3A_31, %dma_start3A_48] : memref<10112x128xf32, #tpu.memory_space<vmem_shared>> -> memref<128x128xf32, #tpu.memory_space<vmem_shared>>
      %dma_start3A_50 = arith.constant 0 : i32
      %dma_start3A_51 = arith.constant 0 : i32
      %dma_start3A_52 = tpu.memref_slice %arg8[%dma_start3A_50, %dma_start3A_51] : memref<128x128xf32, #tpu.memory_space<vmem>> -> memref<128x128xf32, #tpu.memory_space<vmem>>
      %dma_start3A_53 = arith.constant 0 : i32
      %dma_start3A_54 = tpu.memref_slice %arg10[%add3A_31, %dma_start3A_53] : memref<10112x128xf32, #tpu.memory_space<vmem_shared>> -> memref<128x128xf32, #tpu.memory_space<vmem_shared>>
      tpu.enqueue_dma source(%dma_start3A_54 : memref<128x128xf32, #tpu.memory_space<vmem_shared>>) target(%dma_start3A_52 : memref<128x128xf32, #tpu.memory_space<vmem>>) target_semaphore(%run_scoped3A : memref<!tpu.dma_semaphore, #tpu.memory_space<semaphore_mem>>)
      %dma_wait3A = arith.constant 0 : i32
      %dma_wait3A_55 = arith.constant 0 : i32
      %dma_wait3A_56 = tpu.memref_slice %arg8[%dma_wait3A, %dma_wait3A_55] : memref<128x128xf32, #tpu.memory_space<vmem>> -> memref<128x128xf32, #tpu.memory_space<vmem>>
      %dma_wait3A_57 = arith.constant 0 : i32
      %dma_wait3A_58 = tpu.memref_slice %arg10[%add3A_31, %dma_wait3A_57] : memref<10112x128xf32, #tpu.memory_space<vmem_shared>> -> memref<128x128xf32, #tpu.memory_space<vmem_shared>>
      %dma_wait3A_59 = arith.constant 0 : i32
      %dma_wait3A_60 = arith.constant 0 : i32
      %dma_wait3A_61 = tpu.memref_slice %arg8[%dma_wait3A_59, %dma_wait3A_60] : memref<128x128xf32, #tpu.memory_space<vmem>> -> memref<128x128xf32, #tpu.memory_space<vmem>>
      %dma_wait3A_62 = arith.constant 0 : i32
      %dma_wait3A_63 = tpu.memref_slice %arg10[%add3A_31, %dma_wait3A_62] : memref<10112x128xf32, #tpu.memory_space<vmem_shared>> -> memref<128x128xf32, #tpu.memory_space<vmem_shared>>
      tpu.wait_dma2 semaphore(%run_scoped3A : memref<!tpu.dma_semaphore, #tpu.memory_space<semaphore_mem>>) src(%dma_wait3A_63 : memref<128x128xf32, #tpu.memory_space<vmem_shared>>) dst(%dma_wait3A_61 : memref<128x128xf32, #tpu.memory_space<vmem>>)
      tpu.yield
    }) : () -> ()
    %add3A_32 = arith.constant 128 : i32
    %add3A_33 = arith.addi %mul3A_8, %add3A_32 : i32
    "tpu.region"() ({
      %run_scoped3A = tpu.sem_alloc : memref<!tpu.dma_semaphore, #tpu.memory_space<semaphore_mem>>
      %dma_start3A = arith.constant 0 : i32
      %dma_start3A_46 = arith.constant 0 : i32
      %dma_start3A_47 = tpu.memref_slice %arg8[%dma_start3A, %dma_start3A_46] : memref<128x128xf32, #tpu.memory_space<vmem>> -> memref<128x128xf32, #tpu.memory_space<vmem>>
      %dma_start3A_48 = arith.constant 0 : i32
      %dma_start3A_49 = tpu.memref_slice %arg5[%arg0, %add3A_33, %dma_start3A_48] : memref<2x10112x128xf32, #tpu.memory_space<hbm>> -> memref<1x128x128xf32, #tpu.memory_space<hbm>>
      %dma_start3A_50 = tpu.memref_squeeze %dma_start3A_49 : memref<1x128x128xf32, #tpu.memory_space<hbm>> -> memref<128x128xf32, #tpu.memory_space<hbm>>
      %dma_start3A_51 = arith.constant 0 : i32
      %dma_start3A_52 = tpu.memref_slice %arg5[%arg0, %add3A_33, %dma_start3A_51] : memref<2x10112x128xf32, #tpu.memory_space<hbm>> -> memref<1x128x128xf32, #tpu.memory_space<hbm>>
      %dma_start3A_53 = tpu.memref_squeeze %dma_start3A_52 : memref<1x128x128xf32, #tpu.memory_space<hbm>> -> memref<128x128xf32, #tpu.memory_space<hbm>>
      %dma_start3A_54 = arith.constant 0 : i32
      %dma_start3A_55 = arith.constant 0 : i32
      %dma_start3A_56 = tpu.memref_slice %arg8[%dma_start3A_54, %dma_start3A_55] : memref<128x128xf32, #tpu.memory_space<vmem>> -> memref<128x128xf32, #tpu.memory_space<vmem>>
      tpu.enqueue_dma source(%dma_start3A_56 : memref<128x128xf32, #tpu.memory_space<vmem>>) target(%dma_start3A_53 : memref<128x128xf32, #tpu.memory_space<hbm>>) target_semaphore(%run_scoped3A : memref<!tpu.dma_semaphore, #tpu.memory_space<semaphore_mem>>)
      %dma_wait3A = arith.constant 0 : i32
      %dma_wait3A_57 = arith.constant 0 : i32
      %dma_wait3A_58 = tpu.memref_slice %arg8[%dma_wait3A, %dma_wait3A_57] : memref<128x128xf32, #tpu.memory_space<vmem>> -> memref<128x128xf32, #tpu.memory_space<vmem>>
      %dma_wait3A_59 = arith.constant 0 : i32
      %dma_wait3A_60 = tpu.memref_slice %arg5[%arg0, %add3A_33, %dma_wait3A_59] : memref<2x10112x128xf32, #tpu.memory_space<hbm>> -> memref<1x128x128xf32, #tpu.memory_space<hbm>>
      %dma_wait3A_61 = tpu.memref_squeeze %dma_wait3A_60 : memref<1x128x128xf32, #tpu.memory_space<hbm>> -> memref<128x128xf32, #tpu.memory_space<hbm>>
      %dma_wait3A_62 = arith.constant 0 : i32
      %dma_wait3A_63 = tpu.memref_slice %arg5[%arg0, %add3A_33, %dma_wait3A_62] : memref<2x10112x128xf32, #tpu.memory_space<hbm>> -> memref<1x128x128xf32, #tpu.memory_space<hbm>>
      %dma_wait3A_64 = tpu.memref_squeeze %dma_wait3A_63 : memref<1x128x128xf32, #tpu.memory_space<hbm>> -> memref<128x128xf32, #tpu.memory_space<hbm>>
      %dma_wait3A_65 = arith.constant 0 : i32
      %dma_wait3A_66 = arith.constant 0 : i32
      %dma_wait3A_67 = tpu.memref_slice %arg8[%dma_wait3A_65, %dma_wait3A_66] : memref<128x128xf32, #tpu.memory_space<vmem>> -> memref<128x128xf32, #tpu.memory_space<vmem>>
      tpu.wait_dma2 semaphore(%run_scoped3A : memref<!tpu.dma_semaphore, #tpu.memory_space<semaphore_mem>>) src(%dma_wait3A_67 : memref<128x128xf32, #tpu.memory_space<vmem>>) dst(%dma_wait3A_64 : memref<128x128xf32, #tpu.memory_space<hbm>>)
      tpu.yield
    }) : () -> ()
    %add3A_34 = arith.constant 256 : i32
    %add3A_35 = arith.addi %mul3A_8, %add3A_34 : i32
    "tpu.region"() ({
      %run_scoped3A = tpu.sem_alloc : memref<!tpu.dma_semaphore, #tpu.memory_space<semaphore_mem>>
      %dma_start3A = arith.constant 0 : i32
      %dma_start3A_46 = arith.constant 0 : i32
      %dma_start3A_47 = tpu.memref_slice %arg8[%dma_start3A, %dma_start3A_46] : memref<128x128xf32, #tpu.memory_space<vmem>> -> memref<128x128xf32, #tpu.memory_space<vmem>>
      %dma_start3A_48 = arith.constant 0 : i32
      %dma_start3A_49 = tpu.memref_slice %arg10[%add3A_35, %dma_start3A_48] : memref<10112x128xf32, #tpu.memory_space<vmem_shared>> -> memref<128x128xf32, #tpu.memory_space<vmem_shared>>
      %dma_start3A_50 = arith.constant 0 : i32
      %dma_start3A_51 = arith.constant 0 : i32
      %dma_start3A_52 = tpu.memref_slice %arg8[%dma_start3A_50, %dma_start3A_51] : memref<128x128xf32, #tpu.memory_space<vmem>> -> memref<128x128xf32, #tpu.memory_space<vmem>>
      %dma_start3A_53 = arith.constant 0 : i32
      %dma_start3A_54 = tpu.memref_slice %arg10[%add3A_35, %dma_start3A_53] : memref<10112x128xf32, #tpu.memory_space<vmem_shared>> -> memref<128x128xf32, #tpu.memory_space<vmem_shared>>
      tpu.enqueue_dma source(%dma_start3A_54 : memref<128x128xf32, #tpu.memory_space<vmem_shared>>) target(%dma_start3A_52 : memref<128x128xf32, #tpu.memory_space<vmem>>) target_semaphore(%run_scoped3A : memref<!tpu.dma_semaphore, #tpu.memory_space<semaphore_mem>>)
      %dma_wait3A = arith.constant 0 : i32
      %dma_wait3A_55 = arith.constant 0 : i32
      %dma_wait3A_56 = tpu.memref_slice %arg8[%dma_wait3A, %dma_wait3A_55] : memref<128x128xf32, #tpu.memory_space<vmem>> -> memref<128x128xf32, #tpu.memory_space<vmem>>
      %dma_wait3A_57 = arith.constant 0 : i32
      %dma_wait3A_58 = tpu.memref_slice %arg10[%add3A_35, %dma_wait3A_57] : memref<10112x128xf32, #tpu.memory_space<vmem_shared>> -> memref<128x128xf32, #tpu.memory_space<vmem_shared>>
      %dma_wait3A_59 = arith.constant 0 : i32
      %dma_wait3A_60 = arith.constant 0 : i32
      %dma_wait3A_61 = tpu.memref_slice %arg8[%dma_wait3A_59, %dma_wait3A_60] : memref<128x128xf32, #tpu.memory_space<vmem>> -> memref<128x128xf32, #tpu.memory_space<vmem>>
      %dma_wait3A_62 = arith.constant 0 : i32
      %dma_wait3A_63 = tpu.memref_slice %arg10[%add3A_35, %dma_wait3A_62] : memref<10112x128xf32, #tpu.memory_space<vmem_shared>> -> memref<128x128xf32, #tpu.memory_space<vmem_shared>>
      tpu.wait_dma2 semaphore(%run_scoped3A : memref<!tpu.dma_semaphore, #tpu.memory_space<semaphore_mem>>) src(%dma_wait3A_63 : memref<128x128xf32, #tpu.memory_space<vmem_shared>>) dst(%dma_wait3A_61 : memref<128x128xf32, #tpu.memory_space<vmem>>)
      tpu.yield
    }) : () -> ()
    %add3A_36 = arith.constant 256 : i32
    %add3A_37 = arith.addi %mul3A_8, %add3A_36 : i32
    "tpu.region"() ({
      %run_scoped3A = tpu.sem_alloc : memref<!tpu.dma_semaphore, #tpu.memory_space<semaphore_mem>>
      %dma_start3A = arith.constant 0 : i32
      %dma_start3A_46 = arith.constant 0 : i32
      %dma_start3A_47 = tpu.memref_slice %arg8[%dma_start3A, %dma_start3A_46] : memref<128x128xf32, #tpu.memory_space<vmem>> -> memref<128x128xf32, #tpu.memory_space<vmem>>
      %dma_start3A_48 = arith.constant 0 : i32
      %dma_start3A_49 = tpu.memref_slice %arg5[%arg0, %add3A_37, %dma_start3A_48] : memref<2x10112x128xf32, #tpu.memory_space<hbm>> -> memref<1x128x128xf32, #tpu.memory_space<hbm>>
      %dma_start3A_50 = tpu.memref_squeeze %dma_start3A_49 : memref<1x128x128xf32, #tpu.memory_space<hbm>> -> memref<128x128xf32, #tpu.memory_space<hbm>>
      %dma_start3A_51 = arith.constant 0 : i32
      %dma_start3A_52 = tpu.memref_slice %arg5[%arg0, %add3A_37, %dma_start3A_51] : memref<2x10112x128xf32, #tpu.memory_space<hbm>> -> memref<1x128x128xf32, #tpu.memory_space<hbm>>
      %dma_start3A_53 = tpu.memref_squeeze %dma_start3A_52 : memref<1x128x128xf32, #tpu.memory_space<hbm>> -> memref<128x128xf32, #tpu.memory_space<hbm>>
      %dma_start3A_54 = arith.constant 0 : i32
      %dma_start3A_55 = arith.constant 0 : i32
      %dma_start3A_56 = tpu.memref_slice %arg8[%dma_start3A_54, %dma_start3A_55] : memref<128x128xf32, #tpu.memory_space<vmem>> -> memref<128x128xf32, #tpu.memory_space<vmem>>
      tpu.enqueue_dma source(%dma_start3A_56 : memref<128x128xf32, #tpu.memory_space<vmem>>) target(%dma_start3A_53 : memref<128x128xf32, #tpu.memory_space<hbm>>) target_semaphore(%run_scoped3A : memref<!tpu.dma_semaphore, #tpu.memory_space<semaphore_mem>>)
      %dma_wait3A = arith.constant 0 : i32
      %dma_wait3A_57 = arith.constant 0 : i32
      %dma_wait3A_58 = tpu.memref_slice %arg8[%dma_wait3A, %dma_wait3A_57] : memref<128x128xf32, #tpu.memory_space<vmem>> -> memref<128x128xf32, #tpu.memory_space<vmem>>
      %dma_wait3A_59 = arith.constant 0 : i32
      %dma_wait3A_60 = tpu.memref_slice %arg5[%arg0, %add3A_37, %dma_wait3A_59] : memref<2x10112x128xf32, #tpu.memory_space<hbm>> -> memref<1x128x128xf32, #tpu.memory_space<hbm>>
      %dma_wait3A_61 = tpu.memref_squeeze %dma_wait3A_60 : memref<1x128x128xf32, #tpu.memory_space<hbm>> -> memref<128x128xf32, #tpu.memory_space<hbm>>
      %dma_wait3A_62 = arith.constant 0 : i32
      %dma_wait3A_63 = tpu.memref_slice %arg5[%arg0, %add3A_37, %dma_wait3A_62] : memref<2x10112x128xf32, #tpu.memory_space<hbm>> -> memref<1x128x128xf32, #tpu.memory_space<hbm>>
      %dma_wait3A_64 = tpu.memref_squeeze %dma_wait3A_63 : memref<1x128x128xf32, #tpu.memory_space<hbm>> -> memref<128x128xf32, #tpu.memory_space<hbm>>
      %dma_wait3A_65 = arith.constant 0 : i32
      %dma_wait3A_66 = arith.constant 0 : i32
      %dma_wait3A_67 = tpu.memref_slice %arg8[%dma_wait3A_65, %dma_wait3A_66] : memref<128x128xf32, #tpu.memory_space<vmem>> -> memref<128x128xf32, #tpu.memory_space<vmem>>
      tpu.wait_dma2 semaphore(%run_scoped3A : memref<!tpu.dma_semaphore, #tpu.memory_space<semaphore_mem>>) src(%dma_wait3A_67 : memref<128x128xf32, #tpu.memory_space<vmem>>) dst(%dma_wait3A_64 : memref<128x128xf32, #tpu.memory_space<hbm>>)
      tpu.yield
    }) : () -> ()
    %add3A_38 = arith.constant 384 : i32
    %add3A_39 = arith.addi %mul3A_8, %add3A_38 : i32
    "tpu.region"() ({
      %run_scoped3A = tpu.sem_alloc : memref<!tpu.dma_semaphore, #tpu.memory_space<semaphore_mem>>
      %dma_start3A = arith.constant 0 : i32
      %dma_start3A_46 = arith.constant 0 : i32
      %dma_start3A_47 = tpu.memref_slice %arg8[%dma_start3A, %dma_start3A_46] : memref<128x128xf32, #tpu.memory_space<vmem>> -> memref<128x128xf32, #tpu.memory_space<vmem>>
      %dma_start3A_48 = arith.constant 0 : i32
      %dma_start3A_49 = tpu.memref_slice %arg10[%add3A_39, %dma_start3A_48] : memref<10112x128xf32, #tpu.memory_space<vmem_shared>> -> memref<128x128xf32, #tpu.memory_space<vmem_shared>>
      %dma_start3A_50 = arith.constant 0 : i32
      %dma_start3A_51 = arith.constant 0 : i32
      %dma_start3A_52 = tpu.memref_slice %arg8[%dma_start3A_50, %dma_start3A_51] : memref<128x128xf32, #tpu.memory_space<vmem>> -> memref<128x128xf32, #tpu.memory_space<vmem>>
      %dma_start3A_53 = arith.constant 0 : i32
      %dma_start3A_54 = tpu.memref_slice %arg10[%add3A_39, %dma_start3A_53] : memref<10112x128xf32, #tpu.memory_space<vmem_shared>> -> memref<128x128xf32, #tpu.memory_space<vmem_shared>>
      tpu.enqueue_dma source(%dma_start3A_54 : memref<128x128xf32, #tpu.memory_space<vmem_shared>>) target(%dma_start3A_52 : memref<128x128xf32, #tpu.memory_space<vmem>>) target_semaphore(%run_scoped3A : memref<!tpu.dma_semaphore, #tpu.memory_space<semaphore_mem>>)
      %dma_wait3A = arith.constant 0 : i32
      %dma_wait3A_55 = arith.constant 0 : i32
      %dma_wait3A_56 = tpu.memref_slice %arg8[%dma_wait3A, %dma_wait3A_55] : memref<128x128xf32, #tpu.memory_space<vmem>> -> memref<128x128xf32, #tpu.memory_space<vmem>>
      %dma_wait3A_57 = arith.constant 0 : i32
      %dma_wait3A_58 = tpu.memref_slice %arg10[%add3A_39, %dma_wait3A_57] : memref<10112x128xf32, #tpu.memory_space<vmem_shared>> -> memref<128x128xf32, #tpu.memory_space<vmem_shared>>
      %dma_wait3A_59 = arith.constant 0 : i32
      %dma_wait3A_60 = arith.constant 0 : i32
      %dma_wait3A_61 = tpu.memref_slice %arg8[%dma_wait3A_59, %dma_wait3A_60] : memref<128x128xf32, #tpu.memory_space<vmem>> -> memref<128x128xf32, #tpu.memory_space<vmem>>
      %dma_wait3A_62 = arith.constant 0 : i32
      %dma_wait3A_63 = tpu.memref_slice %arg10[%add3A_39, %dma_wait3A_62] : memref<10112x128xf32, #tpu.memory_space<vmem_shared>> -> memref<128x128xf32, #tpu.memory_space<vmem_shared>>
      tpu.wait_dma2 semaphore(%run_scoped3A : memref<!tpu.dma_semaphore, #tpu.memory_space<semaphore_mem>>) src(%dma_wait3A_63 : memref<128x128xf32, #tpu.memory_space<vmem_shared>>) dst(%dma_wait3A_61 : memref<128x128xf32, #tpu.memory_space<vmem>>)
      tpu.yield
    }) : () -> ()
    %add3A_40 = arith.constant 384 : i32
    %add3A_41 = arith.addi %mul3A_8, %add3A_40 : i32
    "tpu.region"() ({
      %run_scoped3A = tpu.sem_alloc : memref<!tpu.dma_semaphore, #tpu.memory_space<semaphore_mem>>
      %dma_start3A = arith.constant 0 : i32
      %dma_start3A_46 = arith.constant 0 : i32
      %dma_start3A_47 = tpu.memref_slice %arg8[%dma_start3A, %dma_start3A_46] : memref<128x128xf32, #tpu.memory_space<vmem>> -> memref<128x128xf32, #tpu.memory_space<vmem>>
      %dma_start3A_48 = arith.constant 0 : i32
      %dma_start3A_49 = tpu.memref_slice %arg5[%arg0, %add3A_41, %dma_start3A_48] : memref<2x10112x128xf32, #tpu.memory_space<hbm>> -> memref<1x128x128xf32, #tpu.memory_space<hbm>>
      %dma_start3A_50 = tpu.memref_squeeze %dma_start3A_49 : memref<1x128x128xf32, #tpu.memory_space<hbm>> -> memref<128x128xf32, #tpu.memory_space<hbm>>
      %dma_start3A_51 = arith.constant 0 : i32
      %dma_start3A_52 = tpu.memref_slice %arg5[%arg0, %add3A_41, %dma_start3A_51] : memref<2x10112x128xf32, #tpu.memory_space<hbm>> -> memref<1x128x128xf32, #tpu.memory_space<hbm>>
      %dma_start3A_53 = tpu.memref_squeeze %dma_start3A_52 : memref<1x128x128xf32, #tpu.memory_space<hbm>> -> memref<128x128xf32, #tpu.memory_space<hbm>>
      %dma_start3A_54 = arith.constant 0 : i32
      %dma_start3A_55 = arith.constant 0 : i32
      %dma_start3A_56 = tpu.memref_slice %arg8[%dma_start3A_54, %dma_start3A_55] : memref<128x128xf32, #tpu.memory_space<vmem>> -> memref<128x128xf32, #tpu.memory_space<vmem>>
      tpu.enqueue_dma source(%dma_start3A_56 : memref<128x128xf32, #tpu.memory_space<vmem>>) target(%dma_start3A_53 : memref<128x128xf32, #tpu.memory_space<hbm>>) target_semaphore(%run_scoped3A : memref<!tpu.dma_semaphore, #tpu.memory_space<semaphore_mem>>)
      %dma_wait3A = arith.constant 0 : i32
      %dma_wait3A_57 = arith.constant 0 : i32
      %dma_wait3A_58 = tpu.memref_slice %arg8[%dma_wait3A, %dma_wait3A_57] : memref<128x128xf32, #tpu.memory_space<vmem>> -> memref<128x128xf32, #tpu.memory_space<vmem>>
      %dma_wait3A_59 = arith.constant 0 : i32
      %dma_wait3A_60 = tpu.memref_slice %arg5[%arg0, %add3A_41, %dma_wait3A_59] : memref<2x10112x128xf32, #tpu.memory_space<hbm>> -> memref<1x128x128xf32, #tpu.memory_space<hbm>>
      %dma_wait3A_61 = tpu.memref_squeeze %dma_wait3A_60 : memref<1x128x128xf32, #tpu.memory_space<hbm>> -> memref<128x128xf32, #tpu.memory_space<hbm>>
      %dma_wait3A_62 = arith.constant 0 : i32
      %dma_wait3A_63 = tpu.memref_slice %arg5[%arg0, %add3A_41, %dma_wait3A_62] : memref<2x10112x128xf32, #tpu.memory_space<hbm>> -> memref<1x128x128xf32, #tpu.memory_space<hbm>>
      %dma_wait3A_64 = tpu.memref_squeeze %dma_wait3A_63 : memref<1x128x128xf32, #tpu.memory_space<hbm>> -> memref<128x128xf32, #tpu.memory_space<hbm>>
      %dma_wait3A_65 = arith.constant 0 : i32
      %dma_wait3A_66 = arith.constant 0 : i32
      %dma_wait3A_67 = tpu.memref_slice %arg8[%dma_wait3A_65, %dma_wait3A_66] : memref<128x128xf32, #tpu.memory_space<vmem>> -> memref<128x128xf32, #tpu.memory_space<vmem>>
      tpu.wait_dma2 semaphore(%run_scoped3A : memref<!tpu.dma_semaphore, #tpu.memory_space<semaphore_mem>>) src(%dma_wait3A_67 : memref<128x128xf32, #tpu.memory_space<vmem>>) dst(%dma_wait3A_64 : memref<128x128xf32, #tpu.memory_space<hbm>>)
      tpu.yield
    }) : () -> ()
    %add3A_42 = arith.constant 512 : i32
    %add3A_43 = arith.addi %mul3A_8, %add3A_42 : i32
    "tpu.region"() ({
      %run_scoped3A = tpu.sem_alloc : memref<!tpu.dma_semaphore, #tpu.memory_space<semaphore_mem>>
      %dma_start3A = arith.constant 0 : i32
      %dma_start3A_46 = arith.constant 0 : i32
      %dma_start3A_47 = tpu.memref_slice %arg8[%dma_start3A, %dma_start3A_46] : memref<128x128xf32, #tpu.memory_space<vmem>> -> memref<120x128xf32, #tpu.memory_space<vmem>>
      %dma_start3A_48 = arith.constant 0 : i32
      %dma_start3A_49 = tpu.memref_slice %arg10[%add3A_43, %dma_start3A_48] : memref<10112x128xf32, #tpu.memory_space<vmem_shared>> -> memref<120x128xf32, #tpu.memory_space<vmem_shared>>
      %dma_start3A_50 = arith.constant 0 : i32
      %dma_start3A_51 = arith.constant 0 : i32
      %dma_start3A_52 = tpu.memref_slice %arg8[%dma_start3A_50, %dma_start3A_51] : memref<128x128xf32, #tpu.memory_space<vmem>> -> memref<120x128xf32, #tpu.memory_space<vmem>>
      %dma_start3A_53 = arith.constant 0 : i32
      %dma_start3A_54 = tpu.memref_slice %arg10[%add3A_43, %dma_start3A_53] : memref<10112x128xf32, #tpu.memory_space<vmem_shared>> -> memref<120x128xf32, #tpu.memory_space<vmem_shared>>
      tpu.enqueue_dma source(%dma_start3A_54 : memref<120x128xf32, #tpu.memory_space<vmem_shared>>) target(%dma_start3A_52 : memref<120x128xf32, #tpu.memory_space<vmem>>) target_semaphore(%run_scoped3A : memref<!tpu.dma_semaphore, #tpu.memory_space<semaphore_mem>>)
      %dma_wait3A = arith.constant 0 : i32
      %dma_wait3A_55 = arith.constant 0 : i32
      %dma_wait3A_56 = tpu.memref_slice %arg8[%dma_wait3A, %dma_wait3A_55] : memref<128x128xf32, #tpu.memory_space<vmem>> -> memref<120x128xf32, #tpu.memory_space<vmem>>
      %dma_wait3A_57 = arith.constant 0 : i32
      %dma_wait3A_58 = tpu.memref_slice %arg10[%add3A_43, %dma_wait3A_57] : memref<10112x128xf32, #tpu.memory_space<vmem_shared>> -> memref<120x128xf32, #tpu.memory_space<vmem_shared>>
      %dma_wait3A_59 = arith.constant 0 : i32
      %dma_wait3A_60 = arith.constant 0 : i32
      %dma_wait3A_61 = tpu.memref_slice %arg8[%dma_wait3A_59, %dma_wait3A_60] : memref<128x128xf32, #tpu.memory_space<vmem>> -> memref<120x128xf32, #tpu.memory_space<vmem>>
      %dma_wait3A_62 = arith.constant 0 : i32
      %dma_wait3A_63 = tpu.memref_slice %arg10[%add3A_43, %dma_wait3A_62] : memref<10112x128xf32, #tpu.memory_space<vmem_shared>> -> memref<120x128xf32, #tpu.memory_space<vmem_shared>>
      tpu.wait_dma2 semaphore(%run_scoped3A : memref<!tpu.dma_semaphore, #tpu.memory_space<semaphore_mem>>) src(%dma_wait3A_63 : memref<120x128xf32, #tpu.memory_space<vmem_shared>>) dst(%dma_wait3A_61 : memref<120x128xf32, #tpu.memory_space<vmem>>)
      tpu.yield
    }) : () -> ()
    %add3A_44 = arith.constant 512 : i32
    %add3A_45 = arith.addi %mul3A_8, %add3A_44 : i32
    "tpu.region"() ({
      %run_scoped3A = tpu.sem_alloc : memref<!tpu.dma_semaphore, #tpu.memory_space<semaphore_mem>>
      %dma_start3A = arith.constant 0 : i32
      %dma_start3A_46 = arith.constant 0 : i32
      %dma_start3A_47 = tpu.memref_slice %arg8[%dma_start3A, %dma_start3A_46] : memref<128x128xf32, #tpu.memory_space<vmem>> -> memref<120x128xf32, #tpu.memory_space<vmem>>
      %dma_start3A_48 = arith.constant 0 : i32
      %dma_start3A_49 = tpu.memref_slice %arg5[%arg0, %add3A_45, %dma_start3A_48] : memref<2x10112x128xf32, #tpu.memory_space<hbm>> -> memref<1x120x128xf32, #tpu.memory_space<hbm>>
      %dma_start3A_50 = tpu.memref_squeeze %dma_start3A_49 : memref<1x120x128xf32, #tpu.memory_space<hbm>> -> memref<120x128xf32, #tpu.memory_space<hbm>>
      %dma_start3A_51 = arith.constant 0 : i32
      %dma_start3A_52 = tpu.memref_slice %arg5[%arg0, %add3A_45, %dma_start3A_51] : memref<2x10112x128xf32, #tpu.memory_space<hbm>> -> memref<1x120x128xf32, #tpu.memory_space<hbm>>
      %dma_start3A_53 = tpu.memref_squeeze %dma_start3A_52 : memref<1x120x128xf32, #tpu.memory_space<hbm>> -> memref<120x128xf32, #tpu.memory_space<hbm>>
      %dma_start3A_54 = arith.constant 0 : i32
      %dma_start3A_55 = arith.constant 0 : i32
      %dma_start3A_56 = tpu.memref_slice %arg8[%dma_start3A_54, %dma_start3A_55] : memref<128x128xf32, #tpu.memory_space<vmem>> -> memref<120x128xf32, #tpu.memory_space<vmem>>
      tpu.enqueue_dma source(%dma_start3A_56 : memref<120x128xf32, #tpu.memory_space<vmem>>) target(%dma_start3A_53 : memref<120x128xf32, #tpu.memory_space<hbm>>) target_semaphore(%run_scoped3A : memref<!tpu.dma_semaphore, #tpu.memory_space<semaphore_mem>>)
      %dma_wait3A = arith.constant 0 : i32
      %dma_wait3A_57 = arith.constant 0 : i32
      %dma_wait3A_58 = tpu.memref_slice %arg8[%dma_wait3A, %dma_wait3A_57] : memref<128x128xf32, #tpu.memory_space<vmem>> -> memref<120x128xf32, #tpu.memory_space<vmem>>
      %dma_wait3A_59 = arith.constant 0 : i32
      %dma_wait3A_60 = tpu.memref_slice %arg5[%arg0, %add3A_45, %dma_wait3A_59] : memref<2x10112x128xf32, #tpu.memory_space<hbm>> -> memref<1x120x128xf32, #tpu.memory_space<hbm>>
      %dma_wait3A_61 = tpu.memref_squeeze %dma_wait3A_60 : memref<1x120x128xf32, #tpu.memory_space<hbm>> -> memref<120x128xf32, #tpu.memory_space<hbm>>
      %dma_wait3A_62 = arith.constant 0 : i32
      %dma_wait3A_63 = tpu.memref_slice %arg5[%arg0, %add3A_45, %dma_wait3A_62] : memref<2x10112x128xf32, #tpu.memory_space<hbm>> -> memref<1x120x128xf32, #tpu.memory_space<hbm>>
      %dma_wait3A_64 = tpu.memref_squeeze %dma_wait3A_63 : memref<1x120x128xf32, #tpu.memory_space<hbm>> -> memref<120x128xf32, #tpu.memory_space<hbm>>
      %dma_wait3A_65 = arith.constant 0 : i32
      %dma_wait3A_66 = arith.constant 0 : i32
      %dma_wait3A_67 = tpu.memref_slice %arg8[%dma_wait3A_65, %dma_wait3A_66] : memref<128x128xf32, #tpu.memory_space<vmem>> -> memref<120x128xf32, #tpu.memory_space<vmem>>
      tpu.wait_dma2 semaphore(%run_scoped3A : memref<!tpu.dma_semaphore, #tpu.memory_space<semaphore_mem>>) src(%dma_wait3A_67 : memref<120x128xf32, #tpu.memory_space<vmem>>) dst(%dma_wait3A_64 : memref<120x128xf32, #tpu.memory_space<hbm>>)
      tpu.yield
    }) : () -> ()
    return
  }
}

#map = affine_map<(d0, d1) -> (0, 0, 0)>
module attributes {stable_mosaic.version = 14 : i64} {
  func.func @_segcnt(%arg0: i32, %arg1: i32, %arg2: memref<32x80x128xi32, #tpu.memory_space<hbm>>, %arg3: memref<2x10112x16xf32, #tpu.memory_space<hbm>>, %arg4: memref<80x128xi32, #tpu.memory_space<vmem>>, %arg5: memref<128x16xf32, #tpu.memory_space<vmem>>, %arg6: memref<128x16xf32, #tpu.memory_space<vmem>>, %arg7: memref<10112x16xf32, #tpu.memory_space<vmem_shared>>, %arg8: memref<!tpu.dma_semaphore, #tpu.memory_space<semaphore_mem>>) attributes {dimension_semantics = [#tpu.dimension_semantics<core_parallel>, #tpu.dimension_semantics<subcore_parallel>], iteration_bounds = array<i64: 2, 16>, scalar_prefetch = 0 : i64, scratch_operands = 5 : i64, tpu.core_type = #tpu.core_type<sc_vector_subcore>, window_params = [{transform_indices = #map}, {transform_indices = #map}]} {
    %mul3A = arith.constant 2 : i32
    %mul3A_0 = arith.muli %arg1, %mul3A : i32
    %add3A = arith.addi %mul3A_0, %arg0 : i32
    %broadcast_in_dim3A = arith.constant 0.000000e+00 : f32
    %broadcast_in_dim3A_1 = vector.broadcast %broadcast_in_dim3A : f32 to vector<16xf32>
    %broadcast_in_dim3A_2 = arith.constant 1.000000e+00 : f32
    %broadcast_in_dim3A_3 = vector.broadcast %broadcast_in_dim3A_2 : f32 to vector<16xf32>
    %scan3A = arith.constant 0 : i32
    %scan3A_4 = arith.constant 0 : i32
    %scan3A_5 = arith.constant 128 : i32
    %scan3A_6 = arith.addi %scan3A_4, %scan3A_5 : i32
    %scan3A_7 = arith.constant 1 : i32
    scf.for %scan3A_60 = %scan3A_4 to %scan3A_6 step %scan3A_7  : i32 {
      %swap3A = arith.index_cast %scan3A_60 : i32 to index
      %swap3A_61 = arith.constant 0 : index
      %swap3A_62 = tpu.vector_load %arg6[%swap3A, %swap3A_61] {strides = array<i32>} : memref<128x16xf32, #tpu.memory_space<vmem>>, vector<1x16xf32>,
      %swap3A_63 = vector.shape_cast %swap3A_62 : vector<1x16xf32> to vector<16xf32>
      %swap3A_64 = vector.shape_cast %broadcast_in_dim3A_1 : vector<16xf32> to vector<1x16xf32>
      tpu.vector_store %arg6[%swap3A, %swap3A_61], %swap3A_64 {strides = array<i32>} : memref<128x16xf32, #tpu.memory_space<vmem>>, vector<1x16xf32>,
    }
    %scan3A_8 = arith.constant 128 : i32
    %scan3A_9 = arith.constant 0 : i32
    %scan3A_10 = arith.constant 0 : i32
    %scan3A_11 = arith.constant 128 : i32
    %scan3A_12 = arith.addi %scan3A_10, %scan3A_11 : i32
    %scan3A_13 = arith.constant 1 : i32
    scf.for %scan3A_60 = %scan3A_10 to %scan3A_12 step %scan3A_13  : i32 {
      %swap3A = arith.index_cast %scan3A_60 : i32 to index
      %swap3A_61 = arith.constant 0 : index
      %swap3A_62 = tpu.vector_load %arg5[%swap3A, %swap3A_61] {strides = array<i32>} : memref<128x16xf32, #tpu.memory_space<vmem>>, vector<1x16xf32>,
      %swap3A_63 = vector.shape_cast %swap3A_62 : vector<1x16xf32> to vector<16xf32>
      %swap3A_64 = vector.shape_cast %broadcast_in_dim3A_3 : vector<16xf32> to vector<1x16xf32>
      tpu.vector_store %arg5[%swap3A, %swap3A_61], %swap3A_64 {strides = array<i32>} : memref<128x16xf32, #tpu.memory_space<vmem>>, vector<1x16xf32>,
    }
    %scan3A_14 = arith.constant 128 : i32
    %mul3A_15 = arith.constant 632 : i32
    %mul3A_16 = arith.muli %arg1, %mul3A_15 : i32
    %add3A_17 = arith.constant 0 : i32
    %add3A_18 = arith.addi %mul3A_16, %add3A_17 : i32
    "tpu.region"() ({
      %run_scoped3A = tpu.sem_alloc : memref<!tpu.dma_semaphore, #tpu.memory_space<semaphore_mem>>
      %dma_start3A = arith.constant 0 : i32
      %dma_start3A_60 = arith.constant 0 : i32
      %dma_start3A_61 = tpu.memref_slice %arg6[%dma_start3A, %dma_start3A_60] : memref<128x16xf32, #tpu.memory_space<vmem>> -> memref<128x16xf32, #tpu.memory_space<vmem>>
      %dma_start3A_62 = arith.constant 0 : i32
      %dma_start3A_63 = tpu.memref_slice %arg7[%add3A_18, %dma_start3A_62] : memref<10112x16xf32, #tpu.memory_space<vmem_shared>> -> memref<128x16xf32, #tpu.memory_space<vmem_shared>>
      %dma_start3A_64 = arith.constant 0 : i32
      %dma_start3A_65 = tpu.memref_slice %arg7[%add3A_18, %dma_start3A_64] : memref<10112x16xf32, #tpu.memory_space<vmem_shared>> -> memref<128x16xf32, #tpu.memory_space<vmem_shared>>
      %dma_start3A_66 = arith.constant 0 : i32
      %dma_start3A_67 = arith.constant 0 : i32
      %dma_start3A_68 = tpu.memref_slice %arg6[%dma_start3A_66, %dma_start3A_67] : memref<128x16xf32, #tpu.memory_space<vmem>> -> memref<128x16xf32, #tpu.memory_space<vmem>>
      tpu.enqueue_dma source(%dma_start3A_68 : memref<128x16xf32, #tpu.memory_space<vmem>>) target(%dma_start3A_65 : memref<128x16xf32, #tpu.memory_space<vmem_shared>>) target_semaphore(%run_scoped3A : memref<!tpu.dma_semaphore, #tpu.memory_space<semaphore_mem>>)
      %dma_wait3A = arith.constant 0 : i32
      %dma_wait3A_69 = arith.constant 0 : i32
      %dma_wait3A_70 = tpu.memref_slice %arg6[%dma_wait3A, %dma_wait3A_69] : memref<128x16xf32, #tpu.memory_space<vmem>> -> memref<128x16xf32, #tpu.memory_space<vmem>>
      %dma_wait3A_71 = arith.constant 0 : i32
      %dma_wait3A_72 = tpu.memref_slice %arg7[%add3A_18, %dma_wait3A_71] : memref<10112x16xf32, #tpu.memory_space<vmem_shared>> -> memref<128x16xf32, #tpu.memory_space<vmem_shared>>
      %dma_wait3A_73 = arith.constant 0 : i32
      %dma_wait3A_74 = tpu.memref_slice %arg7[%add3A_18, %dma_wait3A_73] : memref<10112x16xf32, #tpu.memory_space<vmem_shared>> -> memref<128x16xf32, #tpu.memory_space<vmem_shared>>
      %dma_wait3A_75 = arith.constant 0 : i32
      %dma_wait3A_76 = arith.constant 0 : i32
      %dma_wait3A_77 = tpu.memref_slice %arg6[%dma_wait3A_75, %dma_wait3A_76] : memref<128x16xf32, #tpu.memory_space<vmem>> -> memref<128x16xf32, #tpu.memory_space<vmem>>
      tpu.wait_dma2 semaphore(%run_scoped3A : memref<!tpu.dma_semaphore, #tpu.memory_space<semaphore_mem>>) src(%dma_wait3A_77 : memref<128x16xf32, #tpu.memory_space<vmem>>) dst(%dma_wait3A_74 : memref<128x16xf32, #tpu.memory_space<vmem_shared>>)
      tpu.yield
    }) : () -> ()
    %add3A_19 = arith.constant 128 : i32
    %add3A_20 = arith.addi %mul3A_16, %add3A_19 : i32
    "tpu.region"() ({
      %run_scoped3A = tpu.sem_alloc : memref<!tpu.dma_semaphore, #tpu.memory_space<semaphore_mem>>
      %dma_start3A = arith.constant 0 : i32
      %dma_start3A_60 = arith.constant 0 : i32
      %dma_start3A_61 = tpu.memref_slice %arg6[%dma_start3A, %dma_start3A_60] : memref<128x16xf32, #tpu.memory_space<vmem>> -> memref<128x16xf32, #tpu.memory_space<vmem>>
      %dma_start3A_62 = arith.constant 0 : i32
      %dma_start3A_63 = tpu.memref_slice %arg7[%add3A_20, %dma_start3A_62] : memref<10112x16xf32, #tpu.memory_space<vmem_shared>> -> memref<128x16xf32, #tpu.memory_space<vmem_shared>>
      %dma_start3A_64 = arith.constant 0 : i32
      %dma_start3A_65 = tpu.memref_slice %arg7[%add3A_20, %dma_start3A_64] : memref<10112x16xf32, #tpu.memory_space<vmem_shared>> -> memref<128x16xf32, #tpu.memory_space<vmem_shared>>
      %dma_start3A_66 = arith.constant 0 : i32
      %dma_start3A_67 = arith.constant 0 : i32
      %dma_start3A_68 = tpu.memref_slice %arg6[%dma_start3A_66, %dma_start3A_67] : memref<128x16xf32, #tpu.memory_space<vmem>> -> memref<128x16xf32, #tpu.memory_space<vmem>>
      tpu.enqueue_dma source(%dma_start3A_68 : memref<128x16xf32, #tpu.memory_space<vmem>>) target(%dma_start3A_65 : memref<128x16xf32, #tpu.memory_space<vmem_shared>>) target_semaphore(%run_scoped3A : memref<!tpu.dma_semaphore, #tpu.memory_space<semaphore_mem>>)
      %dma_wait3A = arith.constant 0 : i32
      %dma_wait3A_69 = arith.constant 0 : i32
      %dma_wait3A_70 = tpu.memref_slice %arg6[%dma_wait3A, %dma_wait3A_69] : memref<128x16xf32, #tpu.memory_space<vmem>> -> memref<128x16xf32, #tpu.memory_space<vmem>>
      %dma_wait3A_71 = arith.constant 0 : i32
      %dma_wait3A_72 = tpu.memref_slice %arg7[%add3A_20, %dma_wait3A_71] : memref<10112x16xf32, #tpu.memory_space<vmem_shared>> -> memref<128x16xf32, #tpu.memory_space<vmem_shared>>
      %dma_wait3A_73 = arith.constant 0 : i32
      %dma_wait3A_74 = tpu.memref_slice %arg7[%add3A_20, %dma_wait3A_73] : memref<10112x16xf32, #tpu.memory_space<vmem_shared>> -> memref<128x16xf32, #tpu.memory_space<vmem_shared>>
      %dma_wait3A_75 = arith.constant 0 : i32
      %dma_wait3A_76 = arith.constant 0 : i32
      %dma_wait3A_77 = tpu.memref_slice %arg6[%dma_wait3A_75, %dma_wait3A_76] : memref<128x16xf32, #tpu.memory_space<vmem>> -> memref<128x16xf32, #tpu.memory_space<vmem>>
      tpu.wait_dma2 semaphore(%run_scoped3A : memref<!tpu.dma_semaphore, #tpu.memory_space<semaphore_mem>>) src(%dma_wait3A_77 : memref<128x16xf32, #tpu.memory_space<vmem>>) dst(%dma_wait3A_74 : memref<128x16xf32, #tpu.memory_space<vmem_shared>>)
      tpu.yield
    }) : () -> ()
    %add3A_21 = arith.constant 256 : i32
    %add3A_22 = arith.addi %mul3A_16, %add3A_21 : i32
    "tpu.region"() ({
      %run_scoped3A = tpu.sem_alloc : memref<!tpu.dma_semaphore, #tpu.memory_space<semaphore_mem>>
      %dma_start3A = arith.constant 0 : i32
      %dma_start3A_60 = arith.constant 0 : i32
      %dma_start3A_61 = tpu.memref_slice %arg6[%dma_start3A, %dma_start3A_60] : memref<128x16xf32, #tpu.memory_space<vmem>> -> memref<128x16xf32, #tpu.memory_space<vmem>>
      %dma_start3A_62 = arith.constant 0 : i32
      %dma_start3A_63 = tpu.memref_slice %arg7[%add3A_22, %dma_start3A_62] : memref<10112x16xf32, #tpu.memory_space<vmem_shared>> -> memref<128x16xf32, #tpu.memory_space<vmem_shared>>
      %dma_start3A_64 = arith.constant 0 : i32
      %dma_start3A_65 = tpu.memref_slice %arg7[%add3A_22, %dma_start3A_64] : memref<10112x16xf32, #tpu.memory_space<vmem_shared>> -> memref<128x16xf32, #tpu.memory_space<vmem_shared>>
      %dma_start3A_66 = arith.constant 0 : i32
      %dma_start3A_67 = arith.constant 0 : i32
      %dma_start3A_68 = tpu.memref_slice %arg6[%dma_start3A_66, %dma_start3A_67] : memref<128x16xf32, #tpu.memory_space<vmem>> -> memref<128x16xf32, #tpu.memory_space<vmem>>
      tpu.enqueue_dma source(%dma_start3A_68 : memref<128x16xf32, #tpu.memory_space<vmem>>) target(%dma_start3A_65 : memref<128x16xf32, #tpu.memory_space<vmem_shared>>) target_semaphore(%run_scoped3A : memref<!tpu.dma_semaphore, #tpu.memory_space<semaphore_mem>>)
      %dma_wait3A = arith.constant 0 : i32
      %dma_wait3A_69 = arith.constant 0 : i32
      %dma_wait3A_70 = tpu.memref_slice %arg6[%dma_wait3A, %dma_wait3A_69] : memref<128x16xf32, #tpu.memory_space<vmem>> -> memref<128x16xf32, #tpu.memory_space<vmem>>
      %dma_wait3A_71 = arith.constant 0 : i32
      %dma_wait3A_72 = tpu.memref_slice %arg7[%add3A_22, %dma_wait3A_71] : memref<10112x16xf32, #tpu.memory_space<vmem_shared>> -> memref<128x16xf32, #tpu.memory_space<vmem_shared>>
      %dma_wait3A_73 = arith.constant 0 : i32
      %dma_wait3A_74 = tpu.memref_slice %arg7[%add3A_22, %dma_wait3A_73] : memref<10112x16xf32, #tpu.memory_space<vmem_shared>> -> memref<128x16xf32, #tpu.memory_space<vmem_shared>>
      %dma_wait3A_75 = arith.constant 0 : i32
      %dma_wait3A_76 = arith.constant 0 : i32
      %dma_wait3A_77 = tpu.memref_slice %arg6[%dma_wait3A_75, %dma_wait3A_76] : memref<128x16xf32, #tpu.memory_space<vmem>> -> memref<128x16xf32, #tpu.memory_space<vmem>>
      tpu.wait_dma2 semaphore(%run_scoped3A : memref<!tpu.dma_semaphore, #tpu.memory_space<semaphore_mem>>) src(%dma_wait3A_77 : memref<128x16xf32, #tpu.memory_space<vmem>>) dst(%dma_wait3A_74 : memref<128x16xf32, #tpu.memory_space<vmem_shared>>)
      tpu.yield
    }) : () -> ()
    %add3A_23 = arith.constant 384 : i32
    %add3A_24 = arith.addi %mul3A_16, %add3A_23 : i32
    "tpu.region"() ({
      %run_scoped3A = tpu.sem_alloc : memref<!tpu.dma_semaphore, #tpu.memory_space<semaphore_mem>>
      %dma_start3A = arith.constant 0 : i32
      %dma_start3A_60 = arith.constant 0 : i32
      %dma_start3A_61 = tpu.memref_slice %arg6[%dma_start3A, %dma_start3A_60] : memref<128x16xf32, #tpu.memory_space<vmem>> -> memref<128x16xf32, #tpu.memory_space<vmem>>
      %dma_start3A_62 = arith.constant 0 : i32
      %dma_start3A_63 = tpu.memref_slice %arg7[%add3A_24, %dma_start3A_62] : memref<10112x16xf32, #tpu.memory_space<vmem_shared>> -> memref<128x16xf32, #tpu.memory_space<vmem_shared>>
      %dma_start3A_64 = arith.constant 0 : i32
      %dma_start3A_65 = tpu.memref_slice %arg7[%add3A_24, %dma_start3A_64] : memref<10112x16xf32, #tpu.memory_space<vmem_shared>> -> memref<128x16xf32, #tpu.memory_space<vmem_shared>>
      %dma_start3A_66 = arith.constant 0 : i32
      %dma_start3A_67 = arith.constant 0 : i32
      %dma_start3A_68 = tpu.memref_slice %arg6[%dma_start3A_66, %dma_start3A_67] : memref<128x16xf32, #tpu.memory_space<vmem>> -> memref<128x16xf32, #tpu.memory_space<vmem>>
      tpu.enqueue_dma source(%dma_start3A_68 : memref<128x16xf32, #tpu.memory_space<vmem>>) target(%dma_start3A_65 : memref<128x16xf32, #tpu.memory_space<vmem_shared>>) target_semaphore(%run_scoped3A : memref<!tpu.dma_semaphore, #tpu.memory_space<semaphore_mem>>)
      %dma_wait3A = arith.constant 0 : i32
      %dma_wait3A_69 = arith.constant 0 : i32
      %dma_wait3A_70 = tpu.memref_slice %arg6[%dma_wait3A, %dma_wait3A_69] : memref<128x16xf32, #tpu.memory_space<vmem>> -> memref<128x16xf32, #tpu.memory_space<vmem>>
      %dma_wait3A_71 = arith.constant 0 : i32
      %dma_wait3A_72 = tpu.memref_slice %arg7[%add3A_24, %dma_wait3A_71] : memref<10112x16xf32, #tpu.memory_space<vmem_shared>> -> memref<128x16xf32, #tpu.memory_space<vmem_shared>>
      %dma_wait3A_73 = arith.constant 0 : i32
      %dma_wait3A_74 = tpu.memref_slice %arg7[%add3A_24, %dma_wait3A_73] : memref<10112x16xf32, #tpu.memory_space<vmem_shared>> -> memref<128x16xf32, #tpu.memory_space<vmem_shared>>
      %dma_wait3A_75 = arith.constant 0 : i32
      %dma_wait3A_76 = arith.constant 0 : i32
      %dma_wait3A_77 = tpu.memref_slice %arg6[%dma_wait3A_75, %dma_wait3A_76] : memref<128x16xf32, #tpu.memory_space<vmem>> -> memref<128x16xf32, #tpu.memory_space<vmem>>
      tpu.wait_dma2 semaphore(%run_scoped3A : memref<!tpu.dma_semaphore, #tpu.memory_space<semaphore_mem>>) src(%dma_wait3A_77 : memref<128x16xf32, #tpu.memory_space<vmem>>) dst(%dma_wait3A_74 : memref<128x16xf32, #tpu.memory_space<vmem_shared>>)
      tpu.yield
    }) : () -> ()
    %add3A_25 = arith.constant 512 : i32
    %add3A_26 = arith.addi %mul3A_16, %add3A_25 : i32
    "tpu.region"() ({
      %run_scoped3A = tpu.sem_alloc : memref<!tpu.dma_semaphore, #tpu.memory_space<semaphore_mem>>
      %dma_start3A = arith.constant 0 : i32
      %dma_start3A_60 = arith.constant 0 : i32
      %dma_start3A_61 = tpu.memref_slice %arg6[%dma_start3A, %dma_start3A_60] : memref<128x16xf32, #tpu.memory_space<vmem>> -> memref<120x16xf32, #tpu.memory_space<vmem>>
      %dma_start3A_62 = arith.constant 0 : i32
      %dma_start3A_63 = tpu.memref_slice %arg7[%add3A_26, %dma_start3A_62] : memref<10112x16xf32, #tpu.memory_space<vmem_shared>> -> memref<120x16xf32, #tpu.memory_space<vmem_shared>>
      %dma_start3A_64 = arith.constant 0 : i32
      %dma_start3A_65 = tpu.memref_slice %arg7[%add3A_26, %dma_start3A_64] : memref<10112x16xf32, #tpu.memory_space<vmem_shared>> -> memref<120x16xf32, #tpu.memory_space<vmem_shared>>
      %dma_start3A_66 = arith.constant 0 : i32
      %dma_start3A_67 = arith.constant 0 : i32
      %dma_start3A_68 = tpu.memref_slice %arg6[%dma_start3A_66, %dma_start3A_67] : memref<128x16xf32, #tpu.memory_space<vmem>> -> memref<120x16xf32, #tpu.memory_space<vmem>>
      tpu.enqueue_dma source(%dma_start3A_68 : memref<120x16xf32, #tpu.memory_space<vmem>>) target(%dma_start3A_65 : memref<120x16xf32, #tpu.memory_space<vmem_shared>>) target_semaphore(%run_scoped3A : memref<!tpu.dma_semaphore, #tpu.memory_space<semaphore_mem>>)
      %dma_wait3A = arith.constant 0 : i32
      %dma_wait3A_69 = arith.constant 0 : i32
      %dma_wait3A_70 = tpu.memref_slice %arg6[%dma_wait3A, %dma_wait3A_69] : memref<128x16xf32, #tpu.memory_space<vmem>> -> memref<120x16xf32, #tpu.memory_space<vmem>>
      %dma_wait3A_71 = arith.constant 0 : i32
      %dma_wait3A_72 = tpu.memref_slice %arg7[%add3A_26, %dma_wait3A_71] : memref<10112x16xf32, #tpu.memory_space<vmem_shared>> -> memref<120x16xf32, #tpu.memory_space<vmem_shared>>
      %dma_wait3A_73 = arith.constant 0 : i32
      %dma_wait3A_74 = tpu.memref_slice %arg7[%add3A_26, %dma_wait3A_73] : memref<10112x16xf32, #tpu.memory_space<vmem_shared>> -> memref<120x16xf32, #tpu.memory_space<vmem_shared>>
      %dma_wait3A_75 = arith.constant 0 : i32
      %dma_wait3A_76 = arith.constant 0 : i32
      %dma_wait3A_77 = tpu.memref_slice %arg6[%dma_wait3A_75, %dma_wait3A_76] : memref<128x16xf32, #tpu.memory_space<vmem>> -> memref<120x16xf32, #tpu.memory_space<vmem>>
      tpu.wait_dma2 semaphore(%run_scoped3A : memref<!tpu.dma_semaphore, #tpu.memory_space<semaphore_mem>>) src(%dma_wait3A_77 : memref<120x16xf32, #tpu.memory_space<vmem>>) dst(%dma_wait3A_74 : memref<120x16xf32, #tpu.memory_space<vmem_shared>>)
      tpu.yield
    }) : () -> ()
    %barrier3A = arith.constant 0 : index
    tpu.barrier barrier_id(%barrier3A)
    "tpu.region"() ({
      %run_scoped3A = tpu.sem_alloc : memref<!tpu.dma_semaphore, #tpu.memory_space<semaphore_mem>>
      %dma_start3A = arith.constant 0 : i32
      %dma_start3A_60 = arith.constant 0 : i32
      %dma_start3A_61 = tpu.memref_slice %arg2[%add3A, %dma_start3A, %dma_start3A_60] : memref<32x80x128xi32, #tpu.memory_space<hbm>> -> memref<1x80x128xi32, #tpu.memory_space<hbm>>
      %dma_start3A_62 = tpu.memref_squeeze %dma_start3A_61 : memref<1x80x128xi32, #tpu.memory_space<hbm>> -> memref<80x128xi32, #tpu.memory_space<hbm>>
      %dma_start3A_63 = arith.constant 0 : i32
      %dma_start3A_64 = arith.constant 0 : i32
      %dma_start3A_65 = tpu.memref_slice %arg2[%add3A, %dma_start3A_63, %dma_start3A_64] : memref<32x80x128xi32, #tpu.memory_space<hbm>> -> memref<1x80x128xi32, #tpu.memory_space<hbm>>
      %dma_start3A_66 = tpu.memref_squeeze %dma_start3A_65 : memref<1x80x128xi32, #tpu.memory_space<hbm>> -> memref<80x128xi32, #tpu.memory_space<hbm>>
      tpu.enqueue_dma source(%dma_start3A_66 : memref<80x128xi32, #tpu.memory_space<hbm>>) target(%arg4 : memref<80x128xi32, #tpu.memory_space<vmem>>) target_semaphore(%run_scoped3A : memref<!tpu.dma_semaphore, #tpu.memory_space<semaphore_mem>>)
      %dma_wait3A = arith.constant 0 : i32
      %dma_wait3A_67 = arith.constant 0 : i32
      %dma_wait3A_68 = tpu.memref_slice %arg2[%add3A, %dma_wait3A, %dma_wait3A_67] : memref<32x80x128xi32, #tpu.memory_space<hbm>> -> memref<1x80x128xi32, #tpu.memory_space<hbm>>
      %dma_wait3A_69 = tpu.memref_squeeze %dma_wait3A_68 : memref<1x80x128xi32, #tpu.memory_space<hbm>> -> memref<80x128xi32, #tpu.memory_space<hbm>>
      %dma_wait3A_70 = arith.constant 0 : i32
      %dma_wait3A_71 = arith.constant 0 : i32
      %dma_wait3A_72 = tpu.memref_slice %arg2[%add3A, %dma_wait3A_70, %dma_wait3A_71] : memref<32x80x128xi32, #tpu.memory_space<hbm>> -> memref<1x80x128xi32, #tpu.memory_space<hbm>>
      %dma_wait3A_73 = tpu.memref_squeeze %dma_wait3A_72 : memref<1x80x128xi32, #tpu.memory_space<hbm>> -> memref<80x128xi32, #tpu.memory_space<hbm>>
      tpu.wait_dma2 semaphore(%run_scoped3A : memref<!tpu.dma_semaphore, #tpu.memory_space<semaphore_mem>>) src(%dma_wait3A_73 : memref<80x128xi32, #tpu.memory_space<hbm>>) dst(%arg4 : memref<80x128xi32, #tpu.memory_space<vmem>>)
      tpu.yield
    }) : () -> ()
    %scan3A_27 = arith.constant 0 : i32
    %scan3A_28 = arith.constant 0 : i32
    %scan3A_29 = arith.constant 80 : i32
    %scan3A_30 = arith.addi %scan3A_28, %scan3A_29 : i32
    %scan3A_31 = arith.constant 1 : i32
    scf.for %scan3A_60 = %scan3A_28 to %scan3A_30 step %scan3A_31  : i32 {
      %dma_start3A = arith.constant 0 : i32
      %dma_start3A_61 = tpu.memref_slice %arg4[%scan3A_60, %dma_start3A] : memref<80x128xi32, #tpu.memory_space<vmem>> -> memref<1x128xi32, #tpu.memory_space<vmem>>
      %dma_start3A_62 = tpu.memref_squeeze %dma_start3A_61 : memref<1x128xi32, #tpu.memory_space<vmem>> -> memref<128xi32, #tpu.memory_space<vmem>>
      %dma_start3A_63 = arith.constant 0 : i32
      %dma_start3A_64 = arith.constant 0 : i32
      %dma_start3A_65 = tpu.memref_slice %arg7[%dma_start3A_63, %dma_start3A_64] : memref<10112x16xf32, #tpu.memory_space<vmem_shared>> -> memref<10112x16xf32, #tpu.memory_space<vmem_shared>>
      tpu.enqueue_indirect_dma source(%arg5 : memref<128x16xf32, #tpu.memory_space<vmem>>) target(%dma_start3A_65 : memref<10112x16xf32, #tpu.memory_space<vmem_shared>>) offsets(%dma_start3A_62 : memref<128xi32, #tpu.memory_space<vmem>>) semaphore(%arg8 : memref<!tpu.dma_semaphore, #tpu.memory_space<semaphore_mem>>) {add = true}
    }
    %scan3A_32 = arith.constant 80 : i32
    %scan3A_33 = arith.constant 0 : i32
    %scan3A_34 = arith.constant 0 : i32
    %scan3A_35 = arith.constant 80 : i32
    %scan3A_36 = arith.addi %scan3A_34, %scan3A_35 : i32
    %scan3A_37 = arith.constant 1 : i32
    scf.for %scan3A_60 = %scan3A_34 to %scan3A_36 step %scan3A_37  : i32 {
      %dma_wait3A = arith.constant 0 : i32
      %dma_wait3A_61 = tpu.memref_slice %arg4[%scan3A_60, %dma_wait3A] : memref<80x128xi32, #tpu.memory_space<vmem>> -> memref<1x128xi32, #tpu.memory_space<vmem>>
      %dma_wait3A_62 = tpu.memref_squeeze %dma_wait3A_61 : memref<1x128xi32, #tpu.memory_space<vmem>> -> memref<128xi32, #tpu.memory_space<vmem>>
      %dma_wait3A_63 = arith.constant 0 : i32
      %dma_wait3A_64 = arith.constant 0 : i32
      %dma_wait3A_65 = tpu.memref_slice %arg7[%dma_wait3A_63, %dma_wait3A_64] : memref<10112x16xf32, #tpu.memory_space<vmem_shared>> -> memref<10112x16xf32, #tpu.memory_space<vmem_shared>>
      tpu.wait_indirect_dma semaphore(%arg8 : memref<!tpu.dma_semaphore, #tpu.memory_space<semaphore_mem>>) src(%arg5 : memref<128x16xf32, #tpu.memory_space<vmem>>) dst(%dma_wait3A_65 : memref<10112x16xf32, #tpu.memory_space<vmem_shared>>)
    }
    %scan3A_38 = arith.constant 80 : i32
    %barrier3A_39 = arith.constant 0 : index
    tpu.barrier barrier_id(%barrier3A_39)
    %add3A_40 = arith.constant 0 : i32
    %add3A_41 = arith.addi %mul3A_16, %add3A_40 : i32
    "tpu.region"() ({
      %run_scoped3A = tpu.sem_alloc : memref<!tpu.dma_semaphore, #tpu.memory_space<semaphore_mem>>
      %dma_start3A = arith.constant 0 : i32
      %dma_start3A_60 = arith.constant 0 : i32
      %dma_start3A_61 = tpu.memref_slice %arg6[%dma_start3A, %dma_start3A_60] : memref<128x16xf32, #tpu.memory_space<vmem>> -> memref<128x16xf32, #tpu.memory_space<vmem>>
      %dma_start3A_62 = arith.constant 0 : i32
      %dma_start3A_63 = tpu.memref_slice %arg7[%add3A_41, %dma_start3A_62] : memref<10112x16xf32, #tpu.memory_space<vmem_shared>> -> memref<128x16xf32, #tpu.memory_space<vmem_shared>>
      %dma_start3A_64 = arith.constant 0 : i32
      %dma_start3A_65 = arith.constant 0 : i32
      %dma_start3A_66 = tpu.memref_slice %arg6[%dma_start3A_64, %dma_start3A_65] : memref<128x16xf32, #tpu.memory_space<vmem>> -> memref<128x16xf32, #tpu.memory_space<vmem>>
      %dma_start3A_67 = arith.constant 0 : i32
      %dma_start3A_68 = tpu.memref_slice %arg7[%add3A_41, %dma_start3A_67] : memref<10112x16xf32, #tpu.memory_space<vmem_shared>> -> memref<128x16xf32, #tpu.memory_space<vmem_shared>>
      tpu.enqueue_dma source(%dma_start3A_68 : memref<128x16xf32, #tpu.memory_space<vmem_shared>>) target(%dma_start3A_66 : memref<128x16xf32, #tpu.memory_space<vmem>>) target_semaphore(%run_scoped3A : memref<!tpu.dma_semaphore, #tpu.memory_space<semaphore_mem>>)
      %dma_wait3A = arith.constant 0 : i32
      %dma_wait3A_69 = arith.constant 0 : i32
      %dma_wait3A_70 = tpu.memref_slice %arg6[%dma_wait3A, %dma_wait3A_69] : memref<128x16xf32, #tpu.memory_space<vmem>> -> memref<128x16xf32, #tpu.memory_space<vmem>>
      %dma_wait3A_71 = arith.constant 0 : i32
      %dma_wait3A_72 = tpu.memref_slice %arg7[%add3A_41, %dma_wait3A_71] : memref<10112x16xf32, #tpu.memory_space<vmem_shared>> -> memref<128x16xf32, #tpu.memory_space<vmem_shared>>
      %dma_wait3A_73 = arith.constant 0 : i32
      %dma_wait3A_74 = arith.constant 0 : i32
      %dma_wait3A_75 = tpu.memref_slice %arg6[%dma_wait3A_73, %dma_wait3A_74] : memref<128x16xf32, #tpu.memory_space<vmem>> -> memref<128x16xf32, #tpu.memory_space<vmem>>
      %dma_wait3A_76 = arith.constant 0 : i32
      %dma_wait3A_77 = tpu.memref_slice %arg7[%add3A_41, %dma_wait3A_76] : memref<10112x16xf32, #tpu.memory_space<vmem_shared>> -> memref<128x16xf32, #tpu.memory_space<vmem_shared>>
      tpu.wait_dma2 semaphore(%run_scoped3A : memref<!tpu.dma_semaphore, #tpu.memory_space<semaphore_mem>>) src(%dma_wait3A_77 : memref<128x16xf32, #tpu.memory_space<vmem_shared>>) dst(%dma_wait3A_75 : memref<128x16xf32, #tpu.memory_space<vmem>>)
      tpu.yield
    }) : () -> ()
    %add3A_42 = arith.constant 0 : i32
    %add3A_43 = arith.addi %mul3A_16, %add3A_42 : i32
    "tpu.region"() ({
      %run_scoped3A = tpu.sem_alloc : memref<!tpu.dma_semaphore, #tpu.memory_space<semaphore_mem>>
      %dma_start3A = arith.constant 0 : i32
      %dma_start3A_60 = arith.constant 0 : i32
      %dma_start3A_61 = tpu.memref_slice %arg6[%dma_start3A, %dma_start3A_60] : memref<128x16xf32, #tpu.memory_space<vmem>> -> memref<128x16xf32, #tpu.memory_space<vmem>>
      %dma_start3A_62 = arith.constant 0 : i32
      %dma_start3A_63 = tpu.memref_slice %arg3[%arg0, %add3A_43, %dma_start3A_62] : memref<2x10112x16xf32, #tpu.memory_space<hbm>> -> memref<1x128x16xf32, #tpu.memory_space<hbm>>
      %dma_start3A_64 = tpu.memref_squeeze %dma_start3A_63 : memref<1x128x16xf32, #tpu.memory_space<hbm>> -> memref<128x16xf32, #tpu.memory_space<hbm>>
      %dma_start3A_65 = arith.constant 0 : i32
      %dma_start3A_66 = tpu.memref_slice %arg3[%arg0, %add3A_43, %dma_start3A_65] : memref<2x10112x16xf32, #tpu.memory_space<hbm>> -> memref<1x128x16xf32, #tpu.memory_space<hbm>>
      %dma_start3A_67 = tpu.memref_squeeze %dma_start3A_66 : memref<1x128x16xf32, #tpu.memory_space<hbm>> -> memref<128x16xf32, #tpu.memory_space<hbm>>
      %dma_start3A_68 = arith.constant 0 : i32
      %dma_start3A_69 = arith.constant 0 : i32
      %dma_start3A_70 = tpu.memref_slice %arg6[%dma_start3A_68, %dma_start3A_69] : memref<128x16xf32, #tpu.memory_space<vmem>> -> memref<128x16xf32, #tpu.memory_space<vmem>>
      tpu.enqueue_dma source(%dma_start3A_70 : memref<128x16xf32, #tpu.memory_space<vmem>>) target(%dma_start3A_67 : memref<128x16xf32, #tpu.memory_space<hbm>>) target_semaphore(%run_scoped3A : memref<!tpu.dma_semaphore, #tpu.memory_space<semaphore_mem>>)
      %dma_wait3A = arith.constant 0 : i32
      %dma_wait3A_71 = arith.constant 0 : i32
      %dma_wait3A_72 = tpu.memref_slice %arg6[%dma_wait3A, %dma_wait3A_71] : memref<128x16xf32, #tpu.memory_space<vmem>> -> memref<128x16xf32, #tpu.memory_space<vmem>>
      %dma_wait3A_73 = arith.constant 0 : i32
      %dma_wait3A_74 = tpu.memref_slice %arg3[%arg0, %add3A_43, %dma_wait3A_73] : memref<2x10112x16xf32, #tpu.memory_space<hbm>> -> memref<1x128x16xf32, #tpu.memory_space<hbm>>
      %dma_wait3A_75 = tpu.memref_squeeze %dma_wait3A_74 : memref<1x128x16xf32, #tpu.memory_space<hbm>> -> memref<128x16xf32, #tpu.memory_space<hbm>>
      %dma_wait3A_76 = arith.constant 0 : i32
      %dma_wait3A_77 = tpu.memref_slice %arg3[%arg0, %add3A_43, %dma_wait3A_76] : memref<2x10112x16xf32, #tpu.memory_space<hbm>> -> memref<1x128x16xf32, #tpu.memory_space<hbm>>
      %dma_wait3A_78 = tpu.memref_squeeze %dma_wait3A_77 : memref<1x128x16xf32, #tpu.memory_space<hbm>> -> memref<128x16xf32, #tpu.memory_space<hbm>>
      %dma_wait3A_79 = arith.constant 0 : i32
      %dma_wait3A_80 = arith.constant 0 : i32
      %dma_wait3A_81 = tpu.memref_slice %arg6[%dma_wait3A_79, %dma_wait3A_80] : memref<128x16xf32, #tpu.memory_space<vmem>> -> memref<128x16xf32, #tpu.memory_space<vmem>>
      tpu.wait_dma2 semaphore(%run_scoped3A : memref<!tpu.dma_semaphore, #tpu.memory_space<semaphore_mem>>) src(%dma_wait3A_81 : memref<128x16xf32, #tpu.memory_space<vmem>>) dst(%dma_wait3A_78 : memref<128x16xf32, #tpu.memory_space<hbm>>)
      tpu.yield
    }) : () -> ()
    %add3A_44 = arith.constant 128 : i32
    %add3A_45 = arith.addi %mul3A_16, %add3A_44 : i32
    "tpu.region"() ({
      %run_scoped3A = tpu.sem_alloc : memref<!tpu.dma_semaphore, #tpu.memory_space<semaphore_mem>>
      %dma_start3A = arith.constant 0 : i32
      %dma_start3A_60 = arith.constant 0 : i32
      %dma_start3A_61 = tpu.memref_slice %arg6[%dma_start3A, %dma_start3A_60] : memref<128x16xf32, #tpu.memory_space<vmem>> -> memref<128x16xf32, #tpu.memory_space<vmem>>
      %dma_start3A_62 = arith.constant 0 : i32
      %dma_start3A_63 = tpu.memref_slice %arg7[%add3A_45, %dma_start3A_62] : memref<10112x16xf32, #tpu.memory_space<vmem_shared>> -> memref<128x16xf32, #tpu.memory_space<vmem_shared>>
      %dma_start3A_64 = arith.constant 0 : i32
      %dma_start3A_65 = arith.constant 0 : i32
      %dma_start3A_66 = tpu.memref_slice %arg6[%dma_start3A_64, %dma_start3A_65] : memref<128x16xf32, #tpu.memory_space<vmem>> -> memref<128x16xf32, #tpu.memory_space<vmem>>
      %dma_start3A_67 = arith.constant 0 : i32
      %dma_start3A_68 = tpu.memref_slice %arg7[%add3A_45, %dma_start3A_67] : memref<10112x16xf32, #tpu.memory_space<vmem_shared>> -> memref<128x16xf32, #tpu.memory_space<vmem_shared>>
      tpu.enqueue_dma source(%dma_start3A_68 : memref<128x16xf32, #tpu.memory_space<vmem_shared>>) target(%dma_start3A_66 : memref<128x16xf32, #tpu.memory_space<vmem>>) target_semaphore(%run_scoped3A : memref<!tpu.dma_semaphore, #tpu.memory_space<semaphore_mem>>)
      %dma_wait3A = arith.constant 0 : i32
      %dma_wait3A_69 = arith.constant 0 : i32
      %dma_wait3A_70 = tpu.memref_slice %arg6[%dma_wait3A, %dma_wait3A_69] : memref<128x16xf32, #tpu.memory_space<vmem>> -> memref<128x16xf32, #tpu.memory_space<vmem>>
      %dma_wait3A_71 = arith.constant 0 : i32
      %dma_wait3A_72 = tpu.memref_slice %arg7[%add3A_45, %dma_wait3A_71] : memref<10112x16xf32, #tpu.memory_space<vmem_shared>> -> memref<128x16xf32, #tpu.memory_space<vmem_shared>>
      %dma_wait3A_73 = arith.constant 0 : i32
      %dma_wait3A_74 = arith.constant 0 : i32
      %dma_wait3A_75 = tpu.memref_slice %arg6[%dma_wait3A_73, %dma_wait3A_74] : memref<128x16xf32, #tpu.memory_space<vmem>> -> memref<128x16xf32, #tpu.memory_space<vmem>>
      %dma_wait3A_76 = arith.constant 0 : i32
      %dma_wait3A_77 = tpu.memref_slice %arg7[%add3A_45, %dma_wait3A_76] : memref<10112x16xf32, #tpu.memory_space<vmem_shared>> -> memref<128x16xf32, #tpu.memory_space<vmem_shared>>
      tpu.wait_dma2 semaphore(%run_scoped3A : memref<!tpu.dma_semaphore, #tpu.memory_space<semaphore_mem>>) src(%dma_wait3A_77 : memref<128x16xf32, #tpu.memory_space<vmem_shared>>) dst(%dma_wait3A_75 : memref<128x16xf32, #tpu.memory_space<vmem>>)
      tpu.yield
    }) : () -> ()
    %add3A_46 = arith.constant 128 : i32
    %add3A_47 = arith.addi %mul3A_16, %add3A_46 : i32
    "tpu.region"() ({
      %run_scoped3A = tpu.sem_alloc : memref<!tpu.dma_semaphore, #tpu.memory_space<semaphore_mem>>
      %dma_start3A = arith.constant 0 : i32
      %dma_start3A_60 = arith.constant 0 : i32
      %dma_start3A_61 = tpu.memref_slice %arg6[%dma_start3A, %dma_start3A_60] : memref<128x16xf32, #tpu.memory_space<vmem>> -> memref<128x16xf32, #tpu.memory_space<vmem>>
      %dma_start3A_62 = arith.constant 0 : i32
      %dma_start3A_63 = tpu.memref_slice %arg3[%arg0, %add3A_47, %dma_start3A_62] : memref<2x10112x16xf32, #tpu.memory_space<hbm>> -> memref<1x128x16xf32, #tpu.memory_space<hbm>>
      %dma_start3A_64 = tpu.memref_squeeze %dma_start3A_63 : memref<1x128x16xf32, #tpu.memory_space<hbm>> -> memref<128x16xf32, #tpu.memory_space<hbm>>
      %dma_start3A_65 = arith.constant 0 : i32
      %dma_start3A_66 = tpu.memref_slice %arg3[%arg0, %add3A_47, %dma_start3A_65] : memref<2x10112x16xf32, #tpu.memory_space<hbm>> -> memref<1x128x16xf32, #tpu.memory_space<hbm>>
      %dma_start3A_67 = tpu.memref_squeeze %dma_start3A_66 : memref<1x128x16xf32, #tpu.memory_space<hbm>> -> memref<128x16xf32, #tpu.memory_space<hbm>>
      %dma_start3A_68 = arith.constant 0 : i32
      %dma_start3A_69 = arith.constant 0 : i32
      %dma_start3A_70 = tpu.memref_slice %arg6[%dma_start3A_68, %dma_start3A_69] : memref<128x16xf32, #tpu.memory_space<vmem>> -> memref<128x16xf32, #tpu.memory_space<vmem>>
      tpu.enqueue_dma source(%dma_start3A_70 : memref<128x16xf32, #tpu.memory_space<vmem>>) target(%dma_start3A_67 : memref<128x16xf32, #tpu.memory_space<hbm>>) target_semaphore(%run_scoped3A : memref<!tpu.dma_semaphore, #tpu.memory_space<semaphore_mem>>)
      %dma_wait3A = arith.constant 0 : i32
      %dma_wait3A_71 = arith.constant 0 : i32
      %dma_wait3A_72 = tpu.memref_slice %arg6[%dma_wait3A, %dma_wait3A_71] : memref<128x16xf32, #tpu.memory_space<vmem>> -> memref<128x16xf32, #tpu.memory_space<vmem>>
      %dma_wait3A_73 = arith.constant 0 : i32
      %dma_wait3A_74 = tpu.memref_slice %arg3[%arg0, %add3A_47, %dma_wait3A_73] : memref<2x10112x16xf32, #tpu.memory_space<hbm>> -> memref<1x128x16xf32, #tpu.memory_space<hbm>>
      %dma_wait3A_75 = tpu.memref_squeeze %dma_wait3A_74 : memref<1x128x16xf32, #tpu.memory_space<hbm>> -> memref<128x16xf32, #tpu.memory_space<hbm>>
      %dma_wait3A_76 = arith.constant 0 : i32
      %dma_wait3A_77 = tpu.memref_slice %arg3[%arg0, %add3A_47, %dma_wait3A_76] : memref<2x10112x16xf32, #tpu.memory_space<hbm>> -> memref<1x128x16xf32, #tpu.memory_space<hbm>>
      %dma_wait3A_78 = tpu.memref_squeeze %dma_wait3A_77 : memref<1x128x16xf32, #tpu.memory_space<hbm>> -> memref<128x16xf32, #tpu.memory_space<hbm>>
      %dma_wait3A_79 = arith.constant 0 : i32
      %dma_wait3A_80 = arith.constant 0 : i32
      %dma_wait3A_81 = tpu.memref_slice %arg6[%dma_wait3A_79, %dma_wait3A_80] : memref<128x16xf32, #tpu.memory_space<vmem>> -> memref<128x16xf32, #tpu.memory_space<vmem>>
      tpu.wait_dma2 semaphore(%run_scoped3A : memref<!tpu.dma_semaphore, #tpu.memory_space<semaphore_mem>>) src(%dma_wait3A_81 : memref<128x16xf32, #tpu.memory_space<vmem>>) dst(%dma_wait3A_78 : memref<128x16xf32, #tpu.memory_space<hbm>>)
      tpu.yield
    }) : () -> ()
    %add3A_48 = arith.constant 256 : i32
    %add3A_49 = arith.addi %mul3A_16, %add3A_48 : i32
    "tpu.region"() ({
      %run_scoped3A = tpu.sem_alloc : memref<!tpu.dma_semaphore, #tpu.memory_space<semaphore_mem>>
      %dma_start3A = arith.constant 0 : i32
      %dma_start3A_60 = arith.constant 0 : i32
      %dma_start3A_61 = tpu.memref_slice %arg6[%dma_start3A, %dma_start3A_60] : memref<128x16xf32, #tpu.memory_space<vmem>> -> memref<128x16xf32, #tpu.memory_space<vmem>>
      %dma_start3A_62 = arith.constant 0 : i32
      %dma_start3A_63 = tpu.memref_slice %arg7[%add3A_49, %dma_start3A_62] : memref<10112x16xf32, #tpu.memory_space<vmem_shared>> -> memref<128x16xf32, #tpu.memory_space<vmem_shared>>
      %dma_start3A_64 = arith.constant 0 : i32
      %dma_start3A_65 = arith.constant 0 : i32
      %dma_start3A_66 = tpu.memref_slice %arg6[%dma_start3A_64, %dma_start3A_65] : memref<128x16xf32, #tpu.memory_space<vmem>> -> memref<128x16xf32, #tpu.memory_space<vmem>>
      %dma_start3A_67 = arith.constant 0 : i32
      %dma_start3A_68 = tpu.memref_slice %arg7[%add3A_49, %dma_start3A_67] : memref<10112x16xf32, #tpu.memory_space<vmem_shared>> -> memref<128x16xf32, #tpu.memory_space<vmem_shared>>
      tpu.enqueue_dma source(%dma_start3A_68 : memref<128x16xf32, #tpu.memory_space<vmem_shared>>) target(%dma_start3A_66 : memref<128x16xf32, #tpu.memory_space<vmem>>) target_semaphore(%run_scoped3A : memref<!tpu.dma_semaphore, #tpu.memory_space<semaphore_mem>>)
      %dma_wait3A = arith.constant 0 : i32
      %dma_wait3A_69 = arith.constant 0 : i32
      %dma_wait3A_70 = tpu.memref_slice %arg6[%dma_wait3A, %dma_wait3A_69] : memref<128x16xf32, #tpu.memory_space<vmem>> -> memref<128x16xf32, #tpu.memory_space<vmem>>
      %dma_wait3A_71 = arith.constant 0 : i32
      %dma_wait3A_72 = tpu.memref_slice %arg7[%add3A_49, %dma_wait3A_71] : memref<10112x16xf32, #tpu.memory_space<vmem_shared>> -> memref<128x16xf32, #tpu.memory_space<vmem_shared>>
      %dma_wait3A_73 = arith.constant 0 : i32
      %dma_wait3A_74 = arith.constant 0 : i32
      %dma_wait3A_75 = tpu.memref_slice %arg6[%dma_wait3A_73, %dma_wait3A_74] : memref<128x16xf32, #tpu.memory_space<vmem>> -> memref<128x16xf32, #tpu.memory_space<vmem>>
      %dma_wait3A_76 = arith.constant 0 : i32
      %dma_wait3A_77 = tpu.memref_slice %arg7[%add3A_49, %dma_wait3A_76] : memref<10112x16xf32, #tpu.memory_space<vmem_shared>> -> memref<128x16xf32, #tpu.memory_space<vmem_shared>>
      tpu.wait_dma2 semaphore(%run_scoped3A : memref<!tpu.dma_semaphore, #tpu.memory_space<semaphore_mem>>) src(%dma_wait3A_77 : memref<128x16xf32, #tpu.memory_space<vmem_shared>>) dst(%dma_wait3A_75 : memref<128x16xf32, #tpu.memory_space<vmem>>)
      tpu.yield
    }) : () -> ()
    %add3A_50 = arith.constant 256 : i32
    %add3A_51 = arith.addi %mul3A_16, %add3A_50 : i32
    "tpu.region"() ({
      %run_scoped3A = tpu.sem_alloc : memref<!tpu.dma_semaphore, #tpu.memory_space<semaphore_mem>>
      %dma_start3A = arith.constant 0 : i32
      %dma_start3A_60 = arith.constant 0 : i32
      %dma_start3A_61 = tpu.memref_slice %arg6[%dma_start3A, %dma_start3A_60] : memref<128x16xf32, #tpu.memory_space<vmem>> -> memref<128x16xf32, #tpu.memory_space<vmem>>
      %dma_start3A_62 = arith.constant 0 : i32
      %dma_start3A_63 = tpu.memref_slice %arg3[%arg0, %add3A_51, %dma_start3A_62] : memref<2x10112x16xf32, #tpu.memory_space<hbm>> -> memref<1x128x16xf32, #tpu.memory_space<hbm>>
      %dma_start3A_64 = tpu.memref_squeeze %dma_start3A_63 : memref<1x128x16xf32, #tpu.memory_space<hbm>> -> memref<128x16xf32, #tpu.memory_space<hbm>>
      %dma_start3A_65 = arith.constant 0 : i32
      %dma_start3A_66 = tpu.memref_slice %arg3[%arg0, %add3A_51, %dma_start3A_65] : memref<2x10112x16xf32, #tpu.memory_space<hbm>> -> memref<1x128x16xf32, #tpu.memory_space<hbm>>
      %dma_start3A_67 = tpu.memref_squeeze %dma_start3A_66 : memref<1x128x16xf32, #tpu.memory_space<hbm>> -> memref<128x16xf32, #tpu.memory_space<hbm>>
      %dma_start3A_68 = arith.constant 0 : i32
      %dma_start3A_69 = arith.constant 0 : i32
      %dma_start3A_70 = tpu.memref_slice %arg6[%dma_start3A_68, %dma_start3A_69] : memref<128x16xf32, #tpu.memory_space<vmem>> -> memref<128x16xf32, #tpu.memory_space<vmem>>
      tpu.enqueue_dma source(%dma_start3A_70 : memref<128x16xf32, #tpu.memory_space<vmem>>) target(%dma_start3A_67 : memref<128x16xf32, #tpu.memory_space<hbm>>) target_semaphore(%run_scoped3A : memref<!tpu.dma_semaphore, #tpu.memory_space<semaphore_mem>>)
      %dma_wait3A = arith.constant 0 : i32
      %dma_wait3A_71 = arith.constant 0 : i32
      %dma_wait3A_72 = tpu.memref_slice %arg6[%dma_wait3A, %dma_wait3A_71] : memref<128x16xf32, #tpu.memory_space<vmem>> -> memref<128x16xf32, #tpu.memory_space<vmem>>
      %dma_wait3A_73 = arith.constant 0 : i32
      %dma_wait3A_74 = tpu.memref_slice %arg3[%arg0, %add3A_51, %dma_wait3A_73] : memref<2x10112x16xf32, #tpu.memory_space<hbm>> -> memref<1x128x16xf32, #tpu.memory_space<hbm>>
      %dma_wait3A_75 = tpu.memref_squeeze %dma_wait3A_74 : memref<1x128x16xf32, #tpu.memory_space<hbm>> -> memref<128x16xf32, #tpu.memory_space<hbm>>
      %dma_wait3A_76 = arith.constant 0 : i32
      %dma_wait3A_77 = tpu.memref_slice %arg3[%arg0, %add3A_51, %dma_wait3A_76] : memref<2x10112x16xf32, #tpu.memory_space<hbm>> -> memref<1x128x16xf32, #tpu.memory_space<hbm>>
      %dma_wait3A_78 = tpu.memref_squeeze %dma_wait3A_77 : memref<1x128x16xf32, #tpu.memory_space<hbm>> -> memref<128x16xf32, #tpu.memory_space<hbm>>
      %dma_wait3A_79 = arith.constant 0 : i32
      %dma_wait3A_80 = arith.constant 0 : i32
      %dma_wait3A_81 = tpu.memref_slice %arg6[%dma_wait3A_79, %dma_wait3A_80] : memref<128x16xf32, #tpu.memory_space<vmem>> -> memref<128x16xf32, #tpu.memory_space<vmem>>
      tpu.wait_dma2 semaphore(%run_scoped3A : memref<!tpu.dma_semaphore, #tpu.memory_space<semaphore_mem>>) src(%dma_wait3A_81 : memref<128x16xf32, #tpu.memory_space<vmem>>) dst(%dma_wait3A_78 : memref<128x16xf32, #tpu.memory_space<hbm>>)
      tpu.yield
    }) : () -> ()
    %add3A_52 = arith.constant 384 : i32
    %add3A_53 = arith.addi %mul3A_16, %add3A_52 : i32
    "tpu.region"() ({
      %run_scoped3A = tpu.sem_alloc : memref<!tpu.dma_semaphore, #tpu.memory_space<semaphore_mem>>
      %dma_start3A = arith.constant 0 : i32
      %dma_start3A_60 = arith.constant 0 : i32
      %dma_start3A_61 = tpu.memref_slice %arg6[%dma_start3A, %dma_start3A_60] : memref<128x16xf32, #tpu.memory_space<vmem>> -> memref<128x16xf32, #tpu.memory_space<vmem>>
      %dma_start3A_62 = arith.constant 0 : i32
      %dma_start3A_63 = tpu.memref_slice %arg7[%add3A_53, %dma_start3A_62] : memref<10112x16xf32, #tpu.memory_space<vmem_shared>> -> memref<128x16xf32, #tpu.memory_space<vmem_shared>>
      %dma_start3A_64 = arith.constant 0 : i32
      %dma_start3A_65 = arith.constant 0 : i32
      %dma_start3A_66 = tpu.memref_slice %arg6[%dma_start3A_64, %dma_start3A_65] : memref<128x16xf32, #tpu.memory_space<vmem>> -> memref<128x16xf32, #tpu.memory_space<vmem>>
      %dma_start3A_67 = arith.constant 0 : i32
      %dma_start3A_68 = tpu.memref_slice %arg7[%add3A_53, %dma_start3A_67] : memref<10112x16xf32, #tpu.memory_space<vmem_shared>> -> memref<128x16xf32, #tpu.memory_space<vmem_shared>>
      tpu.enqueue_dma source(%dma_start3A_68 : memref<128x16xf32, #tpu.memory_space<vmem_shared>>) target(%dma_start3A_66 : memref<128x16xf32, #tpu.memory_space<vmem>>) target_semaphore(%run_scoped3A : memref<!tpu.dma_semaphore, #tpu.memory_space<semaphore_mem>>)
      %dma_wait3A = arith.constant 0 : i32
      %dma_wait3A_69 = arith.constant 0 : i32
      %dma_wait3A_70 = tpu.memref_slice %arg6[%dma_wait3A, %dma_wait3A_69] : memref<128x16xf32, #tpu.memory_space<vmem>> -> memref<128x16xf32, #tpu.memory_space<vmem>>
      %dma_wait3A_71 = arith.constant 0 : i32
      %dma_wait3A_72 = tpu.memref_slice %arg7[%add3A_53, %dma_wait3A_71] : memref<10112x16xf32, #tpu.memory_space<vmem_shared>> -> memref<128x16xf32, #tpu.memory_space<vmem_shared>>
      %dma_wait3A_73 = arith.constant 0 : i32
      %dma_wait3A_74 = arith.constant 0 : i32
      %dma_wait3A_75 = tpu.memref_slice %arg6[%dma_wait3A_73, %dma_wait3A_74] : memref<128x16xf32, #tpu.memory_space<vmem>> -> memref<128x16xf32, #tpu.memory_space<vmem>>
      %dma_wait3A_76 = arith.constant 0 : i32
      %dma_wait3A_77 = tpu.memref_slice %arg7[%add3A_53, %dma_wait3A_76] : memref<10112x16xf32, #tpu.memory_space<vmem_shared>> -> memref<128x16xf32, #tpu.memory_space<vmem_shared>>
      tpu.wait_dma2 semaphore(%run_scoped3A : memref<!tpu.dma_semaphore, #tpu.memory_space<semaphore_mem>>) src(%dma_wait3A_77 : memref<128x16xf32, #tpu.memory_space<vmem_shared>>) dst(%dma_wait3A_75 : memref<128x16xf32, #tpu.memory_space<vmem>>)
      tpu.yield
    }) : () -> ()
    %add3A_54 = arith.constant 384 : i32
    %add3A_55 = arith.addi %mul3A_16, %add3A_54 : i32
    "tpu.region"() ({
      %run_scoped3A = tpu.sem_alloc : memref<!tpu.dma_semaphore, #tpu.memory_space<semaphore_mem>>
      %dma_start3A = arith.constant 0 : i32
      %dma_start3A_60 = arith.constant 0 : i32
      %dma_start3A_61 = tpu.memref_slice %arg6[%dma_start3A, %dma_start3A_60] : memref<128x16xf32, #tpu.memory_space<vmem>> -> memref<128x16xf32, #tpu.memory_space<vmem>>
      %dma_start3A_62 = arith.constant 0 : i32
      %dma_start3A_63 = tpu.memref_slice %arg3[%arg0, %add3A_55, %dma_start3A_62] : memref<2x10112x16xf32, #tpu.memory_space<hbm>> -> memref<1x128x16xf32, #tpu.memory_space<hbm>>
      %dma_start3A_64 = tpu.memref_squeeze %dma_start3A_63 : memref<1x128x16xf32, #tpu.memory_space<hbm>> -> memref<128x16xf32, #tpu.memory_space<hbm>>
      %dma_start3A_65 = arith.constant 0 : i32
      %dma_start3A_66 = tpu.memref_slice %arg3[%arg0, %add3A_55, %dma_start3A_65] : memref<2x10112x16xf32, #tpu.memory_space<hbm>> -> memref<1x128x16xf32, #tpu.memory_space<hbm>>
      %dma_start3A_67 = tpu.memref_squeeze %dma_start3A_66 : memref<1x128x16xf32, #tpu.memory_space<hbm>> -> memref<128x16xf32, #tpu.memory_space<hbm>>
      %dma_start3A_68 = arith.constant 0 : i32
      %dma_start3A_69 = arith.constant 0 : i32
      %dma_start3A_70 = tpu.memref_slice %arg6[%dma_start3A_68, %dma_start3A_69] : memref<128x16xf32, #tpu.memory_space<vmem>> -> memref<128x16xf32, #tpu.memory_space<vmem>>
      tpu.enqueue_dma source(%dma_start3A_70 : memref<128x16xf32, #tpu.memory_space<vmem>>) target(%dma_start3A_67 : memref<128x16xf32, #tpu.memory_space<hbm>>) target_semaphore(%run_scoped3A : memref<!tpu.dma_semaphore, #tpu.memory_space<semaphore_mem>>)
      %dma_wait3A = arith.constant 0 : i32
      %dma_wait3A_71 = arith.constant 0 : i32
      %dma_wait3A_72 = tpu.memref_slice %arg6[%dma_wait3A, %dma_wait3A_71] : memref<128x16xf32, #tpu.memory_space<vmem>> -> memref<128x16xf32, #tpu.memory_space<vmem>>
      %dma_wait3A_73 = arith.constant 0 : i32
      %dma_wait3A_74 = tpu.memref_slice %arg3[%arg0, %add3A_55, %dma_wait3A_73] : memref<2x10112x16xf32, #tpu.memory_space<hbm>> -> memref<1x128x16xf32, #tpu.memory_space<hbm>>
      %dma_wait3A_75 = tpu.memref_squeeze %dma_wait3A_74 : memref<1x128x16xf32, #tpu.memory_space<hbm>> -> memref<128x16xf32, #tpu.memory_space<hbm>>
      %dma_wait3A_76 = arith.constant 0 : i32
      %dma_wait3A_77 = tpu.memref_slice %arg3[%arg0, %add3A_55, %dma_wait3A_76] : memref<2x10112x16xf32, #tpu.memory_space<hbm>> -> memref<1x128x16xf32, #tpu.memory_space<hbm>>
      %dma_wait3A_78 = tpu.memref_squeeze %dma_wait3A_77 : memref<1x128x16xf32, #tpu.memory_space<hbm>> -> memref<128x16xf32, #tpu.memory_space<hbm>>
      %dma_wait3A_79 = arith.constant 0 : i32
      %dma_wait3A_80 = arith.constant 0 : i32
      %dma_wait3A_81 = tpu.memref_slice %arg6[%dma_wait3A_79, %dma_wait3A_80] : memref<128x16xf32, #tpu.memory_space<vmem>> -> memref<128x16xf32, #tpu.memory_space<vmem>>
      tpu.wait_dma2 semaphore(%run_scoped3A : memref<!tpu.dma_semaphore, #tpu.memory_space<semaphore_mem>>) src(%dma_wait3A_81 : memref<128x16xf32, #tpu.memory_space<vmem>>) dst(%dma_wait3A_78 : memref<128x16xf32, #tpu.memory_space<hbm>>)
      tpu.yield
    }) : () -> ()
    %add3A_56 = arith.constant 512 : i32
    %add3A_57 = arith.addi %mul3A_16, %add3A_56 : i32
    "tpu.region"() ({
      %run_scoped3A = tpu.sem_alloc : memref<!tpu.dma_semaphore, #tpu.memory_space<semaphore_mem>>
      %dma_start3A = arith.constant 0 : i32
      %dma_start3A_60 = arith.constant 0 : i32
      %dma_start3A_61 = tpu.memref_slice %arg6[%dma_start3A, %dma_start3A_60] : memref<128x16xf32, #tpu.memory_space<vmem>> -> memref<120x16xf32, #tpu.memory_space<vmem>>
      %dma_start3A_62 = arith.constant 0 : i32
      %dma_start3A_63 = tpu.memref_slice %arg7[%add3A_57, %dma_start3A_62] : memref<10112x16xf32, #tpu.memory_space<vmem_shared>> -> memref<120x16xf32, #tpu.memory_space<vmem_shared>>
      %dma_start3A_64 = arith.constant 0 : i32
      %dma_start3A_65 = arith.constant 0 : i32
      %dma_start3A_66 = tpu.memref_slice %arg6[%dma_start3A_64, %dma_start3A_65] : memref<128x16xf32, #tpu.memory_space<vmem>> -> memref<120x16xf32, #tpu.memory_space<vmem>>
      %dma_start3A_67 = arith.constant 0 : i32
      %dma_start3A_68 = tpu.memref_slice %arg7[%add3A_57, %dma_start3A_67] : memref<10112x16xf32, #tpu.memory_space<vmem_shared>> -> memref<120x16xf32, #tpu.memory_space<vmem_shared>>
      tpu.enqueue_dma source(%dma_start3A_68 : memref<120x16xf32, #tpu.memory_space<vmem_shared>>) target(%dma_start3A_66 : memref<120x16xf32, #tpu.memory_space<vmem>>) target_semaphore(%run_scoped3A : memref<!tpu.dma_semaphore, #tpu.memory_space<semaphore_mem>>)
      %dma_wait3A = arith.constant 0 : i32
      %dma_wait3A_69 = arith.constant 0 : i32
      %dma_wait3A_70 = tpu.memref_slice %arg6[%dma_wait3A, %dma_wait3A_69] : memref<128x16xf32, #tpu.memory_space<vmem>> -> memref<120x16xf32, #tpu.memory_space<vmem>>
      %dma_wait3A_71 = arith.constant 0 : i32
      %dma_wait3A_72 = tpu.memref_slice %arg7[%add3A_57, %dma_wait3A_71] : memref<10112x16xf32, #tpu.memory_space<vmem_shared>> -> memref<120x16xf32, #tpu.memory_space<vmem_shared>>
      %dma_wait3A_73 = arith.constant 0 : i32
      %dma_wait3A_74 = arith.constant 0 : i32
      %dma_wait3A_75 = tpu.memref_slice %arg6[%dma_wait3A_73, %dma_wait3A_74] : memref<128x16xf32, #tpu.memory_space<vmem>> -> memref<120x16xf32, #tpu.memory_space<vmem>>
      %dma_wait3A_76 = arith.constant 0 : i32
      %dma_wait3A_77 = tpu.memref_slice %arg7[%add3A_57, %dma_wait3A_76] : memref<10112x16xf32, #tpu.memory_space<vmem_shared>> -> memref<120x16xf32, #tpu.memory_space<vmem_shared>>
      tpu.wait_dma2 semaphore(%run_scoped3A : memref<!tpu.dma_semaphore, #tpu.memory_space<semaphore_mem>>) src(%dma_wait3A_77 : memref<120x16xf32, #tpu.memory_space<vmem_shared>>) dst(%dma_wait3A_75 : memref<120x16xf32, #tpu.memory_space<vmem>>)
      tpu.yield
    }) : () -> ()
    %add3A_58 = arith.constant 512 : i32
    %add3A_59 = arith.addi %mul3A_16, %add3A_58 : i32
    "tpu.region"() ({
      %run_scoped3A = tpu.sem_alloc : memref<!tpu.dma_semaphore, #tpu.memory_space<semaphore_mem>>
      %dma_start3A = arith.constant 0 : i32
      %dma_start3A_60 = arith.constant 0 : i32
      %dma_start3A_61 = tpu.memref_slice %arg6[%dma_start3A, %dma_start3A_60] : memref<128x16xf32, #tpu.memory_space<vmem>> -> memref<120x16xf32, #tpu.memory_space<vmem>>
      %dma_start3A_62 = arith.constant 0 : i32
      %dma_start3A_63 = tpu.memref_slice %arg3[%arg0, %add3A_59, %dma_start3A_62] : memref<2x10112x16xf32, #tpu.memory_space<hbm>> -> memref<1x120x16xf32, #tpu.memory_space<hbm>>
      %dma_start3A_64 = tpu.memref_squeeze %dma_start3A_63 : memref<1x120x16xf32, #tpu.memory_space<hbm>> -> memref<120x16xf32, #tpu.memory_space<hbm>>
      %dma_start3A_65 = arith.constant 0 : i32
      %dma_start3A_66 = tpu.memref_slice %arg3[%arg0, %add3A_59, %dma_start3A_65] : memref<2x10112x16xf32, #tpu.memory_space<hbm>> -> memref<1x120x16xf32, #tpu.memory_space<hbm>>
      %dma_start3A_67 = tpu.memref_squeeze %dma_start3A_66 : memref<1x120x16xf32, #tpu.memory_space<hbm>> -> memref<120x16xf32, #tpu.memory_space<hbm>>
      %dma_start3A_68 = arith.constant 0 : i32
      %dma_start3A_69 = arith.constant 0 : i32
      %dma_start3A_70 = tpu.memref_slice %arg6[%dma_start3A_68, %dma_start3A_69] : memref<128x16xf32, #tpu.memory_space<vmem>> -> memref<120x16xf32, #tpu.memory_space<vmem>>
      tpu.enqueue_dma source(%dma_start3A_70 : memref<120x16xf32, #tpu.memory_space<vmem>>) target(%dma_start3A_67 : memref<120x16xf32, #tpu.memory_space<hbm>>) target_semaphore(%run_scoped3A : memref<!tpu.dma_semaphore, #tpu.memory_space<semaphore_mem>>)
      %dma_wait3A = arith.constant 0 : i32
      %dma_wait3A_71 = arith.constant 0 : i32
      %dma_wait3A_72 = tpu.memref_slice %arg6[%dma_wait3A, %dma_wait3A_71] : memref<128x16xf32, #tpu.memory_space<vmem>> -> memref<120x16xf32, #tpu.memory_space<vmem>>
      %dma_wait3A_73 = arith.constant 0 : i32
      %dma_wait3A_74 = tpu.memref_slice %arg3[%arg0, %add3A_59, %dma_wait3A_73] : memref<2x10112x16xf32, #tpu.memory_space<hbm>> -> memref<1x120x16xf32, #tpu.memory_space<hbm>>
      %dma_wait3A_75 = tpu.memref_squeeze %dma_wait3A_74 : memref<1x120x16xf32, #tpu.memory_space<hbm>> -> memref<120x16xf32, #tpu.memory_space<hbm>>
      %dma_wait3A_76 = arith.constant 0 : i32
      %dma_wait3A_77 = tpu.memref_slice %arg3[%arg0, %add3A_59, %dma_wait3A_76] : memref<2x10112x16xf32, #tpu.memory_space<hbm>> -> memref<1x120x16xf32, #tpu.memory_space<hbm>>
      %dma_wait3A_78 = tpu.memref_squeeze %dma_wait3A_77 : memref<1x120x16xf32, #tpu.memory_space<hbm>> -> memref<120x16xf32, #tpu.memory_space<hbm>>
      %dma_wait3A_79 = arith.constant 0 : i32
      %dma_wait3A_80 = arith.constant 0 : i32
      %dma_wait3A_81 = tpu.memref_slice %arg6[%dma_wait3A_79, %dma_wait3A_80] : memref<128x16xf32, #tpu.memory_space<vmem>> -> memref<120x16xf32, #tpu.memory_space<vmem>>
      tpu.wait_dma2 semaphore(%run_scoped3A : memref<!tpu.dma_semaphore, #tpu.memory_space<semaphore_mem>>) src(%dma_wait3A_81 : memref<120x16xf32, #tpu.memory_space<vmem>>) dst(%dma_wait3A_78 : memref<120x16xf32, #tpu.memory_space<hbm>>)
      tpu.yield
    }) : () -> ()
    return
  }
}

#map = affine_map<(d0, d1) -> (0, 0)>
#map1 = affine_map<(d0, d1) -> (0, 0, 0)>
module attributes {stable_mosaic.version = 14 : i64} {
  func.func @_segsum(%arg0: i32, %arg1: i32, %arg2: memref<10000x128xf32, #tpu.memory_space<hbm>>, %arg3: memref<32x80x128xi32, #tpu.memory_space<hbm>>, %arg4: memref<32x80x128xi32, #tpu.memory_space<hbm>>, %arg5: memref<2x10112x128xf32, #tpu.memory_space<hbm>>, %arg6: memref<16x128xi32, #tpu.memory_space<vmem>>, %arg7: memref<16x128xi32, #tpu.memory_space<vmem>>, %arg8: memref<128x128xf32, #tpu.memory_space<vmem>>, %arg9: memref<128x128xf32, #tpu.memory_space<vmem>>, %arg10: memref<10112x128xf32, #tpu.memory_space<vmem_shared>>, %arg11: memref<!tpu.dma_semaphore, #tpu.memory_space<semaphore_mem>>, %arg12: memref<!tpu.dma_semaphore, #tpu.memory_space<semaphore_mem>>) attributes {dimension_semantics = [#tpu.dimension_semantics<core_parallel>, #tpu.dimension_semantics<subcore_parallel>], iteration_bounds = array<i64: 2, 16>, scalar_prefetch = 0 : i64, scratch_operands = 7 : i64, tpu.core_type = #tpu.core_type<sc_vector_subcore>, window_params = [{transform_indices = #map}, {transform_indices = #map1}, {transform_indices = #map1}, {transform_indices = #map1}]} {
    %mul3A = arith.constant 2 : i32
    %mul3A_0 = arith.muli %arg1, %mul3A : i32
    %add3A = arith.addi %mul3A_0, %arg0 : i32
    %broadcast_in_dim3A = arith.constant 0.000000e+00 : f32
    %broadcast_in_dim3A_1 = vector.broadcast %broadcast_in_dim3A : f32 to vector<16xf32>
    %scan3A = arith.constant 0 : i32
    %scan3A_2 = arith.constant 0 : i32
    %scan3A_3 = arith.constant 128 : i32
    %scan3A_4 = arith.addi %scan3A_2, %scan3A_3 : i32
    %scan3A_5 = arith.constant 1 : i32
    scf.for %scan3A_46 = %scan3A_2 to %scan3A_4 step %scan3A_5  : i32 {
      %swap3A = arith.index_cast %scan3A_46 : i32 to index
      %swap3A_47 = arith.constant 0 : index
      %swap3A_48 = tpu.vector_load %arg8[%swap3A, %swap3A_47] {strides = array<i32>} : memref<128x128xf32, #tpu.memory_space<vmem>>, vector<1x16xf32>,
      %swap3A_49 = vector.shape_cast %swap3A_48 : vector<1x16xf32> to vector<16xf32>
      %swap3A_50 = vector.shape_cast %broadcast_in_dim3A_1 : vector<16xf32> to vector<1x16xf32>
      tpu.vector_store %arg8[%swap3A, %swap3A_47], %swap3A_50 {strides = array<i32>} : memref<128x128xf32, #tpu.memory_space<vmem>>, vector<1x16xf32>,
      %swap3A_51 = arith.index_cast %scan3A_46 : i32 to index
      %swap3A_52 = arith.constant 16 : index
      %swap3A_53 = tpu.vector_load %arg8[%swap3A_51, %swap3A_52] {strides = array<i32>} : memref<128x128xf32, #tpu.memory_space<vmem>>, vector<1x16xf32>,
      %swap3A_54 = vector.shape_cast %swap3A_53 : vector<1x16xf32> to vector<16xf32>
      %swap3A_55 = vector.shape_cast %broadcast_in_dim3A_1 : vector<16xf32> to vector<1x16xf32>
      tpu.vector_store %arg8[%swap3A_51, %swap3A_52], %swap3A_55 {strides = array<i32>} : memref<128x128xf32, #tpu.memory_space<vmem>>, vector<1x16xf32>,
      %swap3A_56 = arith.index_cast %scan3A_46 : i32 to index
      %swap3A_57 = arith.constant 32 : index
      %swap3A_58 = tpu.vector_load %arg8[%swap3A_56, %swap3A_57] {strides = array<i32>} : memref<128x128xf32, #tpu.memory_space<vmem>>, vector<1x16xf32>,
      %swap3A_59 = vector.shape_cast %swap3A_58 : vector<1x16xf32> to vector<16xf32>
      %swap3A_60 = vector.shape_cast %broadcast_in_dim3A_1 : vector<16xf32> to vector<1x16xf32>
      tpu.vector_store %arg8[%swap3A_56, %swap3A_57], %swap3A_60 {strides = array<i32>} : memref<128x128xf32, #tpu.memory_space<vmem>>, vector<1x16xf32>,
      %swap3A_61 = arith.index_cast %scan3A_46 : i32 to index
      %swap3A_62 = arith.constant 48 : index
      %swap3A_63 = tpu.vector_load %arg8[%swap3A_61, %swap3A_62] {strides = array<i32>} : memref<128x128xf32, #tpu.memory_space<vmem>>, vector<1x16xf32>,
      %swap3A_64 = vector.shape_cast %swap3A_63 : vector<1x16xf32> to vector<16xf32>
      %swap3A_65 = vector.shape_cast %broadcast_in_dim3A_1 : vector<16xf32> to vector<1x16xf32>
      tpu.vector_store %arg8[%swap3A_61, %swap3A_62], %swap3A_65 {strides = array<i32>} : memref<128x128xf32, #tpu.memory_space<vmem>>, vector<1x16xf32>,
      %swap3A_66 = arith.index_cast %scan3A_46 : i32 to index
      %swap3A_67 = arith.constant 64 : index
      %swap3A_68 = tpu.vector_load %arg8[%swap3A_66, %swap3A_67] {strides = array<i32>} : memref<128x128xf32, #tpu.memory_space<vmem>>, vector<1x16xf32>,
      %swap3A_69 = vector.shape_cast %swap3A_68 : vector<1x16xf32> to vector<16xf32>
      %swap3A_70 = vector.shape_cast %broadcast_in_dim3A_1 : vector<16xf32> to vector<1x16xf32>
      tpu.vector_store %arg8[%swap3A_66, %swap3A_67], %swap3A_70 {strides = array<i32>} : memref<128x128xf32, #tpu.memory_space<vmem>>, vector<1x16xf32>,
      %swap3A_71 = arith.index_cast %scan3A_46 : i32 to index
      %swap3A_72 = arith.constant 80 : index
      %swap3A_73 = tpu.vector_load %arg8[%swap3A_71, %swap3A_72] {strides = array<i32>} : memref<128x128xf32, #tpu.memory_space<vmem>>, vector<1x16xf32>,
      %swap3A_74 = vector.shape_cast %swap3A_73 : vector<1x16xf32> to vector<16xf32>
      %swap3A_75 = vector.shape_cast %broadcast_in_dim3A_1 : vector<16xf32> to vector<1x16xf32>
      tpu.vector_store %arg8[%swap3A_71, %swap3A_72], %swap3A_75 {strides = array<i32>} : memref<128x128xf32, #tpu.memory_space<vmem>>, vector<1x16xf32>,
      %swap3A_76 = arith.index_cast %scan3A_46 : i32 to index
      %swap3A_77 = arith.constant 96 : index
      %swap3A_78 = tpu.vector_load %arg8[%swap3A_76, %swap3A_77] {strides = array<i32>} : memref<128x128xf32, #tpu.memory_space<vmem>>, vector<1x16xf32>,
      %swap3A_79 = vector.shape_cast %swap3A_78 : vector<1x16xf32> to vector<16xf32>
      %swap3A_80 = vector.shape_cast %broadcast_in_dim3A_1 : vector<16xf32> to vector<1x16xf32>
      tpu.vector_store %arg8[%swap3A_76, %swap3A_77], %swap3A_80 {strides = array<i32>} : memref<128x128xf32, #tpu.memory_space<vmem>>, vector<1x16xf32>,
      %swap3A_81 = arith.index_cast %scan3A_46 : i32 to index
      %swap3A_82 = arith.constant 112 : index
      %swap3A_83 = tpu.vector_load %arg8[%swap3A_81, %swap3A_82] {strides = array<i32>} : memref<128x128xf32, #tpu.memory_space<vmem>>, vector<1x16xf32>,
      %swap3A_84 = vector.shape_cast %swap3A_83 : vector<1x16xf32> to vector<16xf32>
      %swap3A_85 = vector.shape_cast %broadcast_in_dim3A_1 : vector<16xf32> to vector<1x16xf32>
      tpu.vector_store %arg8[%swap3A_81, %swap3A_82], %swap3A_85 {strides = array<i32>} : memref<128x128xf32, #tpu.memory_space<vmem>>, vector<1x16xf32>,
    }
    %scan3A_6 = arith.constant 128 : i32
    %mul3A_7 = arith.constant 632 : i32
    %mul3A_8 = arith.muli %arg1, %mul3A_7 : i32
    %add3A_9 = arith.constant 0 : i32
    %add3A_10 = arith.addi %mul3A_8, %add3A_9 : i32
    "tpu.region"() ({
      %run_scoped3A = tpu.sem_alloc : memref<!tpu.dma_semaphore, #tpu.memory_space<semaphore_mem>>
      %dma_start3A = arith.constant 0 : i32
      %dma_start3A_46 = arith.constant 0 : i32
      %dma_start3A_47 = tpu.memref_slice %arg8[%dma_start3A, %dma_start3A_46] : memref<128x128xf32, #tpu.memory_space<vmem>> -> memref<128x128xf32, #tpu.memory_space<vmem>>
      %dma_start3A_48 = arith.constant 0 : i32
      %dma_start3A_49 = tpu.memref_slice %arg10[%add3A_10, %dma_start3A_48] : memref<10112x128xf32, #tpu.memory_space<vmem_shared>> -> memref<128x128xf32, #tpu.memory_space<vmem_shared>>
      %dma_start3A_50 = arith.constant 0 : i32
      %dma_start3A_51 = tpu.memref_slice %arg10[%add3A_10, %dma_start3A_50] : memref<10112x128xf32, #tpu.memory_space<vmem_shared>> -> memref<128x128xf32, #tpu.memory_space<vmem_shared>>
      %dma_start3A_52 = arith.constant 0 : i32
      %dma_start3A_53 = arith.constant 0 : i32
      %dma_start3A_54 = tpu.memref_slice %arg8[%dma_start3A_52, %dma_start3A_53] : memref<128x128xf32, #tpu.memory_space<vmem>> -> memref<128x128xf32, #tpu.memory_space<vmem>>
      tpu.enqueue_dma source(%dma_start3A_54 : memref<128x128xf32, #tpu.memory_space<vmem>>) target(%dma_start3A_51 : memref<128x128xf32, #tpu.memory_space<vmem_shared>>) target_semaphore(%run_scoped3A : memref<!tpu.dma_semaphore, #tpu.memory_space<semaphore_mem>>)
      %dma_wait3A = arith.constant 0 : i32
      %dma_wait3A_55 = arith.constant 0 : i32
      %dma_wait3A_56 = tpu.memref_slice %arg8[%dma_wait3A, %dma_wait3A_55] : memref<128x128xf32, #tpu.memory_space<vmem>> -> memref<128x128xf32, #tpu.memory_space<vmem>>
      %dma_wait3A_57 = arith.constant 0 : i32
      %dma_wait3A_58 = tpu.memref_slice %arg10[%add3A_10, %dma_wait3A_57] : memref<10112x128xf32, #tpu.memory_space<vmem_shared>> -> memref<128x128xf32, #tpu.memory_space<vmem_shared>>
      %dma_wait3A_59 = arith.constant 0 : i32
      %dma_wait3A_60 = tpu.memref_slice %arg10[%add3A_10, %dma_wait3A_59] : memref<10112x128xf32, #tpu.memory_space<vmem_shared>> -> memref<128x128xf32, #tpu.memory_space<vmem_shared>>
      %dma_wait3A_61 = arith.constant 0 : i32
      %dma_wait3A_62 = arith.constant 0 : i32
      %dma_wait3A_63 = tpu.memref_slice %arg8[%dma_wait3A_61, %dma_wait3A_62] : memref<128x128xf32, #tpu.memory_space<vmem>> -> memref<128x128xf32, #tpu.memory_space<vmem>>
      tpu.wait_dma2 semaphore(%run_scoped3A : memref<!tpu.dma_semaphore, #tpu.memory_space<semaphore_mem>>) src(%dma_wait3A_63 : memref<128x128xf32, #tpu.memory_space<vmem>>) dst(%dma_wait3A_60 : memref<128x128xf32, #tpu.memory_space<vmem_shared>>)
      tpu.yield
    }) : () -> ()
    %add3A_11 = arith.constant 128 : i32
    %add3A_12 = arith.addi %mul3A_8, %add3A_11 : i32
    "tpu.region"() ({
      %run_scoped3A = tpu.sem_alloc : memref<!tpu.dma_semaphore, #tpu.memory_space<semaphore_mem>>
      %dma_start3A = arith.constant 0 : i32
      %dma_start3A_46 = arith.constant 0 : i32
      %dma_start3A_47 = tpu.memref_slice %arg8[%dma_start3A, %dma_start3A_46] : memref<128x128xf32, #tpu.memory_space<vmem>> -> memref<128x128xf32, #tpu.memory_space<vmem>>
      %dma_start3A_48 = arith.constant 0 : i32
      %dma_start3A_49 = tpu.memref_slice %arg10[%add3A_12, %dma_start3A_48] : memref<10112x128xf32, #tpu.memory_space<vmem_shared>> -> memref<128x128xf32, #tpu.memory_space<vmem_shared>>
      %dma_start3A_50 = arith.constant 0 : i32
      %dma_start3A_51 = tpu.memref_slice %arg10[%add3A_12, %dma_start3A_50] : memref<10112x128xf32, #tpu.memory_space<vmem_shared>> -> memref<128x128xf32, #tpu.memory_space<vmem_shared>>
      %dma_start3A_52 = arith.constant 0 : i32
      %dma_start3A_53 = arith.constant 0 : i32
      %dma_start3A_54 = tpu.memref_slice %arg8[%dma_start3A_52, %dma_start3A_53] : memref<128x128xf32, #tpu.memory_space<vmem>> -> memref<128x128xf32, #tpu.memory_space<vmem>>
      tpu.enqueue_dma source(%dma_start3A_54 : memref<128x128xf32, #tpu.memory_space<vmem>>) target(%dma_start3A_51 : memref<128x128xf32, #tpu.memory_space<vmem_shared>>) target_semaphore(%run_scoped3A : memref<!tpu.dma_semaphore, #tpu.memory_space<semaphore_mem>>)
      %dma_wait3A = arith.constant 0 : i32
      %dma_wait3A_55 = arith.constant 0 : i32
      %dma_wait3A_56 = tpu.memref_slice %arg8[%dma_wait3A, %dma_wait3A_55] : memref<128x128xf32, #tpu.memory_space<vmem>> -> memref<128x128xf32, #tpu.memory_space<vmem>>
      %dma_wait3A_57 = arith.constant 0 : i32
      %dma_wait3A_58 = tpu.memref_slice %arg10[%add3A_12, %dma_wait3A_57] : memref<10112x128xf32, #tpu.memory_space<vmem_shared>> -> memref<128x128xf32, #tpu.memory_space<vmem_shared>>
      %dma_wait3A_59 = arith.constant 0 : i32
      %dma_wait3A_60 = tpu.memref_slice %arg10[%add3A_12, %dma_wait3A_59] : memref<10112x128xf32, #tpu.memory_space<vmem_shared>> -> memref<128x128xf32, #tpu.memory_space<vmem_shared>>
      %dma_wait3A_61 = arith.constant 0 : i32
      %dma_wait3A_62 = arith.constant 0 : i32
      %dma_wait3A_63 = tpu.memref_slice %arg8[%dma_wait3A_61, %dma_wait3A_62] : memref<128x128xf32, #tpu.memory_space<vmem>> -> memref<128x128xf32, #tpu.memory_space<vmem>>
      tpu.wait_dma2 semaphore(%run_scoped3A : memref<!tpu.dma_semaphore, #tpu.memory_space<semaphore_mem>>) src(%dma_wait3A_63 : memref<128x128xf32, #tpu.memory_space<vmem>>) dst(%dma_wait3A_60 : memref<128x128xf32, #tpu.memory_space<vmem_shared>>)
      tpu.yield
    }) : () -> ()
    %add3A_13 = arith.constant 256 : i32
    %add3A_14 = arith.addi %mul3A_8, %add3A_13 : i32
    "tpu.region"() ({
      %run_scoped3A = tpu.sem_alloc : memref<!tpu.dma_semaphore, #tpu.memory_space<semaphore_mem>>
      %dma_start3A = arith.constant 0 : i32
      %dma_start3A_46 = arith.constant 0 : i32
      %dma_start3A_47 = tpu.memref_slice %arg8[%dma_start3A, %dma_start3A_46] : memref<128x128xf32, #tpu.memory_space<vmem>> -> memref<128x128xf32, #tpu.memory_space<vmem>>
      %dma_start3A_48 = arith.constant 0 : i32
      %dma_start3A_49 = tpu.memref_slice %arg10[%add3A_14, %dma_start3A_48] : memref<10112x128xf32, #tpu.memory_space<vmem_shared>> -> memref<128x128xf32, #tpu.memory_space<vmem_shared>>
      %dma_start3A_50 = arith.constant 0 : i32
      %dma_start3A_51 = tpu.memref_slice %arg10[%add3A_14, %dma_start3A_50] : memref<10112x128xf32, #tpu.memory_space<vmem_shared>> -> memref<128x128xf32, #tpu.memory_space<vmem_shared>>
      %dma_start3A_52 = arith.constant 0 : i32
      %dma_start3A_53 = arith.constant 0 : i32
      %dma_start3A_54 = tpu.memref_slice %arg8[%dma_start3A_52, %dma_start3A_53] : memref<128x128xf32, #tpu.memory_space<vmem>> -> memref<128x128xf32, #tpu.memory_space<vmem>>
      tpu.enqueue_dma source(%dma_start3A_54 : memref<128x128xf32, #tpu.memory_space<vmem>>) target(%dma_start3A_51 : memref<128x128xf32, #tpu.memory_space<vmem_shared>>) target_semaphore(%run_scoped3A : memref<!tpu.dma_semaphore, #tpu.memory_space<semaphore_mem>>)
      %dma_wait3A = arith.constant 0 : i32
      %dma_wait3A_55 = arith.constant 0 : i32
      %dma_wait3A_56 = tpu.memref_slice %arg8[%dma_wait3A, %dma_wait3A_55] : memref<128x128xf32, #tpu.memory_space<vmem>> -> memref<128x128xf32, #tpu.memory_space<vmem>>
      %dma_wait3A_57 = arith.constant 0 : i32
      %dma_wait3A_58 = tpu.memref_slice %arg10[%add3A_14, %dma_wait3A_57] : memref<10112x128xf32, #tpu.memory_space<vmem_shared>> -> memref<128x128xf32, #tpu.memory_space<vmem_shared>>
      %dma_wait3A_59 = arith.constant 0 : i32
      %dma_wait3A_60 = tpu.memref_slice %arg10[%add3A_14, %dma_wait3A_59] : memref<10112x128xf32, #tpu.memory_space<vmem_shared>> -> memref<128x128xf32, #tpu.memory_space<vmem_shared>>
      %dma_wait3A_61 = arith.constant 0 : i32
      %dma_wait3A_62 = arith.constant 0 : i32
      %dma_wait3A_63 = tpu.memref_slice %arg8[%dma_wait3A_61, %dma_wait3A_62] : memref<128x128xf32, #tpu.memory_space<vmem>> -> memref<128x128xf32, #tpu.memory_space<vmem>>
      tpu.wait_dma2 semaphore(%run_scoped3A : memref<!tpu.dma_semaphore, #tpu.memory_space<semaphore_mem>>) src(%dma_wait3A_63 : memref<128x128xf32, #tpu.memory_space<vmem>>) dst(%dma_wait3A_60 : memref<128x128xf32, #tpu.memory_space<vmem_shared>>)
      tpu.yield
    }) : () -> ()
    %add3A_15 = arith.constant 384 : i32
    %add3A_16 = arith.addi %mul3A_8, %add3A_15 : i32
    "tpu.region"() ({
      %run_scoped3A = tpu.sem_alloc : memref<!tpu.dma_semaphore, #tpu.memory_space<semaphore_mem>>
      %dma_start3A = arith.constant 0 : i32
      %dma_start3A_46 = arith.constant 0 : i32
      %dma_start3A_47 = tpu.memref_slice %arg8[%dma_start3A, %dma_start3A_46] : memref<128x128xf32, #tpu.memory_space<vmem>> -> memref<128x128xf32, #tpu.memory_space<vmem>>
      %dma_start3A_48 = arith.constant 0 : i32
      %dma_start3A_49 = tpu.memref_slice %arg10[%add3A_16, %dma_start3A_48] : memref<10112x128xf32, #tpu.memory_space<vmem_shared>> -> memref<128x128xf32, #tpu.memory_space<vmem_shared>>
      %dma_start3A_50 = arith.constant 0 : i32
      %dma_start3A_51 = tpu.memref_slice %arg10[%add3A_16, %dma_start3A_50] : memref<10112x128xf32, #tpu.memory_space<vmem_shared>> -> memref<128x128xf32, #tpu.memory_space<vmem_shared>>
      %dma_start3A_52 = arith.constant 0 : i32
      %dma_start3A_53 = arith.constant 0 : i32
      %dma_start3A_54 = tpu.memref_slice %arg8[%dma_start3A_52, %dma_start3A_53] : memref<128x128xf32, #tpu.memory_space<vmem>> -> memref<128x128xf32, #tpu.memory_space<vmem>>
      tpu.enqueue_dma source(%dma_start3A_54 : memref<128x128xf32, #tpu.memory_space<vmem>>) target(%dma_start3A_51 : memref<128x128xf32, #tpu.memory_space<vmem_shared>>) target_semaphore(%run_scoped3A : memref<!tpu.dma_semaphore, #tpu.memory_space<semaphore_mem>>)
      %dma_wait3A = arith.constant 0 : i32
      %dma_wait3A_55 = arith.constant 0 : i32
      %dma_wait3A_56 = tpu.memref_slice %arg8[%dma_wait3A, %dma_wait3A_55] : memref<128x128xf32, #tpu.memory_space<vmem>> -> memref<128x128xf32, #tpu.memory_space<vmem>>
      %dma_wait3A_57 = arith.constant 0 : i32
      %dma_wait3A_58 = tpu.memref_slice %arg10[%add3A_16, %dma_wait3A_57] : memref<10112x128xf32, #tpu.memory_space<vmem_shared>> -> memref<128x128xf32, #tpu.memory_space<vmem_shared>>
      %dma_wait3A_59 = arith.constant 0 : i32
      %dma_wait3A_60 = tpu.memref_slice %arg10[%add3A_16, %dma_wait3A_59] : memref<10112x128xf32, #tpu.memory_space<vmem_shared>> -> memref<128x128xf32, #tpu.memory_space<vmem_shared>>
      %dma_wait3A_61 = arith.constant 0 : i32
      %dma_wait3A_62 = arith.constant 0 : i32
      %dma_wait3A_63 = tpu.memref_slice %arg8[%dma_wait3A_61, %dma_wait3A_62] : memref<128x128xf32, #tpu.memory_space<vmem>> -> memref<128x128xf32, #tpu.memory_space<vmem>>
      tpu.wait_dma2 semaphore(%run_scoped3A : memref<!tpu.dma_semaphore, #tpu.memory_space<semaphore_mem>>) src(%dma_wait3A_63 : memref<128x128xf32, #tpu.memory_space<vmem>>) dst(%dma_wait3A_60 : memref<128x128xf32, #tpu.memory_space<vmem_shared>>)
      tpu.yield
    }) : () -> ()
    %add3A_17 = arith.constant 512 : i32
    %add3A_18 = arith.addi %mul3A_8, %add3A_17 : i32
    "tpu.region"() ({
      %run_scoped3A = tpu.sem_alloc : memref<!tpu.dma_semaphore, #tpu.memory_space<semaphore_mem>>
      %dma_start3A = arith.constant 0 : i32
      %dma_start3A_46 = arith.constant 0 : i32
      %dma_start3A_47 = tpu.memref_slice %arg8[%dma_start3A, %dma_start3A_46] : memref<128x128xf32, #tpu.memory_space<vmem>> -> memref<120x128xf32, #tpu.memory_space<vmem>>
      %dma_start3A_48 = arith.constant 0 : i32
      %dma_start3A_49 = tpu.memref_slice %arg10[%add3A_18, %dma_start3A_48] : memref<10112x128xf32, #tpu.memory_space<vmem_shared>> -> memref<120x128xf32, #tpu.memory_space<vmem_shared>>
      %dma_start3A_50 = arith.constant 0 : i32
      %dma_start3A_51 = tpu.memref_slice %arg10[%add3A_18, %dma_start3A_50] : memref<10112x128xf32, #tpu.memory_space<vmem_shared>> -> memref<120x128xf32, #tpu.memory_space<vmem_shared>>
      %dma_start3A_52 = arith.constant 0 : i32
      %dma_start3A_53 = arith.constant 0 : i32
      %dma_start3A_54 = tpu.memref_slice %arg8[%dma_start3A_52, %dma_start3A_53] : memref<128x128xf32, #tpu.memory_space<vmem>> -> memref<120x128xf32, #tpu.memory_space<vmem>>
      tpu.enqueue_dma source(%dma_start3A_54 : memref<120x128xf32, #tpu.memory_space<vmem>>) target(%dma_start3A_51 : memref<120x128xf32, #tpu.memory_space<vmem_shared>>) target_semaphore(%run_scoped3A : memref<!tpu.dma_semaphore, #tpu.memory_space<semaphore_mem>>)
      %dma_wait3A = arith.constant 0 : i32
      %dma_wait3A_55 = arith.constant 0 : i32
      %dma_wait3A_56 = tpu.memref_slice %arg8[%dma_wait3A, %dma_wait3A_55] : memref<128x128xf32, #tpu.memory_space<vmem>> -> memref<120x128xf32, #tpu.memory_space<vmem>>
      %dma_wait3A_57 = arith.constant 0 : i32
      %dma_wait3A_58 = tpu.memref_slice %arg10[%add3A_18, %dma_wait3A_57] : memref<10112x128xf32, #tpu.memory_space<vmem_shared>> -> memref<120x128xf32, #tpu.memory_space<vmem_shared>>
      %dma_wait3A_59 = arith.constant 0 : i32
      %dma_wait3A_60 = tpu.memref_slice %arg10[%add3A_18, %dma_wait3A_59] : memref<10112x128xf32, #tpu.memory_space<vmem_shared>> -> memref<120x128xf32, #tpu.memory_space<vmem_shared>>
      %dma_wait3A_61 = arith.constant 0 : i32
      %dma_wait3A_62 = arith.constant 0 : i32
      %dma_wait3A_63 = tpu.memref_slice %arg8[%dma_wait3A_61, %dma_wait3A_62] : memref<128x128xf32, #tpu.memory_space<vmem>> -> memref<120x128xf32, #tpu.memory_space<vmem>>
      tpu.wait_dma2 semaphore(%run_scoped3A : memref<!tpu.dma_semaphore, #tpu.memory_space<semaphore_mem>>) src(%dma_wait3A_63 : memref<120x128xf32, #tpu.memory_space<vmem>>) dst(%dma_wait3A_60 : memref<120x128xf32, #tpu.memory_space<vmem_shared>>)
      tpu.yield
    }) : () -> ()
    %barrier3A = arith.constant 0 : index
    tpu.barrier barrier_id(%barrier3A)
    %scan3A_19 = arith.constant 0 : i32
    %scan3A_20 = arith.constant 0 : i32
    %scan3A_21 = arith.constant 5 : i32
    %scan3A_22 = arith.addi %scan3A_20, %scan3A_21 : i32
    %scan3A_23 = arith.constant 1 : i32
    scf.for %scan3A_46 = %scan3A_20 to %scan3A_22 step %scan3A_23  : i32 {
      %mul3A_47 = arith.constant 16 : i32
      %mul3A_48 = arith.muli %scan3A_46, %mul3A_47 : i32
      "tpu.region"() ({
        %run_scoped3A_84 = tpu.sem_alloc : memref<!tpu.dma_semaphore, #tpu.memory_space<semaphore_mem>>
        %dma_start3A_85 = arith.constant 0 : i32
        %dma_start3A_86 = tpu.memref_slice %arg3[%add3A, %mul3A_48, %dma_start3A_85] : memref<32x80x128xi32, #tpu.memory_space<hbm>> -> memref<1x16x128xi32, #tpu.memory_space<hbm>>
        %dma_start3A_87 = tpu.memref_squeeze %dma_start3A_86 : memref<1x16x128xi32, #tpu.memory_space<hbm>> -> memref<16x128xi32, #tpu.memory_space<hbm>>
        %dma_start3A_88 = arith.constant 0 : i32
        %dma_start3A_89 = tpu.memref_slice %arg3[%add3A, %mul3A_48, %dma_start3A_88] : memref<32x80x128xi32, #tpu.memory_space<hbm>> -> memref<1x16x128xi32, #tpu.memory_space<hbm>>
        %dma_start3A_90 = tpu.memref_squeeze %dma_start3A_89 : memref<1x16x128xi32, #tpu.memory_space<hbm>> -> memref<16x128xi32, #tpu.memory_space<hbm>>
        tpu.enqueue_dma source(%dma_start3A_90 : memref<16x128xi32, #tpu.memory_space<hbm>>) target(%arg6 : memref<16x128xi32, #tpu.memory_space<vmem>>) target_semaphore(%run_scoped3A_84 : memref<!tpu.dma_semaphore, #tpu.memory_space<semaphore_mem>>)
        %dma_wait3A_91 = arith.constant 0 : i32
        %dma_wait3A_92 = tpu.memref_slice %arg3[%add3A, %mul3A_48, %dma_wait3A_91] : memref<32x80x128xi32, #tpu.memory_space<hbm>> -> memref<1x16x128xi32, #tpu.memory_space<hbm>>
        %dma_wait3A_93 = tpu.memref_squeeze %dma_wait3A_92 : memref<1x16x128xi32, #tpu.memory_space<hbm>> -> memref<16x128xi32, #tpu.memory_space<hbm>>
        %dma_wait3A_94 = arith.constant 0 : i32
        %dma_wait3A_95 = tpu.memref_slice %arg3[%add3A, %mul3A_48, %dma_wait3A_94] : memref<32x80x128xi32, #tpu.memory_space<hbm>> -> memref<1x16x128xi32, #tpu.memory_space<hbm>>
        %dma_wait3A_96 = tpu.memref_squeeze %dma_wait3A_95 : memref<1x16x128xi32, #tpu.memory_space<hbm>> -> memref<16x128xi32, #tpu.memory_space<hbm>>
        tpu.wait_dma2 semaphore(%run_scoped3A_84 : memref<!tpu.dma_semaphore, #tpu.memory_space<semaphore_mem>>) src(%dma_wait3A_96 : memref<16x128xi32, #tpu.memory_space<hbm>>) dst(%arg6 : memref<16x128xi32, #tpu.memory_space<vmem>>)
        tpu.yield
      }) : () -> ()
      %mul3A_49 = arith.constant 16 : i32
      %mul3A_50 = arith.muli %scan3A_46, %mul3A_49 : i32
      "tpu.region"() ({
        %run_scoped3A_84 = tpu.sem_alloc : memref<!tpu.dma_semaphore, #tpu.memory_space<semaphore_mem>>
        %dma_start3A_85 = arith.constant 0 : i32
        %dma_start3A_86 = tpu.memref_slice %arg4[%add3A, %mul3A_50, %dma_start3A_85] : memref<32x80x128xi32, #tpu.memory_space<hbm>> -> memref<1x16x128xi32, #tpu.memory_space<hbm>>
        %dma_start3A_87 = tpu.memref_squeeze %dma_start3A_86 : memref<1x16x128xi32, #tpu.memory_space<hbm>> -> memref<16x128xi32, #tpu.memory_space<hbm>>
        %dma_start3A_88 = arith.constant 0 : i32
        %dma_start3A_89 = tpu.memref_slice %arg4[%add3A, %mul3A_50, %dma_start3A_88] : memref<32x80x128xi32, #tpu.memory_space<hbm>> -> memref<1x16x128xi32, #tpu.memory_space<hbm>>
        %dma_start3A_90 = tpu.memref_squeeze %dma_start3A_89 : memref<1x16x128xi32, #tpu.memory_space<hbm>> -> memref<16x128xi32, #tpu.memory_space<hbm>>
        tpu.enqueue_dma source(%dma_start3A_90 : memref<16x128xi32, #tpu.memory_space<hbm>>) target(%arg7 : memref<16x128xi32, #tpu.memory_space<vmem>>) target_semaphore(%run_scoped3A_84 : memref<!tpu.dma_semaphore, #tpu.memory_space<semaphore_mem>>)
        %dma_wait3A_91 = arith.constant 0 : i32
        %dma_wait3A_92 = tpu.memref_slice %arg4[%add3A, %mul3A_50, %dma_wait3A_91] : memref<32x80x128xi32, #tpu.memory_space<hbm>> -> memref<1x16x128xi32, #tpu.memory_space<hbm>>
        %dma_wait3A_93 = tpu.memref_squeeze %dma_wait3A_92 : memref<1x16x128xi32, #tpu.memory_space<hbm>> -> memref<16x128xi32, #tpu.memory_space<hbm>>
        %dma_wait3A_94 = arith.constant 0 : i32
        %dma_wait3A_95 = tpu.memref_slice %arg4[%add3A, %mul3A_50, %dma_wait3A_94] : memref<32x80x128xi32, #tpu.memory_space<hbm>> -> memref<1x16x128xi32, #tpu.memory_space<hbm>>
        %dma_wait3A_96 = tpu.memref_squeeze %dma_wait3A_95 : memref<1x16x128xi32, #tpu.memory_space<hbm>> -> memref<16x128xi32, #tpu.memory_space<hbm>>
        tpu.wait_dma2 semaphore(%run_scoped3A_84 : memref<!tpu.dma_semaphore, #tpu.memory_space<semaphore_mem>>) src(%dma_wait3A_96 : memref<16x128xi32, #tpu.memory_space<hbm>>) dst(%arg7 : memref<16x128xi32, #tpu.memory_space<vmem>>)
        tpu.yield
      }) : () -> ()
      %dma_start3A = arith.constant 0 : i32
      %dma_start3A_51 = arith.constant 0 : i32
      %dma_start3A_52 = tpu.memref_slice %arg6[%dma_start3A, %dma_start3A_51] : memref<16x128xi32, #tpu.memory_space<vmem>> -> memref<1x128xi32, #tpu.memory_space<vmem>>
      %dma_start3A_53 = tpu.memref_squeeze %dma_start3A_52 : memref<1x128xi32, #tpu.memory_space<vmem>> -> memref<128xi32, #tpu.memory_space<vmem>>
      %dma_start3A_54 = arith.constant 0 : i32
      %dma_start3A_55 = arith.constant 0 : i32
      %dma_start3A_56 = tpu.memref_slice %arg2[%dma_start3A_54, %dma_start3A_55] : memref<10000x128xf32, #tpu.memory_space<hbm>> -> memref<10000x128xf32, #tpu.memory_space<hbm>>
      tpu.enqueue_indirect_dma source(%dma_start3A_56 : memref<10000x128xf32, #tpu.memory_space<hbm>>) target(%arg8 : memref<128x128xf32, #tpu.memory_space<vmem>>) offsets(%dma_start3A_53 : memref<128xi32, #tpu.memory_space<vmem>>) semaphore(%arg11 : memref<!tpu.dma_semaphore, #tpu.memory_space<semaphore_mem>>)
      %dma_start3A_57 = arith.constant 1 : i32
      %dma_start3A_58 = arith.constant 0 : i32
      %dma_start3A_59 = tpu.memref_slice %arg6[%dma_start3A_57, %dma_start3A_58] : memref<16x128xi32, #tpu.memory_space<vmem>> -> memref<1x128xi32, #tpu.memory_space<vmem>>
      %dma_start3A_60 = tpu.memref_squeeze %dma_start3A_59 : memref<1x128xi32, #tpu.memory_space<vmem>> -> memref<128xi32, #tpu.memory_space<vmem>>
      %dma_start3A_61 = arith.constant 0 : i32
      %dma_start3A_62 = arith.constant 0 : i32
      %dma_start3A_63 = tpu.memref_slice %arg2[%dma_start3A_61, %dma_start3A_62] : memref<10000x128xf32, #tpu.memory_space<hbm>> -> memref<10000x128xf32, #tpu.memory_space<hbm>>
      tpu.enqueue_indirect_dma source(%dma_start3A_63 : memref<10000x128xf32, #tpu.memory_space<hbm>>) target(%arg9 : memref<128x128xf32, #tpu.memory_space<vmem>>) offsets(%dma_start3A_60 : memref<128xi32, #tpu.memory_space<vmem>>) semaphore(%arg12 : memref<!tpu.dma_semaphore, #tpu.memory_space<semaphore_mem>>)
      %scan3A_64 = arith.constant 0 : i32
      %scan3A_65 = arith.constant 0 : i32
      %scan3A_66 = arith.constant 7 : i32
      %scan3A_67 = arith.addi %scan3A_65, %scan3A_66 : i32
      %scan3A_68 = arith.constant 1 : i32
      scf.for %scan3A_84 = %scan3A_65 to %scan3A_67 step %scan3A_68  : i32 {
        %mul3A_85 = arith.constant 2 : i32
        %mul3A_86 = arith.muli %mul3A_85, %scan3A_84 : i32
        %dma_wait3A_87 = arith.constant 0 : i32
        %dma_wait3A_88 = tpu.memref_slice %arg6[%mul3A_86, %dma_wait3A_87] : memref<16x128xi32, #tpu.memory_space<vmem>> -> memref<1x128xi32, #tpu.memory_space<vmem>>
        %dma_wait3A_89 = tpu.memref_squeeze %dma_wait3A_88 : memref<1x128xi32, #tpu.memory_space<vmem>> -> memref<128xi32, #tpu.memory_space<vmem>>
        %dma_wait3A_90 = arith.constant 0 : i32
        %dma_wait3A_91 = arith.constant 0 : i32
        %dma_wait3A_92 = tpu.memref_slice %arg2[%dma_wait3A_90, %dma_wait3A_91] : memref<10000x128xf32, #tpu.memory_space<hbm>> -> memref<10000x128xf32, #tpu.memory_space<hbm>>
        tpu.wait_indirect_dma semaphore(%arg11 : memref<!tpu.dma_semaphore, #tpu.memory_space<semaphore_mem>>) src(%dma_wait3A_92 : memref<10000x128xf32, #tpu.memory_space<hbm>>) dst(%arg8 : memref<128x128xf32, #tpu.memory_space<vmem>>)
        "tpu.region"() ({
          %run_scoped3A_119 = tpu.sem_alloc : memref<!tpu.dma_semaphore, #tpu.memory_space<semaphore_mem>>
          %dma_start3A_120 = arith.constant 0 : i32
          %dma_start3A_121 = tpu.memref_slice %arg7[%mul3A_86, %dma_start3A_120] : memref<16x128xi32, #tpu.memory_space<vmem>> -> memref<1x128xi32, #tpu.memory_space<vmem>>
          %dma_start3A_122 = tpu.memref_squeeze %dma_start3A_121 : memref<1x128xi32, #tpu.memory_space<vmem>> -> memref<128xi32, #tpu.memory_space<vmem>>
          %dma_start3A_123 = arith.constant 0 : i32
          %dma_start3A_124 = arith.constant 0 : i32
          %dma_start3A_125 = tpu.memref_slice %arg10[%dma_start3A_123, %dma_start3A_124] : memref<10112x128xf32, #tpu.memory_space<vmem_shared>> -> memref<10112x128xf32, #tpu.memory_space<vmem_shared>>
          tpu.enqueue_indirect_dma source(%arg8 : memref<128x128xf32, #tpu.memory_space<vmem>>) target(%dma_start3A_125 : memref<10112x128xf32, #tpu.memory_space<vmem_shared>>) offsets(%dma_start3A_122 : memref<128xi32, #tpu.memory_space<vmem>>) semaphore(%run_scoped3A_119 : memref<!tpu.dma_semaphore, #tpu.memory_space<semaphore_mem>>) {add = true}
          %dma_wait3A_126 = arith.constant 0 : i32
          %dma_wait3A_127 = tpu.memref_slice %arg7[%mul3A_86, %dma_wait3A_126] : memref<16x128xi32, #tpu.memory_space<vmem>> -> memref<1x128xi32, #tpu.memory_space<vmem>>
          %dma_wait3A_128 = tpu.memref_squeeze %dma_wait3A_127 : memref<1x128xi32, #tpu.memory_space<vmem>> -> memref<128xi32, #tpu.memory_space<vmem>>
          %dma_wait3A_129 = arith.constant 0 : i32
          %dma_wait3A_130 = arith.constant 0 : i32
          %dma_wait3A_131 = tpu.memref_slice %arg10[%dma_wait3A_129, %dma_wait3A_130] : memref<10112x128xf32, #tpu.memory_space<vmem_shared>> -> memref<10112x128xf32, #tpu.memory_space<vmem_shared>>
          tpu.wait_indirect_dma semaphore(%run_scoped3A_119 : memref<!tpu.dma_semaphore, #tpu.memory_space<semaphore_mem>>) src(%arg8 : memref<128x128xf32, #tpu.memory_space<vmem>>) dst(%dma_wait3A_131 : memref<10112x128xf32, #tpu.memory_space<vmem_shared>>)
          tpu.yield
        }) : () -> ()
        %add3A_93 = arith.constant 2 : i32
        %add3A_94 = arith.addi %mul3A_86, %add3A_93 : i32
        %dma_start3A_95 = arith.constant 0 : i32
        %dma_start3A_96 = tpu.memref_slice %arg6[%add3A_94, %dma_start3A_95] : memref<16x128xi32, #tpu.memory_space<vmem>> -> memref<1x128xi32, #tpu.memory_space<vmem>>
        %dma_start3A_97 = tpu.memref_squeeze %dma_start3A_96 : memref<1x128xi32, #tpu.memory_space<vmem>> -> memref<128xi32, #tpu.memory_space<vmem>>
        %dma_start3A_98 = arith.constant 0 : i32
        %dma_start3A_99 = arith.constant 0 : i32
        %dma_start3A_100 = tpu.memref_slice %arg2[%dma_start3A_98, %dma_start3A_99] : memref<10000x128xf32, #tpu.memory_space<hbm>> -> memref<10000x128xf32, #tpu.memory_space<hbm>>
        tpu.enqueue_indirect_dma source(%dma_start3A_100 : memref<10000x128xf32, #tpu.memory_space<hbm>>) target(%arg8 : memref<128x128xf32, #tpu.memory_space<vmem>>) offsets(%dma_start3A_97 : memref<128xi32, #tpu.memory_space<vmem>>) semaphore(%arg11 : memref<!tpu.dma_semaphore, #tpu.memory_space<semaphore_mem>>)
        %add3A_101 = arith.constant 1 : i32
        %add3A_102 = arith.addi %mul3A_86, %add3A_101 : i32
        %dma_wait3A_103 = arith.constant 0 : i32
        %dma_wait3A_104 = tpu.memref_slice %arg6[%add3A_102, %dma_wait3A_103] : memref<16x128xi32, #tpu.memory_space<vmem>> -> memref<1x128xi32, #tpu.memory_space<vmem>>
        %dma_wait3A_105 = tpu.memref_squeeze %dma_wait3A_104 : memref<1x128xi32, #tpu.memory_space<vmem>> -> memref<128xi32, #tpu.memory_space<vmem>>
        %dma_wait3A_106 = arith.constant 0 : i32
        %dma_wait3A_107 = arith.constant 0 : i32
        %dma_wait3A_108 = tpu.memref_slice %arg2[%dma_wait3A_106, %dma_wait3A_107] : memref<10000x128xf32, #tpu.memory_space<hbm>> -> memref<10000x128xf32, #tpu.memory_space<hbm>>
        tpu.wait_indirect_dma semaphore(%arg12 : memref<!tpu.dma_semaphore, #tpu.memory_space<semaphore_mem>>) src(%dma_wait3A_108 : memref<10000x128xf32, #tpu.memory_space<hbm>>) dst(%arg9 : memref<128x128xf32, #tpu.memory_space<vmem>>)
        %add3A_109 = arith.constant 1 : i32
        %add3A_110 = arith.addi %mul3A_86, %add3A_109 : i32
        "tpu.region"() ({
          %run_scoped3A_119 = tpu.sem_alloc : memref<!tpu.dma_semaphore, #tpu.memory_space<semaphore_mem>>
          %dma_start3A_120 = arith.constant 0 : i32
          %dma_start3A_121 = tpu.memref_slice %arg7[%add3A_110, %dma_start3A_120] : memref<16x128xi32, #tpu.memory_space<vmem>> -> memref<1x128xi32, #tpu.memory_space<vmem>>
          %dma_start3A_122 = tpu.memref_squeeze %dma_start3A_121 : memref<1x128xi32, #tpu.memory_space<vmem>> -> memref<128xi32, #tpu.memory_space<vmem>>
          %dma_start3A_123 = arith.constant 0 : i32
          %dma_start3A_124 = arith.constant 0 : i32
          %dma_start3A_125 = tpu.memref_slice %arg10[%dma_start3A_123, %dma_start3A_124] : memref<10112x128xf32, #tpu.memory_space<vmem_shared>> -> memref<10112x128xf32, #tpu.memory_space<vmem_shared>>
          tpu.enqueue_indirect_dma source(%arg9 : memref<128x128xf32, #tpu.memory_space<vmem>>) target(%dma_start3A_125 : memref<10112x128xf32, #tpu.memory_space<vmem_shared>>) offsets(%dma_start3A_122 : memref<128xi32, #tpu.memory_space<vmem>>) semaphore(%run_scoped3A_119 : memref<!tpu.dma_semaphore, #tpu.memory_space<semaphore_mem>>) {add = true}
          %dma_wait3A_126 = arith.constant 0 : i32
          %dma_wait3A_127 = tpu.memref_slice %arg7[%add3A_110, %dma_wait3A_126] : memref<16x128xi32, #tpu.memory_space<vmem>> -> memref<1x128xi32, #tpu.memory_space<vmem>>
          %dma_wait3A_128 = tpu.memref_squeeze %dma_wait3A_127 : memref<1x128xi32, #tpu.memory_space<vmem>> -> memref<128xi32, #tpu.memory_space<vmem>>
          %dma_wait3A_129 = arith.constant 0 : i32
          %dma_wait3A_130 = arith.constant 0 : i32
          %dma_wait3A_131 = tpu.memref_slice %arg10[%dma_wait3A_129, %dma_wait3A_130] : memref<10112x128xf32, #tpu.memory_space<vmem_shared>> -> memref<10112x128xf32, #tpu.memory_space<vmem_shared>>
          tpu.wait_indirect_dma semaphore(%run_scoped3A_119 : memref<!tpu.dma_semaphore, #tpu.memory_space<semaphore_mem>>) src(%arg9 : memref<128x128xf32, #tpu.memory_space<vmem>>) dst(%dma_wait3A_131 : memref<10112x128xf32, #tpu.memory_space<vmem_shared>>)
          tpu.yield
        }) : () -> ()
        %add3A_111 = arith.constant 3 : i32
        %add3A_112 = arith.addi %mul3A_86, %add3A_111 : i32
        %dma_start3A_113 = arith.constant 0 : i32
        %dma_start3A_114 = tpu.memref_slice %arg6[%add3A_112, %dma_start3A_113] : memref<16x128xi32, #tpu.memory_space<vmem>> -> memref<1x128xi32, #tpu.memory_space<vmem>>
        %dma_start3A_115 = tpu.memref_squeeze %dma_start3A_114 : memref<1x128xi32, #tpu.memory_space<vmem>> -> memref<128xi32, #tpu.memory_space<vmem>>
        %dma_start3A_116 = arith.constant 0 : i32
        %dma_start3A_117 = arith.constant 0 : i32
        %dma_start3A_118 = tpu.memref_slice %arg2[%dma_start3A_116, %dma_start3A_117] : memref<10000x128xf32, #tpu.memory_space<hbm>> -> memref<10000x128xf32, #tpu.memory_space<hbm>>
        tpu.enqueue_indirect_dma source(%dma_start3A_118 : memref<10000x128xf32, #tpu.memory_space<hbm>>) target(%arg9 : memref<128x128xf32, #tpu.memory_space<vmem>>) offsets(%dma_start3A_115 : memref<128xi32, #tpu.memory_space<vmem>>) semaphore(%arg12 : memref<!tpu.dma_semaphore, #tpu.memory_space<semaphore_mem>>)
      }
      %scan3A_69 = arith.constant 7 : i32
      %dma_wait3A = arith.constant 14 : i32
      %dma_wait3A_70 = arith.constant 0 : i32
      %dma_wait3A_71 = tpu.memref_slice %arg6[%dma_wait3A, %dma_wait3A_70] : memref<16x128xi32, #tpu.memory_space<vmem>> -> memref<1x128xi32, #tpu.memory_space<vmem>>
      %dma_wait3A_72 = tpu.memref_squeeze %dma_wait3A_71 : memref<1x128xi32, #tpu.memory_space<vmem>> -> memref<128xi32, #tpu.memory_space<vmem>>
      %dma_wait3A_73 = arith.constant 0 : i32
      %dma_wait3A_74 = arith.constant 0 : i32
      %dma_wait3A_75 = tpu.memref_slice %arg2[%dma_wait3A_73, %dma_wait3A_74] : memref<10000x128xf32, #tpu.memory_space<hbm>> -> memref<10000x128xf32, #tpu.memory_space<hbm>>
      tpu.wait_indirect_dma semaphore(%arg11 : memref<!tpu.dma_semaphore, #tpu.memory_space<semaphore_mem>>) src(%dma_wait3A_75 : memref<10000x128xf32, #tpu.memory_space<hbm>>) dst(%arg8 : memref<128x128xf32, #tpu.memory_space<vmem>>)
      %run_scoped3A = arith.constant 14 : i32
      "tpu.region"() ({
        %run_scoped3A_84 = tpu.sem_alloc : memref<!tpu.dma_semaphore, #tpu.memory_space<semaphore_mem>>
        %dma_start3A_85 = arith.constant 0 : i32
        %dma_start3A_86 = tpu.memref_slice %arg7[%run_scoped3A, %dma_start3A_85] : memref<16x128xi32, #tpu.memory_space<vmem>> -> memref<1x128xi32, #tpu.memory_space<vmem>>
        %dma_start3A_87 = tpu.memref_squeeze %dma_start3A_86 : memref<1x128xi32, #tpu.memory_space<vmem>> -> memref<128xi32, #tpu.memory_space<vmem>>
        %dma_start3A_88 = arith.constant 0 : i32
        %dma_start3A_89 = arith.constant 0 : i32
        %dma_start3A_90 = tpu.memref_slice %arg10[%dma_start3A_88, %dma_start3A_89] : memref<10112x128xf32, #tpu.memory_space<vmem_shared>> -> memref<10112x128xf32, #tpu.memory_space<vmem_shared>>
        tpu.enqueue_indirect_dma source(%arg8 : memref<128x128xf32, #tpu.memory_space<vmem>>) target(%dma_start3A_90 : memref<10112x128xf32, #tpu.memory_space<vmem_shared>>) offsets(%dma_start3A_87 : memref<128xi32, #tpu.memory_space<vmem>>) semaphore(%run_scoped3A_84 : memref<!tpu.dma_semaphore, #tpu.memory_space<semaphore_mem>>) {add = true}
        %dma_wait3A_91 = arith.constant 0 : i32
        %dma_wait3A_92 = tpu.memref_slice %arg7[%run_scoped3A, %dma_wait3A_91] : memref<16x128xi32, #tpu.memory_space<vmem>> -> memref<1x128xi32, #tpu.memory_space<vmem>>
        %dma_wait3A_93 = tpu.memref_squeeze %dma_wait3A_92 : memref<1x128xi32, #tpu.memory_space<vmem>> -> memref<128xi32, #tpu.memory_space<vmem>>
        %dma_wait3A_94 = arith.constant 0 : i32
        %dma_wait3A_95 = arith.constant 0 : i32
        %dma_wait3A_96 = tpu.memref_slice %arg10[%dma_wait3A_94, %dma_wait3A_95] : memref<10112x128xf32, #tpu.memory_space<vmem_shared>> -> memref<10112x128xf32, #tpu.memory_space<vmem_shared>>
        tpu.wait_indirect_dma semaphore(%run_scoped3A_84 : memref<!tpu.dma_semaphore, #tpu.memory_space<semaphore_mem>>) src(%arg8 : memref<128x128xf32, #tpu.memory_space<vmem>>) dst(%dma_wait3A_96 : memref<10112x128xf32, #tpu.memory_space<vmem_shared>>)
        tpu.yield
      }) : () -> ()
      %dma_wait3A_76 = arith.constant 15 : i32
      %dma_wait3A_77 = arith.constant 0 : i32
      %dma_wait3A_78 = tpu.memref_slice %arg6[%dma_wait3A_76, %dma_wait3A_77] : memref<16x128xi32, #tpu.memory_space<vmem>> -> memref<1x128xi32, #tpu.memory_space<vmem>>
      %dma_wait3A_79 = tpu.memref_squeeze %dma_wait3A_78 : memref<1x128xi32, #tpu.memory_space<vmem>> -> memref<128xi32, #tpu.memory_space<vmem>>
      %dma_wait3A_80 = arith.constant 0 : i32
      %dma_wait3A_81 = arith.constant 0 : i32
      %dma_wait3A_82 = tpu.memref_slice %arg2[%dma_wait3A_80, %dma_wait3A_81] : memref<10000x128xf32, #tpu.memory_space<hbm>> -> memref<10000x128xf32, #tpu.memory_space<hbm>>
      tpu.wait_indirect_dma semaphore(%arg12 : memref<!tpu.dma_semaphore, #tpu.memory_space<semaphore_mem>>) src(%dma_wait3A_82 : memref<10000x128xf32, #tpu.memory_space<hbm>>) dst(%arg9 : memref<128x128xf32, #tpu.memory_space<vmem>>)
      %run_scoped3A_83 = arith.constant 15 : i32
      "tpu.region"() ({
        %run_scoped3A_84 = tpu.sem_alloc : memref<!tpu.dma_semaphore, #tpu.memory_space<semaphore_mem>>
        %dma_start3A_85 = arith.constant 0 : i32
        %dma_start3A_86 = tpu.memref_slice %arg7[%run_scoped3A_83, %dma_start3A_85] : memref<16x128xi32, #tpu.memory_space<vmem>> -> memref<1x128xi32, #tpu.memory_space<vmem>>
        %dma_start3A_87 = tpu.memref_squeeze %dma_start3A_86 : memref<1x128xi32, #tpu.memory_space<vmem>> -> memref<128xi32, #tpu.memory_space<vmem>>
        %dma_start3A_88 = arith.constant 0 : i32
        %dma_start3A_89 = arith.constant 0 : i32
        %dma_start3A_90 = tpu.memref_slice %arg10[%dma_start3A_88, %dma_start3A_89] : memref<10112x128xf32, #tpu.memory_space<vmem_shared>> -> memref<10112x128xf32, #tpu.memory_space<vmem_shared>>
        tpu.enqueue_indirect_dma source(%arg9 : memref<128x128xf32, #tpu.memory_space<vmem>>) target(%dma_start3A_90 : memref<10112x128xf32, #tpu.memory_space<vmem_shared>>) offsets(%dma_start3A_87 : memref<128xi32, #tpu.memory_space<vmem>>) semaphore(%run_scoped3A_84 : memref<!tpu.dma_semaphore, #tpu.memory_space<semaphore_mem>>) {add = true}
        %dma_wait3A_91 = arith.constant 0 : i32
        %dma_wait3A_92 = tpu.memref_slice %arg7[%run_scoped3A_83, %dma_wait3A_91] : memref<16x128xi32, #tpu.memory_space<vmem>> -> memref<1x128xi32, #tpu.memory_space<vmem>>
        %dma_wait3A_93 = tpu.memref_squeeze %dma_wait3A_92 : memref<1x128xi32, #tpu.memory_space<vmem>> -> memref<128xi32, #tpu.memory_space<vmem>>
        %dma_wait3A_94 = arith.constant 0 : i32
        %dma_wait3A_95 = arith.constant 0 : i32
        %dma_wait3A_96 = tpu.memref_slice %arg10[%dma_wait3A_94, %dma_wait3A_95] : memref<10112x128xf32, #tpu.memory_space<vmem_shared>> -> memref<10112x128xf32, #tpu.memory_space<vmem_shared>>
        tpu.wait_indirect_dma semaphore(%run_scoped3A_84 : memref<!tpu.dma_semaphore, #tpu.memory_space<semaphore_mem>>) src(%arg9 : memref<128x128xf32, #tpu.memory_space<vmem>>) dst(%dma_wait3A_96 : memref<10112x128xf32, #tpu.memory_space<vmem_shared>>)
        tpu.yield
      }) : () -> ()
    }
    %scan3A_24 = arith.constant 5 : i32
    %barrier3A_25 = arith.constant 0 : index
    tpu.barrier barrier_id(%barrier3A_25)
    %add3A_26 = arith.constant 0 : i32
    %add3A_27 = arith.addi %mul3A_8, %add3A_26 : i32
    "tpu.region"() ({
      %run_scoped3A = tpu.sem_alloc : memref<!tpu.dma_semaphore, #tpu.memory_space<semaphore_mem>>
      %dma_start3A = arith.constant 0 : i32
      %dma_start3A_46 = arith.constant 0 : i32
      %dma_start3A_47 = tpu.memref_slice %arg8[%dma_start3A, %dma_start3A_46] : memref<128x128xf32, #tpu.memory_space<vmem>> -> memref<128x128xf32, #tpu.memory_space<vmem>>
      %dma_start3A_48 = arith.constant 0 : i32
      %dma_start3A_49 = tpu.memref_slice %arg10[%add3A_27, %dma_start3A_48] : memref<10112x128xf32, #tpu.memory_space<vmem_shared>> -> memref<128x128xf32, #tpu.memory_space<vmem_shared>>
      %dma_start3A_50 = arith.constant 0 : i32
      %dma_start3A_51 = arith.constant 0 : i32
      %dma_start3A_52 = tpu.memref_slice %arg8[%dma_start3A_50, %dma_start3A_51] : memref<128x128xf32, #tpu.memory_space<vmem>> -> memref<128x128xf32, #tpu.memory_space<vmem>>
      %dma_start3A_53 = arith.constant 0 : i32
      %dma_start3A_54 = tpu.memref_slice %arg10[%add3A_27, %dma_start3A_53] : memref<10112x128xf32, #tpu.memory_space<vmem_shared>> -> memref<128x128xf32, #tpu.memory_space<vmem_shared>>
      tpu.enqueue_dma source(%dma_start3A_54 : memref<128x128xf32, #tpu.memory_space<vmem_shared>>) target(%dma_start3A_52 : memref<128x128xf32, #tpu.memory_space<vmem>>) target_semaphore(%run_scoped3A : memref<!tpu.dma_semaphore, #tpu.memory_space<semaphore_mem>>)
      %dma_wait3A = arith.constant 0 : i32
      %dma_wait3A_55 = arith.constant 0 : i32
      %dma_wait3A_56 = tpu.memref_slice %arg8[%dma_wait3A, %dma_wait3A_55] : memref<128x128xf32, #tpu.memory_space<vmem>> -> memref<128x128xf32, #tpu.memory_space<vmem>>
      %dma_wait3A_57 = arith.constant 0 : i32
      %dma_wait3A_58 = tpu.memref_slice %arg10[%add3A_27, %dma_wait3A_57] : memref<10112x128xf32, #tpu.memory_space<vmem_shared>> -> memref<128x128xf32, #tpu.memory_space<vmem_shared>>
      %dma_wait3A_59 = arith.constant 0 : i32
      %dma_wait3A_60 = arith.constant 0 : i32
      %dma_wait3A_61 = tpu.memref_slice %arg8[%dma_wait3A_59, %dma_wait3A_60] : memref<128x128xf32, #tpu.memory_space<vmem>> -> memref<128x128xf32, #tpu.memory_space<vmem>>
      %dma_wait3A_62 = arith.constant 0 : i32
      %dma_wait3A_63 = tpu.memref_slice %arg10[%add3A_27, %dma_wait3A_62] : memref<10112x128xf32, #tpu.memory_space<vmem_shared>> -> memref<128x128xf32, #tpu.memory_space<vmem_shared>>
      tpu.wait_dma2 semaphore(%run_scoped3A : memref<!tpu.dma_semaphore, #tpu.memory_space<semaphore_mem>>) src(%dma_wait3A_63 : memref<128x128xf32, #tpu.memory_space<vmem_shared>>) dst(%dma_wait3A_61 : memref<128x128xf32, #tpu.memory_space<vmem>>)
      tpu.yield
    }) : () -> ()
    %add3A_28 = arith.constant 0 : i32
    %add3A_29 = arith.addi %mul3A_8, %add3A_28 : i32
    "tpu.region"() ({
      %run_scoped3A = tpu.sem_alloc : memref<!tpu.dma_semaphore, #tpu.memory_space<semaphore_mem>>
      %dma_start3A = arith.constant 0 : i32
      %dma_start3A_46 = arith.constant 0 : i32
      %dma_start3A_47 = tpu.memref_slice %arg8[%dma_start3A, %dma_start3A_46] : memref<128x128xf32, #tpu.memory_space<vmem>> -> memref<128x128xf32, #tpu.memory_space<vmem>>
      %dma_start3A_48 = arith.constant 0 : i32
      %dma_start3A_49 = tpu.memref_slice %arg5[%arg0, %add3A_29, %dma_start3A_48] : memref<2x10112x128xf32, #tpu.memory_space<hbm>> -> memref<1x128x128xf32, #tpu.memory_space<hbm>>
      %dma_start3A_50 = tpu.memref_squeeze %dma_start3A_49 : memref<1x128x128xf32, #tpu.memory_space<hbm>> -> memref<128x128xf32, #tpu.memory_space<hbm>>
      %dma_start3A_51 = arith.constant 0 : i32
      %dma_start3A_52 = tpu.memref_slice %arg5[%arg0, %add3A_29, %dma_start3A_51] : memref<2x10112x128xf32, #tpu.memory_space<hbm>> -> memref<1x128x128xf32, #tpu.memory_space<hbm>>
      %dma_start3A_53 = tpu.memref_squeeze %dma_start3A_52 : memref<1x128x128xf32, #tpu.memory_space<hbm>> -> memref<128x128xf32, #tpu.memory_space<hbm>>
      %dma_start3A_54 = arith.constant 0 : i32
      %dma_start3A_55 = arith.constant 0 : i32
      %dma_start3A_56 = tpu.memref_slice %arg8[%dma_start3A_54, %dma_start3A_55] : memref<128x128xf32, #tpu.memory_space<vmem>> -> memref<128x128xf32, #tpu.memory_space<vmem>>
      tpu.enqueue_dma source(%dma_start3A_56 : memref<128x128xf32, #tpu.memory_space<vmem>>) target(%dma_start3A_53 : memref<128x128xf32, #tpu.memory_space<hbm>>) target_semaphore(%run_scoped3A : memref<!tpu.dma_semaphore, #tpu.memory_space<semaphore_mem>>)
      %dma_wait3A = arith.constant 0 : i32
      %dma_wait3A_57 = arith.constant 0 : i32
      %dma_wait3A_58 = tpu.memref_slice %arg8[%dma_wait3A, %dma_wait3A_57] : memref<128x128xf32, #tpu.memory_space<vmem>> -> memref<128x128xf32, #tpu.memory_space<vmem>>
      %dma_wait3A_59 = arith.constant 0 : i32
      %dma_wait3A_60 = tpu.memref_slice %arg5[%arg0, %add3A_29, %dma_wait3A_59] : memref<2x10112x128xf32, #tpu.memory_space<hbm>> -> memref<1x128x128xf32, #tpu.memory_space<hbm>>
      %dma_wait3A_61 = tpu.memref_squeeze %dma_wait3A_60 : memref<1x128x128xf32, #tpu.memory_space<hbm>> -> memref<128x128xf32, #tpu.memory_space<hbm>>
      %dma_wait3A_62 = arith.constant 0 : i32
      %dma_wait3A_63 = tpu.memref_slice %arg5[%arg0, %add3A_29, %dma_wait3A_62] : memref<2x10112x128xf32, #tpu.memory_space<hbm>> -> memref<1x128x128xf32, #tpu.memory_space<hbm>>
      %dma_wait3A_64 = tpu.memref_squeeze %dma_wait3A_63 : memref<1x128x128xf32, #tpu.memory_space<hbm>> -> memref<128x128xf32, #tpu.memory_space<hbm>>
      %dma_wait3A_65 = arith.constant 0 : i32
      %dma_wait3A_66 = arith.constant 0 : i32
      %dma_wait3A_67 = tpu.memref_slice %arg8[%dma_wait3A_65, %dma_wait3A_66] : memref<128x128xf32, #tpu.memory_space<vmem>> -> memref<128x128xf32, #tpu.memory_space<vmem>>
      tpu.wait_dma2 semaphore(%run_scoped3A : memref<!tpu.dma_semaphore, #tpu.memory_space<semaphore_mem>>) src(%dma_wait3A_67 : memref<128x128xf32, #tpu.memory_space<vmem>>) dst(%dma_wait3A_64 : memref<128x128xf32, #tpu.memory_space<hbm>>)
      tpu.yield
    }) : () -> ()
    %add3A_30 = arith.constant 128 : i32
    %add3A_31 = arith.addi %mul3A_8, %add3A_30 : i32
    "tpu.region"() ({
      %run_scoped3A = tpu.sem_alloc : memref<!tpu.dma_semaphore, #tpu.memory_space<semaphore_mem>>
      %dma_start3A = arith.constant 0 : i32
      %dma_start3A_46 = arith.constant 0 : i32
      %dma_start3A_47 = tpu.memref_slice %arg8[%dma_start3A, %dma_start3A_46] : memref<128x128xf32, #tpu.memory_space<vmem>> -> memref<128x128xf32, #tpu.memory_space<vmem>>
      %dma_start3A_48 = arith.constant 0 : i32
      %dma_start3A_49 = tpu.memref_slice %arg10[%add3A_31, %dma_start3A_48] : memref<10112x128xf32, #tpu.memory_space<vmem_shared>> -> memref<128x128xf32, #tpu.memory_space<vmem_shared>>
      %dma_start3A_50 = arith.constant 0 : i32
      %dma_start3A_51 = arith.constant 0 : i32
      %dma_start3A_52 = tpu.memref_slice %arg8[%dma_start3A_50, %dma_start3A_51] : memref<128x128xf32, #tpu.memory_space<vmem>> -> memref<128x128xf32, #tpu.memory_space<vmem>>
      %dma_start3A_53 = arith.constant 0 : i32
      %dma_start3A_54 = tpu.memref_slice %arg10[%add3A_31, %dma_start3A_53] : memref<10112x128xf32, #tpu.memory_space<vmem_shared>> -> memref<128x128xf32, #tpu.memory_space<vmem_shared>>
      tpu.enqueue_dma source(%dma_start3A_54 : memref<128x128xf32, #tpu.memory_space<vmem_shared>>) target(%dma_start3A_52 : memref<128x128xf32, #tpu.memory_space<vmem>>) target_semaphore(%run_scoped3A : memref<!tpu.dma_semaphore, #tpu.memory_space<semaphore_mem>>)
      %dma_wait3A = arith.constant 0 : i32
      %dma_wait3A_55 = arith.constant 0 : i32
      %dma_wait3A_56 = tpu.memref_slice %arg8[%dma_wait3A, %dma_wait3A_55] : memref<128x128xf32, #tpu.memory_space<vmem>> -> memref<128x128xf32, #tpu.memory_space<vmem>>
      %dma_wait3A_57 = arith.constant 0 : i32
      %dma_wait3A_58 = tpu.memref_slice %arg10[%add3A_31, %dma_wait3A_57] : memref<10112x128xf32, #tpu.memory_space<vmem_shared>> -> memref<128x128xf32, #tpu.memory_space<vmem_shared>>
      %dma_wait3A_59 = arith.constant 0 : i32
      %dma_wait3A_60 = arith.constant 0 : i32
      %dma_wait3A_61 = tpu.memref_slice %arg8[%dma_wait3A_59, %dma_wait3A_60] : memref<128x128xf32, #tpu.memory_space<vmem>> -> memref<128x128xf32, #tpu.memory_space<vmem>>
      %dma_wait3A_62 = arith.constant 0 : i32
      %dma_wait3A_63 = tpu.memref_slice %arg10[%add3A_31, %dma_wait3A_62] : memref<10112x128xf32, #tpu.memory_space<vmem_shared>> -> memref<128x128xf32, #tpu.memory_space<vmem_shared>>
      tpu.wait_dma2 semaphore(%run_scoped3A : memref<!tpu.dma_semaphore, #tpu.memory_space<semaphore_mem>>) src(%dma_wait3A_63 : memref<128x128xf32, #tpu.memory_space<vmem_shared>>) dst(%dma_wait3A_61 : memref<128x128xf32, #tpu.memory_space<vmem>>)
      tpu.yield
    }) : () -> ()
    %add3A_32 = arith.constant 128 : i32
    %add3A_33 = arith.addi %mul3A_8, %add3A_32 : i32
    "tpu.region"() ({
      %run_scoped3A = tpu.sem_alloc : memref<!tpu.dma_semaphore, #tpu.memory_space<semaphore_mem>>
      %dma_start3A = arith.constant 0 : i32
      %dma_start3A_46 = arith.constant 0 : i32
      %dma_start3A_47 = tpu.memref_slice %arg8[%dma_start3A, %dma_start3A_46] : memref<128x128xf32, #tpu.memory_space<vmem>> -> memref<128x128xf32, #tpu.memory_space<vmem>>
      %dma_start3A_48 = arith.constant 0 : i32
      %dma_start3A_49 = tpu.memref_slice %arg5[%arg0, %add3A_33, %dma_start3A_48] : memref<2x10112x128xf32, #tpu.memory_space<hbm>> -> memref<1x128x128xf32, #tpu.memory_space<hbm>>
      %dma_start3A_50 = tpu.memref_squeeze %dma_start3A_49 : memref<1x128x128xf32, #tpu.memory_space<hbm>> -> memref<128x128xf32, #tpu.memory_space<hbm>>
      %dma_start3A_51 = arith.constant 0 : i32
      %dma_start3A_52 = tpu.memref_slice %arg5[%arg0, %add3A_33, %dma_start3A_51] : memref<2x10112x128xf32, #tpu.memory_space<hbm>> -> memref<1x128x128xf32, #tpu.memory_space<hbm>>
      %dma_start3A_53 = tpu.memref_squeeze %dma_start3A_52 : memref<1x128x128xf32, #tpu.memory_space<hbm>> -> memref<128x128xf32, #tpu.memory_space<hbm>>
      %dma_start3A_54 = arith.constant 0 : i32
      %dma_start3A_55 = arith.constant 0 : i32
      %dma_start3A_56 = tpu.memref_slice %arg8[%dma_start3A_54, %dma_start3A_55] : memref<128x128xf32, #tpu.memory_space<vmem>> -> memref<128x128xf32, #tpu.memory_space<vmem>>
      tpu.enqueue_dma source(%dma_start3A_56 : memref<128x128xf32, #tpu.memory_space<vmem>>) target(%dma_start3A_53 : memref<128x128xf32, #tpu.memory_space<hbm>>) target_semaphore(%run_scoped3A : memref<!tpu.dma_semaphore, #tpu.memory_space<semaphore_mem>>)
      %dma_wait3A = arith.constant 0 : i32
      %dma_wait3A_57 = arith.constant 0 : i32
      %dma_wait3A_58 = tpu.memref_slice %arg8[%dma_wait3A, %dma_wait3A_57] : memref<128x128xf32, #tpu.memory_space<vmem>> -> memref<128x128xf32, #tpu.memory_space<vmem>>
      %dma_wait3A_59 = arith.constant 0 : i32
      %dma_wait3A_60 = tpu.memref_slice %arg5[%arg0, %add3A_33, %dma_wait3A_59] : memref<2x10112x128xf32, #tpu.memory_space<hbm>> -> memref<1x128x128xf32, #tpu.memory_space<hbm>>
      %dma_wait3A_61 = tpu.memref_squeeze %dma_wait3A_60 : memref<1x128x128xf32, #tpu.memory_space<hbm>> -> memref<128x128xf32, #tpu.memory_space<hbm>>
      %dma_wait3A_62 = arith.constant 0 : i32
      %dma_wait3A_63 = tpu.memref_slice %arg5[%arg0, %add3A_33, %dma_wait3A_62] : memref<2x10112x128xf32, #tpu.memory_space<hbm>> -> memref<1x128x128xf32, #tpu.memory_space<hbm>>
      %dma_wait3A_64 = tpu.memref_squeeze %dma_wait3A_63 : memref<1x128x128xf32, #tpu.memory_space<hbm>> -> memref<128x128xf32, #tpu.memory_space<hbm>>
      %dma_wait3A_65 = arith.constant 0 : i32
      %dma_wait3A_66 = arith.constant 0 : i32
      %dma_wait3A_67 = tpu.memref_slice %arg8[%dma_wait3A_65, %dma_wait3A_66] : memref<128x128xf32, #tpu.memory_space<vmem>> -> memref<128x128xf32, #tpu.memory_space<vmem>>
      tpu.wait_dma2 semaphore(%run_scoped3A : memref<!tpu.dma_semaphore, #tpu.memory_space<semaphore_mem>>) src(%dma_wait3A_67 : memref<128x128xf32, #tpu.memory_space<vmem>>) dst(%dma_wait3A_64 : memref<128x128xf32, #tpu.memory_space<hbm>>)
      tpu.yield
    }) : () -> ()
    %add3A_34 = arith.constant 256 : i32
    %add3A_35 = arith.addi %mul3A_8, %add3A_34 : i32
    "tpu.region"() ({
      %run_scoped3A = tpu.sem_alloc : memref<!tpu.dma_semaphore, #tpu.memory_space<semaphore_mem>>
      %dma_start3A = arith.constant 0 : i32
      %dma_start3A_46 = arith.constant 0 : i32
      %dma_start3A_47 = tpu.memref_slice %arg8[%dma_start3A, %dma_start3A_46] : memref<128x128xf32, #tpu.memory_space<vmem>> -> memref<128x128xf32, #tpu.memory_space<vmem>>
      %dma_start3A_48 = arith.constant 0 : i32
      %dma_start3A_49 = tpu.memref_slice %arg10[%add3A_35, %dma_start3A_48] : memref<10112x128xf32, #tpu.memory_space<vmem_shared>> -> memref<128x128xf32, #tpu.memory_space<vmem_shared>>
      %dma_start3A_50 = arith.constant 0 : i32
      %dma_start3A_51 = arith.constant 0 : i32
      %dma_start3A_52 = tpu.memref_slice %arg8[%dma_start3A_50, %dma_start3A_51] : memref<128x128xf32, #tpu.memory_space<vmem>> -> memref<128x128xf32, #tpu.memory_space<vmem>>
      %dma_start3A_53 = arith.constant 0 : i32
      %dma_start3A_54 = tpu.memref_slice %arg10[%add3A_35, %dma_start3A_53] : memref<10112x128xf32, #tpu.memory_space<vmem_shared>> -> memref<128x128xf32, #tpu.memory_space<vmem_shared>>
      tpu.enqueue_dma source(%dma_start3A_54 : memref<128x128xf32, #tpu.memory_space<vmem_shared>>) target(%dma_start3A_52 : memref<128x128xf32, #tpu.memory_space<vmem>>) target_semaphore(%run_scoped3A : memref<!tpu.dma_semaphore, #tpu.memory_space<semaphore_mem>>)
      %dma_wait3A = arith.constant 0 : i32
      %dma_wait3A_55 = arith.constant 0 : i32
      %dma_wait3A_56 = tpu.memref_slice %arg8[%dma_wait3A, %dma_wait3A_55] : memref<128x128xf32, #tpu.memory_space<vmem>> -> memref<128x128xf32, #tpu.memory_space<vmem>>
      %dma_wait3A_57 = arith.constant 0 : i32
      %dma_wait3A_58 = tpu.memref_slice %arg10[%add3A_35, %dma_wait3A_57] : memref<10112x128xf32, #tpu.memory_space<vmem_shared>> -> memref<128x128xf32, #tpu.memory_space<vmem_shared>>
      %dma_wait3A_59 = arith.constant 0 : i32
      %dma_wait3A_60 = arith.constant 0 : i32
      %dma_wait3A_61 = tpu.memref_slice %arg8[%dma_wait3A_59, %dma_wait3A_60] : memref<128x128xf32, #tpu.memory_space<vmem>> -> memref<128x128xf32, #tpu.memory_space<vmem>>
      %dma_wait3A_62 = arith.constant 0 : i32
      %dma_wait3A_63 = tpu.memref_slice %arg10[%add3A_35, %dma_wait3A_62] : memref<10112x128xf32, #tpu.memory_space<vmem_shared>> -> memref<128x128xf32, #tpu.memory_space<vmem_shared>>
      tpu.wait_dma2 semaphore(%run_scoped3A : memref<!tpu.dma_semaphore, #tpu.memory_space<semaphore_mem>>) src(%dma_wait3A_63 : memref<128x128xf32, #tpu.memory_space<vmem_shared>>) dst(%dma_wait3A_61 : memref<128x128xf32, #tpu.memory_space<vmem>>)
      tpu.yield
    }) : () -> ()
    %add3A_36 = arith.constant 256 : i32
    %add3A_37 = arith.addi %mul3A_8, %add3A_36 : i32
    "tpu.region"() ({
      %run_scoped3A = tpu.sem_alloc : memref<!tpu.dma_semaphore, #tpu.memory_space<semaphore_mem>>
      %dma_start3A = arith.constant 0 : i32
      %dma_start3A_46 = arith.constant 0 : i32
      %dma_start3A_47 = tpu.memref_slice %arg8[%dma_start3A, %dma_start3A_46] : memref<128x128xf32, #tpu.memory_space<vmem>> -> memref<128x128xf32, #tpu.memory_space<vmem>>
      %dma_start3A_48 = arith.constant 0 : i32
      %dma_start3A_49 = tpu.memref_slice %arg5[%arg0, %add3A_37, %dma_start3A_48] : memref<2x10112x128xf32, #tpu.memory_space<hbm>> -> memref<1x128x128xf32, #tpu.memory_space<hbm>>
      %dma_start3A_50 = tpu.memref_squeeze %dma_start3A_49 : memref<1x128x128xf32, #tpu.memory_space<hbm>> -> memref<128x128xf32, #tpu.memory_space<hbm>>
      %dma_start3A_51 = arith.constant 0 : i32
      %dma_start3A_52 = tpu.memref_slice %arg5[%arg0, %add3A_37, %dma_start3A_51] : memref<2x10112x128xf32, #tpu.memory_space<hbm>> -> memref<1x128x128xf32, #tpu.memory_space<hbm>>
      %dma_start3A_53 = tpu.memref_squeeze %dma_start3A_52 : memref<1x128x128xf32, #tpu.memory_space<hbm>> -> memref<128x128xf32, #tpu.memory_space<hbm>>
      %dma_start3A_54 = arith.constant 0 : i32
      %dma_start3A_55 = arith.constant 0 : i32
      %dma_start3A_56 = tpu.memref_slice %arg8[%dma_start3A_54, %dma_start3A_55] : memref<128x128xf32, #tpu.memory_space<vmem>> -> memref<128x128xf32, #tpu.memory_space<vmem>>
      tpu.enqueue_dma source(%dma_start3A_56 : memref<128x128xf32, #tpu.memory_space<vmem>>) target(%dma_start3A_53 : memref<128x128xf32, #tpu.memory_space<hbm>>) target_semaphore(%run_scoped3A : memref<!tpu.dma_semaphore, #tpu.memory_space<semaphore_mem>>)
      %dma_wait3A = arith.constant 0 : i32
      %dma_wait3A_57 = arith.constant 0 : i32
      %dma_wait3A_58 = tpu.memref_slice %arg8[%dma_wait3A, %dma_wait3A_57] : memref<128x128xf32, #tpu.memory_space<vmem>> -> memref<128x128xf32, #tpu.memory_space<vmem>>
      %dma_wait3A_59 = arith.constant 0 : i32
      %dma_wait3A_60 = tpu.memref_slice %arg5[%arg0, %add3A_37, %dma_wait3A_59] : memref<2x10112x128xf32, #tpu.memory_space<hbm>> -> memref<1x128x128xf32, #tpu.memory_space<hbm>>
      %dma_wait3A_61 = tpu.memref_squeeze %dma_wait3A_60 : memref<1x128x128xf32, #tpu.memory_space<hbm>> -> memref<128x128xf32, #tpu.memory_space<hbm>>
      %dma_wait3A_62 = arith.constant 0 : i32
      %dma_wait3A_63 = tpu.memref_slice %arg5[%arg0, %add3A_37, %dma_wait3A_62] : memref<2x10112x128xf32, #tpu.memory_space<hbm>> -> memref<1x128x128xf32, #tpu.memory_space<hbm>>
      %dma_wait3A_64 = tpu.memref_squeeze %dma_wait3A_63 : memref<1x128x128xf32, #tpu.memory_space<hbm>> -> memref<128x128xf32, #tpu.memory_space<hbm>>
      %dma_wait3A_65 = arith.constant 0 : i32
      %dma_wait3A_66 = arith.constant 0 : i32
      %dma_wait3A_67 = tpu.memref_slice %arg8[%dma_wait3A_65, %dma_wait3A_66] : memref<128x128xf32, #tpu.memory_space<vmem>> -> memref<128x128xf32, #tpu.memory_space<vmem>>
      tpu.wait_dma2 semaphore(%run_scoped3A : memref<!tpu.dma_semaphore, #tpu.memory_space<semaphore_mem>>) src(%dma_wait3A_67 : memref<128x128xf32, #tpu.memory_space<vmem>>) dst(%dma_wait3A_64 : memref<128x128xf32, #tpu.memory_space<hbm>>)
      tpu.yield
    }) : () -> ()
    %add3A_38 = arith.constant 384 : i32
    %add3A_39 = arith.addi %mul3A_8, %add3A_38 : i32
    "tpu.region"() ({
      %run_scoped3A = tpu.sem_alloc : memref<!tpu.dma_semaphore, #tpu.memory_space<semaphore_mem>>
      %dma_start3A = arith.constant 0 : i32
      %dma_start3A_46 = arith.constant 0 : i32
      %dma_start3A_47 = tpu.memref_slice %arg8[%dma_start3A, %dma_start3A_46] : memref<128x128xf32, #tpu.memory_space<vmem>> -> memref<128x128xf32, #tpu.memory_space<vmem>>
      %dma_start3A_48 = arith.constant 0 : i32
      %dma_start3A_49 = tpu.memref_slice %arg10[%add3A_39, %dma_start3A_48] : memref<10112x128xf32, #tpu.memory_space<vmem_shared>> -> memref<128x128xf32, #tpu.memory_space<vmem_shared>>
      %dma_start3A_50 = arith.constant 0 : i32
      %dma_start3A_51 = arith.constant 0 : i32
      %dma_start3A_52 = tpu.memref_slice %arg8[%dma_start3A_50, %dma_start3A_51] : memref<128x128xf32, #tpu.memory_space<vmem>> -> memref<128x128xf32, #tpu.memory_space<vmem>>
      %dma_start3A_53 = arith.constant 0 : i32
      %dma_start3A_54 = tpu.memref_slice %arg10[%add3A_39, %dma_start3A_53] : memref<10112x128xf32, #tpu.memory_space<vmem_shared>> -> memref<128x128xf32, #tpu.memory_space<vmem_shared>>
      tpu.enqueue_dma source(%dma_start3A_54 : memref<128x128xf32, #tpu.memory_space<vmem_shared>>) target(%dma_start3A_52 : memref<128x128xf32, #tpu.memory_space<vmem>>) target_semaphore(%run_scoped3A : memref<!tpu.dma_semaphore, #tpu.memory_space<semaphore_mem>>)
      %dma_wait3A = arith.constant 0 : i32
      %dma_wait3A_55 = arith.constant 0 : i32
      %dma_wait3A_56 = tpu.memref_slice %arg8[%dma_wait3A, %dma_wait3A_55] : memref<128x128xf32, #tpu.memory_space<vmem>> -> memref<128x128xf32, #tpu.memory_space<vmem>>
      %dma_wait3A_57 = arith.constant 0 : i32
      %dma_wait3A_58 = tpu.memref_slice %arg10[%add3A_39, %dma_wait3A_57] : memref<10112x128xf32, #tpu.memory_space<vmem_shared>> -> memref<128x128xf32, #tpu.memory_space<vmem_shared>>
      %dma_wait3A_59 = arith.constant 0 : i32
      %dma_wait3A_60 = arith.constant 0 : i32
      %dma_wait3A_61 = tpu.memref_slice %arg8[%dma_wait3A_59, %dma_wait3A_60] : memref<128x128xf32, #tpu.memory_space<vmem>> -> memref<128x128xf32, #tpu.memory_space<vmem>>
      %dma_wait3A_62 = arith.constant 0 : i32
      %dma_wait3A_63 = tpu.memref_slice %arg10[%add3A_39, %dma_wait3A_62] : memref<10112x128xf32, #tpu.memory_space<vmem_shared>> -> memref<128x128xf32, #tpu.memory_space<vmem_shared>>
      tpu.wait_dma2 semaphore(%run_scoped3A : memref<!tpu.dma_semaphore, #tpu.memory_space<semaphore_mem>>) src(%dma_wait3A_63 : memref<128x128xf32, #tpu.memory_space<vmem_shared>>) dst(%dma_wait3A_61 : memref<128x128xf32, #tpu.memory_space<vmem>>)
      tpu.yield
    }) : () -> ()
    %add3A_40 = arith.constant 384 : i32
    %add3A_41 = arith.addi %mul3A_8, %add3A_40 : i32
    "tpu.region"() ({
      %run_scoped3A = tpu.sem_alloc : memref<!tpu.dma_semaphore, #tpu.memory_space<semaphore_mem>>
      %dma_start3A = arith.constant 0 : i32
      %dma_start3A_46 = arith.constant 0 : i32
      %dma_start3A_47 = tpu.memref_slice %arg8[%dma_start3A, %dma_start3A_46] : memref<128x128xf32, #tpu.memory_space<vmem>> -> memref<128x128xf32, #tpu.memory_space<vmem>>
      %dma_start3A_48 = arith.constant 0 : i32
      %dma_start3A_49 = tpu.memref_slice %arg5[%arg0, %add3A_41, %dma_start3A_48] : memref<2x10112x128xf32, #tpu.memory_space<hbm>> -> memref<1x128x128xf32, #tpu.memory_space<hbm>>
      %dma_start3A_50 = tpu.memref_squeeze %dma_start3A_49 : memref<1x128x128xf32, #tpu.memory_space<hbm>> -> memref<128x128xf32, #tpu.memory_space<hbm>>
      %dma_start3A_51 = arith.constant 0 : i32
      %dma_start3A_52 = tpu.memref_slice %arg5[%arg0, %add3A_41, %dma_start3A_51] : memref<2x10112x128xf32, #tpu.memory_space<hbm>> -> memref<1x128x128xf32, #tpu.memory_space<hbm>>
      %dma_start3A_53 = tpu.memref_squeeze %dma_start3A_52 : memref<1x128x128xf32, #tpu.memory_space<hbm>> -> memref<128x128xf32, #tpu.memory_space<hbm>>
      %dma_start3A_54 = arith.constant 0 : i32
      %dma_start3A_55 = arith.constant 0 : i32
      %dma_start3A_56 = tpu.memref_slice %arg8[%dma_start3A_54, %dma_start3A_55] : memref<128x128xf32, #tpu.memory_space<vmem>> -> memref<128x128xf32, #tpu.memory_space<vmem>>
      tpu.enqueue_dma source(%dma_start3A_56 : memref<128x128xf32, #tpu.memory_space<vmem>>) target(%dma_start3A_53 : memref<128x128xf32, #tpu.memory_space<hbm>>) target_semaphore(%run_scoped3A : memref<!tpu.dma_semaphore, #tpu.memory_space<semaphore_mem>>)
      %dma_wait3A = arith.constant 0 : i32
      %dma_wait3A_57 = arith.constant 0 : i32
      %dma_wait3A_58 = tpu.memref_slice %arg8[%dma_wait3A, %dma_wait3A_57] : memref<128x128xf32, #tpu.memory_space<vmem>> -> memref<128x128xf32, #tpu.memory_space<vmem>>
      %dma_wait3A_59 = arith.constant 0 : i32
      %dma_wait3A_60 = tpu.memref_slice %arg5[%arg0, %add3A_41, %dma_wait3A_59] : memref<2x10112x128xf32, #tpu.memory_space<hbm>> -> memref<1x128x128xf32, #tpu.memory_space<hbm>>
      %dma_wait3A_61 = tpu.memref_squeeze %dma_wait3A_60 : memref<1x128x128xf32, #tpu.memory_space<hbm>> -> memref<128x128xf32, #tpu.memory_space<hbm>>
      %dma_wait3A_62 = arith.constant 0 : i32
      %dma_wait3A_63 = tpu.memref_slice %arg5[%arg0, %add3A_41, %dma_wait3A_62] : memref<2x10112x128xf32, #tpu.memory_space<hbm>> -> memref<1x128x128xf32, #tpu.memory_space<hbm>>
      %dma_wait3A_64 = tpu.memref_squeeze %dma_wait3A_63 : memref<1x128x128xf32, #tpu.memory_space<hbm>> -> memref<128x128xf32, #tpu.memory_space<hbm>>
      %dma_wait3A_65 = arith.constant 0 : i32
      %dma_wait3A_66 = arith.constant 0 : i32
      %dma_wait3A_67 = tpu.memref_slice %arg8[%dma_wait3A_65, %dma_wait3A_66] : memref<128x128xf32, #tpu.memory_space<vmem>> -> memref<128x128xf32, #tpu.memory_space<vmem>>
      tpu.wait_dma2 semaphore(%run_scoped3A : memref<!tpu.dma_semaphore, #tpu.memory_space<semaphore_mem>>) src(%dma_wait3A_67 : memref<128x128xf32, #tpu.memory_space<vmem>>) dst(%dma_wait3A_64 : memref<128x128xf32, #tpu.memory_space<hbm>>)
      tpu.yield
    }) : () -> ()
    %add3A_42 = arith.constant 512 : i32
    %add3A_43 = arith.addi %mul3A_8, %add3A_42 : i32
    "tpu.region"() ({
      %run_scoped3A = tpu.sem_alloc : memref<!tpu.dma_semaphore, #tpu.memory_space<semaphore_mem>>
      %dma_start3A = arith.constant 0 : i32
      %dma_start3A_46 = arith.constant 0 : i32
      %dma_start3A_47 = tpu.memref_slice %arg8[%dma_start3A, %dma_start3A_46] : memref<128x128xf32, #tpu.memory_space<vmem>> -> memref<120x128xf32, #tpu.memory_space<vmem>>
      %dma_start3A_48 = arith.constant 0 : i32
      %dma_start3A_49 = tpu.memref_slice %arg10[%add3A_43, %dma_start3A_48] : memref<10112x128xf32, #tpu.memory_space<vmem_shared>> -> memref<120x128xf32, #tpu.memory_space<vmem_shared>>
      %dma_start3A_50 = arith.constant 0 : i32
      %dma_start3A_51 = arith.constant 0 : i32
      %dma_start3A_52 = tpu.memref_slice %arg8[%dma_start3A_50, %dma_start3A_51] : memref<128x128xf32, #tpu.memory_space<vmem>> -> memref<120x128xf32, #tpu.memory_space<vmem>>
      %dma_start3A_53 = arith.constant 0 : i32
      %dma_start3A_54 = tpu.memref_slice %arg10[%add3A_43, %dma_start3A_53] : memref<10112x128xf32, #tpu.memory_space<vmem_shared>> -> memref<120x128xf32, #tpu.memory_space<vmem_shared>>
      tpu.enqueue_dma source(%dma_start3A_54 : memref<120x128xf32, #tpu.memory_space<vmem_shared>>) target(%dma_start3A_52 : memref<120x128xf32, #tpu.memory_space<vmem>>) target_semaphore(%run_scoped3A : memref<!tpu.dma_semaphore, #tpu.memory_space<semaphore_mem>>)
      %dma_wait3A = arith.constant 0 : i32
      %dma_wait3A_55 = arith.constant 0 : i32
      %dma_wait3A_56 = tpu.memref_slice %arg8[%dma_wait3A, %dma_wait3A_55] : memref<128x128xf32, #tpu.memory_space<vmem>> -> memref<120x128xf32, #tpu.memory_space<vmem>>
      %dma_wait3A_57 = arith.constant 0 : i32
      %dma_wait3A_58 = tpu.memref_slice %arg10[%add3A_43, %dma_wait3A_57] : memref<10112x128xf32, #tpu.memory_space<vmem_shared>> -> memref<120x128xf32, #tpu.memory_space<vmem_shared>>
      %dma_wait3A_59 = arith.constant 0 : i32
      %dma_wait3A_60 = arith.constant 0 : i32
      %dma_wait3A_61 = tpu.memref_slice %arg8[%dma_wait3A_59, %dma_wait3A_60] : memref<128x128xf32, #tpu.memory_space<vmem>> -> memref<120x128xf32, #tpu.memory_space<vmem>>
      %dma_wait3A_62 = arith.constant 0 : i32
      %dma_wait3A_63 = tpu.memref_slice %arg10[%add3A_43, %dma_wait3A_62] : memref<10112x128xf32, #tpu.memory_space<vmem_shared>> -> memref<120x128xf32, #tpu.memory_space<vmem_shared>>
      tpu.wait_dma2 semaphore(%run_scoped3A : memref<!tpu.dma_semaphore, #tpu.memory_space<semaphore_mem>>) src(%dma_wait3A_63 : memref<120x128xf32, #tpu.memory_space<vmem_shared>>) dst(%dma_wait3A_61 : memref<120x128xf32, #tpu.memory_space<vmem>>)
      tpu.yield
    }) : () -> ()
    %add3A_44 = arith.constant 512 : i32
    %add3A_45 = arith.addi %mul3A_8, %add3A_44 : i32
    "tpu.region"() ({
      %run_scoped3A = tpu.sem_alloc : memref<!tpu.dma_semaphore, #tpu.memory_space<semaphore_mem>>
      %dma_start3A = arith.constant 0 : i32
      %dma_start3A_46 = arith.constant 0 : i32
      %dma_start3A_47 = tpu.memref_slice %arg8[%dma_start3A, %dma_start3A_46] : memref<128x128xf32, #tpu.memory_space<vmem>> -> memref<120x128xf32, #tpu.memory_space<vmem>>
      %dma_start3A_48 = arith.constant 0 : i32
      %dma_start3A_49 = tpu.memref_slice %arg5[%arg0, %add3A_45, %dma_start3A_48] : memref<2x10112x128xf32, #tpu.memory_space<hbm>> -> memref<1x120x128xf32, #tpu.memory_space<hbm>>
      %dma_start3A_50 = tpu.memref_squeeze %dma_start3A_49 : memref<1x120x128xf32, #tpu.memory_space<hbm>> -> memref<120x128xf32, #tpu.memory_space<hbm>>
      %dma_start3A_51 = arith.constant 0 : i32
      %dma_start3A_52 = tpu.memref_slice %arg5[%arg0, %add3A_45, %dma_start3A_51] : memref<2x10112x128xf32, #tpu.memory_space<hbm>> -> memref<1x120x128xf32, #tpu.memory_space<hbm>>
      %dma_start3A_53 = tpu.memref_squeeze %dma_start3A_52 : memref<1x120x128xf32, #tpu.memory_space<hbm>> -> memref<120x128xf32, #tpu.memory_space<hbm>>
      %dma_start3A_54 = arith.constant 0 : i32
      %dma_start3A_55 = arith.constant 0 : i32
      %dma_start3A_56 = tpu.memref_slice %arg8[%dma_start3A_54, %dma_start3A_55] : memref<128x128xf32, #tpu.memory_space<vmem>> -> memref<120x128xf32, #tpu.memory_space<vmem>>
      tpu.enqueue_dma source(%dma_start3A_56 : memref<120x128xf32, #tpu.memory_space<vmem>>) target(%dma_start3A_53 : memref<120x128xf32, #tpu.memory_space<hbm>>) target_semaphore(%run_scoped3A : memref<!tpu.dma_semaphore, #tpu.memory_space<semaphore_mem>>)
      %dma_wait3A = arith.constant 0 : i32
      %dma_wait3A_57 = arith.constant 0 : i32
      %dma_wait3A_58 = tpu.memref_slice %arg8[%dma_wait3A, %dma_wait3A_57] : memref<128x128xf32, #tpu.memory_space<vmem>> -> memref<120x128xf32, #tpu.memory_space<vmem>>
      %dma_wait3A_59 = arith.constant 0 : i32
      %dma_wait3A_60 = tpu.memref_slice %arg5[%arg0, %add3A_45, %dma_wait3A_59] : memref<2x10112x128xf32, #tpu.memory_space<hbm>> -> memref<1x120x128xf32, #tpu.memory_space<hbm>>
      %dma_wait3A_61 = tpu.memref_squeeze %dma_wait3A_60 : memref<1x120x128xf32, #tpu.memory_space<hbm>> -> memref<120x128xf32, #tpu.memory_space<hbm>>
      %dma_wait3A_62 = arith.constant 0 : i32
      %dma_wait3A_63 = tpu.memref_slice %arg5[%arg0, %add3A_45, %dma_wait3A_62] : memref<2x10112x128xf32, #tpu.memory_space<hbm>> -> memref<1x120x128xf32, #tpu.memory_space<hbm>>
      %dma_wait3A_64 = tpu.memref_squeeze %dma_wait3A_63 : memref<1x120x128xf32, #tpu.memory_space<hbm>> -> memref<120x128xf32, #tpu.memory_space<hbm>>
      %dma_wait3A_65 = arith.constant 0 : i32
      %dma_wait3A_66 = arith.constant 0 : i32
      %dma_wait3A_67 = tpu.memref_slice %arg8[%dma_wait3A_65, %dma_wait3A_66] : memref<128x128xf32, #tpu.memory_space<vmem>> -> memref<120x128xf32, #tpu.memory_space<vmem>>
      tpu.wait_dma2 semaphore(%run_scoped3A : memref<!tpu.dma_semaphore, #tpu.memory_space<semaphore_mem>>) src(%dma_wait3A_67 : memref<120x128xf32, #tpu.memory_space<vmem>>) dst(%dma_wait3A_64 : memref<120x128xf32, #tpu.memory_space<hbm>>)
      tpu.yield
    }) : () -> ()
    return
  }
}

module attributes {stable_mosaic.version = 14 : i64} {
  func.func @_lin_relu_body(%arg0: i32, %arg1: memref<2000x128xf32, #tpu.memory_space<vmem>>, %arg2: memref<128x128xf32, #tpu.memory_space<vmem>>, %arg3: memref<1x128xf32, #tpu.memory_space<vmem>>, %arg4: memref<2000x128xf32, #tpu.memory_space<vmem>>) attributes {dimension_semantics = [#tpu.dimension_semantics<arbitrary>], iteration_bounds = array<i64: 5>, scalar_prefetch = 0 : i64, scratch_operands = 0 : i64, tpu.core_type = #tpu.core_type<tc>, window_params = [{transform_indices = @transform_0, window_bounds = array<i64: 2000, 128>}, {pipeline_mode = #tpu.pipeline_mode<synchronous>, transform_indices = @transform_1, window_bounds = array<i64: 128, 128>}, {pipeline_mode = #tpu.pipeline_mode<synchronous>, transform_indices = @transform_2, window_bounds = array<i64: 1, 128>}, {transform_indices = @transform_3, window_bounds = array<i64: 2000, 128>}]} {
    %get3A = arith.constant 0 : index
    %get3A_0 = arith.constant 0 : index
    %get3A_1 = vector.load %arg1[%get3A, %get3A_0] : memref<2000x128xf32, #tpu.memory_space<vmem>>, vector<2000x128xf32>
    %get3A_2 = arith.constant 0 : index
    %get3A_3 = arith.constant 0 : index
    %get3A_4 = vector.load %arg2[%get3A_2, %get3A_3] : memref<128x128xf32, #tpu.memory_space<vmem>>, vector<128x128xf32>
    %dot_general3A = arith.constant dense<0.000000e+00> : vector<2000x128xf32>
    %dot_general3A_5 = tpu.matmul %get3A_1, %get3A_4, %dot_general3A {dimension_numbers = #tpu.dot_dimension_numbers<[1], [0], [0], [1], [0, 0, 1, 1], [], []>, transpose_lhs_hint = false} : vector<2000x128xf32>, vector<128x128xf32>, vector<2000x128xf32> -> vector<2000x128xf32>
    %get3A_6 = arith.constant 0 : index
    %get3A_7 = arith.constant 0 : index
    %get3A_8 = vector.load %arg3[%get3A_6, %get3A_7] : memref<1x128xf32, #tpu.memory_space<vmem>>, vector<1x128xf32>
    %add3A = vector.broadcast %get3A_8 : vector<1x128xf32> to vector<2000x128xf32>
    %add3A_9 = arith.addf %dot_general3A_5, %add3A : vector<2000x128xf32>
    %max3A = arith.constant 0.000000e+00 : f32
    %max3A_10 = vector.broadcast %max3A : f32 to vector<2000x128xf32>
    %max3A_11 = arith.maximumf %add3A_9, %max3A_10 : vector<2000x128xf32>
    %swap3A = arith.constant 0 : index
    %swap3A_12 = arith.constant 0 : index
    %swap3A_13 = vector.load %arg4[%swap3A, %swap3A_12] : memref<2000x128xf32, #tpu.memory_space<vmem>>, vector<2000x128xf32>
    tpu.vector_store %arg4[%swap3A, %swap3A_12], %max3A_11 {strides = array<i32>} : memref<2000x128xf32, #tpu.memory_space<vmem>>, vector<2000x128xf32>,
    return
  }
  func.func @transform_0(%arg0: i32) -> (i32, i32) {
    %c0_i32 = arith.constant 0 : i32
    %c0_i32_0 = arith.constant 0 : i32
    return %arg0, %c0_i32 : i32, i32
  }
  func.func @transform_1(%arg0: i32) -> (i32, i32) {
    %c0_i32 = arith.constant 0 : i32
    %c0_i32_0 = arith.constant 0 : i32
    %c0_i32_1 = arith.constant 0 : i32
    return %c0_i32, %c0_i32_0 : i32, i32
  }
  func.func @transform_2(%arg0: i32) -> (i32, i32) {
    %c0_i32 = arith.constant 0 : i32
    %c0_i32_0 = arith.constant 0 : i32
    %c0_i32_1 = arith.constant 0 : i32
    return %c0_i32, %c0_i32_0 : i32, i32
  }
  func.func @transform_3(%arg0: i32) -> (i32, i32) {
    %c0_i32 = arith.constant 0 : i32
    %c0_i32_0 = arith.constant 0 : i32
    return %arg0, %c0_i32 : i32, i32
  }
}

module attributes {stable_mosaic.version = 14 : i64} {
  func.func @_mid_body(%arg0: i32, %arg1: memref<2000x128xf32, #tpu.memory_space<vmem>>, %arg2: memref<2x2000x128xf32, #tpu.memory_space<vmem>>, %arg3: memref<2x2000x16xf32, #tpu.memory_space<vmem>>, %arg4: memref<128x128xf32, #tpu.memory_space<vmem>>, %arg5: memref<128x128xf32, #tpu.memory_space<vmem>>, %arg6: memref<1x128xf32, #tpu.memory_space<vmem>>, %arg7: memref<128x128xf32, #tpu.memory_space<vmem>>, %arg8: memref<1x128xf32, #tpu.memory_space<vmem>>, %arg9: memref<2000x128xf32, #tpu.memory_space<vmem>>, %arg10: memref<2000x128xf32, #tpu.memory_space<vmem>>) attributes {dimension_semantics = [#tpu.dimension_semantics<arbitrary>], iteration_bounds = array<i64: 5>, scalar_prefetch = 0 : i64, scratch_operands = 0 : i64, tpu.core_type = #tpu.core_type<tc>, window_params = [{transform_indices = @transform_0, window_bounds = array<i64: 2000, 128>}, {transform_indices = @transform_1, window_bounds = array<i64: 2, 2000, 128>}, {transform_indices = @transform_2, window_bounds = array<i64: 2, 2000, 16>}, {pipeline_mode = #tpu.pipeline_mode<synchronous>, transform_indices = @transform_3, window_bounds = array<i64: 128, 128>}, {pipeline_mode = #tpu.pipeline_mode<synchronous>, transform_indices = @transform_4, window_bounds = array<i64: 128, 128>}, {pipeline_mode = #tpu.pipeline_mode<synchronous>, transform_indices = @transform_5, window_bounds = array<i64: 1, 128>}, {pipeline_mode = #tpu.pipeline_mode<synchronous>, transform_indices = @transform_6, window_bounds = array<i64: 128, 128>}, {pipeline_mode = #tpu.pipeline_mode<synchronous>, transform_indices = @transform_7, window_bounds = array<i64: 1, 128>}, {transform_indices = @transform_8, window_bounds = array<i64: 2000, 128>}, {transform_indices = @transform_9, window_bounds = array<i64: 2000, 128>}]} {
    %get3A = arith.constant 0 : index
    %get3A_0 = arith.constant 0 : index
    %get3A_1 = arith.constant 0 : index
    %get3A_2 = vector.load %arg3[%get3A, %get3A_0, %get3A_1] : memref<2x2000x16xf32, #tpu.memory_space<vmem>>, vector<1x2000x1xf32>
    %get3A_3 = vector.shape_cast %get3A_2 : vector<1x2000x1xf32> to vector<2000x1xf32>
    %get3A_4 = arith.constant 1 : index
    %get3A_5 = arith.constant 0 : index
    %get3A_6 = arith.constant 0 : index
    %get3A_7 = vector.load %arg3[%get3A_4, %get3A_5, %get3A_6] : memref<2x2000x16xf32, #tpu.memory_space<vmem>>, vector<1x2000x1xf32>
    %get3A_8 = vector.shape_cast %get3A_7 : vector<1x2000x1xf32> to vector<2000x1xf32>
    %add3A = arith.addf %get3A_3, %get3A_8 : vector<2000x1xf32>
    %max3A = arith.constant 1.000000e+00 : f32
    %max3A_9 = vector.broadcast %max3A : f32 to vector<2000x1xf32>
    %max3A_10 = arith.maximumf %add3A, %max3A_9 : vector<2000x1xf32>
    %get3A_11 = arith.constant 0 : index
    %get3A_12 = arith.constant 0 : index
    %get3A_13 = arith.constant 0 : index
    %get3A_14 = vector.load %arg2[%get3A_11, %get3A_12, %get3A_13] : memref<2x2000x128xf32, #tpu.memory_space<vmem>>, vector<1x2000x128xf32>
    %get3A_15 = vector.shape_cast %get3A_14 : vector<1x2000x128xf32> to vector<2000x128xf32>
    %get3A_16 = arith.constant 1 : index
    %get3A_17 = arith.constant 0 : index
    %get3A_18 = arith.constant 0 : index
    %get3A_19 = vector.load %arg2[%get3A_16, %get3A_17, %get3A_18] : memref<2x2000x128xf32, #tpu.memory_space<vmem>>, vector<1x2000x128xf32>
    %get3A_20 = vector.shape_cast %get3A_19 : vector<1x2000x128xf32> to vector<2000x128xf32>
    %add3A_21 = arith.addf %get3A_15, %get3A_20 : vector<2000x128xf32>
    %div3A = vector.broadcast %max3A_10 : vector<2000x1xf32> to vector<2000x128xf32>
    %div3A_22 = arith.divf %add3A_21, %div3A : vector<2000x128xf32>
    %get3A_23 = arith.constant 0 : index
    %get3A_24 = arith.constant 0 : index
    %get3A_25 = vector.load %arg1[%get3A_23, %get3A_24] : memref<2000x128xf32, #tpu.memory_space<vmem>>, vector<2000x128xf32>
    %get3A_26 = arith.constant 0 : index
    %get3A_27 = arith.constant 0 : index
    %get3A_28 = vector.load %arg4[%get3A_26, %get3A_27] : memref<128x128xf32, #tpu.memory_space<vmem>>, vector<128x128xf32>
    %dot_general3A = arith.constant dense<0.000000e+00> : vector<2000x128xf32>
    %dot_general3A_29 = tpu.matmul %get3A_25, %get3A_28, %dot_general3A {dimension_numbers = #tpu.dot_dimension_numbers<[1], [0], [0], [1], [0, 0, 1, 1], [], []>, transpose_lhs_hint = false} : vector<2000x128xf32>, vector<128x128xf32>, vector<2000x128xf32> -> vector<2000x128xf32>
    %get3A_30 = arith.constant 0 : index
    %get3A_31 = arith.constant 0 : index
    %get3A_32 = vector.load %arg5[%get3A_30, %get3A_31] : memref<128x128xf32, #tpu.memory_space<vmem>>, vector<128x128xf32>
    %dot_general3A_33 = arith.constant dense<0.000000e+00> : vector<2000x128xf32>
    %dot_general3A_34 = tpu.matmul %div3A_22, %get3A_32, %dot_general3A_33 {dimension_numbers = #tpu.dot_dimension_numbers<[1], [0], [0], [1], [0, 0, 1, 1], [], []>, transpose_lhs_hint = false} : vector<2000x128xf32>, vector<128x128xf32>, vector<2000x128xf32> -> vector<2000x128xf32>
    %add3A_35 = arith.addf %dot_general3A_29, %dot_general3A_34 : vector<2000x128xf32>
    %get3A_36 = arith.constant 0 : index
    %get3A_37 = arith.constant 0 : index
    %get3A_38 = vector.load %arg6[%get3A_36, %get3A_37] : memref<1x128xf32, #tpu.memory_space<vmem>>, vector<1x128xf32>
    %add3A_39 = vector.broadcast %get3A_38 : vector<1x128xf32> to vector<2000x128xf32>
    %add3A_40 = arith.addf %add3A_35, %add3A_39 : vector<2000x128xf32>
    %max3A_41 = arith.constant 0.000000e+00 : f32
    %max3A_42 = vector.broadcast %max3A_41 : f32 to vector<2000x128xf32>
    %max3A_43 = arith.maximumf %add3A_40, %max3A_42 : vector<2000x128xf32>
    %mul3A = arith.mulf %max3A_43, %max3A_43 : vector<2000x128xf32>
    %reduce_sum3A = arith.constant dense<0.000000e+00> : vector<2000xf32>
    %reduce_sum3A_44 = vector.multi_reduction <add>, %mul3A, %reduce_sum3A [1] : vector<2000x128xf32> to vector<2000xf32>
    %broadcast_in_dim3A = vector.shape_cast %reduce_sum3A_44 : vector<2000xf32> to vector<2000x1xf32>
    %sqrt3A = math.sqrt %broadcast_in_dim3A : vector<2000x1xf32>
    %max3A_45 = arith.constant 9.99999996E-13 : f32
    %max3A_46 = vector.broadcast %max3A_45 : f32 to vector<2000x1xf32>
    %max3A_47 = arith.maximumf %sqrt3A, %max3A_46 : vector<2000x1xf32>
    %div3A_48 = vector.broadcast %max3A_47 : vector<2000x1xf32> to vector<2000x128xf32>
    %div3A_49 = arith.divf %max3A_43, %div3A_48 : vector<2000x128xf32>
    %swap3A = arith.constant 0 : index
    %swap3A_50 = arith.constant 0 : index
    %swap3A_51 = vector.load %arg9[%swap3A, %swap3A_50] : memref<2000x128xf32, #tpu.memory_space<vmem>>, vector<2000x128xf32>
    tpu.vector_store %arg9[%swap3A, %swap3A_50], %div3A_49 {strides = array<i32>} : memref<2000x128xf32, #tpu.memory_space<vmem>>, vector<2000x128xf32>,
    %get3A_52 = arith.constant 0 : index
    %get3A_53 = arith.constant 0 : index
    %get3A_54 = vector.load %arg7[%get3A_52, %get3A_53] : memref<128x128xf32, #tpu.memory_space<vmem>>, vector<128x128xf32>
    %dot_general3A_55 = arith.constant dense<0.000000e+00> : vector<2000x128xf32>
    %dot_general3A_56 = tpu.matmul %div3A_49, %get3A_54, %dot_general3A_55 {dimension_numbers = #tpu.dot_dimension_numbers<[1], [0], [0], [1], [0, 0, 1, 1], [], []>, transpose_lhs_hint = false} : vector<2000x128xf32>, vector<128x128xf32>, vector<2000x128xf32> -> vector<2000x128xf32>
    %get3A_57 = arith.constant 0 : index
    %get3A_58 = arith.constant 0 : index
    %get3A_59 = vector.load %arg8[%get3A_57, %get3A_58] : memref<1x128xf32, #tpu.memory_space<vmem>>, vector<1x128xf32>
    %add3A_60 = vector.broadcast %get3A_59 : vector<1x128xf32> to vector<2000x128xf32>
    %add3A_61 = arith.addf %dot_general3A_56, %add3A_60 : vector<2000x128xf32>
    %max3A_62 = arith.constant 0.000000e+00 : f32
    %max3A_63 = vector.broadcast %max3A_62 : f32 to vector<2000x128xf32>
    %max3A_64 = arith.maximumf %add3A_61, %max3A_63 : vector<2000x128xf32>
    %swap3A_65 = arith.constant 0 : index
    %swap3A_66 = arith.constant 0 : index
    %swap3A_67 = vector.load %arg10[%swap3A_65, %swap3A_66] : memref<2000x128xf32, #tpu.memory_space<vmem>>, vector<2000x128xf32>
    tpu.vector_store %arg10[%swap3A_65, %swap3A_66], %max3A_64 {strides = array<i32>} : memref<2000x128xf32, #tpu.memory_space<vmem>>, vector<2000x128xf32>,
    return
  }
  func.func @transform_0(%arg0: i32) -> (i32, i32) {
    %c0_i32 = arith.constant 0 : i32
    %c0_i32_0 = arith.constant 0 : i32
    return %arg0, %c0_i32 : i32, i32
  }
  func.func @transform_1(%arg0: i32) -> (i32, i32, i32) {
    %c0_i32 = arith.constant 0 : i32
    %c0_i32_0 = arith.constant 0 : i32
    %c0_i32_1 = arith.constant 0 : i32
    return %c0_i32, %arg0, %c0_i32_0 : i32, i32, i32
  }
  func.func @transform_2(%arg0: i32) -> (i32, i32, i32) {
    %c0_i32 = arith.constant 0 : i32
    %c0_i32_0 = arith.constant 0 : i32
    %c0_i32_1 = arith.constant 0 : i32
    return %c0_i32, %arg0, %c0_i32_0 : i32, i32, i32
  }
  func.func @transform_3(%arg0: i32) -> (i32, i32) {
    %c0_i32 = arith.constant 0 : i32
    %c0_i32_0 = arith.constant 0 : i32
    %c0_i32_1 = arith.constant 0 : i32
    return %c0_i32, %c0_i32_0 : i32, i32
  }
  func.func @transform_4(%arg0: i32) -> (i32, i32) {
    %c0_i32 = arith.constant 0 : i32
    %c0_i32_0 = arith.constant 0 : i32
    %c0_i32_1 = arith.constant 0 : i32
    return %c0_i32, %c0_i32_0 : i32, i32
  }
  func.func @transform_5(%arg0: i32) -> (i32, i32) {
    %c0_i32 = arith.constant 0 : i32
    %c0_i32_0 = arith.constant 0 : i32
    %c0_i32_1 = arith.constant 0 : i32
    return %c0_i32, %c0_i32_0 : i32, i32
  }
  func.func @transform_6(%arg0: i32) -> (i32, i32) {
    %c0_i32 = arith.constant 0 : i32
    %c0_i32_0 = arith.constant 0 : i32
    %c0_i32_1 = arith.constant 0 : i32
    return %c0_i32, %c0_i32_0 : i32, i32
  }
  func.func @transform_7(%arg0: i32) -> (i32, i32) {
    %c0_i32 = arith.constant 0 : i32
    %c0_i32_0 = arith.constant 0 : i32
    %c0_i32_1 = arith.constant 0 : i32
    return %c0_i32, %c0_i32_0 : i32, i32
  }
  func.func @transform_8(%arg0: i32) -> (i32, i32) {
    %c0_i32 = arith.constant 0 : i32
    %c0_i32_0 = arith.constant 0 : i32
    return %arg0, %c0_i32 : i32, i32
  }
  func.func @transform_9(%arg0: i32) -> (i32, i32) {
    %c0_i32 = arith.constant 0 : i32
    %c0_i32_0 = arith.constant 0 : i32
    return %arg0, %c0_i32 : i32, i32
  }
}

module attributes {stable_mosaic.version = 14 : i64} {
  func.func @_out_body(%arg0: i32, %arg1: memref<2000x128xf32, #tpu.memory_space<vmem>>, %arg2: memref<2x2000x128xf32, #tpu.memory_space<vmem>>, %arg3: memref<2x2000x16xf32, #tpu.memory_space<vmem>>, %arg4: memref<128x128xf32, #tpu.memory_space<vmem>>, %arg5: memref<128x128xf32, #tpu.memory_space<vmem>>, %arg6: memref<1x128xf32, #tpu.memory_space<vmem>>, %arg7: memref<128x128xf32, #tpu.memory_space<vmem>>, %arg8: memref<1x128xf32, #tpu.memory_space<vmem>>, %arg9: memref<128x64xf32, #tpu.memory_space<vmem>>, %arg10: memref<1x64xf32, #tpu.memory_space<vmem>>, %arg11: memref<2000x64xf32, #tpu.memory_space<vmem>>) attributes {dimension_semantics = [#tpu.dimension_semantics<arbitrary>], iteration_bounds = array<i64: 5>, scalar_prefetch = 0 : i64, scratch_operands = 0 : i64, tpu.core_type = #tpu.core_type<tc>, window_params = [{transform_indices = @transform_0, window_bounds = array<i64: 2000, 128>}, {transform_indices = @transform_1, window_bounds = array<i64: 2, 2000, 128>}, {transform_indices = @transform_2, window_bounds = array<i64: 2, 2000, 16>}, {pipeline_mode = #tpu.pipeline_mode<synchronous>, transform_indices = @transform_3, window_bounds = array<i64: 128, 128>}, {pipeline_mode = #tpu.pipeline_mode<synchronous>, transform_indices = @transform_4, window_bounds = array<i64: 128, 128>}, {pipeline_mode = #tpu.pipeline_mode<synchronous>, transform_indices = @transform_5, window_bounds = array<i64: 1, 128>}, {pipeline_mode = #tpu.pipeline_mode<synchronous>, transform_indices = @transform_6, window_bounds = array<i64: 128, 128>}, {pipeline_mode = #tpu.pipeline_mode<synchronous>, transform_indices = @transform_7, window_bounds = array<i64: 1, 128>}, {pipeline_mode = #tpu.pipeline_mode<synchronous>, transform_indices = @transform_8, window_bounds = array<i64: 128, 64>}, {pipeline_mode = #tpu.pipeline_mode<synchronous>, transform_indices = @transform_9, window_bounds = array<i64: 1, 64>}, {transform_indices = @transform_10, window_bounds = array<i64: 2000, 64>}]} {
    %get3A = arith.constant 0 : index
    %get3A_0 = arith.constant 0 : index
    %get3A_1 = arith.constant 0 : index
    %get3A_2 = vector.load %arg3[%get3A, %get3A_0, %get3A_1] : memref<2x2000x16xf32, #tpu.memory_space<vmem>>, vector<1x2000x1xf32>
    %get3A_3 = vector.shape_cast %get3A_2 : vector<1x2000x1xf32> to vector<2000x1xf32>
    %get3A_4 = arith.constant 1 : index
    %get3A_5 = arith.constant 0 : index
    %get3A_6 = arith.constant 0 : index
    %get3A_7 = vector.load %arg3[%get3A_4, %get3A_5, %get3A_6] : memref<2x2000x16xf32, #tpu.memory_space<vmem>>, vector<1x2000x1xf32>
    %get3A_8 = vector.shape_cast %get3A_7 : vector<1x2000x1xf32> to vector<2000x1xf32>
    %add3A = arith.addf %get3A_3, %get3A_8 : vector<2000x1xf32>
    %max3A = arith.constant 1.000000e+00 : f32
    %max3A_9 = vector.broadcast %max3A : f32 to vector<2000x1xf32>
    %max3A_10 = arith.maximumf %add3A, %max3A_9 : vector<2000x1xf32>
    %get3A_11 = arith.constant 0 : index
    %get3A_12 = arith.constant 0 : index
    %get3A_13 = arith.constant 0 : index
    %get3A_14 = vector.load %arg2[%get3A_11, %get3A_12, %get3A_13] : memref<2x2000x128xf32, #tpu.memory_space<vmem>>, vector<1x2000x128xf32>
    %get3A_15 = vector.shape_cast %get3A_14 : vector<1x2000x128xf32> to vector<2000x128xf32>
    %get3A_16 = arith.constant 1 : index
    %get3A_17 = arith.constant 0 : index
    %get3A_18 = arith.constant 0 : index
    %get3A_19 = vector.load %arg2[%get3A_16, %get3A_17, %get3A_18] : memref<2x2000x128xf32, #tpu.memory_space<vmem>>, vector<1x2000x128xf32>
    %get3A_20 = vector.shape_cast %get3A_19 : vector<1x2000x128xf32> to vector<2000x128xf32>
    %add3A_21 = arith.addf %get3A_15, %get3A_20 : vector<2000x128xf32>
    %div3A = vector.broadcast %max3A_10 : vector<2000x1xf32> to vector<2000x128xf32>
    %div3A_22 = arith.divf %add3A_21, %div3A : vector<2000x128xf32>
    %get3A_23 = arith.constant 0 : index
    %get3A_24 = arith.constant 0 : index
    %get3A_25 = vector.load %arg1[%get3A_23, %get3A_24] : memref<2000x128xf32, #tpu.memory_space<vmem>>, vector<2000x128xf32>
    %get3A_26 = arith.constant 0 : index
    %get3A_27 = arith.constant 0 : index
    %get3A_28 = vector.load %arg4[%get3A_26, %get3A_27] : memref<128x128xf32, #tpu.memory_space<vmem>>, vector<128x128xf32>
    %dot_general3A = arith.constant dense<0.000000e+00> : vector<2000x128xf32>
    %dot_general3A_29 = tpu.matmul %get3A_25, %get3A_28, %dot_general3A {dimension_numbers = #tpu.dot_dimension_numbers<[1], [0], [0], [1], [0, 0, 1, 1], [], []>, transpose_lhs_hint = false} : vector<2000x128xf32>, vector<128x128xf32>, vector<2000x128xf32> -> vector<2000x128xf32>
    %get3A_30 = arith.constant 0 : index
    %get3A_31 = arith.constant 0 : index
    %get3A_32 = vector.load %arg5[%get3A_30, %get3A_31] : memref<128x128xf32, #tpu.memory_space<vmem>>, vector<128x128xf32>
    %dot_general3A_33 = arith.constant dense<0.000000e+00> : vector<2000x128xf32>
    %dot_general3A_34 = tpu.matmul %div3A_22, %get3A_32, %dot_general3A_33 {dimension_numbers = #tpu.dot_dimension_numbers<[1], [0], [0], [1], [0, 0, 1, 1], [], []>, transpose_lhs_hint = false} : vector<2000x128xf32>, vector<128x128xf32>, vector<2000x128xf32> -> vector<2000x128xf32>
    %add3A_35 = arith.addf %dot_general3A_29, %dot_general3A_34 : vector<2000x128xf32>
    %get3A_36 = arith.constant 0 : index
    %get3A_37 = arith.constant 0 : index
    %get3A_38 = vector.load %arg6[%get3A_36, %get3A_37] : memref<1x128xf32, #tpu.memory_space<vmem>>, vector<1x128xf32>
    %add3A_39 = vector.broadcast %get3A_38 : vector<1x128xf32> to vector<2000x128xf32>
    %add3A_40 = arith.addf %add3A_35, %add3A_39 : vector<2000x128xf32>
    %max3A_41 = arith.constant 0.000000e+00 : f32
    %max3A_42 = vector.broadcast %max3A_41 : f32 to vector<2000x128xf32>
    %max3A_43 = arith.maximumf %add3A_40, %max3A_42 : vector<2000x128xf32>
    %mul3A = arith.mulf %max3A_43, %max3A_43 : vector<2000x128xf32>
    %reduce_sum3A = arith.constant dense<0.000000e+00> : vector<2000xf32>
    %reduce_sum3A_44 = vector.multi_reduction <add>, %mul3A, %reduce_sum3A [1] : vector<2000x128xf32> to vector<2000xf32>
    %broadcast_in_dim3A = vector.shape_cast %reduce_sum3A_44 : vector<2000xf32> to vector<2000x1xf32>
    %sqrt3A = math.sqrt %broadcast_in_dim3A : vector<2000x1xf32>
    %max3A_45 = arith.constant 9.99999996E-13 : f32
    %max3A_46 = vector.broadcast %max3A_45 : f32 to vector<2000x1xf32>
    %max3A_47 = arith.maximumf %sqrt3A, %max3A_46 : vector<2000x1xf32>
    %div3A_48 = vector.broadcast %max3A_47 : vector<2000x1xf32> to vector<2000x128xf32>
    %div3A_49 = arith.divf %max3A_43, %div3A_48 : vector<2000x128xf32>
    %get3A_50 = arith.constant 0 : index
    %get3A_51 = arith.constant 0 : index
    %get3A_52 = vector.load %arg7[%get3A_50, %get3A_51] : memref<128x128xf32, #tpu.memory_space<vmem>>, vector<128x128xf32>
    %dot_general3A_53 = arith.constant dense<0.000000e+00> : vector<2000x128xf32>
    %dot_general3A_54 = tpu.matmul %div3A_49, %get3A_52, %dot_general3A_53 {dimension_numbers = #tpu.dot_dimension_numbers<[1], [0], [0], [1], [0, 0, 1, 1], [], []>, transpose_lhs_hint = false} : vector<2000x128xf32>, vector<128x128xf32>, vector<2000x128xf32> -> vector<2000x128xf32>
    %get3A_55 = arith.constant 0 : index
    %get3A_56 = arith.constant 0 : index
    %get3A_57 = vector.load %arg8[%get3A_55, %get3A_56] : memref<1x128xf32, #tpu.memory_space<vmem>>, vector<1x128xf32>
    %add3A_58 = vector.broadcast %get3A_57 : vector<1x128xf32> to vector<2000x128xf32>
    %add3A_59 = arith.addf %dot_general3A_54, %add3A_58 : vector<2000x128xf32>
    %get3A_60 = arith.constant 0 : index
    %get3A_61 = arith.constant 0 : index
    %get3A_62 = vector.load %arg9[%get3A_60, %get3A_61] : memref<128x64xf32, #tpu.memory_space<vmem>>, vector<128x64xf32>
    %dot_general3A_63 = arith.constant dense<0.000000e+00> : vector<2000x64xf32>
    %dot_general3A_64 = tpu.matmul %add3A_59, %get3A_62, %dot_general3A_63 {dimension_numbers = #tpu.dot_dimension_numbers<[1], [0], [0], [1], [0, 0, 1, 1], [], []>, transpose_lhs_hint = false} : vector<2000x128xf32>, vector<128x64xf32>, vector<2000x64xf32> -> vector<2000x64xf32>
    %get3A_65 = arith.constant 0 : index
    %get3A_66 = arith.constant 0 : index
    %get3A_67 = vector.load %arg10[%get3A_65, %get3A_66] : memref<1x64xf32, #tpu.memory_space<vmem>>, vector<1x64xf32>
    %add3A_68 = vector.broadcast %get3A_67 : vector<1x64xf32> to vector<2000x64xf32>
    %add3A_69 = arith.addf %dot_general3A_64, %add3A_68 : vector<2000x64xf32>
    %reduce_max3A = arith.constant dense<0xFF800000> : vector<2000xf32>
    %reduce_max3A_70 = vector.multi_reduction <maximumf>, %add3A_69, %reduce_max3A [1] : vector<2000x64xf32> to vector<2000xf32>
    %broadcast_in_dim3A_71 = vector.shape_cast %reduce_max3A_70 : vector<2000xf32> to vector<2000x1xf32>
    %sub3A = vector.broadcast %broadcast_in_dim3A_71 : vector<2000x1xf32> to vector<2000x64xf32>
    %sub3A_72 = arith.subf %add3A_69, %sub3A : vector<2000x64xf32>
    %exp3A = math.exp %sub3A_72 : vector<2000x64xf32>
    %reduce_sum3A_73 = arith.constant dense<0.000000e+00> : vector<2000xf32>
    %reduce_sum3A_74 = vector.multi_reduction <add>, %exp3A, %reduce_sum3A_73 [1] : vector<2000x64xf32> to vector<2000xf32>
    %broadcast_in_dim3A_75 = vector.shape_cast %reduce_sum3A_74 : vector<2000xf32> to vector<2000x1xf32>
    %log3A = math.log %broadcast_in_dim3A_75 : vector<2000x1xf32>
    %add3A_76 = arith.addf %log3A, %broadcast_in_dim3A_71 : vector<2000x1xf32>
    %sub3A_77 = vector.broadcast %add3A_76 : vector<2000x1xf32> to vector<2000x64xf32>
    %sub3A_78 = arith.subf %add3A_69, %sub3A_77 : vector<2000x64xf32>
    %swap3A = arith.constant 0 : index
    %swap3A_79 = arith.constant 0 : index
    %swap3A_80 = vector.load %arg11[%swap3A, %swap3A_79] : memref<2000x64xf32, #tpu.memory_space<vmem>>, vector<2000x64xf32>
    tpu.vector_store %arg11[%swap3A, %swap3A_79], %sub3A_78 {strides = array<i32>} : memref<2000x64xf32, #tpu.memory_space<vmem>>, vector<2000x64xf32>,
    return
  }
  func.func @transform_0(%arg0: i32) -> (i32, i32) {
    %c0_i32 = arith.constant 0 : i32
    %c0_i32_0 = arith.constant 0 : i32
    return %arg0, %c0_i32 : i32, i32
  }
  func.func @transform_1(%arg0: i32) -> (i32, i32, i32) {
    %c0_i32 = arith.constant 0 : i32
    %c0_i32_0 = arith.constant 0 : i32
    %c0_i32_1 = arith.constant 0 : i32
    return %c0_i32, %arg0, %c0_i32_0 : i32, i32, i32
  }
  func.func @transform_2(%arg0: i32) -> (i32, i32, i32) {
    %c0_i32 = arith.constant 0 : i32
    %c0_i32_0 = arith.constant 0 : i32
    %c0_i32_1 = arith.constant 0 : i32
    return %c0_i32, %arg0, %c0_i32_0 : i32, i32, i32
  }
  func.func @transform_3(%arg0: i32) -> (i32, i32) {
    %c0_i32 = arith.constant 0 : i32
    %c0_i32_0 = arith.constant 0 : i32
    %c0_i32_1 = arith.constant 0 : i32
    return %c0_i32, %c0_i32_0 : i32, i32
  }
  func.func @transform_4(%arg0: i32) -> (i32, i32) {
    %c0_i32 = arith.constant 0 : i32
    %c0_i32_0 = arith.constant 0 : i32
    %c0_i32_1 = arith.constant 0 : i32
    return %c0_i32, %c0_i32_0 : i32, i32
  }
  func.func @transform_5(%arg0: i32) -> (i32, i32) {
    %c0_i32 = arith.constant 0 : i32
    %c0_i32_0 = arith.constant 0 : i32
    %c0_i32_1 = arith.constant 0 : i32
    return %c0_i32, %c0_i32_0 : i32, i32
  }
  func.func @transform_6(%arg0: i32) -> (i32, i32) {
    %c0_i32 = arith.constant 0 : i32
    %c0_i32_0 = arith.constant 0 : i32
    %c0_i32_1 = arith.constant 0 : i32
    return %c0_i32, %c0_i32_0 : i32, i32
  }
  func.func @transform_7(%arg0: i32) -> (i32, i32) {
    %c0_i32 = arith.constant 0 : i32
    %c0_i32_0 = arith.constant 0 : i32
    %c0_i32_1 = arith.constant 0 : i32
    return %c0_i32, %c0_i32_0 : i32, i32
  }
  func.func @transform_8(%arg0: i32) -> (i32, i32) {
    %c0_i32 = arith.constant 0 : i32
    %c0_i32_0 = arith.constant 0 : i32
    %c0_i32_1 = arith.constant 0 : i32
    return %c0_i32, %c0_i32_0 : i32, i32
  }
  func.func @transform_9(%arg0: i32) -> (i32, i32) {
    %c0_i32 = arith.constant 0 : i32
    %c0_i32_0 = arith.constant 0 : i32
    %c0_i32_1 = arith.constant 0 : i32
    return %c0_i32, %c0_i32_0 : i32, i32
  }
  func.func @transform_10(%arg0: i32) -> (i32, i32) {
    %c0_i32 = arith.constant 0 : i32
    %c0_i32_0 = arith.constant 0 : i32
    return %arg0, %c0_i32 : i32, i32
  }
}

</mosaic_0001>

<sc_bundles>
// kernel: kernel.11.cloned.1.call-start
scs
__scs_entry_jumppad:
0x0: {  	(pc) =	sbr.rel $0x88, $3  }
0x1: {  	(tag) =	ssettag $0x0;
	lr =	simm.s32 $0x1  }
0x2: {  	[smem:$0x3F93] =	sst lr;
	_ =	strace $0xD0000000  }
0x3: {  	_ = 	snop  }
0x4: {  	_ = 	snop  }
0x5: {  	_ = 	snop  }
0x6: {  	_ = 	snop  }
0x7: {  	_ = 	snop  }
__scs_overlays_trampoline_lowered:
0x8: {  	[smem:$0x3FA2] =	sst s0  }
0x9: {  	[smem:$0x3FA3] =	sst s1  }
0xa: {  	[smem:$0x3FA4] =	sst s2  }
0xb: {  	[smem:$0x3FA5] =	sst s3  }
0xc: {  	[smem:$0x3FA6] =	sst s4  }
0xd: {  	[smem:$0x3FA7] =	sst s5  }
0xe: {  	[smem:$0x3FA8] =	sst s6  }
0xf: {  	[smem:$0x3FA9] =	sst s7  }
0x10: {  	[smem:$0x3FAA] =	sst s8  }
0x11: {  	[smem:$0x3FAB] =	sst s9;
	s0 =	simm.s32 @!p0 $0x0  }
0x12: {  	s1 =	sld [smem:$0x3F91];
	s0 =	simm.s32 @p0 $0x1  }
0x13: {  	[smem:$0x3FAC] =	sst s0;
	s0 =	simm.s32 @!p1 $0x0  }
0x14: {  	s2 =	sld [smem:$0x3F90];
	s0 =	simm.s32 @p1 $0x1  }
0x15: {  	[smem:$0x3FAD] =	sst s0;
	s0 =	simm.s32 @!p2 $0x0  }
0x16: {  	s3 =	sld [smem:$0x3FDB];
	s0 =	simm.s32 @p2 $0x1  }
0x17: {  	s4 =	simm.s32 $0x1BF5;
	[smem:$0x3FAF] =	sst s0  }
0x18: {  	s0 =	sld [smem:$0x3F92];
	_ =	swait.ge [sflag:s4], $0x0  }
0x19: {  	s7 =	sld [smem:$0x3F93]  }
0x1a: {  	s8 =	sadd.s32 $0xFFFFE003, lr  }
0x1b: {  	s9 =	sadd.s32 $0xFFFFFEF7, lr;
	s5 =	simm.s32 $0xFFFFFFFF;
	p2 =	slt.u32 s8, $0xFFFFF086  }
0x1c: {  	p1 =	slt.u32 s9, $0xF7A;
	s5 =	simm.s32 @!p2 $0x0  }
0x1d: {  	s5 =	simm.s32 @p1 $0x1;
	p0 =	seq.s32 s7, s2  }
0x1e: {  	s7 =	smul.u32 @!p0 $0xF7A, s2;
	p2 =	seq.s32 @!p0 s5, $0x0  }
0x1f: {  	s9 =	smul.u32 $0xF7A, s1;
	s8 =	simm.s32 @!p0 $0x1BF5;
	p2 =	por !p2, p0  }
0x20: {  	[sflag:s8] =	ssyncset.s32 @!p0 $0xFFFFF086;
	s6 =	sadd.s32 @!p0 s3, s7;
	s7 =	simm.s32 @!p0 $0x108  }
0x21: {  	s3 =	sadd.s32 s3, s9;
	s6 =	sadd.s32 @!p0 $0x88, s6;
	s7 =	simm.s32 @p2 $0x1082  }
0x22: {  	[simem:s7], [sflag:s8] =	dma.local @!p0 [hbm:s6], $0xF7A  }
0x23: {  	s9 =	sor.u32 $0xD0000000, s2;
	s6 =	simm.s32 $0x108;
	_ =	swait.ge @!p0 [sflag:s8], $0x0  }
0x24: {  	s3 =	sadd.s32 $0x88, s3;
	s6 =	simm.s32 @!p1 $0x1082;
	[sflag:s4] =	ssyncset.s32 $0xFFFFF086  }
0x25: {  	[simem:s6], [sflag:s4] =	dma.local [hbm:s3], $0xF7A  }
0x26: {  	[smem:$0x3F93] =	sst s1;
	(tag) =	ssettag s2;
	_ =	strace s9  }
0x27: {  	s1 =	sld [smem:$0x3FA3]  }
0x28: {  	s2 =	sld [smem:$0x3FA4]  }
0x29: {  	s4 =	sld [smem:$0x3FA6]  }
0x2a: {  	p0 =	seq.s32 s5, $0x0;
	s5 =	sld [smem:$0x3FA7]  }
0x2b: {  	s6 =	sld [smem:$0x3FA8]  }
0x2c: {  	s7 =	sld [smem:$0x3FA9]  }
0x2d: {  	s3 =	simm.s32 $0x108;
	s8 =	sld [smem:$0x3FAA]  }
0x2e: {  	s3 =	simm.s32 @!p0 $0x1082;
	s9 =	sld [smem:$0x3FAB]  }
0x2f: {  	lr =	sadd.s32 s0, s3;
	s0 =	sld [smem:$0x3FA2]  }
0x30: {  	s3 =	sld [smem:$0x3FA5]  }
0x31: {  	[smem:$0x3FAE] =	sst s10  }
0x32: {  	s10 =	sld [smem:$0x3FAC];
	_ =	sdelay $0x3  }
0x33: {  	p0 =	seq.s32 s10, $0x1;
	s10 =	sld [smem:$0x3FAE];
	_ =	sdelay $0x3  }
0x34: {  	[smem:$0x3FAE] =	sst s10  }
0x35: {  	s10 =	sld [smem:$0x3FAD];
	_ =	sdelay $0x3  }
0x36: {  	p1 =	seq.s32 s10, $0x1;
	s10 =	sld [smem:$0x3FAE];
	_ =	sdelay $0x3  }
0x37: {  	[smem:$0x3FAE] =	sst s10  }
0x38: {  	s10 =	sld [smem:$0x3FAF]  }
0x39: {  	_ = 	snop;
	(pc) =	sbr.ind lr, $3  }
0x3a: {  	_ = 	snop  }
0x3b: {  	_ = 	snop  }
0x3c: {  	p2 =	seq.s32 s10, $0x1;
	s10 =	sld [smem:$0x3FAE]  }
0x3d: {  	_ =	shalt  }
0x3e: {  	_ =	shalt  }
0x3f: {  	_ =	shalt  }
0x40: {  	_ =	shalt  }
0x41: {  	_ =	shalt  }
0x42: {  	_ =	shalt  }
0x43: {  	_ =	shalt  }
0x44: {  	_ =	shalt  }
0x45: {  	_ =	shalt  }
0x46: {  	_ =	shalt  }
0x47: {  	_ =	shalt  }
0x48: {  	_ =	shalt  }
0x49: {  	_ =	shalt  }
0x4a: {  	_ =	shalt  }
0x4b: {  	_ =	shalt  }
0x4c: {  	_ =	shalt  }
0x4d: {  	_ =	shalt  }
0x4e: {  	_ =	shalt  }
0x4f: {  	_ =	shalt  }
0x50: {  	_ =	shalt  }
0x51: {  	_ =	shalt  }
0x52: {  	_ =	shalt  }
0x53: {  	_ =	shalt  }
0x54: {  	_ =	shalt  }
0x55: {  	_ =	shalt  }
0x56: {  	_ =	shalt  }
0x57: {  	_ =	shalt  }
0x58: {  	_ =	shalt  }
0x59: {  	_ =	shalt  }
0x5a: {  	_ =	shalt  }
0x5b: {  	_ =	shalt  }
0x5c: {  	_ =	shalt  }
0x5d: {  	_ =	shalt  }
0x5e: {  	_ =	shalt  }
0x5f: {  	_ =	shalt  }
0x60: {  	_ =	shalt  }
0x61: {  	_ =	shalt  }
0x62: {  	_ =	shalt  }
0x63: {  	_ =	shalt  }
0x64: {  	_ =	shalt  }
0x65: {  	_ =	shalt  }
0x66: {  	_ =	shalt  }
0x67: {  	_ =	shalt  }
0x68: {  	_ =	shalt  }
0x69: {  	_ =	shalt  }
0x6a: {  	_ =	shalt  }
0x6b: {  	_ =	shalt  }
0x6c: {  	_ =	shalt  }
0x6d: {  	_ =	shalt  }
0x6e: {  	_ =	shalt  }
0x6f: {  	_ =	shalt  }
0x70: {  	_ =	shalt  }
0x71: {  	_ =	shalt  }
0x72: {  	_ =	shalt  }
0x73: {  	_ =	shalt  }
0x74: {  	_ =	shalt  }
0x75: {  	_ =	shalt  }
0x76: {  	_ =	shalt  }
0x77: {  	_ =	shalt  }
0x78: {  	_ =	shalt  }
0x79: {  	_ =	shalt  }
0x7a: {  	_ =	shalt  }
0x7b: {  	_ =	shalt  }
0x7c: {  	_ =	shalt  }
0x7d: {  	_ =	shalt  }
0x7e: {  	_ =	shalt  }
0x7f: {  	_ =	shalt  }
0x80: {  	_ =	shalt  }
0x81: {  	_ =	shalt  }
0x82: {  	_ =	shalt  }
0x83: {  	_ =	shalt  }
0x84: {  	_ =	shalt  }
0x85: {  	_ =	shalt  }
0x86: {  	_ =	shalt  }
0x87: {  	_ =	shalt  }
.Lfunc_end0:
.L_simem_size_0:
called_computation.1_lowered:
.L_overlay_start_0:
0x88: {  	s2 =	sld [smem:$0x3FD9]  }
0x89: {  	s3 =	sld [smem:$0x3FFE];
	_ =	sdelay $0x1  }
0x8a: {  	s1 =	srdreg.scid  }
0x8b: {  	s0 =	sand.u32 $0x1, s1  }
0x8c: {  	s17 =	sshll.u32 s0, $0xA;
	s2 =	sadd.s32 s3, s2  }
0x8d: {  	s2 =	sadd.s32 s2, s17  }
0x8e: {  	[smem:$0x3FBA] =	sst s2  }
0x8f: {  	_ = 	snop  }
0x90: {  	s2 =	sld [smem:$0x3FD0];
	(tm) =	ssettm $0x1  }
0x91: {  	s18 =	sld [smem:$0x3FFB];
	_ =	sdelay $0x3  }
0x92: {  	_ =	strace s18  }
0x93: {  	s3 =	sld [smem:$0x3FFC];
	_ =	sdelay $0x3  }
0x94: {  	_ =	strace s3  }
0x95: {  	s3 =	sld [smem:$0x3FFD];
	_ =	sdelay $0x3  }
0x96: {  	_ =	strace s3  }
0x97: {  	_ =	strace $0x8FFFFFFF  }
0x98: {  	s19 =	sld [smem:$0x3FDB];
	_ =	sdelay $0x1  }
0x99: {  	s4 =	simm.s32 $_scs_section_size  }
0x9a: {  	s5 =	simm.s32 $_size__tile_overlayer_lowered;
	s6 =	simm.s32 $_tile_overlayer_lowered  }
0x9b: {  	s22 =	simm.s32 $0x1BFF;
	s21 =	sshll.u32 s6, $0x1;
	s3 =	sadd.s32 s4, s19  }
0x9c: {  	s7 =	simm.s32 $0x0;
	s20 =	sshll.u32 s5, $0x1;
	s5 =	sadd.s32 s21, s3  }
0x9d: {  	[timem:s7], [sflag:s22] =	dma.local [hbm:s5], s20  }
0x9e: {  	_ =	swait.ge [sflag:s22], s20  }
0x9f: {  	s4 =	ssub.s32 $0x0, s20;
	[sflag:s22] =	ssyncset.done $0x0  }
0xa0: {  	[sflag:s22] =	ssyncadd.s32 s4;
	_ =	sdelay $0x1  }
0xa1: {  	s23 =	simm.s32 $0x1B8B  }
0xa2: {  	_ =	swait.ge [sflag:s23], $0x1  }
0xa3: {  	[sflag:s23] =	ssyncset.done $0x0  }
0xa4: {  	s25 =	simm.s32 $0x1B8E;
	s24 =	sld [smem:$0x3FFE];
	[sflag:s23] =	ssyncadd.s32 $0xFFFFFFFF  }
0xa5: {  	s26 =	simm.s32 $execute0_lowered;
	[smem:$0x3FD2] =	sst s25  }
0xa6: {  	s5 =	sshll.u32 s26, $0x1;
	_ =	strace $0x80000046;
	[dreg:$0x1] =	wrdreg $0xFFFFFFFF  }
0xa7: {  	s28 =	simm.s32 $_size_execute0_lowered;
	s3 =	sadd.s32 s3, s5;
	[dreg:$0x0] =	wrdreg $0x0  }
0xa8: {  	s5 =	sshll.u32 s28, $0x1;
	[dreg:$0x2] =	wrdreg s3  }
0xa9: {  	[dreg:$0x3] =	wrdreg s5  }
0xaa: {  	[dreg:$0x4] =	wrdreg $0xC0  }
0xab: {  	_ =	task [dreg:s7], $0x5FFFF  }
0xac: {  	[dreg:$0x1] =	wrdreg $0xFFFFFFFF  }
0xad: {  	[dreg:$0x0] =	wrdreg $0x60  }
0xae: {  	[dreg:$0x2] =	wrdreg s24  }
0xaf: {  	[dreg:$0x3] =	wrdreg s2  }
0xb0: {  	[dreg:$0x4] =	wrdreg $0x90000  }
0xb1: {  	[dreg:$0x5] =	wrdreg $0xA  }
0xb2: {  	_ =	task.clear_ibuf [dreg:s7], $0x6FFFF;
	_ =	strace $0x90000046  }
0xb3: {  	s29 =	simm.s32 $0xA;
	_ =	strace $0x80000048  }
0xb4: {  	_ =	swait.ge [sflag:s29], $0x1  }
0xb5: {  	[sflag:s29] =	ssyncadd.s32 $0xFFFFFFFF  }
0xb6: {  	_ =	strace $0x90000048  }
0xb7: {  	_ =	sfence  }
0xb8: {  	s30 =	sld [smem:$0x0];
	_ =	sdelay $0x2  }
0xb9: {  	s31 =	sshll.u32 s1, $0xD;
	s1 =	sshrl.u32 s1, $0x2  }
0xba: {  	s3 =	sand.u32 $0x4000, s31;
	s1 =	sadd.s32 s1, s30  }
0xbb: {  	s0 =	sor.u32 s3, s0;
	s1 =	sshll.u32 s1, $0x11  }
0xbc: {  	s0 =	sor.u32 s1, s0  }
0xbd: {  	s0 =	sadd.s32 $0x8F2B, s0  }
0xbe: {  	[sflag:s0] =	ssyncadd.remote.s32 $0x1  }
0xbf: {  	_ =	sfence.sel $0xFFFF  }
0xc0: {  	[dreg:$0x0] =	wrdreg $0xFFFFFFFF;
	(pc) =	sbr.abs _section_cstart, $3  }
0xc1: {  	[dreg:$0x1] =	wrdreg $0xFFFFFFFF  }
0xc2: {  	_ =	task.clear_ibuf [dreg:s7], $0x2FFFF;
	_ =	strace $0x9FFFFFFF  }
0xc3: {  	(tm) =	ssettm $0x7FFFFFFF  }
tec
execute0_lowered:
.L_overlay_start_1:
0x0: {  	(tag) =	ssettag $0x1  }
0x1: {  	s0 =	rddreg [dreg:$0x0];
	s1 =	srdreg.scid  }
0x2: {  	s11 =	stileid.u32;
	s5 =	rddreg [dreg:$0x1]  }
0x3: {  	s2 =	rddreg [dreg:$0x2];
	s3 =	simm.s32 $0x0;
	s15 =	simm.s32 $0x880  }
0x4: {  	s16 =	simm.s32 $0x180;
	s17 =	simm.s32 $0x900;
	s18 =	simm.s32 $0x200  }
0x5: {  	s19 =	simm.s32 $0x980;
	s21 =	simm.s32 $0x280;
	s28 =	simm.s32 $0x500  }
0x6: {  	s29 =	simm.s32 $0xC80;
	s30 =	simm.s32 $0x580;
	[smem:$0x7FF] =	sst s3  }
0x7: {  	s4 =	smul.u32 $0x5000, s11;
	_ =	strace $0x80000047;
	[dreg:$0x7] =	wrdreg s15  }
0x8: {  	s31 =	simm.s32 $0xD00;
	s7 =	smul.u32 $0x4F000, s11;
	[dreg:$0x8] =	wrdreg s16  }
0x9: {  	s1 =	sand.u32 $0x1, s1;
	s11 =	smul.u32 $0x13C00, s11;
	[dreg:$0x9] =	wrdreg s17  }
0xa: {  	s6 =	smul.u32 $0x2800, s1;
	s9 =	ssub.s32 $0x2, s1;
	[dreg:$0xa] =	wrdreg s18  }
0xb: {  	s1 =	smul.u32 $0x13C000, s1;
	[dreg:$0xb] =	wrdreg s19;
	s16 =	simm.s32 $0x1000  }
0xc: {  	[dreg:$0xc] =	wrdreg s21;
	s17 =	simm.s32 $0x3;
	s18 =	simm.s32 $0x800  }
0xd: {  	s19 =	simm.s32 $0x80;
	s21 =	simm.s32 $0x1;
	s15 =	simm.s32 $0xF00  }
0xe: {  	s10 =	sshrl.u32 s9, $0x1;
	s7 =	sshrl.u32 s7, $0x2;
	s22 =	sadd.s32 $0x4000, s11  }
0xf: {  	s23 =	sadd.s32 $0x8000, s11;
	s25 =	sadd.s32 $0xC000, s11;
	s26 =	sadd.s32 $0x10000, s11  }
0x10: {  	s4 =	sadd.s32 s6, s4;
	s9 =	ssub.s32 s9, s10;
	s7 =	sadd.s32 s7, s2  }
0x11: {  	s12 =	sadd.s32 s22, s2;
	s24 =	sadd.s32 s23, s2;
	[dreg:$0x12] =	wrdreg s7  }
0x12: {  	s13 =	sadd.s32 s25, s2;
	s11 =	sadd.s32 s11, s1;
	[dreg:$0x13] =	wrdreg s12  }
0x13: {  	s14 =	sadd.s32 s26, s2;
	s10 =	sadd.s32 s1, s23;
	[dreg:$0x14] =	wrdreg s24  }
0x14: {  	s23 =	simm.s32 $0x300;
	s6 =	sshrl.u32 s4, $0x3;
	[dreg:$0x15] =	wrdreg s13  }
0x15: {  	s4 =	sadd.s32 $0x3000, s0;
	[dreg:$0x16] =	wrdreg s14;
	s11 =	sshrl.u32 s11, $0x3  }
0x16: {  	s7 =	sadd.s32 s1, s22;
	s12 =	sadd.s32 s1, s25;
	s14 =	simm.s32 $0x100  }
0x17: {  	s1 =	sadd.s32 s1, s26;
	s20 =	smax.u32 s9, $0x1;
	s22 =	simm.s32 $0xA00  }
0x18: {  	[dreg:$0xe] =	wrdreg s23;
	s24 =	simm.s32 $0xA80;
	s25 =	simm.s32 $0x380  }
0x19: {  	s26 =	simm.s32 $0xB00;
	s23 =	simm.s32 $0x400;
	[dreg:$0x6] =	wrdreg s14  }
0x1a: {  	s13 =	simm.s32 $0xE80;
	s8 =	sadd.s32 s6, s0;
	[dreg:$0x1c] =	wrdreg s20  }
0x1b: {  	s0 =	sadd.s32 $0x34200, s0;
	s7 =	sshrl.u32 s7, $0x3;
	[dreg:$0xd] =	wrdreg s22  }
0x1c: {  	s5 =	sadd.s32 s6, s5;
	s6 =	sshrl.u32 s12, $0x3;
	[dreg:$0xf] =	wrdreg s24  }
0x1d: {  	s1 =	sshrl.u32 s1, $0x3;
	s20 =	simm.s32 $0x5000;
	[dreg:$0x10] =	wrdreg s25  }
0x1e: {  	s22 =	simm.s32 $0x2;
	[dreg:$0x11] =	wrdreg s26;
	s24 =	simm.s32 $0xB80  }
0x1f: {  	s25 =	simm.s32 $0x480;
	s11 =	sadd.s32 s0, s11;
	[dreg:$0x5] =	wrdreg s5  }
0x20: {  	s26 =	simm.s32 $0xC00;
	s7 =	sadd.s32 s0, s7;
	[dreg:$0x17] =	wrdreg s11  }
0x21: {  	s12 =	simm.s32 $0x700;
	s8 =	sadd.s32 $0x2A200, s8;
	[dreg:$0x18] =	wrdreg s7  }
0x22: {  	s14 =	simm.s32 $0x780;
	s6 =	sadd.s32 s0, s6;
	[dreg:$0x4] =	wrdreg s8  }
0x23: {  	s5 =	simm.s32 $0xF80;
	s11 =	sshrl.u32 s10, $0x3;
	[dreg:$0x1a] =	wrdreg s6  }
0x24: {  	s10 =	simm.s32 $0x680;
	s7 =	sadd.s32 s0, s11;
	s0 =	sadd.s32 s0, s1  }
0x25: {  	s1 =	simm.s32 $0x600;
	s11 =	simm.s32 $0xE00;
	[dreg:$0x19] =	wrdreg s7  }
0x26: {  	v0 =	vimm.f32 $0.0e+00;
	[dreg:$0x1b] =	wrdreg s0;
	s0 =	simm.s32 $0xD80;
	s7 =	simm.s32 $0x0  }
.LBB2_1:
0x27: {  	[dreg:$0x1d] =	wrdreg s7;
	s7 =	simm.s32 $0x0;
	s8 =	simm.s32 $0x200  }
.LBB2_2:
0x28: {  	p0 =	sne.s32 s8, $0xFE00;
	[tilespmem:s7+$0x1070] =	vst v0  }
0x29: {  	[tilespmem:s7+$0x1000] =	vst v0  }
0x2a: {  	[tilespmem:s7+$0x1010] =	vst v0  }
.Ltmp0:
0x2b: {  	[tilespmem:s7+$0x1020] =	vst v0;
	(pc) =	sbr.rel @p0 .LBB2_2-.Ltmp0, $4  }
0x2c: {  	[tilespmem:s7+$0x1030] =	vst v0  }
0x2d: {  	[tilespmem:s7+$0x1040] =	vst v0  }
0x2e: {  	[tilespmem:s7+$0x1050] =	vst v0  }
0x2f: {  	[tilespmem:s7+$0x1060] =	vst v0;
	s7 =	sshra.s32 s8, $0x2;
	s8 =	sadd.s32 $0x200, s8  }
0x30: {  	[tilespmem:s7+$0x1070] =	vst v0  }
0x31: {  	[tilespmem:s7+$0x1000] =	vst v0  }
0x32: {  	[tilespmem:s7+$0x1010] =	vst v0  }
0x33: {  	[tilespmem:s7+$0x1020] =	vst v0  }
0x34: {  	[tilespmem:s7+$0x1030] =	vst v0  }
0x35: {  	[tilespmem:s7+$0x1040] =	vst v0  }
0x36: {  	[tilespmem:s7+$0x1050] =	vst v0  }
0x37: {  	[tilespmem:s7+$0x1060] =	vst v0;
	s6 =	rddreg [dreg:$0x12]  }
0x38: {  	[spmem:s6] =	stream.linear.scatter [tilespmem:s16], [sflag:$0x3], $0x4000, $0x38;
	[tilespmem:$0x1CC00] =	vst v63  }
0x39: {  	_ =	swait.ge [sflag:s17], $0x4000  }
0x3a: {  	[sflag:s17] =	ssyncset.done $0x0  }
0x3b: {  	s7 =	rddreg [dreg:$0x13];
	[sflag:s17] =	ssyncadd.s32 $0xFFFFC000  }
0x3c: {  	[spmem:s7] =	stream.linear.scatter [tilespmem:s16], [sflag:$0x3], $0x4000, $0x38;
	[tilespmem:$0x1CC00] =	vst v63  }
0x3d: {  	_ =	swait.ge [sflag:s17], $0x4000  }
0x3e: {  	[sflag:s17] =	ssyncset.done $0x0  }
0x3f: {  	s8 =	rddreg [dreg:$0x14];
	[sflag:s17] =	ssyncadd.s32 $0xFFFFC000  }
0x40: {  	[spmem:s8] =	stream.linear.scatter [tilespmem:s16], [sflag:$0x3], $0x4000, $0x38;
	[tilespmem:$0x1CC00] =	vst v63  }
0x41: {  	_ =	swait.ge [sflag:s17], $0x4000  }
0x42: {  	[sflag:s17] =	ssyncset.done $0x0  }
0x43: {  	s9 =	rddreg [dreg:$0x15];
	[sflag:s17] =	ssyncadd.s32 $0xFFFFC000  }
0x44: {  	[spmem:s9] =	stream.linear.scatter [tilespmem:s16], [sflag:$0x3], $0x4000, $0x38;
	[tilespmem:$0x1CC00] =	vst v63  }
0x45: {  	_ =	swait.ge [sflag:s17], $0x4000  }
0x46: {  	[sflag:s17] =	ssyncset.done $0x0  }
0x47: {  	s7 =	rddreg [dreg:$0x16];
	[sflag:s17] =	ssyncadd.s32 $0xFFFFC000  }
0x48: {  	[spmem:s7] =	stream.linear.scatter [tilespmem:s16], [sflag:$0x3], $0x3C00, $0x38;
	[tilespmem:$0x1CC00] =	vst v63  }
0x49: {  	_ =	swait.ge [sflag:s17], $0x3C00  }
0x4a: {  	[sflag:s17] =	ssyncset.done $0x0  }
0x4b: {  	[sflag:s17] =	ssyncadd.s32 $0xFFFFC400  }
0x4c: {  	[bflag:$0x0] =	sbarrier.arrive $0xFFFF  }
0x4d: {  	s8 =	rddreg [dreg:$0x5]  }
0x4e: {  	s7 =	sadd.s32 $0x0, s8  }
0x4f: {  	[tilespmem:s3], [sflag:$0x3] =	stream.linear.gather [hbm4b:s7+s3], $0x800, $0x38;
	[tilespmem:$0x1CC00] =	vst v63  }
0x50: {  	_ =	swait.ge [sflag:s17], $0x800  }
0x51: {  	s9 =	rddreg [dreg:$0x4];
	[sflag:s17] =	ssyncset.done $0x0  }
0x52: {  	[sflag:s17] =	ssyncadd.s32 $0xFFFFF800;
	s7 =	sadd.s32 $0x0, s9  }
0x53: {  	[tilespmem:s18], [sflag:$0x3] =	stream.linear.gather [hbm4b:s7+s3], $0x800, $0x38;
	[tilespmem:$0x1CC00] =	vst v63  }
0x54: {  	_ =	swait.ge [sflag:s17], $0x800  }
0x55: {  	[sflag:s17] =	ssyncset.done $0x0  }
0x56: {  	[sflag:s17] =	ssyncadd.s32 $0xFFFFF800  }
0x57: {  	[tilespmem:s16], [sflag:$0x1] =	stream.indirect.gather [hbm4b:s4+s19], $0x80, s3, s19, $0xb8;
	[tilespmem:$0x1CC00] =	vst v63  }
0x58: {  	_ = 	snop  }
0x59: {  	[tilespmem:s20], [sflag:$0x2] =	stream.indirect.gather [hbm4b:s4+s19], $0x80, s19, s19, $0xb8;
	[tilespmem:$0x1CC00] =	vst v63  }
0x5a: {  	_ =	swait.ge [sflag:s21], $0x4000  }
0x5b: {  	[sflag:s21] =	ssyncset.done $0x0  }
0x5c: {  	[sflag:s21] =	ssyncadd.s32 $0xFFFFC000  }
0x5d: {  	[spmem:s2] =	stream.indirect.scatter.add.f32 [tilespmem:s16], [sflag:$0x3], $0x80, s18, s19, $0xb8;
	[tilespmem:$0x1CC00] =	vst v63  }
0x5e: {  	_ =	swait.ge [sflag:s17], $0x4000  }
0x5f: {  	[sflag:s17] =	ssyncset.done $0x0  }
0x60: {  	s6 =	rddreg [dreg:$0x6];
	[sflag:s17] =	ssyncadd.s32 $0xFFFFC000  }
0x61: {  	[tilespmem:s16], [sflag:$0x1] =	stream.indirect.gather [hbm4b:s4+s19], $0x80, s6, s19, $0xb8;
	[tilespmem:$0x1CC00] =	vst v63  }
0x62: {  	_ =	swait.ge [sflag:s22], $0x4000  }
0x63: {  	[sflag:s22] =	ssyncset.done $0x0  }
0x64: {  	s8 =	rddreg [dreg:$0x7];
	[sflag:s22] =	ssyncadd.s32 $0xFFFFC000  }
0x65: {  	[spmem:s2] =	stream.indirect.scatter.add.f32 [tilespmem:s20], [sflag:$0x3], $0x80, s8, s19, $0xb8;
	[tilespmem:$0x1CC00] =	vst v63  }
0x66: {  	_ =	swait.ge [sflag:s17], $0x4000  }
0x67: {  	[sflag:s17] =	ssyncset.done $0x0  }
0x68: {  	s9 =	rddreg [dreg:$0x8];
	[sflag:s17] =	ssyncadd.s32 $0xFFFFC000  }
0x69: {  	[tilespmem:s20], [sflag:$0x2] =	stream.indirect.gather [hbm4b:s4+s19], $0x80, s9, s19, $0xb8;
	[tilespmem:$0x1CC00] =	vst v63  }
0x6a: {  	_ =	swait.ge [sflag:s21], $0x4000  }
0x6b: {  	[sflag:s21] =	ssyncset.done $0x0  }
0x6c: {  	s6 =	rddreg [dreg:$0x9];
	[sflag:s21] =	ssyncadd.s32 $0xFFFFC000  }
0x6d: {  	[spmem:s2] =	stream.indirect.scatter.add.f32 [tilespmem:s16], [sflag:$0x3], $0x80, s6, s19, $0xb8;
	[tilespmem:$0x1CC00] =	vst v63  }
0x6e: {  	_ =	swait.ge [sflag:s17], $0x4000  }
0x6f: {  	[sflag:s17] =	ssyncset.done $0x0  }
0x70: {  	s8 =	rddreg [dreg:$0xa];
	[sflag:s17] =	ssyncadd.s32 $0xFFFFC000  }
0x71: {  	[tilespmem:s16], [sflag:$0x1] =	stream.indirect.gather [hbm4b:s4+s19], $0x80, s8, s19, $0xb8;
	[tilespmem:$0x1CC00] =	vst v63  }
0x72: {  	_ =	swait.ge [sflag:s22], $0x4000  }
0x73: {  	[sflag:s22] =	ssyncset.done $0x0  }
0x74: {  	s9 =	rddreg [dreg:$0xb];
	[sflag:s22] =	ssyncadd.s32 $0xFFFFC000  }
0x75: {  	[spmem:s2] =	stream.indirect.scatter.add.f32 [tilespmem:s20], [sflag:$0x3], $0x80, s9, s19, $0xb8;
	[tilespmem:$0x1CC00] =	vst v63  }
0x76: {  	_ =	swait.ge [sflag:s17], $0x4000  }
0x77: {  	[sflag:s17] =	ssyncset.done $0x0  }
0x78: {  	s6 =	rddreg [dreg:$0xc];
	[sflag:s17] =	ssyncadd.s32 $0xFFFFC000  }
0x79: {  	[tilespmem:s20], [sflag:$0x2] =	stream.indirect.gather [hbm4b:s4+s19], $0x80, s6, s19, $0xb8;
	[tilespmem:$0x1CC00] =	vst v63  }
0x7a: {  	_ =	swait.ge [sflag:s21], $0x4000  }
0x7b: {  	[sflag:s21] =	ssyncset.done $0x0  }
0x7c: {  	s8 =	rddreg [dreg:$0xd];
	[sflag:s21] =	ssyncadd.s32 $0xFFFFC000  }
0x7d: {  	[spmem:s2] =	stream.indirect.scatter.add.f32 [tilespmem:s16], [sflag:$0x3], $0x80, s8, s19, $0xb8;
	[tilespmem:$0x1CC00] =	vst v63  }
0x7e: {  	_ =	swait.ge [sflag:s17], $0x4000  }
0x7f: {  	[sflag:s17] =	ssyncset.done $0x0  }
0x80: {  	s9 =	rddreg [dreg:$0xe];
	[sflag:s17] =	ssyncadd.s32 $0xFFFFC000  }
0x81: {  	[tilespmem:s16], [sflag:$0x1] =	stream.indirect.gather [hbm4b:s4+s19], $0x80, s9, s19, $0xb8;
	[tilespmem:$0x1CC00] =	vst v63  }
0x82: {  	_ =	swait.ge [sflag:s22], $0x4000  }
0x83: {  	[sflag:s22] =	ssyncset.done $0x0  }
0x84: {  	s6 =	rddreg [dreg:$0xf];
	[sflag:s22] =	ssyncadd.s32 $0xFFFFC000  }
0x85: {  	[spmem:s2] =	stream.indirect.scatter.add.f32 [tilespmem:s20], [sflag:$0x3], $0x80, s6, s19, $0xb8;
	[tilespmem:$0x1CC00] =	vst v63  }
0x86: {  	_ =	swait.ge [sflag:s17], $0x4000  }
0x87: {  	[sflag:s17] =	ssyncset.done $0x0  }
0x88: {  	s8 =	rddreg [dreg:$0x10];
	[sflag:s17] =	ssyncadd.s32 $0xFFFFC000  }
0x89: {  	[tilespmem:s20], [sflag:$0x2] =	stream.indirect.gather [hbm4b:s4+s19], $0x80, s8, s19, $0xb8;
	[tilespmem:$0x1CC00] =	vst v63  }
0x8a: {  	_ =	swait.ge [sflag:s21], $0x4000  }
0x8b: {  	[sflag:s21] =	ssyncset.done $0x0  }
0x8c: {  	s9 =	rddreg [dreg:$0x11];
	[sflag:s21] =	ssyncadd.s32 $0xFFFFC000  }
0x8d: {  	[spmem:s2] =	stream.indirect.scatter.add.f32 [tilespmem:s16], [sflag:$0x3], $0x80, s9, s19, $0xb8;
	[tilespmem:$0x1CC00] =	vst v63  }
0x8e: {  	_ =	swait.ge [sflag:s17], $0x4000  }
0x8f: {  	[sflag:s17] =	ssyncset.done $0x0  }
0x90: {  	[sflag:s17] =	ssyncadd.s32 $0xFFFFC000  }
0x91: {  	[tilespmem:s16], [sflag:$0x1] =	stream.indirect.gather [hbm4b:s4+s19], $0x80, s23, s19, $0xb8;
	[tilespmem:$0x1CC00] =	vst v63  }
0x92: {  	_ =	swait.ge [sflag:s22], $0x4000  }
0x93: {  	[sflag:s22] =	ssyncset.done $0x0  }
0x94: {  	[sflag:s22] =	ssyncadd.s32 $0xFFFFC000  }
0x95: {  	[spmem:s2] =	stream.indirect.scatter.add.f32 [tilespmem:s20], [sflag:$0x3], $0x80, s24, s19, $0xb8;
	[tilespmem:$0x1CC00] =	vst v63  }
0x96: {  	_ =	swait.ge [sflag:s17], $0x4000  }
0x97: {  	[sflag:s17] =	ssyncset.done $0x0  }
0x98: {  	[sflag:s17] =	ssyncadd.s32 $0xFFFFC000  }
0x99: {  	[tilespmem:s20], [sflag:$0x2] =	stream.indirect.gather [hbm4b:s4+s19], $0x80, s25, s19, $0xb8;
	[tilespmem:$0x1CC00] =	vst v63  }
0x9a: {  	_ =	swait.ge [sflag:s21], $0x4000  }
0x9b: {  	[sflag:s21] =	ssyncset.done $0x0  }
0x9c: {  	[sflag:s21] =	ssyncadd.s32 $0xFFFFC000  }
0x9d: {  	[spmem:s2] =	stream.indirect.scatter.add.f32 [tilespmem:s16], [sflag:$0x3], $0x80, s26, s19, $0xb8;
	[tilespmem:$0x1CC00] =	vst v63  }
0x9e: {  	_ =	swait.ge [sflag:s17], $0x4000  }
0x9f: {  	[sflag:s17] =	ssyncset.done $0x0  }
0xa0: {  	[sflag:s17] =	ssyncadd.s32 $0xFFFFC000  }
0xa1: {  	[tilespmem:s16], [sflag:$0x1] =	stream.indirect.gather [hbm4b:s4+s19], $0x80, s28, s19, $0xb8;
	[tilespmem:$0x1CC00] =	vst v63  }
0xa2: {  	_ =	swait.ge [sflag:s22], $0x4000  }
0xa3: {  	[sflag:s22] =	ssyncset.done $0x0  }
0xa4: {  	[sflag:s22] =	ssyncadd.s32 $0xFFFFC000  }
0xa5: {  	[spmem:s2] =	stream.indirect.scatter.add.f32 [tilespmem:s20], [sflag:$0x3], $0x80, s29, s19, $0xb8;
	[tilespmem:$0x1CC00] =	vst v63  }
0xa6: {  	_ =	swait.ge [sflag:s17], $0x4000  }
0xa7: {  	[sflag:s17] =	ssyncset.done $0x0  }
0xa8: {  	[sflag:s17] =	ssyncadd.s32 $0xFFFFC000  }
0xa9: {  	[tilespmem:s20], [sflag:$0x2] =	stream.indirect.gather [hbm4b:s4+s19], $0x80, s30, s19, $0xb8;
	[tilespmem:$0x1CC00] =	vst v63  }
0xaa: {  	_ =	swait.ge [sflag:s21], $0x4000  }
0xab: {  	[sflag:s21] =	ssyncset.done $0x0  }
0xac: {  	[sflag:s21] =	ssyncadd.s32 $0xFFFFC000  }
0xad: {  	[spmem:s2] =	stream.indirect.scatter.add.f32 [tilespmem:s16], [sflag:$0x3], $0x80, s31, s19, $0xb8;
	[tilespmem:$0x1CC00] =	vst v63  }
0xae: {  	_ =	swait.ge [sflag:s17], $0x4000  }
0xaf: {  	[sflag:s17] =	ssyncset.done $0x0  }
0xb0: {  	[sflag:s17] =	ssyncadd.s32 $0xFFFFC000  }
0xb1: {  	[tilespmem:s16], [sflag:$0x1] =	stream.indirect.gather [hbm4b:s4+s19], $0x80, s1, s19, $0xb8;
	[tilespmem:$0x1CC00] =	vst v63  }
0xb2: {  	_ =	swait.ge [sflag:s22], $0x4000  }
0xb3: {  	[sflag:s22] =	ssyncset.done $0x0  }
0xb4: {  	[sflag:s22] =	ssyncadd.s32 $0xFFFFC000  }
0xb5: {  	[spmem:s2] =	stream.indirect.scatter.add.f32 [tilespmem:s20], [sflag:$0x3], $0x80, s0, s19, $0xb8;
	[tilespmem:$0x1CC00] =	vst v63  }
0xb6: {  	_ =	swait.ge [sflag:s17], $0x4000  }
0xb7: {  	[sflag:s17] =	ssyncset.done $0x0  }
0xb8: {  	[sflag:s17] =	ssyncadd.s32 $0xFFFFC000  }
0xb9: {  	[tilespmem:s20], [sflag:$0x2] =	stream.indirect.gather [hbm4b:s4+s19], $0x80, s10, s19, $0xb8;
	[tilespmem:$0x1CC00] =	vst v63  }
0xba: {  	_ =	swait.ge [sflag:s21], $0x4000  }
0xbb: {  	[sflag:s21] =	ssyncset.done $0x0  }
0xbc: {  	[sflag:s21] =	ssyncadd.s32 $0xFFFFC000  }
0xbd: {  	[spmem:s2] =	stream.indirect.scatter.add.f32 [tilespmem:s16], [sflag:$0x3], $0x80, s11, s19, $0xb8;
	[tilespmem:$0x1CC00] =	vst v63  }
0xbe: {  	_ =	swait.ge [sflag:s17], $0x4000  }
0xbf: {  	[sflag:s17] =	ssyncset.done $0x0  }
0xc0: {  	[sflag:s17] =	ssyncadd.s32 $0xFFFFC000  }
0xc1: {  	[tilespmem:s16], [sflag:$0x1] =	stream.indirect.gather [hbm4b:s4+s19], $0x80, s12, s19, $0xb8;
	[tilespmem:$0x1CC00] =	vst v63  }
0xc2: {  	_ =	swait.ge [sflag:s22], $0x4000  }
0xc3: {  	[sflag:s22] =	ssyncset.done $0x0  }
0xc4: {  	[sflag:s22] =	ssyncadd.s32 $0xFFFFC000  }
0xc5: {  	[spmem:s2] =	stream.indirect.scatter.add.f32 [tilespmem:s20], [sflag:$0x3], $0x80, s13, s19, $0xb8;
	[tilespmem:$0x1CC00] =	vst v63  }
0xc6: {  	_ =	swait.ge [sflag:s17], $0x4000  }
0xc7: {  	[sflag:s17] =	ssyncset.done $0x0  }
0xc8: {  	[sflag:s17] =	ssyncadd.s32 $0xFFFFC000  }
0xc9: {  	[tilespmem:s20], [sflag:$0x2] =	stream.indirect.gather [hbm4b:s4+s19], $0x80, s14, s19, $0xb8;
	[tilespmem:$0x1CC00] =	vst v63  }
0xca: {  	_ =	swait.ge [sflag:s21], $0x4000  }
0xcb: {  	[sflag:s21] =	ssyncset.done $0x0  }
0xcc: {  	[sflag:s21] =	ssyncadd.s32 $0xFFFFC000  }
0xcd: {  	[spmem:s2] =	stream.indirect.scatter.add.f32 [tilespmem:s16], [sflag:$0x3], $0x80, s15, s19, $0xb8;
	[tilespmem:$0x1CC00] =	vst v63  }
0xce: {  	_ =	swait.ge [sflag:s17], $0x4000  }
0xcf: {  	[sflag:s17] =	ssyncset.done $0x0  }
0xd0: {  	[sflag:s17] =	ssyncadd.s32 $0xFFFFC000  }
0xd1: {  	_ =	swait.ge [sflag:s22], $0x4000  }
0xd2: {  	[sflag:s22] =	ssyncset.done $0x0  }
0xd3: {  	[sflag:s22] =	ssyncadd.s32 $0xFFFFC000  }
0xd4: {  	[spmem:s2] =	stream.indirect.scatter.add.f32 [tilespmem:s20], [sflag:$0x3], $0x80, s5, s19, $0xb8;
	[tilespmem:$0x1CC00] =	vst v63  }
0xd5: {  	s7 =	simm.s32 $0x100;
	_ =	swait.ge [sflag:s17], $0x4000  }
0xd6: {  	s8 =	simm.s32 $0x200;
	s9 =	rddreg [dreg:$0x5];
	[sflag:s17] =	ssyncset.done $0x0  }
.LBB2_4:
0xd7: {  	[sflag:s17] =	ssyncadd.s32 $0xFFFFC000;
	s9 =	sadd.s32 s7, s9  }
0xd8: {  	[tilespmem:s3], [sflag:$0x3] =	stream.linear.gather [hbm4b:s9+s3], $0x800, $0x38;
	[tilespmem:$0x1CC00] =	vst v63  }
0xd9: {  	_ =	swait.ge [sflag:s17], $0x800  }
0xda: {  	s9 =	rddreg [dreg:$0x4];
	[sflag:s17] =	ssyncset.done $0x0  }
0xdb: {  	[sflag:s17] =	ssyncadd.s32 $0xFFFFF800;
	s9 =	sadd.s32 s7, s9  }
0xdc: {  	[tilespmem:s18], [sflag:$0x3] =	stream.linear.gather [hbm4b:s9+s3], $0x800, $0x38;
	[tilespmem:$0x1CC00] =	vst v63  }
0xdd: {  	_ =	swait.ge [sflag:s17], $0x800  }
0xde: {  	[sflag:s17] =	ssyncset.done $0x0  }
0xdf: {  	[sflag:s17] =	ssyncadd.s32 $0xFFFFF800  }
0xe0: {  	[tilespmem:s16], [sflag:$0x1] =	stream.indirect.gather [hbm4b:s4+s19], $0x80, s3, s19, $0xb8;
	[tilespmem:$0x1CC00] =	vst v63  }
0xe1: {  	_ = 	snop  }
0xe2: {  	[tilespmem:s20], [sflag:$0x2] =	stream.indirect.gather [hbm4b:s4+s19], $0x80, s19, s19, $0xb8;
	[tilespmem:$0x1CC00] =	vst v63  }
0xe3: {  	_ =	swait.ge [sflag:s21], $0x4000  }
0xe4: {  	[sflag:s21] =	ssyncset.done $0x0  }
0xe5: {  	[sflag:s21] =	ssyncadd.s32 $0xFFFFC000  }
0xe6: {  	[spmem:s2] =	stream.indirect.scatter.add.f32 [tilespmem:s16], [sflag:$0x3], $0x80, s18, s19, $0xb8;
	[tilespmem:$0x1CC00] =	vst v63  }
0xe7: {  	_ =	swait.ge [sflag:s17], $0x4000  }
0xe8: {  	[sflag:s17] =	ssyncset.done $0x0  }
0xe9: {  	s9 =	rddreg [dreg:$0x6];
	[sflag:s17] =	ssyncadd.s32 $0xFFFFC000  }
0xea: {  	[tilespmem:s16], [sflag:$0x1] =	stream.indirect.gather [hbm4b:s4+s19], $0x80, s9, s19, $0xb8;
	[tilespmem:$0x1CC00] =	vst v63  }
0xeb: {  	_ =	swait.ge [sflag:s22], $0x4000  }
0xec: {  	[sflag:s22] =	ssyncset.done $0x0  }
0xed: {  	s9 =	rddreg [dreg:$0x7];
	[sflag:s22] =	ssyncadd.s32 $0xFFFFC000  }
0xee: {  	[spmem:s2] =	stream.indirect.scatter.add.f32 [tilespmem:s20], [sflag:$0x3], $0x80, s9, s19, $0xb8;
	[tilespmem:$0x1CC00] =	vst v63  }
0xef: {  	_ =	swait.ge [sflag:s17], $0x4000  }
0xf0: {  	[sflag:s17] =	ssyncset.done $0x0  }
0xf1: {  	s9 =	rddreg [dreg:$0x8];
	[sflag:s17] =	ssyncadd.s32 $0xFFFFC000  }
0xf2: {  	[tilespmem:s20], [sflag:$0x2] =	stream.indirect.gather [hbm4b:s4+s19], $0x80, s9, s19, $0xb8;
	[tilespmem:$0x1CC00] =	vst v63  }
0xf3: {  	_ =	swait.ge [sflag:s21], $0x4000  }
0xf4: {  	[sflag:s21] =	ssyncset.done $0x0  }
0xf5: {  	s9 =	rddreg [dreg:$0x9];
	[sflag:s21] =	ssyncadd.s32 $0xFFFFC000  }
0xf6: {  	[spmem:s2] =	stream.indirect.scatter.add.f32 [tilespmem:s16], [sflag:$0x3], $0x80, s9, s19, $0xb8;
	[tilespmem:$0x1CC00] =	vst v63  }
0xf7: {  	_ =	swait.ge [sflag:s17], $0x4000  }
0xf8: {  	[sflag:s17] =	ssyncset.done $0x0  }
0xf9: {  	s9 =	rddreg [dreg:$0xa];
	[sflag:s17] =	ssyncadd.s32 $0xFFFFC000  }
0xfa: {  	[tilespmem:s16], [sflag:$0x1] =	stream.indirect.gather [hbm4b:s4+s19], $0x80, s9, s19, $0xb8;
	[tilespmem:$0x1CC00] =	vst v63  }
0xfb: {  	_ =	swait.ge [sflag:s22], $0x4000  }
0xfc: {  	[sflag:s22] =	ssyncset.done $0x0  }
0xfd: {  	s9 =	rddreg [dreg:$0xb];
	[sflag:s22] =	ssyncadd.s32 $0xFFFFC000  }
0xfe: {  	[spmem:s2] =	stream.indirect.scatter.add.f32 [tilespmem:s20], [sflag:$0x3], $0x80, s9, s19, $0xb8;
	[tilespmem:$0x1CC00] =	vst v63  }
0xff: {  	_ =	swait.ge [sflag:s17], $0x4000  }
0x100: {  	[sflag:s17] =	ssyncset.done $0x0  }
0x101: {  	s9 =	rddreg [dreg:$0xc];
	[sflag:s17] =	ssyncadd.s32 $0xFFFFC000  }
0x102: {  	[tilespmem:s20], [sflag:$0x2] =	stream.indirect.gather [hbm4b:s4+s19], $0x80, s9, s19, $0xb8;
	[tilespmem:$0x1CC00] =	vst v63  }
0x103: {  	_ =	swait.ge [sflag:s21], $0x4000  }
0x104: {  	[sflag:s21] =	ssyncset.done $0x0  }
0x105: {  	s9 =	rddreg [dreg:$0xd];
	[sflag:s21] =	ssyncadd.s32 $0xFFFFC000  }
0x106: {  	[spmem:s2] =	stream.indirect.scatter.add.f32 [tilespmem:s16], [sflag:$0x3], $0x80, s9, s19, $0xb8;
	[tilespmem:$0x1CC00] =	vst v63  }
0x107: {  	_ =	swait.ge [sflag:s17], $0x4000  }
0x108: {  	[sflag:s17] =	ssyncset.done $0x0  }
0x109: {  	s9 =	rddreg [dreg:$0xe];
	[sflag:s17] =	ssyncadd.s32 $0xFFFFC000  }
0x10a: {  	[tilespmem:s16], [sflag:$0x1] =	stream.indirect.gather [hbm4b:s4+s19], $0x80, s9, s19, $0xb8;
	[tilespmem:$0x1CC00] =	vst v63  }
0x10b: {  	_ =	swait.ge [sflag:s22], $0x4000  }
0x10c: {  	[sflag:s22] =	ssyncset.done $0x0  }
0x10d: {  	s9 =	rddreg [dreg:$0xf];
	[sflag:s22] =	ssyncadd.s32 $0xFFFFC000  }
0x10e: {  	[spmem:s2] =	stream.indirect.scatter.add.f32 [tilespmem:s20], [sflag:$0x3], $0x80, s9, s19, $0xb8;
	[tilespmem:$0x1CC00] =	vst v63  }
0x10f: {  	_ =	swait.ge [sflag:s17], $0x4000  }
0x110: {  	[sflag:s17] =	ssyncset.done $0x0  }
0x111: {  	s9 =	rddreg [dreg:$0x10];
	[sflag:s17] =	ssyncadd.s32 $0xFFFFC000  }
0x112: {  	[tilespmem:s20], [sflag:$0x2] =	stream.indirect.gather [hbm4b:s4+s19], $0x80, s9, s19, $0xb8;
	[tilespmem:$0x1CC00] =	vst v63  }
0x113: {  	_ =	swait.ge [sflag:s21], $0x4000  }
0x114: {  	[sflag:s21] =	ssyncset.done $0x0  }
0x115: {  	s9 =	rddreg [dreg:$0x11];
	[sflag:s21] =	ssyncadd.s32 $0xFFFFC000  }
0x116: {  	[spmem:s2] =	stream.indirect.scatter.add.f32 [tilespmem:s16], [sflag:$0x3], $0x80, s9, s19, $0xb8;
	[tilespmem:$0x1CC00] =	vst v63  }
0x117: {  	_ =	swait.ge [sflag:s17], $0x4000  }
0x118: {  	[sflag:s17] =	ssyncset.done $0x0  }
0x119: {  	[sflag:s17] =	ssyncadd.s32 $0xFFFFC000  }
0x11a: {  	[tilespmem:s16], [sflag:$0x1] =	stream.indirect.gather [hbm4b:s4+s19], $0x80, s23, s19, $0xb8;
	[tilespmem:$0x1CC00] =	vst v63  }
0x11b: {  	_ =	swait.ge [sflag:s22], $0x4000  }
0x11c: {  	[sflag:s22] =	ssyncset.done $0x0  }
0x11d: {  	[sflag:s22] =	ssyncadd.s32 $0xFFFFC000  }
0x11e: {  	[spmem:s2] =	stream.indirect.scatter.add.f32 [tilespmem:s20], [sflag:$0x3], $0x80, s24, s19, $0xb8;
	[tilespmem:$0x1CC00] =	vst v63  }
0x11f: {  	_ =	swait.ge [sflag:s17], $0x4000  }
0x120: {  	[sflag:s17] =	ssyncset.done $0x0  }
0x121: {  	[sflag:s17] =	ssyncadd.s32 $0xFFFFC000  }
0x122: {  	[tilespmem:s20], [sflag:$0x2] =	stream.indirect.gather [hbm4b:s4+s19], $0x80, s25, s19, $0xb8;
	[tilespmem:$0x1CC00] =	vst v63  }
0x123: {  	_ =	swait.ge [sflag:s21], $0x4000  }
0x124: {  	[sflag:s21] =	ssyncset.done $0x0  }
0x125: {  	[sflag:s21] =	ssyncadd.s32 $0xFFFFC000  }
0x126: {  	[spmem:s2] =	stream.indirect.scatter.add.f32 [tilespmem:s16], [sflag:$0x3], $0x80, s26, s19, $0xb8;
	[tilespmem:$0x1CC00] =	vst v63  }
0x127: {  	_ =	swait.ge [sflag:s17], $0x4000  }
0x128: {  	[sflag:s17] =	ssyncset.done $0x0  }
0x129: {  	[sflag:s17] =	ssyncadd.s32 $0xFFFFC000  }
0x12a: {  	[tilespmem:s16], [sflag:$0x1] =	stream.indirect.gather [hbm4b:s4+s19], $0x80, s28, s19, $0xb8;
	[tilespmem:$0x1CC00] =	vst v63  }
0x12b: {  	_ =	swait.ge [sflag:s22], $0x4000  }
0x12c: {  	[sflag:s22] =	ssyncset.done $0x0  }
0x12d: {  	[sflag:s22] =	ssyncadd.s32 $0xFFFFC000  }
0x12e: {  	[spmem:s2] =	stream.indirect.scatter.add.f32 [tilespmem:s20], [sflag:$0x3], $0x80, s29, s19, $0xb8;
	[tilespmem:$0x1CC00] =	vst v63  }
0x12f: {  	_ =	swait.ge [sflag:s17], $0x4000  }
0x130: {  	[sflag:s17] =	ssyncset.done $0x0  }
0x131: {  	[sflag:s17] =	ssyncadd.s32 $0xFFFFC000  }
0x132: {  	[tilespmem:s20], [sflag:$0x2] =	stream.indirect.gather [hbm4b:s4+s19], $0x80, s30, s19, $0xb8;
	[tilespmem:$0x1CC00] =	vst v63  }
0x133: {  	_ =	swait.ge [sflag:s21], $0x4000  }
0x134: {  	[sflag:s21] =	ssyncset.done $0x0  }
0x135: {  	[sflag:s21] =	ssyncadd.s32 $0xFFFFC000  }
0x136: {  	[spmem:s2] =	stream.indirect.scatter.add.f32 [tilespmem:s16], [sflag:$0x3], $0x80, s31, s19, $0xb8;
	[tilespmem:$0x1CC00] =	vst v63  }
0x137: {  	_ =	swait.ge [sflag:s17], $0x4000  }
0x138: {  	[sflag:s17] =	ssyncset.done $0x0  }
0x139: {  	[sflag:s17] =	ssyncadd.s32 $0xFFFFC000  }
0x13a: {  	[tilespmem:s16], [sflag:$0x1] =	stream.indirect.gather [hbm4b:s4+s19], $0x80, s1, s19, $0xb8;
	[tilespmem:$0x1CC00] =	vst v63  }
0x13b: {  	_ =	swait.ge [sflag:s22], $0x4000  }
0x13c: {  	[sflag:s22] =	ssyncset.done $0x0  }
0x13d: {  	[sflag:s22] =	ssyncadd.s32 $0xFFFFC000  }
0x13e: {  	[spmem:s2] =	stream.indirect.scatter.add.f32 [tilespmem:s20], [sflag:$0x3], $0x80, s0, s19, $0xb8;
	[tilespmem:$0x1CC00] =	vst v63  }
0x13f: {  	_ =	swait.ge [sflag:s17], $0x4000  }
0x140: {  	[sflag:s17] =	ssyncset.done $0x0  }
0x141: {  	[sflag:s17] =	ssyncadd.s32 $0xFFFFC000  }
0x142: {  	[tilespmem:s20], [sflag:$0x2] =	stream.indirect.gather [hbm4b:s4+s19], $0x80, s10, s19, $0xb8;
	[tilespmem:$0x1CC00] =	vst v63  }
0x143: {  	_ =	swait.ge [sflag:s21], $0x4000  }
0x144: {  	[sflag:s21] =	ssyncset.done $0x0  }
0x145: {  	[sflag:s21] =	ssyncadd.s32 $0xFFFFC000  }
0x146: {  	[spmem:s2] =	stream.indirect.scatter.add.f32 [tilespmem:s16], [sflag:$0x3], $0x80, s11, s19, $0xb8;
	[tilespmem:$0x1CC00] =	vst v63  }
0x147: {  	_ =	swait.ge [sflag:s17], $0x4000  }
0x148: {  	[sflag:s17] =	ssyncset.done $0x0  }
0x149: {  	[sflag:s17] =	ssyncadd.s32 $0xFFFFC000  }
0x14a: {  	[tilespmem:s16], [sflag:$0x1] =	stream.indirect.gather [hbm4b:s4+s19], $0x80, s12, s19, $0xb8;
	[tilespmem:$0x1CC00] =	vst v63  }
0x14b: {  	_ =	swait.ge [sflag:s22], $0x4000  }
0x14c: {  	[sflag:s22] =	ssyncset.done $0x0  }
0x14d: {  	[sflag:s22] =	ssyncadd.s32 $0xFFFFC000  }
0x14e: {  	[spmem:s2] =	stream.indirect.scatter.add.f32 [tilespmem:s20], [sflag:$0x3], $0x80, s13, s19, $0xb8;
	[tilespmem:$0x1CC00] =	vst v63  }
0x14f: {  	_ =	swait.ge [sflag:s17], $0x4000  }
0x150: {  	[sflag:s17] =	ssyncset.done $0x0  }
0x151: {  	[sflag:s17] =	ssyncadd.s32 $0xFFFFC000  }
0x152: {  	[tilespmem:s20], [sflag:$0x2] =	stream.indirect.gather [hbm4b:s4+s19], $0x80, s14, s19, $0xb8;
	[tilespmem:$0x1CC00] =	vst v63  }
0x153: {  	_ =	swait.ge [sflag:s21], $0x4000  }
0x154: {  	[sflag:s21] =	ssyncset.done $0x0  }
0x155: {  	[sflag:s21] =	ssyncadd.s32 $0xFFFFC000  }
0x156: {  	[spmem:s2] =	stream.indirect.scatter.add.f32 [tilespmem:s16], [sflag:$0x3], $0x80, s15, s19, $0xb8;
	[tilespmem:$0x1CC00] =	vst v63  }
0x157: {  	_ =	swait.ge [sflag:s17], $0x4000  }
0x158: {  	[sflag:s17] =	ssyncset.done $0x0  }
0x159: {  	[sflag:s17] =	ssyncadd.s32 $0xFFFFC000  }
0x15a: {  	p0 =	sne.s32 s8, $0x400;
	_ =	swait.ge [sflag:s22], $0x4000  }
.Ltmp1:
0x15b: {  	[sflag:s22] =	ssyncset.done $0x0;
	(pc) =	sbr.rel @p0 .LBB2_4-.Ltmp1, $4  }
0x15c: {  	[sflag:s22] =	ssyncadd.s32 $0xFFFFC000  }
0x15d: {  	[spmem:s2] =	stream.indirect.scatter.add.f32 [tilespmem:s20], [sflag:$0x3], $0x80, s5, s19, $0xb8;
	[tilespmem:$0x1CC00] =	vst v63  }
0x15e: {  	s6 =	smov.u32 s8;
	s8 =	sadd.s32 $0x100, s8;
	_ =	swait.ge [sflag:s17], $0x4000  }
0x15f: {  	s7 =	smov.u32 s6;
	s9 =	rddreg [dreg:$0x5];
	[sflag:s17] =	ssyncset.done $0x0  }
0x160: {  	[sflag:s17] =	ssyncadd.s32 $0xFFFFC000;
	s6 =	sadd.s32 s7, s9  }
0x161: {  	[tilespmem:s3], [sflag:$0x3] =	stream.linear.gather [hbm4b:s6+s3], $0x800, $0x38;
	[tilespmem:$0x1CC00] =	vst v63  }
0x162: {  	_ =	swait.ge [sflag:s17], $0x800  }
0x163: {  	s9 =	rddreg [dreg:$0x4];
	[sflag:s17] =	ssyncset.done $0x0  }
0x164: {  	s6 =	sadd.s32 s7, s9;
	[sflag:s17] =	ssyncadd.s32 $0xFFFFF800  }
0x165: {  	[tilespmem:s18], [sflag:$0x3] =	stream.linear.gather [hbm4b:s6+s3], $0x800, $0x38;
	[tilespmem:$0x1CC00] =	vst v63  }
0x166: {  	_ =	swait.ge [sflag:s17], $0x800  }
0x167: {  	[sflag:s17] =	ssyncset.done $0x0  }
0x168: {  	[sflag:s17] =	ssyncadd.s32 $0xFFFFF800  }
0x169: {  	[tilespmem:s16], [sflag:$0x1] =	stream.indirect.gather [hbm4b:s4+s19], $0x80, s3, s19, $0xb8;
	[tilespmem:$0x1CC00] =	vst v63  }
0x16a: {  	_ = 	snop  }
0x16b: {  	[tilespmem:s20], [sflag:$0x2] =	stream.indirect.gather [hbm4b:s4+s19], $0x80, s19, s19, $0xb8;
	[tilespmem:$0x1CC00] =	vst v63  }
0x16c: {  	_ =	swait.ge [sflag:s21], $0x4000  }
0x16d: {  	[sflag:s21] =	ssyncset.done $0x0  }
0x16e: {  	[sflag:s21] =	ssyncadd.s32 $0xFFFFC000  }
0x16f: {  	[spmem:s2] =	stream.indirect.scatter.add.f32 [tilespmem:s16], [sflag:$0x3], $0x80, s18, s19, $0xb8;
	[tilespmem:$0x1CC00] =	vst v63  }
0x170: {  	_ =	swait.ge [sflag:s17], $0x4000  }
0x171: {  	[sflag:s17] =	ssyncset.done $0x0  }
0x172: {  	s7 =	rddreg [dreg:$0x6];
	[sflag:s17] =	ssyncadd.s32 $0xFFFFC000  }
0x173: {  	[tilespmem:s16], [sflag:$0x1] =	stream.indirect.gather [hbm4b:s4+s19], $0x80, s7, s19, $0xb8;
	[tilespmem:$0x1CC00] =	vst v63  }
0x174: {  	_ =	swait.ge [sflag:s22], $0x4000  }
0x175: {  	[sflag:s22] =	ssyncset.done $0x0  }
0x176: {  	s8 =	rddreg [dreg:$0x7];
	[sflag:s22] =	ssyncadd.s32 $0xFFFFC000  }
0x177: {  	[spmem:s2] =	stream.indirect.scatter.add.f32 [tilespmem:s20], [sflag:$0x3], $0x80, s8, s19, $0xb8;
	[tilespmem:$0x1CC00] =	vst v63  }
0x178: {  	_ =	swait.ge [sflag:s17], $0x4000  }
0x179: {  	[sflag:s17] =	ssyncset.done $0x0  }
0x17a: {  	s9 =	rddreg [dreg:$0x8];
	[sflag:s17] =	ssyncadd.s32 $0xFFFFC000  }
0x17b: {  	[tilespmem:s20], [sflag:$0x2] =	stream.indirect.gather [hbm4b:s4+s19], $0x80, s9, s19, $0xb8;
	[tilespmem:$0x1CC00] =	vst v63  }
0x17c: {  	_ =	swait.ge [sflag:s21], $0x4000  }
0x17d: {  	[sflag:s21] =	ssyncset.done $0x0  }
0x17e: {  	s7 =	rddreg [dreg:$0x9];
	[sflag:s21] =	ssyncadd.s32 $0xFFFFC000  }
0x17f: {  	[spmem:s2] =	stream.indirect.scatter.add.f32 [tilespmem:s16], [sflag:$0x3], $0x80, s7, s19, $0xb8;
	[tilespmem:$0x1CC00] =	vst v63  }
0x180: {  	_ =	swait.ge [sflag:s17], $0x4000  }
0x181: {  	[sflag:s17] =	ssyncset.done $0x0  }
0x182: {  	s8 =	rddreg [dreg:$0xa];
	[sflag:s17] =	ssyncadd.s32 $0xFFFFC000  }
0x183: {  	[tilespmem:s16], [sflag:$0x1] =	stream.indirect.gather [hbm4b:s4+s19], $0x80, s8, s19, $0xb8;
	[tilespmem:$0x1CC00] =	vst v63  }
0x184: {  	_ =	swait.ge [sflag:s22], $0x4000  }
0x185: {  	[sflag:s22] =	ssyncset.done $0x0  }
0x186: {  	s9 =	rddreg [dreg:$0xb];
	[sflag:s22] =	ssyncadd.s32 $0xFFFFC000  }
0x187: {  	[spmem:s2] =	stream.indirect.scatter.add.f32 [tilespmem:s20], [sflag:$0x3], $0x80, s9, s19, $0xb8;
	[tilespmem:$0x1CC00] =	vst v63  }
0x188: {  	_ =	swait.ge [sflag:s17], $0x4000  }
0x189: {  	[sflag:s17] =	ssyncset.done $0x0  }
0x18a: {  	s7 =	rddreg [dreg:$0xc];
	[sflag:s17] =	ssyncadd.s32 $0xFFFFC000  }
0x18b: {  	[tilespmem:s20], [sflag:$0x2] =	stream.indirect.gather [hbm4b:s4+s19], $0x80, s7, s19, $0xb8;
	[tilespmem:$0x1CC00] =	vst v63  }
0x18c: {  	_ =	swait.ge [sflag:s21], $0x4000  }
0x18d: {  	[sflag:s21] =	ssyncset.done $0x0  }
0x18e: {  	s8 =	rddreg [dreg:$0xd];
	[sflag:s21] =	ssyncadd.s32 $0xFFFFC000  }
0x18f: {  	[spmem:s2] =	stream.indirect.scatter.add.f32 [tilespmem:s16], [sflag:$0x3], $0x80, s8, s19, $0xb8;
	[tilespmem:$0x1CC00] =	vst v63  }
0x190: {  	_ =	swait.ge [sflag:s17], $0x4000  }
0x191: {  	[sflag:s17] =	ssyncset.done $0x0  }
0x192: {  	s9 =	rddreg [dreg:$0xe];
	[sflag:s17] =	ssyncadd.s32 $0xFFFFC000  }
0x193: {  	[tilespmem:s16], [sflag:$0x1] =	stream.indirect.gather [hbm4b:s4+s19], $0x80, s9, s19, $0xb8;
	[tilespmem:$0x1CC00] =	vst v63  }
0x194: {  	_ =	swait.ge [sflag:s22], $0x4000  }
0x195: {  	[sflag:s22] =	ssyncset.done $0x0  }
0x196: {  	s7 =	rddreg [dreg:$0xf];
	[sflag:s22] =	ssyncadd.s32 $0xFFFFC000  }
0x197: {  	[spmem:s2] =	stream.indirect.scatter.add.f32 [tilespmem:s20], [sflag:$0x3], $0x80, s7, s19, $0xb8;
	[tilespmem:$0x1CC00] =	vst v63  }
0x198: {  	_ =	swait.ge [sflag:s17], $0x4000  }
0x199: {  	[sflag:s17] =	ssyncset.done $0x0  }
0x19a: {  	s8 =	rddreg [dreg:$0x10];
	[sflag:s17] =	ssyncadd.s32 $0xFFFFC000  }
0x19b: {  	[tilespmem:s20], [sflag:$0x2] =	stream.indirect.gather [hbm4b:s4+s19], $0x80, s8, s19, $0xb8;
	[tilespmem:$0x1CC00] =	vst v63  }
0x19c: {  	_ =	swait.ge [sflag:s21], $0x4000  }
0x19d: {  	[sflag:s21] =	ssyncset.done $0x0  }
0x19e: {  	s9 =	rddreg [dreg:$0x11];
	[sflag:s21] =	ssyncadd.s32 $0xFFFFC000  }
0x19f: {  	[spmem:s2] =	stream.indirect.scatter.add.f32 [tilespmem:s16], [sflag:$0x3], $0x80, s9, s19, $0xb8;
	[tilespmem:$0x1CC00] =	vst v63  }
0x1a0: {  	_ =	swait.ge [sflag:s17], $0x4000  }
0x1a1: {  	[sflag:s17] =	ssyncset.done $0x0  }
0x1a2: {  	[sflag:s17] =	ssyncadd.s32 $0xFFFFC000  }
0x1a3: {  	[tilespmem:s16], [sflag:$0x1] =	stream.indirect.gather [hbm4b:s4+s19], $0x80, s23, s19, $0xb8;
	[tilespmem:$0x1CC00] =	vst v63  }
0x1a4: {  	_ =	swait.ge [sflag:s22], $0x4000  }
0x1a5: {  	[sflag:s22] =	ssyncset.done $0x0  }
0x1a6: {  	[sflag:s22] =	ssyncadd.s32 $0xFFFFC000  }
0x1a7: {  	[spmem:s2] =	stream.indirect.scatter.add.f32 [tilespmem:s20], [sflag:$0x3], $0x80, s24, s19, $0xb8;
	[tilespmem:$0x1CC00] =	vst v63  }
0x1a8: {  	_ =	swait.ge [sflag:s17], $0x4000  }
0x1a9: {  	[sflag:s17] =	ssyncset.done $0x0  }
0x1aa: {  	[sflag:s17] =	ssyncadd.s32 $0xFFFFC000  }
0x1ab: {  	[tilespmem:s20], [sflag:$0x2] =	stream.indirect.gather [hbm4b:s4+s19], $0x80, s25, s19, $0xb8;
	[tilespmem:$0x1CC00] =	vst v63  }
0x1ac: {  	_ =	swait.ge [sflag:s21], $0x4000  }
0x1ad: {  	[sflag:s21] =	ssyncset.done $0x0  }
0x1ae: {  	[sflag:s21] =	ssyncadd.s32 $0xFFFFC000  }
0x1af: {  	[spmem:s2] =	stream.indirect.scatter.add.f32 [tilespmem:s16], [sflag:$0x3], $0x80, s26, s19, $0xb8;
	[tilespmem:$0x1CC00] =	vst v63  }
0x1b0: {  	_ =	swait.ge [sflag:s17], $0x4000  }
0x1b1: {  	[sflag:s17] =	ssyncset.done $0x0  }
0x1b2: {  	[sflag:s17] =	ssyncadd.s32 $0xFFFFC000  }
0x1b3: {  	[tilespmem:s16], [sflag:$0x1] =	stream.indirect.gather [hbm4b:s4+s19], $0x80, s28, s19, $0xb8;
	[tilespmem:$0x1CC00] =	vst v63  }
0x1b4: {  	_ =	swait.ge [sflag:s22], $0x4000  }
0x1b5: {  	[sflag:s22] =	ssyncset.done $0x0  }
0x1b6: {  	[sflag:s22] =	ssyncadd.s32 $0xFFFFC000  }
0x1b7: {  	[spmem:s2] =	stream.indirect.scatter.add.f32 [tilespmem:s20], [sflag:$0x3], $0x80, s29, s19, $0xb8;
	[tilespmem:$0x1CC00] =	vst v63  }
0x1b8: {  	_ =	swait.ge [sflag:s17], $0x4000  }
0x1b9: {  	[sflag:s17] =	ssyncset.done $0x0  }
0x1ba: {  	[sflag:s17] =	ssyncadd.s32 $0xFFFFC000  }
0x1bb: {  	[tilespmem:s20], [sflag:$0x2] =	stream.indirect.gather [hbm4b:s4+s19], $0x80, s30, s19, $0xb8;
	[tilespmem:$0x1CC00] =	vst v63  }
0x1bc: {  	_ =	swait.ge [sflag:s21], $0x4000  }
0x1bd: {  	[sflag:s21] =	ssyncset.done $0x0  }
0x1be: {  	[sflag:s21] =	ssyncadd.s32 $0xFFFFC000  }
0x1bf: {  	[spmem:s2] =	stream.indirect.scatter.add.f32 [tilespmem:s16], [sflag:$0x3], $0x80, s31, s19, $0xb8;
	[tilespmem:$0x1CC00] =	vst v63  }
0x1c0: {  	_ =	swait.ge [sflag:s17], $0x4000  }
0x1c1: {  	[sflag:s17] =	ssyncset.done $0x0  }
0x1c2: {  	[sflag:s17] =	ssyncadd.s32 $0xFFFFC000  }
0x1c3: {  	[tilespmem:s16], [sflag:$0x1] =	stream.indirect.gather [hbm4b:s4+s19], $0x80, s1, s19, $0xb8;
	[tilespmem:$0x1CC00] =	vst v63  }
0x1c4: {  	_ =	swait.ge [sflag:s22], $0x4000  }
0x1c5: {  	[sflag:s22] =	ssyncset.done $0x0  }
0x1c6: {  	[sflag:s22] =	ssyncadd.s32 $0xFFFFC000  }
0x1c7: {  	[spmem:s2] =	stream.indirect.scatter.add.f32 [tilespmem:s20], [sflag:$0x3], $0x80, s0, s19, $0xb8;
	[tilespmem:$0x1CC00] =	vst v63  }
0x1c8: {  	_ =	swait.ge [sflag:s17], $0x4000  }
0x1c9: {  	[sflag:s17] =	ssyncset.done $0x0  }
0x1ca: {  	[sflag:s17] =	ssyncadd.s32 $0xFFFFC000  }
0x1cb: {  	[tilespmem:s20], [sflag:$0x2] =	stream.indirect.gather [hbm4b:s4+s19], $0x80, s10, s19, $0xb8;
	[tilespmem:$0x1CC00] =	vst v63  }
0x1cc: {  	_ =	swait.ge [sflag:s21], $0x4000  }
0x1cd: {  	[sflag:s21] =	ssyncset.done $0x0  }
0x1ce: {  	[sflag:s21] =	ssyncadd.s32 $0xFFFFC000  }
0x1cf: {  	[spmem:s2] =	stream.indirect.scatter.add.f32 [tilespmem:s16], [sflag:$0x3], $0x80, s11, s19, $0xb8;
	[tilespmem:$0x1CC00] =	vst v63  }
0x1d0: {  	_ =	swait.ge [sflag:s17], $0x4000  }
0x1d1: {  	[sflag:s17] =	ssyncset.done $0x0  }
0x1d2: {  	[sflag:s17] =	ssyncadd.s32 $0xFFFFC000  }
0x1d3: {  	[tilespmem:s16], [sflag:$0x1] =	stream.indirect.gather [hbm4b:s4+s19], $0x80, s12, s19, $0xb8;
	[tilespmem:$0x1CC00] =	vst v63  }
0x1d4: {  	_ =	swait.ge [sflag:s22], $0x4000  }
0x1d5: {  	[sflag:s22] =	ssyncset.done $0x0  }
0x1d6: {  	[sflag:s22] =	ssyncadd.s32 $0xFFFFC000  }
0x1d7: {  	[spmem:s2] =	stream.indirect.scatter.add.f32 [tilespmem:s20], [sflag:$0x3], $0x80, s13, s19, $0xb8;
	[tilespmem:$0x1CC00] =	vst v63  }
0x1d8: {  	_ =	swait.ge [sflag:s17], $0x4000  }
0x1d9: {  	[sflag:s17] =	ssyncset.done $0x0  }
0x1da: {  	[sflag:s17] =	ssyncadd.s32 $0xFFFFC000  }
0x1db: {  	[tilespmem:s20], [sflag:$0x2] =	stream.indirect.gather [hbm4b:s4+s19], $0x80, s14, s19, $0xb8;
	[tilespmem:$0x1CC00] =	vst v63  }
0x1dc: {  	_ =	swait.ge [sflag:s21], $0x4000  }
0x1dd: {  	[sflag:s21] =	ssyncset.done $0x0  }
0x1de: {  	[sflag:s21] =	ssyncadd.s32 $0xFFFFC000  }
0x1df: {  	[spmem:s2] =	stream.indirect.scatter.add.f32 [tilespmem:s16], [sflag:$0x3], $0x80, s15, s19, $0xb8;
	[tilespmem:$0x1CC00] =	vst v63  }
0x1e0: {  	_ =	swait.ge [sflag:s17], $0x4000  }
0x1e1: {  	[sflag:s17] =	ssyncset.done $0x0  }
0x1e2: {  	[sflag:s17] =	ssyncadd.s32 $0xFFFFC000  }
0x1e3: {  	_ =	swait.ge [sflag:s22], $0x4000  }
0x1e4: {  	[sflag:s22] =	ssyncset.done $0x0  }
0x1e5: {  	[sflag:s22] =	ssyncadd.s32 $0xFFFFC000  }
0x1e6: {  	[spmem:s2] =	stream.indirect.scatter.add.f32 [tilespmem:s20], [sflag:$0x3], $0x80, s5, s19, $0xb8;
	[tilespmem:$0x1CC00] =	vst v63  }
0x1e7: {  	_ =	swait.ge [sflag:s17], $0x4000  }
0x1e8: {  	[sflag:s17] =	ssyncset.done $0x0  }
0x1e9: {  	[sflag:s17] =	ssyncadd.s32 $0xFFFFC000  }
0x1ea: {  	[bflag:$0x0] =	sbarrier.arrive $0xFFFF  }
0x1eb: {  	s7 =	rddreg [dreg:$0x12]  }
0x1ec: {  	[tilespmem:s16], [sflag:$0x3] =	stream.linear.gather [spmem:s7], $0x4000, $0x38;
	[tilespmem:$0x1CC00] =	vst v63  }
0x1ed: {  	_ =	swait.ge [sflag:s17], $0x4000  }
0x1ee: {  	[sflag:s17] =	ssyncset.done $0x0  }
0x1ef: {  	s8 =	rddreg [dreg:$0x17];
	[sflag:s17] =	ssyncadd.s32 $0xFFFFC000  }
0x1f0: {  	[hbm4b:s8+s3] =	stream.linear.scatter [tilespmem:s16], [sflag:$0x3], $0x4000, $0x38;
	[tilespmem:$0x1CC00] =	vst v63  }
0x1f1: {  	_ =	swait.ge [sflag:s17], $0x4000  }
0x1f2: {  	[sflag:s17] =	ssyncset.done $0x0  }
0x1f3: {  	s9 =	rddreg [dreg:$0x13];
	[sflag:s17] =	ssyncadd.s32 $0xFFFFC000  }
0x1f4: {  	[tilespmem:s16], [sflag:$0x3] =	stream.linear.gather [spmem:s9], $0x4000, $0x38;
	[tilespmem:$0x1CC00] =	vst v63  }
0x1f5: {  	_ =	swait.ge [sflag:s17], $0x4000  }
0x1f6: {  	[sflag:s17] =	ssyncset.done $0x0  }
0x1f7: {  	s7 =	rddreg [dreg:$0x18];
	[sflag:s17] =	ssyncadd.s32 $0xFFFFC000  }
0x1f8: {  	[hbm4b:s7+s3] =	stream.linear.scatter [tilespmem:s16], [sflag:$0x3], $0x4000, $0x38;
	[tilespmem:$0x1CC00] =	vst v63  }
0x1f9: {  	_ =	swait.ge [sflag:s17], $0x4000  }
0x1fa: {  	[sflag:s17] =	ssyncset.done $0x0  }
0x1fb: {  	s8 =	rddreg [dreg:$0x14];
	[sflag:s17] =	ssyncadd.s32 $0xFFFFC000  }
0x1fc: {  	[tilespmem:s16], [sflag:$0x3] =	stream.linear.gather [spmem:s8], $0x4000, $0x38;
	[tilespmem:$0x1CC00] =	vst v63  }
0x1fd: {  	_ =	swait.ge [sflag:s17], $0x4000  }
0x1fe: {  	[sflag:s17] =	ssyncset.done $0x0  }
0x1ff: {  	s9 =	rddreg [dreg:$0x19];
	[sflag:s17] =	ssyncadd.s32 $0xFFFFC000  }
0x200: {  	[hbm4b:s9+s3] =	stream.linear.scatter [tilespmem:s16], [sflag:$0x3], $0x4000, $0x38;
	[tilespmem:$0x1CC00] =	vst v63  }
0x201: {  	_ =	swait.ge [sflag:s17], $0x4000  }
0x202: {  	[sflag:s17] =	ssyncset.done $0x0  }
0x203: {  	s7 =	rddreg [dreg:$0x15];
	[sflag:s17] =	ssyncadd.s32 $0xFFFFC000  }
0x204: {  	[tilespmem:s16], [sflag:$0x3] =	stream.linear.gather [spmem:s7], $0x4000, $0x38;
	[tilespmem:$0x1CC00] =	vst v63  }
0x205: {  	_ =	swait.ge [sflag:s17], $0x4000  }
0x206: {  	[sflag:s17] =	ssyncset.done $0x0  }
0x207: {  	s8 =	rddreg [dreg:$0x1a];
	[sflag:s17] =	ssyncadd.s32 $0xFFFFC000  }
0x208: {  	[hbm4b:s8+s3] =	stream.linear.scatter [tilespmem:s16], [sflag:$0x3], $0x4000, $0x38;
	[tilespmem:$0x1CC00] =	vst v63  }
0x209: {  	_ =	swait.ge [sflag:s17], $0x4000  }
0x20a: {  	[sflag:s17] =	ssyncset.done $0x0  }
0x20b: {  	s9 =	rddreg [dreg:$0x16];
	[sflag:s17] =	ssyncadd.s32 $0xFFFFC000  }
0x20c: {  	[tilespmem:s16], [sflag:$0x3] =	stream.linear.gather [spmem:s9], $0x3C00, $0x38;
	[tilespmem:$0x1CC00] =	vst v63  }
0x20d: {  	_ =	swait.ge [sflag:s17], $0x3C00  }
0x20e: {  	[sflag:s17] =	ssyncset.done $0x0  }
0x20f: {  	s7 =	rddreg [dreg:$0x1b];
	[sflag:s17] =	ssyncadd.s32 $0xFFFFC400  }
0x210: {  	[hbm4b:s7+s3] =	stream.linear.scatter [tilespmem:s16], [sflag:$0x3], $0x3C00, $0x38;
	[tilespmem:$0x1CC00] =	vst v63  }
0x211: {  	_ =	swait.ge [sflag:s17], $0x3C00  }
0x212: {  	s8 =	rddreg [dreg:$0x1d]  }
0x213: {  	s9 =	rddreg [dreg:$0x1c];
	s7 =	sadd.s32 $0x1, s8  }
0x214: {  	p0 =	sne.s32 s7, s9  }
.Ltmp2:
0x215: {  	_ = 	snop;
	(pc) =	sbr.rel @p0 .LBB2_1-.Ltmp2, $3  }
0x216: {  	_ =	sdelay $0x1  }
0x217: {  	[sflag:s17] =	ssyncset.done $0x0  }
0x218: {  	[sflag:s17] =	ssyncadd.s32 $0xFFFFC400  }
0x219: {  	_ =	sfence.sel $0x180000  }
0x21a: {  	[bflag:$0x0] =	sbarrier.arrive $0xFFFF  }
0x21b: {  	_ =	strace $0x90000047  }
0x21c: {  	s0 =	stileid.u32;
	[bflag:$0x2] =	sbarrier.arrive $0xFFFF  }
0x21d: {  	p0 =	sne.s32 s0, $0x0;
	s0 =	rddreg [dreg:$0x3]  }
0x21e: {  	s0 =	sadd.s32 @!p0 $0x100000, s0  }
0x21f: {  	[sflag:s0] =	ssyncadd.tile.s32 @!p0 $0x1;
	_ =	shalt  }
.Lfunc_end2:
_tile_overlayer_lowered:
.L_overlay_start_2:
0x220: {  	(tag) =	ssettag $0x2  }
0x221: {  	s0 =	rddreg [dreg:$0x0];
	s2 =	stileid.u32  }
0x222: {  	s1 =	rddreg [dreg:$0x1];
	p0 =	sne.s32 s2, $0x0  }
0x223: {  	s3 =	rddreg [dreg:$0x2];
	[bflag:$0x3] =	sbarrier.arrive $0xFFFF;
	s2 =	simm.s32 @!p0 $0x1C03  }
0x224: {  	[timem:s3], [sflag:s2] =	dma.local @!p0 [hbm:s0], s1  }
0x225: {  	s0 =	simm.s32 @!p0 $0x3  }
0x226: {  	_ =	swait.ge @!p0 [sflag:s0], s1  }
0x227: {  	s1 =	ssub.s32 @!p0 $0x0, s1;
	[sflag:s0] =	ssyncset.done @!p0 $0x0  }
0x228: {  	[sflag:s0] =	ssyncadd.s32 @!p0 s1  }
0x229: {  	[bflag:$0x3] =	sbarrier.arrive $0xFFFF  }
0x22a: {  	_ =	shalt  }

// kernel: kernel.14.cloned.1.call-start
scs
__scs_entry_jumppad:
0x0: {  	(pc) =	sbr.rel $0x88, $3  }
0x1: {  	(tag) =	ssettag $0x0;
	lr =	simm.s32 $0x1  }
0x2: {  	[smem:$0x3F93] =	sst lr;
	_ =	strace $0xD0000000  }
0x3: {  	_ = 	snop  }
0x4: {  	_ = 	snop  }
0x5: {  	_ = 	snop  }
0x6: {  	_ = 	snop  }
0x7: {  	_ = 	snop  }
__scs_overlays_trampoline_lowered:
0x8: {  	[smem:$0x3FA2] =	sst s0  }
0x9: {  	[smem:$0x3FA3] =	sst s1  }
0xa: {  	[smem:$0x3FA4] =	sst s2  }
0xb: {  	[smem:$0x3FA5] =	sst s3  }
0xc: {  	[smem:$0x3FA6] =	sst s4  }
0xd: {  	[smem:$0x3FA7] =	sst s5  }
0xe: {  	[smem:$0x3FA8] =	sst s6  }
0xf: {  	[smem:$0x3FA9] =	sst s7  }
0x10: {  	[smem:$0x3FAA] =	sst s8  }
0x11: {  	[smem:$0x3FAB] =	sst s9;
	s0 =	simm.s32 @!p0 $0x0  }
0x12: {  	s1 =	sld [smem:$0x3F91];
	s0 =	simm.s32 @p0 $0x1  }
0x13: {  	[smem:$0x3FAC] =	sst s0;
	s0 =	simm.s32 @!p1 $0x0  }
0x14: {  	s2 =	sld [smem:$0x3F90];
	s0 =	simm.s32 @p1 $0x1  }
0x15: {  	[smem:$0x3FAD] =	sst s0;
	s0 =	simm.s32 @!p2 $0x0  }
0x16: {  	s3 =	sld [smem:$0x3FDB];
	s0 =	simm.s32 @p2 $0x1  }
0x17: {  	s4 =	simm.s32 $0x1BF5;
	[smem:$0x3FAF] =	sst s0  }
0x18: {  	s0 =	sld [smem:$0x3F92];
	_ =	swait.ge [sflag:s4], $0x0  }
0x19: {  	s7 =	sld [smem:$0x3F93]  }
0x1a: {  	s8 =	sadd.s32 $0xFFFFE003, lr  }
0x1b: {  	s9 =	sadd.s32 $0xFFFFFEF7, lr;
	s5 =	simm.s32 $0xFFFFFFFF;
	p2 =	slt.u32 s8, $0xFFFFF086  }
0x1c: {  	p1 =	slt.u32 s9, $0xF7A;
	s5 =	simm.s32 @!p2 $0x0  }
0x1d: {  	s5 =	simm.s32 @p1 $0x1;
	p0 =	seq.s32 s7, s2  }
0x1e: {  	s7 =	smul.u32 @!p0 $0xF7A, s2;
	p2 =	seq.s32 @!p0 s5, $0x0  }
0x1f: {  	s9 =	smul.u32 $0xF7A, s1;
	s8 =	simm.s32 @!p0 $0x1BF5;
	p2 =	por !p2, p0  }
0x20: {  	[sflag:s8] =	ssyncset.s32 @!p0 $0xFFFFF086;
	s6 =	sadd.s32 @!p0 s3, s7;
	s7 =	simm.s32 @!p0 $0x108  }
0x21: {  	s3 =	sadd.s32 s3, s9;
	s6 =	sadd.s32 @!p0 $0x88, s6;
	s7 =	simm.s32 @p2 $0x1082  }
0x22: {  	[simem:s7], [sflag:s8] =	dma.local @!p0 [hbm:s6], $0xF7A  }
0x23: {  	s9 =	sor.u32 $0xD0000000, s2;
	s6 =	simm.s32 $0x108;
	_ =	swait.ge @!p0 [sflag:s8], $0x0  }
0x24: {  	s3 =	sadd.s32 $0x88, s3;
	s6 =	simm.s32 @!p1 $0x1082;
	[sflag:s4] =	ssyncset.s32 $0xFFFFF086  }
0x25: {  	[simem:s6], [sflag:s4] =	dma.local [hbm:s3], $0xF7A  }
0x26: {  	[smem:$0x3F93] =	sst s1;
	(tag) =	ssettag s2;
	_ =	strace s9  }
0x27: {  	s1 =	sld [smem:$0x3FA3]  }
0x28: {  	s2 =	sld [smem:$0x3FA4]  }
0x29: {  	s4 =	sld [smem:$0x3FA6]  }
0x2a: {  	p0 =	seq.s32 s5, $0x0;
	s5 =	sld [smem:$0x3FA7]  }
0x2b: {  	s6 =	sld [smem:$0x3FA8]  }
0x2c: {  	s7 =	sld [smem:$0x3FA9]  }
0x2d: {  	s3 =	simm.s32 $0x108;
	s8 =	sld [smem:$0x3FAA]  }
0x2e: {  	s3 =	simm.s32 @!p0 $0x1082;
	s9 =	sld [smem:$0x3FAB]  }
0x2f: {  	lr =	sadd.s32 s0, s3;
	s0 =	sld [smem:$0x3FA2]  }
0x30: {  	s3 =	sld [smem:$0x3FA5]  }
0x31: {  	[smem:$0x3FAE] =	sst s10  }
0x32: {  	s10 =	sld [smem:$0x3FAC];
	_ =	sdelay $0x3  }
0x33: {  	p0 =	seq.s32 s10, $0x1;
	s10 =	sld [smem:$0x3FAE];
	_ =	sdelay $0x3  }
0x34: {  	[smem:$0x3FAE] =	sst s10  }
0x35: {  	s10 =	sld [smem:$0x3FAD];
	_ =	sdelay $0x3  }
0x36: {  	p1 =	seq.s32 s10, $0x1;
	s10 =	sld [smem:$0x3FAE];
	_ =	sdelay $0x3  }
0x37: {  	[smem:$0x3FAE] =	sst s10  }
0x38: {  	s10 =	sld [smem:$0x3FAF]  }
0x39: {  	_ = 	snop;
	(pc) =	sbr.ind lr, $3  }
0x3a: {  	_ = 	snop  }
0x3b: {  	_ = 	snop  }
0x3c: {  	p2 =	seq.s32 s10, $0x1;
	s10 =	sld [smem:$0x3FAE]  }
0x3d: {  	_ =	shalt  }
0x3e: {  	_ =	shalt  }
0x3f: {  	_ =	shalt  }
0x40: {  	_ =	shalt  }
0x41: {  	_ =	shalt  }
0x42: {  	_ =	shalt  }
0x43: {  	_ =	shalt  }
0x44: {  	_ =	shalt  }
0x45: {  	_ =	shalt  }
0x46: {  	_ =	shalt  }
0x47: {  	_ =	shalt  }
0x48: {  	_ =	shalt  }
0x49: {  	_ =	shalt  }
0x4a: {  	_ =	shalt  }
0x4b: {  	_ =	shalt  }
0x4c: {  	_ =	shalt  }
0x4d: {  	_ =	shalt  }
0x4e: {  	_ =	shalt  }
0x4f: {  	_ =	shalt  }
0x50: {  	_ =	shalt  }
0x51: {  	_ =	shalt  }
0x52: {  	_ =	shalt  }
0x53: {  	_ =	shalt  }
0x54: {  	_ =	shalt  }
0x55: {  	_ =	shalt  }
0x56: {  	_ =	shalt  }
0x57: {  	_ =	shalt  }
0x58: {  	_ =	shalt  }
0x59: {  	_ =	shalt  }
0x5a: {  	_ =	shalt  }
0x5b: {  	_ =	shalt  }
0x5c: {  	_ =	shalt  }
0x5d: {  	_ =	shalt  }
0x5e: {  	_ =	shalt  }
0x5f: {  	_ =	shalt  }
0x60: {  	_ =	shalt  }
0x61: {  	_ =	shalt  }
0x62: {  	_ =	shalt  }
0x63: {  	_ =	shalt  }
0x64: {  	_ =	shalt  }
0x65: {  	_ =	shalt  }
0x66: {  	_ =	shalt  }
0x67: {  	_ =	shalt  }
0x68: {  	_ =	shalt  }
0x69: {  	_ =	shalt  }
0x6a: {  	_ =	shalt  }
0x6b: {  	_ =	shalt  }
0x6c: {  	_ =	shalt  }
0x6d: {  	_ =	shalt  }
0x6e: {  	_ =	shalt  }
0x6f: {  	_ =	shalt  }
0x70: {  	_ =	shalt  }
0x71: {  	_ =	shalt  }
0x72: {  	_ =	shalt  }
0x73: {  	_ =	shalt  }
0x74: {  	_ =	shalt  }
0x75: {  	_ =	shalt  }
0x76: {  	_ =	shalt  }
0x77: {  	_ =	shalt  }
0x78: {  	_ =	shalt  }
0x79: {  	_ =	shalt  }
0x7a: {  	_ =	shalt  }
0x7b: {  	_ =	shalt  }
0x7c: {  	_ =	shalt  }
0x7d: {  	_ =	shalt  }
0x7e: {  	_ =	shalt  }
0x7f: {  	_ =	shalt  }
0x80: {  	_ =	shalt  }
0x81: {  	_ =	shalt  }
0x82: {  	_ =	shalt  }
0x83: {  	_ =	shalt  }
0x84: {  	_ =	shalt  }
0x85: {  	_ =	shalt  }
0x86: {  	_ =	shalt  }
0x87: {  	_ =	shalt  }
.Lfunc_end0:
.L_simem_size_0:
called_computation.2_lowered:
.L_overlay_start_0:
0x88: {  	s2 =	sld [smem:$0x3FD9]  }
0x89: {  	s3 =	sld [smem:$0x3FFE];
	_ =	sdelay $0x1  }
0x8a: {  	s1 =	srdreg.scid  }
0x8b: {  	s0 =	sand.u32 $0x1, s1  }
0x8c: {  	s17 =	sshll.u32 s0, $0xA;
	s2 =	sadd.s32 s3, s2  }
0x8d: {  	s2 =	sadd.s32 s2, s17  }
0x8e: {  	[smem:$0x3FBA] =	sst s2  }
0x8f: {  	_ = 	snop  }
0x90: {  	s2 =	sld [smem:$0x3FD0];
	(tm) =	ssettm $0x1  }
0x91: {  	s18 =	sld [smem:$0x3FFB];
	_ =	sdelay $0x3  }
0x92: {  	_ =	strace s18  }
0x93: {  	s3 =	sld [smem:$0x3FFC];
	_ =	sdelay $0x3  }
0x94: {  	_ =	strace s3  }
0x95: {  	s3 =	sld [smem:$0x3FFD];
	_ =	sdelay $0x3  }
0x96: {  	_ =	strace s3  }
0x97: {  	_ =	strace $0x8FFFFFFF  }
0x98: {  	s19 =	sld [smem:$0x3FDB];
	_ =	sdelay $0x1  }
0x99: {  	s4 =	simm.s32 $_scs_section_size  }
0x9a: {  	s5 =	simm.s32 $_size__tile_overlayer_lowered;
	s6 =	simm.s32 $_tile_overlayer_lowered  }
0x9b: {  	s22 =	simm.s32 $0x1BFF;
	s21 =	sshll.u32 s6, $0x1;
	s3 =	sadd.s32 s4, s19  }
0x9c: {  	s7 =	simm.s32 $0x0;
	s20 =	sshll.u32 s5, $0x1;
	s5 =	sadd.s32 s21, s3  }
0x9d: {  	[timem:s7], [sflag:s22] =	dma.local [hbm:s5], s20  }
0x9e: {  	_ =	swait.ge [sflag:s22], s20  }
0x9f: {  	s4 =	ssub.s32 $0x0, s20;
	[sflag:s22] =	ssyncset.done $0x0  }
0xa0: {  	[sflag:s22] =	ssyncadd.s32 s4;
	_ =	sdelay $0x1  }
0xa1: {  	s23 =	simm.s32 $0x1B8B  }
0xa2: {  	_ =	swait.ge [sflag:s23], $0x1  }
0xa3: {  	[sflag:s23] =	ssyncset.done $0x0  }
0xa4: {  	s25 =	simm.s32 $0x1B8E;
	s24 =	sld [smem:$0x3FFE];
	[sflag:s23] =	ssyncadd.s32 $0xFFFFFFFF  }
0xa5: {  	s26 =	simm.s32 $execute0_lowered;
	[smem:$0x3FD2] =	sst s25  }
0xa6: {  	s5 =	sshll.u32 s26, $0x1;
	_ =	strace $0x8000004C;
	[dreg:$0x1] =	wrdreg $0xFFFFFFFF  }
0xa7: {  	s28 =	simm.s32 $_size_execute0_lowered;
	s3 =	sadd.s32 s3, s5;
	[dreg:$0x0] =	wrdreg $0x0  }
0xa8: {  	s5 =	sshll.u32 s28, $0x1;
	[dreg:$0x2] =	wrdreg s3  }
0xa9: {  	[dreg:$0x3] =	wrdreg s5  }
0xaa: {  	[dreg:$0x4] =	wrdreg $0xC0  }
0xab: {  	_ =	task [dreg:s7], $0x5FFFF  }
0xac: {  	[dreg:$0x1] =	wrdreg $0xFFFFFFFF  }
0xad: {  	[dreg:$0x0] =	wrdreg $0x60  }
0xae: {  	[dreg:$0x2] =	wrdreg s24  }
0xaf: {  	[dreg:$0x3] =	wrdreg s2  }
0xb0: {  	[dreg:$0x4] =	wrdreg $0x90000  }
0xb1: {  	[dreg:$0x5] =	wrdreg $0x9  }
0xb2: {  	_ =	task.clear_ibuf [dreg:s7], $0x6FFFF;
	_ =	strace $0x9000004C  }
0xb3: {  	s29 =	simm.s32 $0x9;
	_ =	strace $0x8000004E  }
0xb4: {  	_ =	swait.ge [sflag:s29], $0x1  }
0xb5: {  	[sflag:s29] =	ssyncadd.s32 $0xFFFFFFFF  }
0xb6: {  	_ =	strace $0x9000004E  }
0xb7: {  	_ =	sfence  }
0xb8: {  	s30 =	sld [smem:$0x0];
	_ =	sdelay $0x2  }
0xb9: {  	s31 =	sshll.u32 s1, $0xD;
	s1 =	sshrl.u32 s1, $0x2  }
0xba: {  	s3 =	sand.u32 $0x4000, s31;
	s1 =	sadd.s32 s1, s30  }
0xbb: {  	s0 =	sor.u32 s3, s0;
	s1 =	sshll.u32 s1, $0x11  }
0xbc: {  	s0 =	sor.u32 s1, s0  }
0xbd: {  	s0 =	sadd.s32 $0x8F2B, s0  }
0xbe: {  	[sflag:s0] =	ssyncadd.remote.s32 $0x1  }
0xbf: {  	_ =	sfence.sel $0xFFFF  }
0xc0: {  	[dreg:$0x0] =	wrdreg $0xFFFFFFFF;
	(pc) =	sbr.abs _section_cstart, $3  }
0xc1: {  	[dreg:$0x1] =	wrdreg $0xFFFFFFFF  }
0xc2: {  	_ =	task.clear_ibuf [dreg:s7], $0x2FFFF;
	_ =	strace $0x9FFFFFFF  }
0xc3: {  	(tm) =	ssettm $0x7FFFFFFF  }
tec
execute0_lowered:
.L_overlay_start_1:
0x0: {  	(tag) =	ssettag $0x1  }
0x1: {  	s0 =	rddreg [dreg:$0x0];
	s1 =	srdreg.scid  }
0x2: {  	s11 =	stileid.u32;
	s5 =	rddreg [dreg:$0x1]  }
0x3: {  	s2 =	rddreg [dreg:$0x2];
	s3 =	simm.s32 $0x0;
	s15 =	simm.s32 $0x880  }
0x4: {  	s16 =	simm.s32 $0x180;
	s17 =	simm.s32 $0x900;
	s18 =	simm.s32 $0x200  }
0x5: {  	s19 =	simm.s32 $0x980;
	s21 =	simm.s32 $0x280;
	s28 =	simm.s32 $0x500  }
0x6: {  	s29 =	simm.s32 $0xC80;
	s30 =	simm.s32 $0x580;
	[smem:$0x7FF] =	sst s3  }
0x7: {  	s4 =	smul.u32 $0x5000, s11;
	_ =	strace $0x8000004D;
	[dreg:$0x7] =	wrdreg s15  }
0x8: {  	s31 =	simm.s32 $0xD00;
	s7 =	smul.u32 $0x4F000, s11;
	[dreg:$0x8] =	wrdreg s16  }
0x9: {  	s1 =	sand.u32 $0x1, s1;
	s11 =	smul.u32 $0x13C00, s11;
	[dreg:$0x9] =	wrdreg s17  }
0xa: {  	s6 =	smul.u32 $0x2800, s1;
	s9 =	ssub.s32 $0x2, s1;
	[dreg:$0xa] =	wrdreg s18  }
0xb: {  	s1 =	smul.u32 $0x13C000, s1;
	[dreg:$0xb] =	wrdreg s19;
	s16 =	simm.s32 $0x1000  }
0xc: {  	[dreg:$0xc] =	wrdreg s21;
	s17 =	simm.s32 $0x3;
	s18 =	simm.s32 $0x800  }
0xd: {  	s19 =	simm.s32 $0x80;
	s21 =	simm.s32 $0x1;
	s15 =	simm.s32 $0xF00  }
0xe: {  	s10 =	sshrl.u32 s9, $0x1;
	s7 =	sshrl.u32 s7, $0x2;
	s22 =	sadd.s32 $0x4000, s11  }
0xf: {  	s23 =	sadd.s32 $0x8000, s11;
	s25 =	sadd.s32 $0xC000, s11;
	s26 =	sadd.s32 $0x10000, s11  }
0x10: {  	s4 =	sadd.s32 s6, s4;
	s9 =	ssub.s32 s9, s10;
	s7 =	sadd.s32 s7, s2  }
0x11: {  	s12 =	sadd.s32 s22, s2;
	s24 =	sadd.s32 s23, s2;
	[dreg:$0x12] =	wrdreg s7  }
0x12: {  	s13 =	sadd.s32 s25, s2;
	s11 =	sadd.s32 s11, s1;
	[dreg:$0x13] =	wrdreg s12  }
0x13: {  	s14 =	sadd.s32 s26, s2;
	s10 =	sadd.s32 s1, s23;
	[dreg:$0x14] =	wrdreg s24  }
0x14: {  	s23 =	simm.s32 $0x300;
	s6 =	sshrl.u32 s4, $0x3;
	[dreg:$0x15] =	wrdreg s13  }
0x15: {  	s4 =	sadd.s32 $0x3000, s0;
	[dreg:$0x16] =	wrdreg s14;
	s11 =	sshrl.u32 s11, $0x3  }
0x16: {  	s7 =	sadd.s32 s1, s22;
	s12 =	sadd.s32 s1, s25;
	s14 =	simm.s32 $0x100  }
0x17: {  	s1 =	sadd.s32 s1, s26;
	s20 =	smax.u32 s9, $0x1;
	s22 =	simm.s32 $0xA00  }
0x18: {  	[dreg:$0xe] =	wrdreg s23;
	s24 =	simm.s32 $0xA80;
	s25 =	simm.s32 $0x380  }
0x19: {  	s26 =	simm.s32 $0xB00;
	s23 =	simm.s32 $0x400;
	[dreg:$0x6] =	wrdreg s14  }
0x1a: {  	s13 =	simm.s32 $0xE80;
	s8 =	sadd.s32 s6, s0;
	[dreg:$0x1c] =	wrdreg s20  }
0x1b: {  	s0 =	sadd.s32 $0x34200, s0;
	s7 =	sshrl.u32 s7, $0x3;
	[dreg:$0xd] =	wrdreg s22  }
0x1c: {  	s5 =	sadd.s32 s6, s5;
	s6 =	sshrl.u32 s12, $0x3;
	[dreg:$0xf] =	wrdreg s24  }
0x1d: {  	s1 =	sshrl.u32 s1, $0x3;
	s20 =	simm.s32 $0x5000;
	[dreg:$0x10] =	wrdreg s25  }
0x1e: {  	s22 =	simm.s32 $0x2;
	[dreg:$0x11] =	wrdreg s26;
	s24 =	simm.s32 $0xB80  }
0x1f: {  	s25 =	simm.s32 $0x480;
	s11 =	sadd.s32 s0, s11;
	[dreg:$0x5] =	wrdreg s5  }
0x20: {  	s26 =	simm.s32 $0xC00;
	s7 =	sadd.s32 s0, s7;
	[dreg:$0x17] =	wrdreg s11  }
0x21: {  	s12 =	simm.s32 $0x700;
	s8 =	sadd.s32 $0x2A200, s8;
	[dreg:$0x18] =	wrdreg s7  }
0x22: {  	s14 =	simm.s32 $0x780;
	s6 =	sadd.s32 s0, s6;
	[dreg:$0x4] =	wrdreg s8  }
0x23: {  	s5 =	simm.s32 $0xF80;
	s11 =	sshrl.u32 s10, $0x3;
	[dreg:$0x1a] =	wrdreg s6  }
0x24: {  	s10 =	simm.s32 $0x680;
	s7 =	sadd.s32 s0, s11;
	s0 =	sadd.s32 s0, s1  }
0x25: {  	s1 =	simm.s32 $0x600;
	s11 =	simm.s32 $0xE00;
	[dreg:$0x19] =	wrdreg s7  }
0x26: {  	v0 =	vimm.f32 $0.0e+00;
	[dreg:$0x1b] =	wrdreg s0;
	s0 =	simm.s32 $0xD80;
	s7 =	simm.s32 $0x0  }
.LBB2_1:
0x27: {  	[dreg:$0x1d] =	wrdreg s7;
	s7 =	simm.s32 $0x0;
	s8 =	simm.s32 $0x200  }
.LBB2_2:
0x28: {  	p0 =	sne.s32 s8, $0xFE00;
	[tilespmem:s7+$0x1070] =	vst v0  }
0x29: {  	[tilespmem:s7+$0x1000] =	vst v0  }
0x2a: {  	[tilespmem:s7+$0x1010] =	vst v0  }
.Ltmp0:
0x2b: {  	[tilespmem:s7+$0x1020] =	vst v0;
	(pc) =	sbr.rel @p0 .LBB2_2-.Ltmp0, $4  }
0x2c: {  	[tilespmem:s7+$0x1030] =	vst v0  }
0x2d: {  	[tilespmem:s7+$0x1040] =	vst v0  }
0x2e: {  	[tilespmem:s7+$0x1050] =	vst v0  }
0x2f: {  	[tilespmem:s7+$0x1060] =	vst v0;
	s7 =	sshra.s32 s8, $0x2;
	s8 =	sadd.s32 $0x200, s8  }
0x30: {  	[tilespmem:s7+$0x1070] =	vst v0  }
0x31: {  	[tilespmem:s7+$0x1000] =	vst v0  }
0x32: {  	[tilespmem:s7+$0x1010] =	vst v0  }
0x33: {  	[tilespmem:s7+$0x1020] =	vst v0  }
0x34: {  	[tilespmem:s7+$0x1030] =	vst v0  }
0x35: {  	[tilespmem:s7+$0x1040] =	vst v0  }
0x36: {  	[tilespmem:s7+$0x1050] =	vst v0  }
0x37: {  	[tilespmem:s7+$0x1060] =	vst v0;
	s6 =	rddreg [dreg:$0x12]  }
0x38: {  	[spmem:s6] =	stream.linear.scatter [tilespmem:s16], [sflag:$0x3], $0x4000, $0x38;
	[tilespmem:$0x1CC00] =	vst v63  }
0x39: {  	_ =	swait.ge [sflag:s17], $0x4000  }
0x3a: {  	[sflag:s17] =	ssyncset.done $0x0  }
0x3b: {  	s7 =	rddreg [dreg:$0x13];
	[sflag:s17] =	ssyncadd.s32 $0xFFFFC000  }
0x3c: {  	[spmem:s7] =	stream.linear.scatter [tilespmem:s16], [sflag:$0x3], $0x4000, $0x38;
	[tilespmem:$0x1CC00] =	vst v63  }
0x3d: {  	_ =	swait.ge [sflag:s17], $0x4000  }
0x3e: {  	[sflag:s17] =	ssyncset.done $0x0  }
0x3f: {  	s8 =	rddreg [dreg:$0x14];
	[sflag:s17] =	ssyncadd.s32 $0xFFFFC000  }
0x40: {  	[spmem:s8] =	stream.linear.scatter [tilespmem:s16], [sflag:$0x3], $0x4000, $0x38;
	[tilespmem:$0x1CC00] =	vst v63  }
0x41: {  	_ =	swait.ge [sflag:s17], $0x4000  }
0x42: {  	[sflag:s17] =	ssyncset.done $0x0  }
0x43: {  	s9 =	rddreg [dreg:$0x15];
	[sflag:s17] =	ssyncadd.s32 $0xFFFFC000  }
0x44: {  	[spmem:s9] =	stream.linear.scatter [tilespmem:s16], [sflag:$0x3], $0x4000, $0x38;
	[tilespmem:$0x1CC00] =	vst v63  }
0x45: {  	_ =	swait.ge [sflag:s17], $0x4000  }
0x46: {  	[sflag:s17] =	ssyncset.done $0x0  }
0x47: {  	s7 =	rddreg [dreg:$0x16];
	[sflag:s17] =	ssyncadd.s32 $0xFFFFC000  }
0x48: {  	[spmem:s7] =	stream.linear.scatter [tilespmem:s16], [sflag:$0x3], $0x3C00, $0x38;
	[tilespmem:$0x1CC00] =	vst v63  }
0x49: {  	_ =	swait.ge [sflag:s17], $0x3C00  }
0x4a: {  	[sflag:s17] =	ssyncset.done $0x0  }
0x4b: {  	[sflag:s17] =	ssyncadd.s32 $0xFFFFC400  }
0x4c: {  	[bflag:$0x0] =	sbarrier.arrive $0xFFFF  }
0x4d: {  	s8 =	rddreg [dreg:$0x5]  }
0x4e: {  	s7 =	sadd.s32 $0x0, s8  }
0x4f: {  	[tilespmem:s3], [sflag:$0x3] =	stream.linear.gather [hbm4b:s7+s3], $0x800, $0x38;
	[tilespmem:$0x1CC00] =	vst v63  }
0x50: {  	_ =	swait.ge [sflag:s17], $0x800  }
0x51: {  	s9 =	rddreg [dreg:$0x4];
	[sflag:s17] =	ssyncset.done $0x0  }
0x52: {  	[sflag:s17] =	ssyncadd.s32 $0xFFFFF800;
	s7 =	sadd.s32 $0x0, s9  }
0x53: {  	[tilespmem:s18], [sflag:$0x3] =	stream.linear.gather [hbm4b:s7+s3], $0x800, $0x38;
	[tilespmem:$0x1CC00] =	vst v63  }
0x54: {  	_ =	swait.ge [sflag:s17], $0x800  }
0x55: {  	[sflag:s17] =	ssyncset.done $0x0  }
0x56: {  	[sflag:s17] =	ssyncadd.s32 $0xFFFFF800  }
0x57: {  	[tilespmem:s16], [sflag:$0x1] =	stream.indirect.gather [hbm4b:s4+s19], $0x80, s3, s19, $0xb8;
	[tilespmem:$0x1CC00] =	vst v63  }
0x58: {  	_ = 	snop  }
0x59: {  	[tilespmem:s20], [sflag:$0x2] =	stream.indirect.gather [hbm4b:s4+s19], $0x80, s19, s19, $0xb8;
	[tilespmem:$0x1CC00] =	vst v63  }
0x5a: {  	_ =	swait.ge [sflag:s21], $0x4000  }
0x5b: {  	[sflag:s21] =	ssyncset.done $0x0  }
0x5c: {  	[sflag:s21] =	ssyncadd.s32 $0xFFFFC000  }
0x5d: {  	[spmem:s2] =	stream.indirect.scatter.add.f32 [tilespmem:s16], [sflag:$0x3], $0x80, s18, s19, $0xb8;
	[tilespmem:$0x1CC00] =	vst v63  }
0x5e: {  	_ =	swait.ge [sflag:s17], $0x4000  }
0x5f: {  	[sflag:s17] =	ssyncset.done $0x0  }
0x60: {  	s6 =	rddreg [dreg:$0x6];
	[sflag:s17] =	ssyncadd.s32 $0xFFFFC000  }
0x61: {  	[tilespmem:s16], [sflag:$0x1] =	stream.indirect.gather [hbm4b:s4+s19], $0x80, s6, s19, $0xb8;
	[tilespmem:$0x1CC00] =	vst v63  }
0x62: {  	_ =	swait.ge [sflag:s22], $0x4000  }
0x63: {  	[sflag:s22] =	ssyncset.done $0x0  }
0x64: {  	s8 =	rddreg [dreg:$0x7];
	[sflag:s22] =	ssyncadd.s32 $0xFFFFC000  }
0x65: {  	[spmem:s2] =	stream.indirect.scatter.add.f32 [tilespmem:s20], [sflag:$0x3], $0x80, s8, s19, $0xb8;
	[tilespmem:$0x1CC00] =	vst v63  }
0x66: {  	_ =	swait.ge [sflag:s17], $0x4000  }
0x67: {  	[sflag:s17] =	ssyncset.done $0x0  }
0x68: {  	s9 =	rddreg [dreg:$0x8];
	[sflag:s17] =	ssyncadd.s32 $0xFFFFC000  }
0x69: {  	[tilespmem:s20], [sflag:$0x2] =	stream.indirect.gather [hbm4b:s4+s19], $0x80, s9, s19, $0xb8;
	[tilespmem:$0x1CC00] =	vst v63  }
0x6a: {  	_ =	swait.ge [sflag:s21], $0x4000  }
0x6b: {  	[sflag:s21] =	ssyncset.done $0x0  }
0x6c: {  	s6 =	rddreg [dreg:$0x9];
	[sflag:s21] =	ssyncadd.s32 $0xFFFFC000  }
0x6d: {  	[spmem:s2] =	stream.indirect.scatter.add.f32 [tilespmem:s16], [sflag:$0x3], $0x80, s6, s19, $0xb8;
	[tilespmem:$0x1CC00] =	vst v63  }
0x6e: {  	_ =	swait.ge [sflag:s17], $0x4000  }
0x6f: {  	[sflag:s17] =	ssyncset.done $0x0  }
0x70: {  	s8 =	rddreg [dreg:$0xa];
	[sflag:s17] =	ssyncadd.s32 $0xFFFFC000  }
0x71: {  	[tilespmem:s16], [sflag:$0x1] =	stream.indirect.gather [hbm4b:s4+s19], $0x80, s8, s19, $0xb8;
	[tilespmem:$0x1CC00] =	vst v63  }
0x72: {  	_ =	swait.ge [sflag:s22], $0x4000  }
0x73: {  	[sflag:s22] =	ssyncset.done $0x0  }
0x74: {  	s9 =	rddreg [dreg:$0xb];
	[sflag:s22] =	ssyncadd.s32 $0xFFFFC000  }
0x75: {  	[spmem:s2] =	stream.indirect.scatter.add.f32 [tilespmem:s20], [sflag:$0x3], $0x80, s9, s19, $0xb8;
	[tilespmem:$0x1CC00] =	vst v63  }
0x76: {  	_ =	swait.ge [sflag:s17], $0x4000  }
0x77: {  	[sflag:s17] =	ssyncset.done $0x0  }
0x78: {  	s6 =	rddreg [dreg:$0xc];
	[sflag:s17] =	ssyncadd.s32 $0xFFFFC000  }
0x79: {  	[tilespmem:s20], [sflag:$0x2] =	stream.indirect.gather [hbm4b:s4+s19], $0x80, s6, s19, $0xb8;
	[tilespmem:$0x1CC00] =	vst v63  }
0x7a: {  	_ =	swait.ge [sflag:s21], $0x4000  }
0x7b: {  	[sflag:s21] =	ssyncset.done $0x0  }
0x7c: {  	s8 =	rddreg [dreg:$0xd];
	[sflag:s21] =	ssyncadd.s32 $0xFFFFC000  }
0x7d: {  	[spmem:s2] =	stream.indirect.scatter.add.f32 [tilespmem:s16], [sflag:$0x3], $0x80, s8, s19, $0xb8;
	[tilespmem:$0x1CC00] =	vst v63  }
0x7e: {  	_ =	swait.ge [sflag:s17], $0x4000  }
0x7f: {  	[sflag:s17] =	ssyncset.done $0x0  }
0x80: {  	s9 =	rddreg [dreg:$0xe];
	[sflag:s17] =	ssyncadd.s32 $0xFFFFC000  }
0x81: {  	[tilespmem:s16], [sflag:$0x1] =	stream.indirect.gather [hbm4b:s4+s19], $0x80, s9, s19, $0xb8;
	[tilespmem:$0x1CC00] =	vst v63  }
0x82: {  	_ =	swait.ge [sflag:s22], $0x4000  }
0x83: {  	[sflag:s22] =	ssyncset.done $0x0  }
0x84: {  	s6 =	rddreg [dreg:$0xf];
	[sflag:s22] =	ssyncadd.s32 $0xFFFFC000  }
0x85: {  	[spmem:s2] =	stream.indirect.scatter.add.f32 [tilespmem:s20], [sflag:$0x3], $0x80, s6, s19, $0xb8;
	[tilespmem:$0x1CC00] =	vst v63  }
0x86: {  	_ =	swait.ge [sflag:s17], $0x4000  }
0x87: {  	[sflag:s17] =	ssyncset.done $0x0  }
0x88: {  	s8 =	rddreg [dreg:$0x10];
	[sflag:s17] =	ssyncadd.s32 $0xFFFFC000  }
0x89: {  	[tilespmem:s20], [sflag:$0x2] =	stream.indirect.gather [hbm4b:s4+s19], $0x80, s8, s19, $0xb8;
	[tilespmem:$0x1CC00] =	vst v63  }
0x8a: {  	_ =	swait.ge [sflag:s21], $0x4000  }
0x8b: {  	[sflag:s21] =	ssyncset.done $0x0  }
0x8c: {  	s9 =	rddreg [dreg:$0x11];
	[sflag:s21] =	ssyncadd.s32 $0xFFFFC000  }
0x8d: {  	[spmem:s2] =	stream.indirect.scatter.add.f32 [tilespmem:s16], [sflag:$0x3], $0x80, s9, s19, $0xb8;
	[tilespmem:$0x1CC00] =	vst v63  }
0x8e: {  	_ =	swait.ge [sflag:s17], $0x4000  }
0x8f: {  	[sflag:s17] =	ssyncset.done $0x0  }
0x90: {  	[sflag:s17] =	ssyncadd.s32 $0xFFFFC000  }
0x91: {  	[tilespmem:s16], [sflag:$0x1] =	stream.indirect.gather [hbm4b:s4+s19], $0x80, s23, s19, $0xb8;
	[tilespmem:$0x1CC00] =	vst v63  }
0x92: {  	_ =	swait.ge [sflag:s22], $0x4000  }
0x93: {  	[sflag:s22] =	ssyncset.done $0x0  }
0x94: {  	[sflag:s22] =	ssyncadd.s32 $0xFFFFC000  }
0x95: {  	[spmem:s2] =	stream.indirect.scatter.add.f32 [tilespmem:s20], [sflag:$0x3], $0x80, s24, s19, $0xb8;
	[tilespmem:$0x1CC00] =	vst v63  }
0x96: {  	_ =	swait.ge [sflag:s17], $0x4000  }
0x97: {  	[sflag:s17] =	ssyncset.done $0x0  }
0x98: {  	[sflag:s17] =	ssyncadd.s32 $0xFFFFC000  }
0x99: {  	[tilespmem:s20], [sflag:$0x2] =	stream.indirect.gather [hbm4b:s4+s19], $0x80, s25, s19, $0xb8;
	[tilespmem:$0x1CC00] =	vst v63  }
0x9a: {  	_ =	swait.ge [sflag:s21], $0x4000  }
0x9b: {  	[sflag:s21] =	ssyncset.done $0x0  }
0x9c: {  	[sflag:s21] =	ssyncadd.s32 $0xFFFFC000  }
0x9d: {  	[spmem:s2] =	stream.indirect.scatter.add.f32 [tilespmem:s16], [sflag:$0x3], $0x80, s26, s19, $0xb8;
	[tilespmem:$0x1CC00] =	vst v63  }
0x9e: {  	_ =	swait.ge [sflag:s17], $0x4000  }
0x9f: {  	[sflag:s17] =	ssyncset.done $0x0  }
0xa0: {  	[sflag:s17] =	ssyncadd.s32 $0xFFFFC000  }
0xa1: {  	[tilespmem:s16], [sflag:$0x1] =	stream.indirect.gather [hbm4b:s4+s19], $0x80, s28, s19, $0xb8;
	[tilespmem:$0x1CC00] =	vst v63  }
0xa2: {  	_ =	swait.ge [sflag:s22], $0x4000  }
0xa3: {  	[sflag:s22] =	ssyncset.done $0x0  }
0xa4: {  	[sflag:s22] =	ssyncadd.s32 $0xFFFFC000  }
0xa5: {  	[spmem:s2] =	stream.indirect.scatter.add.f32 [tilespmem:s20], [sflag:$0x3], $0x80, s29, s19, $0xb8;
	[tilespmem:$0x1CC00] =	vst v63  }
0xa6: {  	_ =	swait.ge [sflag:s17], $0x4000  }
0xa7: {  	[sflag:s17] =	ssyncset.done $0x0  }
0xa8: {  	[sflag:s17] =	ssyncadd.s32 $0xFFFFC000  }
0xa9: {  	[tilespmem:s20], [sflag:$0x2] =	stream.indirect.gather [hbm4b:s4+s19], $0x80, s30, s19, $0xb8;
	[tilespmem:$0x1CC00] =	vst v63  }
0xaa: {  	_ =	swait.ge [sflag:s21], $0x4000  }
0xab: {  	[sflag:s21] =	ssyncset.done $0x0  }
0xac: {  	[sflag:s21] =	ssyncadd.s32 $0xFFFFC000  }
0xad: {  	[spmem:s2] =	stream.indirect.scatter.add.f32 [tilespmem:s16], [sflag:$0x3], $0x80, s31, s19, $0xb8;
	[tilespmem:$0x1CC00] =	vst v63  }
0xae: {  	_ =	swait.ge [sflag:s17], $0x4000  }
0xaf: {  	[sflag:s17] =	ssyncset.done $0x0  }
0xb0: {  	[sflag:s17] =	ssyncadd.s32 $0xFFFFC000  }
0xb1: {  	[tilespmem:s16], [sflag:$0x1] =	stream.indirect.gather [hbm4b:s4+s19], $0x80, s1, s19, $0xb8;
	[tilespmem:$0x1CC00] =	vst v63  }
0xb2: {  	_ =	swait.ge [sflag:s22], $0x4000  }
0xb3: {  	[sflag:s22] =	ssyncset.done $0x0  }
0xb4: {  	[sflag:s22] =	ssyncadd.s32 $0xFFFFC000  }
0xb5: {  	[spmem:s2] =	stream.indirect.scatter.add.f32 [tilespmem:s20], [sflag:$0x3], $0x80, s0, s19, $0xb8;
	[tilespmem:$0x1CC00] =	vst v63  }
0xb6: {  	_ =	swait.ge [sflag:s17], $0x4000  }
0xb7: {  	[sflag:s17] =	ssyncset.done $0x0  }
0xb8: {  	[sflag:s17] =	ssyncadd.s32 $0xFFFFC000  }
0xb9: {  	[tilespmem:s20], [sflag:$0x2] =	stream.indirect.gather [hbm4b:s4+s19], $0x80, s10, s19, $0xb8;
	[tilespmem:$0x1CC00] =	vst v63  }
0xba: {  	_ =	swait.ge [sflag:s21], $0x4000  }
0xbb: {  	[sflag:s21] =	ssyncset.done $0x0  }
0xbc: {  	[sflag:s21] =	ssyncadd.s32 $0xFFFFC000  }
0xbd: {  	[spmem:s2] =	stream.indirect.scatter.add.f32 [tilespmem:s16], [sflag:$0x3], $0x80, s11, s19, $0xb8;
	[tilespmem:$0x1CC00] =	vst v63  }
0xbe: {  	_ =	swait.ge [sflag:s17], $0x4000  }
0xbf: {  	[sflag:s17] =	ssyncset.done $0x0  }
0xc0: {  	[sflag:s17] =	ssyncadd.s32 $0xFFFFC000  }
0xc1: {  	[tilespmem:s16], [sflag:$0x1] =	stream.indirect.gather [hbm4b:s4+s19], $0x80, s12, s19, $0xb8;
	[tilespmem:$0x1CC00] =	vst v63  }
0xc2: {  	_ =	swait.ge [sflag:s22], $0x4000  }
0xc3: {  	[sflag:s22] =	ssyncset.done $0x0  }
0xc4: {  	[sflag:s22] =	ssyncadd.s32 $0xFFFFC000  }
0xc5: {  	[spmem:s2] =	stream.indirect.scatter.add.f32 [tilespmem:s20], [sflag:$0x3], $0x80, s13, s19, $0xb8;
	[tilespmem:$0x1CC00] =	vst v63  }
0xc6: {  	_ =	swait.ge [sflag:s17], $0x4000  }
0xc7: {  	[sflag:s17] =	ssyncset.done $0x0  }
0xc8: {  	[sflag:s17] =	ssyncadd.s32 $0xFFFFC000  }
0xc9: {  	[tilespmem:s20], [sflag:$0x2] =	stream.indirect.gather [hbm4b:s4+s19], $0x80, s14, s19, $0xb8;
	[tilespmem:$0x1CC00] =	vst v63  }
0xca: {  	_ =	swait.ge [sflag:s21], $0x4000  }
0xcb: {  	[sflag:s21] =	ssyncset.done $0x0  }
0xcc: {  	[sflag:s21] =	ssyncadd.s32 $0xFFFFC000  }
0xcd: {  	[spmem:s2] =	stream.indirect.scatter.add.f32 [tilespmem:s16], [sflag:$0x3], $0x80, s15, s19, $0xb8;
	[tilespmem:$0x1CC00] =	vst v63  }
0xce: {  	_ =	swait.ge [sflag:s17], $0x4000  }
0xcf: {  	[sflag:s17] =	ssyncset.done $0x0  }
0xd0: {  	[sflag:s17] =	ssyncadd.s32 $0xFFFFC000  }
0xd1: {  	_ =	swait.ge [sflag:s22], $0x4000  }
0xd2: {  	[sflag:s22] =	ssyncset.done $0x0  }
0xd3: {  	[sflag:s22] =	ssyncadd.s32 $0xFFFFC000  }
0xd4: {  	[spmem:s2] =	stream.indirect.scatter.add.f32 [tilespmem:s20], [sflag:$0x3], $0x80, s5, s19, $0xb8;
	[tilespmem:$0x1CC00] =	vst v63  }
0xd5: {  	s7 =	simm.s32 $0x100;
	_ =	swait.ge [sflag:s17], $0x4000  }
0xd6: {  	s8 =	simm.s32 $0x200;
	s9 =	rddreg [dreg:$0x5];
	[sflag:s17] =	ssyncset.done $0x0  }
.LBB2_4:
0xd7: {  	[sflag:s17] =	ssyncadd.s32 $0xFFFFC000;
	s9 =	sadd.s32 s7, s9  }
0xd8: {  	[tilespmem:s3], [sflag:$0x3] =	stream.linear.gather [hbm4b:s9+s3], $0x800, $0x38;
	[tilespmem:$0x1CC00] =	vst v63  }
0xd9: {  	_ =	swait.ge [sflag:s17], $0x800  }
0xda: {  	s9 =	rddreg [dreg:$0x4];
	[sflag:s17] =	ssyncset.done $0x0  }
0xdb: {  	[sflag:s17] =	ssyncadd.s32 $0xFFFFF800;
	s9 =	sadd.s32 s7, s9  }
0xdc: {  	[tilespmem:s18], [sflag:$0x3] =	stream.linear.gather [hbm4b:s9+s3], $0x800, $0x38;
	[tilespmem:$0x1CC00] =	vst v63  }
0xdd: {  	_ =	swait.ge [sflag:s17], $0x800  }
0xde: {  	[sflag:s17] =	ssyncset.done $0x0  }
0xdf: {  	[sflag:s17] =	ssyncadd.s32 $0xFFFFF800  }
0xe0: {  	[tilespmem:s16], [sflag:$0x1] =	stream.indirect.gather [hbm4b:s4+s19], $0x80, s3, s19, $0xb8;
	[tilespmem:$0x1CC00] =	vst v63  }
0xe1: {  	_ = 	snop  }
0xe2: {  	[tilespmem:s20], [sflag:$0x2] =	stream.indirect.gather [hbm4b:s4+s19], $0x80, s19, s19, $0xb8;
	[tilespmem:$0x1CC00] =	vst v63  }
0xe3: {  	_ =	swait.ge [sflag:s21], $0x4000  }
0xe4: {  	[sflag:s21] =	ssyncset.done $0x0  }
0xe5: {  	[sflag:s21] =	ssyncadd.s32 $0xFFFFC000  }
0xe6: {  	[spmem:s2] =	stream.indirect.scatter.add.f32 [tilespmem:s16], [sflag:$0x3], $0x80, s18, s19, $0xb8;
	[tilespmem:$0x1CC00] =	vst v63  }
0xe7: {  	_ =	swait.ge [sflag:s17], $0x4000  }
0xe8: {  	[sflag:s17] =	ssyncset.done $0x0  }
0xe9: {  	s9 =	rddreg [dreg:$0x6];
	[sflag:s17] =	ssyncadd.s32 $0xFFFFC000  }
0xea: {  	[tilespmem:s16], [sflag:$0x1] =	stream.indirect.gather [hbm4b:s4+s19], $0x80, s9, s19, $0xb8;
	[tilespmem:$0x1CC00] =	vst v63  }
0xeb: {  	_ =	swait.ge [sflag:s22], $0x4000  }
0xec: {  	[sflag:s22] =	ssyncset.done $0x0  }
0xed: {  	s9 =	rddreg [dreg:$0x7];
	[sflag:s22] =	ssyncadd.s32 $0xFFFFC000  }
0xee: {  	[spmem:s2] =	stream.indirect.scatter.add.f32 [tilespmem:s20], [sflag:$0x3], $0x80, s9, s19, $0xb8;
	[tilespmem:$0x1CC00] =	vst v63  }
0xef: {  	_ =	swait.ge [sflag:s17], $0x4000  }
0xf0: {  	[sflag:s17] =	ssyncset.done $0x0  }
0xf1: {  	s9 =	rddreg [dreg:$0x8];
	[sflag:s17] =	ssyncadd.s32 $0xFFFFC000  }
0xf2: {  	[tilespmem:s20], [sflag:$0x2] =	stream.indirect.gather [hbm4b:s4+s19], $0x80, s9, s19, $0xb8;
	[tilespmem:$0x1CC00] =	vst v63  }
0xf3: {  	_ =	swait.ge [sflag:s21], $0x4000  }
0xf4: {  	[sflag:s21] =	ssyncset.done $0x0  }
0xf5: {  	s9 =	rddreg [dreg:$0x9];
	[sflag:s21] =	ssyncadd.s32 $0xFFFFC000  }
0xf6: {  	[spmem:s2] =	stream.indirect.scatter.add.f32 [tilespmem:s16], [sflag:$0x3], $0x80, s9, s19, $0xb8;
	[tilespmem:$0x1CC00] =	vst v63  }
0xf7: {  	_ =	swait.ge [sflag:s17], $0x4000  }
0xf8: {  	[sflag:s17] =	ssyncset.done $0x0  }
0xf9: {  	s9 =	rddreg [dreg:$0xa];
	[sflag:s17] =	ssyncadd.s32 $0xFFFFC000  }
0xfa: {  	[tilespmem:s16], [sflag:$0x1] =	stream.indirect.gather [hbm4b:s4+s19], $0x80, s9, s19, $0xb8;
	[tilespmem:$0x1CC00] =	vst v63  }
0xfb: {  	_ =	swait.ge [sflag:s22], $0x4000  }
0xfc: {  	[sflag:s22] =	ssyncset.done $0x0  }
0xfd: {  	s9 =	rddreg [dreg:$0xb];
	[sflag:s22] =	ssyncadd.s32 $0xFFFFC000  }
0xfe: {  	[spmem:s2] =	stream.indirect.scatter.add.f32 [tilespmem:s20], [sflag:$0x3], $0x80, s9, s19, $0xb8;
	[tilespmem:$0x1CC00] =	vst v63  }
0xff: {  	_ =	swait.ge [sflag:s17], $0x4000  }
0x100: {  	[sflag:s17] =	ssyncset.done $0x0  }
0x101: {  	s9 =	rddreg [dreg:$0xc];
	[sflag:s17] =	ssyncadd.s32 $0xFFFFC000  }
0x102: {  	[tilespmem:s20], [sflag:$0x2] =	stream.indirect.gather [hbm4b:s4+s19], $0x80, s9, s19, $0xb8;
	[tilespmem:$0x1CC00] =	vst v63  }
0x103: {  	_ =	swait.ge [sflag:s21], $0x4000  }
0x104: {  	[sflag:s21] =	ssyncset.done $0x0  }
0x105: {  	s9 =	rddreg [dreg:$0xd];
	[sflag:s21] =	ssyncadd.s32 $0xFFFFC000  }
0x106: {  	[spmem:s2] =	stream.indirect.scatter.add.f32 [tilespmem:s16], [sflag:$0x3], $0x80, s9, s19, $0xb8;
	[tilespmem:$0x1CC00] =	vst v63  }
0x107: {  	_ =	swait.ge [sflag:s17], $0x4000  }
0x108: {  	[sflag:s17] =	ssyncset.done $0x0  }
0x109: {  	s9 =	rddreg [dreg:$0xe];
	[sflag:s17] =	ssyncadd.s32 $0xFFFFC000  }
0x10a: {  	[tilespmem:s16], [sflag:$0x1] =	stream.indirect.gather [hbm4b:s4+s19], $0x80, s9, s19, $0xb8;
	[tilespmem:$0x1CC00] =	vst v63  }
0x10b: {  	_ =	swait.ge [sflag:s22], $0x4000  }
0x10c: {  	[sflag:s22] =	ssyncset.done $0x0  }
0x10d: {  	s9 =	rddreg [dreg:$0xf];
	[sflag:s22] =	ssyncadd.s32 $0xFFFFC000  }
0x10e: {  	[spmem:s2] =	stream.indirect.scatter.add.f32 [tilespmem:s20], [sflag:$0x3], $0x80, s9, s19, $0xb8;
	[tilespmem:$0x1CC00] =	vst v63  }
0x10f: {  	_ =	swait.ge [sflag:s17], $0x4000  }
0x110: {  	[sflag:s17] =	ssyncset.done $0x0  }
0x111: {  	s9 =	rddreg [dreg:$0x10];
	[sflag:s17] =	ssyncadd.s32 $0xFFFFC000  }
0x112: {  	[tilespmem:s20], [sflag:$0x2] =	stream.indirect.gather [hbm4b:s4+s19], $0x80, s9, s19, $0xb8;
	[tilespmem:$0x1CC00] =	vst v63  }
0x113: {  	_ =	swait.ge [sflag:s21], $0x4000  }
0x114: {  	[sflag:s21] =	ssyncset.done $0x0  }
0x115: {  	s9 =	rddreg [dreg:$0x11];
	[sflag:s21] =	ssyncadd.s32 $0xFFFFC000  }
0x116: {  	[spmem:s2] =	stream.indirect.scatter.add.f32 [tilespmem:s16], [sflag:$0x3], $0x80, s9, s19, $0xb8;
	[tilespmem:$0x1CC00] =	vst v63  }
0x117: {  	_ =	swait.ge [sflag:s17], $0x4000  }
0x118: {  	[sflag:s17] =	ssyncset.done $0x0  }
0x119: {  	[sflag:s17] =	ssyncadd.s32 $0xFFFFC000  }
0x11a: {  	[tilespmem:s16], [sflag:$0x1] =	stream.indirect.gather [hbm4b:s4+s19], $0x80, s23, s19, $0xb8;
	[tilespmem:$0x1CC00] =	vst v63  }
0x11b: {  	_ =	swait.ge [sflag:s22], $0x4000  }
0x11c: {  	[sflag:s22] =	ssyncset.done $0x0  }
0x11d: {  	[sflag:s22] =	ssyncadd.s32 $0xFFFFC000  }
0x11e: {  	[spmem:s2] =	stream.indirect.scatter.add.f32 [tilespmem:s20], [sflag:$0x3], $0x80, s24, s19, $0xb8;
	[tilespmem:$0x1CC00] =	vst v63  }
0x11f: {  	_ =	swait.ge [sflag:s17], $0x4000  }
0x120: {  	[sflag:s17] =	ssyncset.done $0x0  }
0x121: {  	[sflag:s17] =	ssyncadd.s32 $0xFFFFC000  }
0x122: {  	[tilespmem:s20], [sflag:$0x2] =	stream.indirect.gather [hbm4b:s4+s19], $0x80, s25, s19, $0xb8;
	[tilespmem:$0x1CC00] =	vst v63  }
0x123: {  	_ =	swait.ge [sflag:s21], $0x4000  }
0x124: {  	[sflag:s21] =	ssyncset.done $0x0  }
0x125: {  	[sflag:s21] =	ssyncadd.s32 $0xFFFFC000  }
0x126: {  	[spmem:s2] =	stream.indirect.scatter.add.f32 [tilespmem:s16], [sflag:$0x3], $0x80, s26, s19, $0xb8;
	[tilespmem:$0x1CC00] =	vst v63  }
0x127: {  	_ =	swait.ge [sflag:s17], $0x4000  }
0x128: {  	[sflag:s17] =	ssyncset.done $0x0  }
0x129: {  	[sflag:s17] =	ssyncadd.s32 $0xFFFFC000  }
0x12a: {  	[tilespmem:s16], [sflag:$0x1] =	stream.indirect.gather [hbm4b:s4+s19], $0x80, s28, s19, $0xb8;
	[tilespmem:$0x1CC00] =	vst v63  }
0x12b: {  	_ =	swait.ge [sflag:s22], $0x4000  }
0x12c: {  	[sflag:s22] =	ssyncset.done $0x0  }
0x12d: {  	[sflag:s22] =	ssyncadd.s32 $0xFFFFC000  }
0x12e: {  	[spmem:s2] =	stream.indirect.scatter.add.f32 [tilespmem:s20], [sflag:$0x3], $0x80, s29, s19, $0xb8;
	[tilespmem:$0x1CC00] =	vst v63  }
0x12f: {  	_ =	swait.ge [sflag:s17], $0x4000  }
0x130: {  	[sflag:s17] =	ssyncset.done $0x0  }
0x131: {  	[sflag:s17] =	ssyncadd.s32 $0xFFFFC000  }
0x132: {  	[tilespmem:s20], [sflag:$0x2] =	stream.indirect.gather [hbm4b:s4+s19], $0x80, s30, s19, $0xb8;
	[tilespmem:$0x1CC00] =	vst v63  }
0x133: {  	_ =	swait.ge [sflag:s21], $0x4000  }
0x134: {  	[sflag:s21] =	ssyncset.done $0x0  }
0x135: {  	[sflag:s21] =	ssyncadd.s32 $0xFFFFC000  }
0x136: {  	[spmem:s2] =	stream.indirect.scatter.add.f32 [tilespmem:s16], [sflag:$0x3], $0x80, s31, s19, $0xb8;
	[tilespmem:$0x1CC00] =	vst v63  }
0x137: {  	_ =	swait.ge [sflag:s17], $0x4000  }
0x138: {  	[sflag:s17] =	ssyncset.done $0x0  }
0x139: {  	[sflag:s17] =	ssyncadd.s32 $0xFFFFC000  }
0x13a: {  	[tilespmem:s16], [sflag:$0x1] =	stream.indirect.gather [hbm4b:s4+s19], $0x80, s1, s19, $0xb8;
	[tilespmem:$0x1CC00] =	vst v63  }
0x13b: {  	_ =	swait.ge [sflag:s22], $0x4000  }
0x13c: {  	[sflag:s22] =	ssyncset.done $0x0  }
0x13d: {  	[sflag:s22] =	ssyncadd.s32 $0xFFFFC000  }
0x13e: {  	[spmem:s2] =	stream.indirect.scatter.add.f32 [tilespmem:s20], [sflag:$0x3], $0x80, s0, s19, $0xb8;
	[tilespmem:$0x1CC00] =	vst v63  }
0x13f: {  	_ =	swait.ge [sflag:s17], $0x4000  }
0x140: {  	[sflag:s17] =	ssyncset.done $0x0  }
0x141: {  	[sflag:s17] =	ssyncadd.s32 $0xFFFFC000  }
0x142: {  	[tilespmem:s20], [sflag:$0x2] =	stream.indirect.gather [hbm4b:s4+s19], $0x80, s10, s19, $0xb8;
	[tilespmem:$0x1CC00] =	vst v63  }
0x143: {  	_ =	swait.ge [sflag:s21], $0x4000  }
0x144: {  	[sflag:s21] =	ssyncset.done $0x0  }
0x145: {  	[sflag:s21] =	ssyncadd.s32 $0xFFFFC000  }
0x146: {  	[spmem:s2] =	stream.indirect.scatter.add.f32 [tilespmem:s16], [sflag:$0x3], $0x80, s11, s19, $0xb8;
	[tilespmem:$0x1CC00] =	vst v63  }
0x147: {  	_ =	swait.ge [sflag:s17], $0x4000  }
0x148: {  	[sflag:s17] =	ssyncset.done $0x0  }
0x149: {  	[sflag:s17] =	ssyncadd.s32 $0xFFFFC000  }
0x14a: {  	[tilespmem:s16], [sflag:$0x1] =	stream.indirect.gather [hbm4b:s4+s19], $0x80, s12, s19, $0xb8;
	[tilespmem:$0x1CC00] =	vst v63  }
0x14b: {  	_ =	swait.ge [sflag:s22], $0x4000  }
0x14c: {  	[sflag:s22] =	ssyncset.done $0x0  }
0x14d: {  	[sflag:s22] =	ssyncadd.s32 $0xFFFFC000  }
0x14e: {  	[spmem:s2] =	stream.indirect.scatter.add.f32 [tilespmem:s20], [sflag:$0x3], $0x80, s13, s19, $0xb8;
	[tilespmem:$0x1CC00] =	vst v63  }
0x14f: {  	_ =	swait.ge [sflag:s17], $0x4000  }
0x150: {  	[sflag:s17] =	ssyncset.done $0x0  }
0x151: {  	[sflag:s17] =	ssyncadd.s32 $0xFFFFC000  }
0x152: {  	[tilespmem:s20], [sflag:$0x2] =	stream.indirect.gather [hbm4b:s4+s19], $0x80, s14, s19, $0xb8;
	[tilespmem:$0x1CC00] =	vst v63  }
0x153: {  	_ =	swait.ge [sflag:s21], $0x4000  }
0x154: {  	[sflag:s21] =	ssyncset.done $0x0  }
0x155: {  	[sflag:s21] =	ssyncadd.s32 $0xFFFFC000  }
0x156: {  	[spmem:s2] =	stream.indirect.scatter.add.f32 [tilespmem:s16], [sflag:$0x3], $0x80, s15, s19, $0xb8;
	[tilespmem:$0x1CC00] =	vst v63  }
0x157: {  	_ =	swait.ge [sflag:s17], $0x4000  }
0x158: {  	[sflag:s17] =	ssyncset.done $0x0  }
0x159: {  	[sflag:s17] =	ssyncadd.s32 $0xFFFFC000  }
0x15a: {  	p0 =	sne.s32 s8, $0x400;
	_ =	swait.ge [sflag:s22], $0x4000  }
.Ltmp1:
0x15b: {  	[sflag:s22] =	ssyncset.done $0x0;
	(pc) =	sbr.rel @p0 .LBB2_4-.Ltmp1, $4  }
0x15c: {  	[sflag:s22] =	ssyncadd.s32 $0xFFFFC000  }
0x15d: {  	[spmem:s2] =	stream.indirect.scatter.add.f32 [tilespmem:s20], [sflag:$0x3], $0x80, s5, s19, $0xb8;
	[tilespmem:$0x1CC00] =	vst v63  }
0x15e: {  	s6 =	smov.u32 s8;
	s8 =	sadd.s32 $0x100, s8;
	_ =	swait.ge [sflag:s17], $0x4000  }
0x15f: {  	s7 =	smov.u32 s6;
	s9 =	rddreg [dreg:$0x5];
	[sflag:s17] =	ssyncset.done $0x0  }
0x160: {  	[sflag:s17] =	ssyncadd.s32 $0xFFFFC000;
	s6 =	sadd.s32 s7, s9  }
0x161: {  	[tilespmem:s3], [sflag:$0x3] =	stream.linear.gather [hbm4b:s6+s3], $0x800, $0x38;
	[tilespmem:$0x1CC00] =	vst v63  }
0x162: {  	_ =	swait.ge [sflag:s17], $0x800  }
0x163: {  	s9 =	rddreg [dreg:$0x4];
	[sflag:s17] =	ssyncset.done $0x0  }
0x164: {  	s6 =	sadd.s32 s7, s9;
	[sflag:s17] =	ssyncadd.s32 $0xFFFFF800  }
0x165: {  	[tilespmem:s18], [sflag:$0x3] =	stream.linear.gather [hbm4b:s6+s3], $0x800, $0x38;
	[tilespmem:$0x1CC00] =	vst v63  }
0x166: {  	_ =	swait.ge [sflag:s17], $0x800  }
0x167: {  	[sflag:s17] =	ssyncset.done $0x0  }
0x168: {  	[sflag:s17] =	ssyncadd.s32 $0xFFFFF800  }
0x169: {  	[tilespmem:s16], [sflag:$0x1] =	stream.indirect.gather [hbm4b:s4+s19], $0x80, s3, s19, $0xb8;
	[tilespmem:$0x1CC00] =	vst v63  }
0x16a: {  	_ = 	snop  }
0x16b: {  	[tilespmem:s20], [sflag:$0x2] =	stream.indirect.gather [hbm4b:s4+s19], $0x80, s19, s19, $0xb8;
	[tilespmem:$0x1CC00] =	vst v63  }
0x16c: {  	_ =	swait.ge [sflag:s21], $0x4000  }
0x16d: {  	[sflag:s21] =	ssyncset.done $0x0  }
0x16e: {  	[sflag:s21] =	ssyncadd.s32 $0xFFFFC000  }
0x16f: {  	[spmem:s2] =	stream.indirect.scatter.add.f32 [tilespmem:s16], [sflag:$0x3], $0x80, s18, s19, $0xb8;
	[tilespmem:$0x1CC00] =	vst v63  }
0x170: {  	_ =	swait.ge [sflag:s17], $0x4000  }
0x171: {  	[sflag:s17] =	ssyncset.done $0x0  }
0x172: {  	s7 =	rddreg [dreg:$0x6];
	[sflag:s17] =	ssyncadd.s32 $0xFFFFC000  }
0x173: {  	[tilespmem:s16], [sflag:$0x1] =	stream.indirect.gather [hbm4b:s4+s19], $0x80, s7, s19, $0xb8;
	[tilespmem:$0x1CC00] =	vst v63  }
0x174: {  	_ =	swait.ge [sflag:s22], $0x4000  }
0x175: {  	[sflag:s22] =	ssyncset.done $0x0  }
0x176: {  	s8 =	rddreg [dreg:$0x7];
	[sflag:s22] =	ssyncadd.s32 $0xFFFFC000  }
0x177: {  	[spmem:s2] =	stream.indirect.scatter.add.f32 [tilespmem:s20], [sflag:$0x3], $0x80, s8, s19, $0xb8;
	[tilespmem:$0x1CC00] =	vst v63  }
0x178: {  	_ =	swait.ge [sflag:s17], $0x4000  }
0x179: {  	[sflag:s17] =	ssyncset.done $0x0  }
0x17a: {  	s9 =	rddreg [dreg:$0x8];
	[sflag:s17] =	ssyncadd.s32 $0xFFFFC000  }
0x17b: {  	[tilespmem:s20], [sflag:$0x2] =	stream.indirect.gather [hbm4b:s4+s19], $0x80, s9, s19, $0xb8;
	[tilespmem:$0x1CC00] =	vst v63  }
0x17c: {  	_ =	swait.ge [sflag:s21], $0x4000  }
0x17d: {  	[sflag:s21] =	ssyncset.done $0x0  }
0x17e: {  	s7 =	rddreg [dreg:$0x9];
	[sflag:s21] =	ssyncadd.s32 $0xFFFFC000  }
0x17f: {  	[spmem:s2] =	stream.indirect.scatter.add.f32 [tilespmem:s16], [sflag:$0x3], $0x80, s7, s19, $0xb8;
	[tilespmem:$0x1CC00] =	vst v63  }
0x180: {  	_ =	swait.ge [sflag:s17], $0x4000  }
0x181: {  	[sflag:s17] =	ssyncset.done $0x0  }
0x182: {  	s8 =	rddreg [dreg:$0xa];
	[sflag:s17] =	ssyncadd.s32 $0xFFFFC000  }
0x183: {  	[tilespmem:s16], [sflag:$0x1] =	stream.indirect.gather [hbm4b:s4+s19], $0x80, s8, s19, $0xb8;
	[tilespmem:$0x1CC00] =	vst v63  }
0x184: {  	_ =	swait.ge [sflag:s22], $0x4000  }
0x185: {  	[sflag:s22] =	ssyncset.done $0x0  }
0x186: {  	s9 =	rddreg [dreg:$0xb];
	[sflag:s22] =	ssyncadd.s32 $0xFFFFC000  }
0x187: {  	[spmem:s2] =	stream.indirect.scatter.add.f32 [tilespmem:s20], [sflag:$0x3], $0x80, s9, s19, $0xb8;
	[tilespmem:$0x1CC00] =	vst v63  }
0x188: {  	_ =	swait.ge [sflag:s17], $0x4000  }
0x189: {  	[sflag:s17] =	ssyncset.done $0x0  }
0x18a: {  	s7 =	rddreg [dreg:$0xc];
	[sflag:s17] =	ssyncadd.s32 $0xFFFFC000  }
0x18b: {  	[tilespmem:s20], [sflag:$0x2] =	stream.indirect.gather [hbm4b:s4+s19], $0x80, s7, s19, $0xb8;
	[tilespmem:$0x1CC00] =	vst v63  }
0x18c: {  	_ =	swait.ge [sflag:s21], $0x4000  }
0x18d: {  	[sflag:s21] =	ssyncset.done $0x0  }
0x18e: {  	s8 =	rddreg [dreg:$0xd];
	[sflag:s21] =	ssyncadd.s32 $0xFFFFC000  }
0x18f: {  	[spmem:s2] =	stream.indirect.scatter.add.f32 [tilespmem:s16], [sflag:$0x3], $0x80, s8, s19, $0xb8;
	[tilespmem:$0x1CC00] =	vst v63  }
0x190: {  	_ =	swait.ge [sflag:s17], $0x4000  }
0x191: {  	[sflag:s17] =	ssyncset.done $0x0  }
0x192: {  	s9 =	rddreg [dreg:$0xe];
	[sflag:s17] =	ssyncadd.s32 $0xFFFFC000  }
0x193: {  	[tilespmem:s16], [sflag:$0x1] =	stream.indirect.gather [hbm4b:s4+s19], $0x80, s9, s19, $0xb8;
	[tilespmem:$0x1CC00] =	vst v63  }
0x194: {  	_ =	swait.ge [sflag:s22], $0x4000  }
0x195: {  	[sflag:s22] =	ssyncset.done $0x0  }
0x196: {  	s7 =	rddreg [dreg:$0xf];
	[sflag:s22] =	ssyncadd.s32 $0xFFFFC000  }
0x197: {  	[spmem:s2] =	stream.indirect.scatter.add.f32 [tilespmem:s20], [sflag:$0x3], $0x80, s7, s19, $0xb8;
	[tilespmem:$0x1CC00] =	vst v63  }
0x198: {  	_ =	swait.ge [sflag:s17], $0x4000  }
0x199: {  	[sflag:s17] =	ssyncset.done $0x0  }
0x19a: {  	s8 =	rddreg [dreg:$0x10];
	[sflag:s17] =	ssyncadd.s32 $0xFFFFC000  }
0x19b: {  	[tilespmem:s20], [sflag:$0x2] =	stream.indirect.gather [hbm4b:s4+s19], $0x80, s8, s19, $0xb8;
	[tilespmem:$0x1CC00] =	vst v63  }
0x19c: {  	_ =	swait.ge [sflag:s21], $0x4000  }
0x19d: {  	[sflag:s21] =	ssyncset.done $0x0  }
0x19e: {  	s9 =	rddreg [dreg:$0x11];
	[sflag:s21] =	ssyncadd.s32 $0xFFFFC000  }
0x19f: {  	[spmem:s2] =	stream.indirect.scatter.add.f32 [tilespmem:s16], [sflag:$0x3], $0x80, s9, s19, $0xb8;
	[tilespmem:$0x1CC00] =	vst v63  }
0x1a0: {  	_ =	swait.ge [sflag:s17], $0x4000  }
0x1a1: {  	[sflag:s17] =	ssyncset.done $0x0  }
0x1a2: {  	[sflag:s17] =	ssyncadd.s32 $0xFFFFC000  }
0x1a3: {  	[tilespmem:s16], [sflag:$0x1] =	stream.indirect.gather [hbm4b:s4+s19], $0x80, s23, s19, $0xb8;
	[tilespmem:$0x1CC00] =	vst v63  }
0x1a4: {  	_ =	swait.ge [sflag:s22], $0x4000  }
0x1a5: {  	[sflag:s22] =	ssyncset.done $0x0  }
0x1a6: {  	[sflag:s22] =	ssyncadd.s32 $0xFFFFC000  }
0x1a7: {  	[spmem:s2] =	stream.indirect.scatter.add.f32 [tilespmem:s20], [sflag:$0x3], $0x80, s24, s19, $0xb8;
	[tilespmem:$0x1CC00] =	vst v63  }
0x1a8: {  	_ =	swait.ge [sflag:s17], $0x4000  }
0x1a9: {  	[sflag:s17] =	ssyncset.done $0x0  }
0x1aa: {  	[sflag:s17] =	ssyncadd.s32 $0xFFFFC000  }
0x1ab: {  	[tilespmem:s20], [sflag:$0x2] =	stream.indirect.gather [hbm4b:s4+s19], $0x80, s25, s19, $0xb8;
	[tilespmem:$0x1CC00] =	vst v63  }
0x1ac: {  	_ =	swait.ge [sflag:s21], $0x4000  }
0x1ad: {  	[sflag:s21] =	ssyncset.done $0x0  }
0x1ae: {  	[sflag:s21] =	ssyncadd.s32 $0xFFFFC000  }
0x1af: {  	[spmem:s2] =	stream.indirect.scatter.add.f32 [tilespmem:s16], [sflag:$0x3], $0x80, s26, s19, $0xb8;
	[tilespmem:$0x1CC00] =	vst v63  }
0x1b0: {  	_ =	swait.ge [sflag:s17], $0x4000  }
0x1b1: {  	[sflag:s17] =	ssyncset.done $0x0  }
0x1b2: {  	[sflag:s17] =	ssyncadd.s32 $0xFFFFC000  }
0x1b3: {  	[tilespmem:s16], [sflag:$0x1] =	stream.indirect.gather [hbm4b:s4+s19], $0x80, s28, s19, $0xb8;
	[tilespmem:$0x1CC00] =	vst v63  }
0x1b4: {  	_ =	swait.ge [sflag:s22], $0x4000  }
0x1b5: {  	[sflag:s22] =	ssyncset.done $0x0  }
0x1b6: {  	[sflag:s22] =	ssyncadd.s32 $0xFFFFC000  }
0x1b7: {  	[spmem:s2] =	stream.indirect.scatter.add.f32 [tilespmem:s20], [sflag:$0x3], $0x80, s29, s19, $0xb8;
	[tilespmem:$0x1CC00] =	vst v63  }
0x1b8: {  	_ =	swait.ge [sflag:s17], $0x4000  }
0x1b9: {  	[sflag:s17] =	ssyncset.done $0x0  }
0x1ba: {  	[sflag:s17] =	ssyncadd.s32 $0xFFFFC000  }
0x1bb: {  	[tilespmem:s20], [sflag:$0x2] =	stream.indirect.gather [hbm4b:s4+s19], $0x80, s30, s19, $0xb8;
	[tilespmem:$0x1CC00] =	vst v63  }
0x1bc: {  	_ =	swait.ge [sflag:s21], $0x4000  }
0x1bd: {  	[sflag:s21] =	ssyncset.done $0x0  }
0x1be: {  	[sflag:s21] =	ssyncadd.s32 $0xFFFFC000  }
0x1bf: {  	[spmem:s2] =	stream.indirect.scatter.add.f32 [tilespmem:s16], [sflag:$0x3], $0x80, s31, s19, $0xb8;
	[tilespmem:$0x1CC00] =	vst v63  }
0x1c0: {  	_ =	swait.ge [sflag:s17], $0x4000  }
0x1c1: {  	[sflag:s17] =	ssyncset.done $0x0  }
0x1c2: {  	[sflag:s17] =	ssyncadd.s32 $0xFFFFC000  }
0x1c3: {  	[tilespmem:s16], [sflag:$0x1] =	stream.indirect.gather [hbm4b:s4+s19], $0x80, s1, s19, $0xb8;
	[tilespmem:$0x1CC00] =	vst v63  }
0x1c4: {  	_ =	swait.ge [sflag:s22], $0x4000  }
0x1c5: {  	[sflag:s22] =	ssyncset.done $0x0  }
0x1c6: {  	[sflag:s22] =	ssyncadd.s32 $0xFFFFC000  }
0x1c7: {  	[spmem:s2] =	stream.indirect.scatter.add.f32 [tilespmem:s20], [sflag:$0x3], $0x80, s0, s19, $0xb8;
	[tilespmem:$0x1CC00] =	vst v63  }
0x1c8: {  	_ =	swait.ge [sflag:s17], $0x4000  }
0x1c9: {  	[sflag:s17] =	ssyncset.done $0x0  }
0x1ca: {  	[sflag:s17] =	ssyncadd.s32 $0xFFFFC000  }
0x1cb: {  	[tilespmem:s20], [sflag:$0x2] =	stream.indirect.gather [hbm4b:s4+s19], $0x80, s10, s19, $0xb8;
	[tilespmem:$0x1CC00] =	vst v63  }
0x1cc: {  	_ =	swait.ge [sflag:s21], $0x4000  }
0x1cd: {  	[sflag:s21] =	ssyncset.done $0x0  }
0x1ce: {  	[sflag:s21] =	ssyncadd.s32 $0xFFFFC000  }
0x1cf: {  	[spmem:s2] =	stream.indirect.scatter.add.f32 [tilespmem:s16], [sflag:$0x3], $0x80, s11, s19, $0xb8;
	[tilespmem:$0x1CC00] =	vst v63  }
0x1d0: {  	_ =	swait.ge [sflag:s17], $0x4000  }
0x1d1: {  	[sflag:s17] =	ssyncset.done $0x0  }
0x1d2: {  	[sflag:s17] =	ssyncadd.s32 $0xFFFFC000  }
0x1d3: {  	[tilespmem:s16], [sflag:$0x1] =	stream.indirect.gather [hbm4b:s4+s19], $0x80, s12, s19, $0xb8;
	[tilespmem:$0x1CC00] =	vst v63  }
0x1d4: {  	_ =	swait.ge [sflag:s22], $0x4000  }
0x1d5: {  	[sflag:s22] =	ssyncset.done $0x0  }
0x1d6: {  	[sflag:s22] =	ssyncadd.s32 $0xFFFFC000  }
0x1d7: {  	[spmem:s2] =	stream.indirect.scatter.add.f32 [tilespmem:s20], [sflag:$0x3], $0x80, s13, s19, $0xb8;
	[tilespmem:$0x1CC00] =	vst v63  }
0x1d8: {  	_ =	swait.ge [sflag:s17], $0x4000  }
0x1d9: {  	[sflag:s17] =	ssyncset.done $0x0  }
0x1da: {  	[sflag:s17] =	ssyncadd.s32 $0xFFFFC000  }
0x1db: {  	[tilespmem:s20], [sflag:$0x2] =	stream.indirect.gather [hbm4b:s4+s19], $0x80, s14, s19, $0xb8;
	[tilespmem:$0x1CC00] =	vst v63  }
0x1dc: {  	_ =	swait.ge [sflag:s21], $0x4000  }
0x1dd: {  	[sflag:s21] =	ssyncset.done $0x0  }
0x1de: {  	[sflag:s21] =	ssyncadd.s32 $0xFFFFC000  }
0x1df: {  	[spmem:s2] =	stream.indirect.scatter.add.f32 [tilespmem:s16], [sflag:$0x3], $0x80, s15, s19, $0xb8;
	[tilespmem:$0x1CC00] =	vst v63  }
0x1e0: {  	_ =	swait.ge [sflag:s17], $0x4000  }
0x1e1: {  	[sflag:s17] =	ssyncset.done $0x0  }
0x1e2: {  	[sflag:s17] =	ssyncadd.s32 $0xFFFFC000  }
0x1e3: {  	_ =	swait.ge [sflag:s22], $0x4000  }
0x1e4: {  	[sflag:s22] =	ssyncset.done $0x0  }
0x1e5: {  	[sflag:s22] =	ssyncadd.s32 $0xFFFFC000  }
0x1e6: {  	[spmem:s2] =	stream.indirect.scatter.add.f32 [tilespmem:s20], [sflag:$0x3], $0x80, s5, s19, $0xb8;
	[tilespmem:$0x1CC00] =	vst v63  }
0x1e7: {  	_ =	swait.ge [sflag:s17], $0x4000  }
0x1e8: {  	[sflag:s17] =	ssyncset.done $0x0  }
0x1e9: {  	[sflag:s17] =	ssyncadd.s32 $0xFFFFC000  }
0x1ea: {  	[bflag:$0x0] =	sbarrier.arrive $0xFFFF  }
0x1eb: {  	s7 =	rddreg [dreg:$0x12]  }
0x1ec: {  	[tilespmem:s16], [sflag:$0x3] =	stream.linear.gather [spmem:s7], $0x4000, $0x38;
	[tilespmem:$0x1CC00] =	vst v63  }
0x1ed: {  	_ =	swait.ge [sflag:s17], $0x4000  }
0x1ee: {  	[sflag:s17] =	ssyncset.done $0x0  }
0x1ef: {  	s8 =	rddreg [dreg:$0x17];
	[sflag:s17] =	ssyncadd.s32 $0xFFFFC000  }
0x1f0: {  	[hbm4b:s8+s3] =	stream.linear.scatter [tilespmem:s16], [sflag:$0x3], $0x4000, $0x38;
	[tilespmem:$0x1CC00] =	vst v63  }
0x1f1: {  	_ =	swait.ge [sflag:s17], $0x4000  }
0x1f2: {  	[sflag:s17] =	ssyncset.done $0x0  }
0x1f3: {  	s9 =	rddreg [dreg:$0x13];
	[sflag:s17] =	ssyncadd.s32 $0xFFFFC000  }
0x1f4: {  	[tilespmem:s16], [sflag:$0x3] =	stream.linear.gather [spmem:s9], $0x4000, $0x38;
	[tilespmem:$0x1CC00] =	vst v63  }
0x1f5: {  	_ =	swait.ge [sflag:s17], $0x4000  }
0x1f6: {  	[sflag:s17] =	ssyncset.done $0x0  }
0x1f7: {  	s7 =	rddreg [dreg:$0x18];
	[sflag:s17] =	ssyncadd.s32 $0xFFFFC000  }
0x1f8: {  	[hbm4b:s7+s3] =	stream.linear.scatter [tilespmem:s16], [sflag:$0x3], $0x4000, $0x38;
	[tilespmem:$0x1CC00] =	vst v63  }
0x1f9: {  	_ =	swait.ge [sflag:s17], $0x4000  }
0x1fa: {  	[sflag:s17] =	ssyncset.done $0x0  }
0x1fb: {  	s8 =	rddreg [dreg:$0x14];
	[sflag:s17] =	ssyncadd.s32 $0xFFFFC000  }
0x1fc: {  	[tilespmem:s16], [sflag:$0x3] =	stream.linear.gather [spmem:s8], $0x4000, $0x38;
	[tilespmem:$0x1CC00] =	vst v63  }
0x1fd: {  	_ =	swait.ge [sflag:s17], $0x4000  }
0x1fe: {  	[sflag:s17] =	ssyncset.done $0x0  }
0x1ff: {  	s9 =	rddreg [dreg:$0x19];
	[sflag:s17] =	ssyncadd.s32 $0xFFFFC000  }
0x200: {  	[hbm4b:s9+s3] =	stream.linear.scatter [tilespmem:s16], [sflag:$0x3], $0x4000, $0x38;
	[tilespmem:$0x1CC00] =	vst v63  }
0x201: {  	_ =	swait.ge [sflag:s17], $0x4000  }
0x202: {  	[sflag:s17] =	ssyncset.done $0x0  }
0x203: {  	s7 =	rddreg [dreg:$0x15];
	[sflag:s17] =	ssyncadd.s32 $0xFFFFC000  }
0x204: {  	[tilespmem:s16], [sflag:$0x3] =	stream.linear.gather [spmem:s7], $0x4000, $0x38;
	[tilespmem:$0x1CC00] =	vst v63  }
0x205: {  	_ =	swait.ge [sflag:s17], $0x4000  }
0x206: {  	[sflag:s17] =	ssyncset.done $0x0  }
0x207: {  	s8 =	rddreg [dreg:$0x1a];
	[sflag:s17] =	ssyncadd.s32 $0xFFFFC000  }
0x208: {  	[hbm4b:s8+s3] =	stream.linear.scatter [tilespmem:s16], [sflag:$0x3], $0x4000, $0x38;
	[tilespmem:$0x1CC00] =	vst v63  }
0x209: {  	_ =	swait.ge [sflag:s17], $0x4000  }
0x20a: {  	[sflag:s17] =	ssyncset.done $0x0  }
0x20b: {  	s9 =	rddreg [dreg:$0x16];
	[sflag:s17] =	ssyncadd.s32 $0xFFFFC000  }
0x20c: {  	[tilespmem:s16], [sflag:$0x3] =	stream.linear.gather [spmem:s9], $0x3C00, $0x38;
	[tilespmem:$0x1CC00] =	vst v63  }
0x20d: {  	_ =	swait.ge [sflag:s17], $0x3C00  }
0x20e: {  	[sflag:s17] =	ssyncset.done $0x0  }
0x20f: {  	s7 =	rddreg [dreg:$0x1b];
	[sflag:s17] =	ssyncadd.s32 $0xFFFFC400  }
0x210: {  	[hbm4b:s7+s3] =	stream.linear.scatter [tilespmem:s16], [sflag:$0x3], $0x3C00, $0x38;
	[tilespmem:$0x1CC00] =	vst v63  }
0x211: {  	_ =	swait.ge [sflag:s17], $0x3C00  }
0x212: {  	s8 =	rddreg [dreg:$0x1d]  }
0x213: {  	s9 =	rddreg [dreg:$0x1c];
	s7 =	sadd.s32 $0x1, s8  }
0x214: {  	p0 =	sne.s32 s7, s9  }
.Ltmp2:
0x215: {  	_ = 	snop;
	(pc) =	sbr.rel @p0 .LBB2_1-.Ltmp2, $3  }
0x216: {  	_ =	sdelay $0x1  }
0x217: {  	[sflag:s17] =	ssyncset.done $0x0  }
0x218: {  	[sflag:s17] =	ssyncadd.s32 $0xFFFFC400  }
0x219: {  	_ =	sfence.sel $0x180000  }
0x21a: {  	[bflag:$0x0] =	sbarrier.arrive $0xFFFF  }
0x21b: {  	_ =	strace $0x9000004D  }
0x21c: {  	s0 =	stileid.u32;
	[bflag:$0x2] =	sbarrier.arrive $0xFFFF  }
0x21d: {  	p0 =	sne.s32 s0, $0x0;
	s0 =	rddreg [dreg:$0x3]  }
0x21e: {  	s0 =	sadd.s32 @!p0 $0x100000, s0  }
0x21f: {  	[sflag:s0] =	ssyncadd.tile.s32 @!p0 $0x1;
	_ =	shalt  }
.Lfunc_end2:
_tile_overlayer_lowered:
.L_overlay_start_2:
0x220: {  	(tag) =	ssettag $0x2  }
0x221: {  	s0 =	rddreg [dreg:$0x0];
	s2 =	stileid.u32  }
0x222: {  	s1 =	rddreg [dreg:$0x1];
	p0 =	sne.s32 s2, $0x0  }
0x223: {  	s3 =	rddreg [dreg:$0x2];
	[bflag:$0x3] =	sbarrier.arrive $0xFFFF;
	s2 =	simm.s32 @!p0 $0x1C03  }
0x224: {  	[timem:s3], [sflag:s2] =	dma.local @!p0 [hbm:s0], s1  }
0x225: {  	s0 =	simm.s32 @!p0 $0x3  }
0x226: {  	_ =	swait.ge @!p0 [sflag:s0], s1  }
0x227: {  	s1 =	ssub.s32 @!p0 $0x0, s1;
	[sflag:s0] =	ssyncset.done @!p0 $0x0  }
0x228: {  	[sflag:s0] =	ssyncadd.s32 @!p0 s1  }
0x229: {  	[bflag:$0x3] =	sbarrier.arrive $0xFFFF  }
0x22a: {  	_ =	shalt  }

// kernel: kernel.8.cloned.1.call-start
scs
__scs_entry_jumppad:
0x0: {  	(pc) =	sbr.rel $0x88, $3  }
0x1: {  	(tag) =	ssettag $0x0;
	lr =	simm.s32 $0x1  }
0x2: {  	[smem:$0x3F93] =	sst lr;
	_ =	strace $0xD0000000  }
0x3: {  	_ = 	snop  }
0x4: {  	_ = 	snop  }
0x5: {  	_ = 	snop  }
0x6: {  	_ = 	snop  }
0x7: {  	_ = 	snop  }
__scs_overlays_trampoline_lowered:
0x8: {  	[smem:$0x3FA2] =	sst s0  }
0x9: {  	[smem:$0x3FA3] =	sst s1  }
0xa: {  	[smem:$0x3FA4] =	sst s2  }
0xb: {  	[smem:$0x3FA5] =	sst s3  }
0xc: {  	[smem:$0x3FA6] =	sst s4  }
0xd: {  	[smem:$0x3FA7] =	sst s5  }
0xe: {  	[smem:$0x3FA8] =	sst s6  }
0xf: {  	[smem:$0x3FA9] =	sst s7  }
0x10: {  	[smem:$0x3FAA] =	sst s8  }
0x11: {  	[smem:$0x3FAB] =	sst s9;
	s0 =	simm.s32 @!p0 $0x0  }
0x12: {  	s1 =	sld [smem:$0x3F91];
	s0 =	simm.s32 @p0 $0x1  }
0x13: {  	[smem:$0x3FAC] =	sst s0;
	s0 =	simm.s32 @!p1 $0x0  }
0x14: {  	s2 =	sld [smem:$0x3F90];
	s0 =	simm.s32 @p1 $0x1  }
0x15: {  	[smem:$0x3FAD] =	sst s0;
	s0 =	simm.s32 @!p2 $0x0  }
0x16: {  	s3 =	sld [smem:$0x3FDB];
	s0 =	simm.s32 @p2 $0x1  }
0x17: {  	s4 =	simm.s32 $0x1BF5;
	[smem:$0x3FAF] =	sst s0  }
0x18: {  	s0 =	sld [smem:$0x3F92];
	_ =	swait.ge [sflag:s4], $0x0  }
0x19: {  	s7 =	sld [smem:$0x3F93]  }
0x1a: {  	s8 =	sadd.s32 $0xFFFFE003, lr  }
0x1b: {  	s9 =	sadd.s32 $0xFFFFFEF7, lr;
	s5 =	simm.s32 $0xFFFFFFFF;
	p2 =	slt.u32 s8, $0xFFFFF086  }
0x1c: {  	p1 =	slt.u32 s9, $0xF7A;
	s5 =	simm.s32 @!p2 $0x0  }
0x1d: {  	s5 =	simm.s32 @p1 $0x1;
	p0 =	seq.s32 s7, s2  }
0x1e: {  	s7 =	smul.u32 @!p0 $0xF7A, s2;
	p2 =	seq.s32 @!p0 s5, $0x0  }
0x1f: {  	s9 =	smul.u32 $0xF7A, s1;
	s8 =	simm.s32 @!p0 $0x1BF5;
	p2 =	por !p2, p0  }
0x20: {  	[sflag:s8] =	ssyncset.s32 @!p0 $0xFFFFF086;
	s6 =	sadd.s32 @!p0 s3, s7;
	s7 =	simm.s32 @!p0 $0x108  }
0x21: {  	s3 =	sadd.s32 s3, s9;
	s6 =	sadd.s32 @!p0 $0x88, s6;
	s7 =	simm.s32 @p2 $0x1082  }
0x22: {  	[simem:s7], [sflag:s8] =	dma.local @!p0 [hbm:s6], $0xF7A  }
0x23: {  	s9 =	sor.u32 $0xD0000000, s2;
	s6 =	simm.s32 $0x108;
	_ =	swait.ge @!p0 [sflag:s8], $0x0  }
0x24: {  	s3 =	sadd.s32 $0x88, s3;
	s6 =	simm.s32 @!p1 $0x1082;
	[sflag:s4] =	ssyncset.s32 $0xFFFFF086  }
0x25: {  	[simem:s6], [sflag:s4] =	dma.local [hbm:s3], $0xF7A  }
0x26: {  	[smem:$0x3F93] =	sst s1;
	(tag) =	ssettag s2;
	_ =	strace s9  }
0x27: {  	s1 =	sld [smem:$0x3FA3]  }
0x28: {  	s2 =	sld [smem:$0x3FA4]  }
0x29: {  	s4 =	sld [smem:$0x3FA6]  }
0x2a: {  	p0 =	seq.s32 s5, $0x0;
	s5 =	sld [smem:$0x3FA7]  }
0x2b: {  	s6 =	sld [smem:$0x3FA8]  }
0x2c: {  	s7 =	sld [smem:$0x3FA9]  }
0x2d: {  	s3 =	simm.s32 $0x108;
	s8 =	sld [smem:$0x3FAA]  }
0x2e: {  	s3 =	simm.s32 @!p0 $0x1082;
	s9 =	sld [smem:$0x3FAB]  }
0x2f: {  	lr =	sadd.s32 s0, s3;
	s0 =	sld [smem:$0x3FA2]  }
0x30: {  	s3 =	sld [smem:$0x3FA5]  }
0x31: {  	[smem:$0x3FAE] =	sst s10  }
0x32: {  	s10 =	sld [smem:$0x3FAC];
	_ =	sdelay $0x3  }
0x33: {  	p0 =	seq.s32 s10, $0x1;
	s10 =	sld [smem:$0x3FAE];
	_ =	sdelay $0x3  }
0x34: {  	[smem:$0x3FAE] =	sst s10  }
0x35: {  	s10 =	sld [smem:$0x3FAD];
	_ =	sdelay $0x3  }
0x36: {  	p1 =	seq.s32 s10, $0x1;
	s10 =	sld [smem:$0x3FAE];
	_ =	sdelay $0x3  }
0x37: {  	[smem:$0x3FAE] =	sst s10  }
0x38: {  	s10 =	sld [smem:$0x3FAF]  }
0x39: {  	_ = 	snop;
	(pc) =	sbr.ind lr, $3  }
0x3a: {  	_ = 	snop  }
0x3b: {  	_ = 	snop  }
0x3c: {  	p2 =	seq.s32 s10, $0x1;
	s10 =	sld [smem:$0x3FAE]  }
0x3d: {  	_ =	shalt  }
0x3e: {  	_ =	shalt  }
0x3f: {  	_ =	shalt  }
0x40: {  	_ =	shalt  }
0x41: {  	_ =	shalt  }
0x42: {  	_ =	shalt  }
0x43: {  	_ =	shalt  }
0x44: {  	_ =	shalt  }
0x45: {  	_ =	shalt  }
0x46: {  	_ =	shalt  }
0x47: {  	_ =	shalt  }
0x48: {  	_ =	shalt  }
0x49: {  	_ =	shalt  }
0x4a: {  	_ =	shalt  }
0x4b: {  	_ =	shalt  }
0x4c: {  	_ =	shalt  }
0x4d: {  	_ =	shalt  }
0x4e: {  	_ =	shalt  }
0x4f: {  	_ =	shalt  }
0x50: {  	_ =	shalt  }
0x51: {  	_ =	shalt  }
0x52: {  	_ =	shalt  }
0x53: {  	_ =	shalt  }
0x54: {  	_ =	shalt  }
0x55: {  	_ =	shalt  }
0x56: {  	_ =	shalt  }
0x57: {  	_ =	shalt  }
0x58: {  	_ =	shalt  }
0x59: {  	_ =	shalt  }
0x5a: {  	_ =	shalt  }
0x5b: {  	_ =	shalt  }
0x5c: {  	_ =	shalt  }
0x5d: {  	_ =	shalt  }
0x5e: {  	_ =	shalt  }
0x5f: {  	_ =	shalt  }
0x60: {  	_ =	shalt  }
0x61: {  	_ =	shalt  }
0x62: {  	_ =	shalt  }
0x63: {  	_ =	shalt  }
0x64: {  	_ =	shalt  }
0x65: {  	_ =	shalt  }
0x66: {  	_ =	shalt  }
0x67: {  	_ =	shalt  }
0x68: {  	_ =	shalt  }
0x69: {  	_ =	shalt  }
0x6a: {  	_ =	shalt  }
0x6b: {  	_ =	shalt  }
0x6c: {  	_ =	shalt  }
0x6d: {  	_ =	shalt  }
0x6e: {  	_ =	shalt  }
0x6f: {  	_ =	shalt  }
0x70: {  	_ =	shalt  }
0x71: {  	_ =	shalt  }
0x72: {  	_ =	shalt  }
0x73: {  	_ =	shalt  }
0x74: {  	_ =	shalt  }
0x75: {  	_ =	shalt  }
0x76: {  	_ =	shalt  }
0x77: {  	_ =	shalt  }
0x78: {  	_ =	shalt  }
0x79: {  	_ =	shalt  }
0x7a: {  	_ =	shalt  }
0x7b: {  	_ =	shalt  }
0x7c: {  	_ =	shalt  }
0x7d: {  	_ =	shalt  }
0x7e: {  	_ =	shalt  }
0x7f: {  	_ =	shalt  }
0x80: {  	_ =	shalt  }
0x81: {  	_ =	shalt  }
0x82: {  	_ =	shalt  }
0x83: {  	_ =	shalt  }
0x84: {  	_ =	shalt  }
0x85: {  	_ =	shalt  }
0x86: {  	_ =	shalt  }
0x87: {  	_ =	shalt  }
.Lfunc_end0:
.L_simem_size_0:
called_computation_lowered:
.L_overlay_start_0:
0x88: {  	s2 =	sld [smem:$0x3FD9]  }
0x89: {  	s3 =	sld [smem:$0x3FFE];
	_ =	sdelay $0x1  }
0x8a: {  	s1 =	srdreg.scid  }
0x8b: {  	s0 =	sand.u32 $0x1, s1  }
0x8c: {  	s17 =	sshll.u32 s0, $0xA;
	s2 =	sadd.s32 s3, s2  }
0x8d: {  	s2 =	sadd.s32 s2, s17  }
0x8e: {  	[smem:$0x3FBA] =	sst s2  }
0x8f: {  	_ = 	snop  }
0x90: {  	(tm) =	ssettm $0x1  }
0x91: {  	s18 =	sld [smem:$0x3FFB];
	_ =	sdelay $0x3  }
0x92: {  	_ =	strace s18  }
0x93: {  	s2 =	sld [smem:$0x3FFC];
	_ =	sdelay $0x3  }
0x94: {  	_ =	strace s2  }
0x95: {  	s2 =	sld [smem:$0x3FFD];
	_ =	sdelay $0x3  }
0x96: {  	_ =	strace s2  }
0x97: {  	_ =	strace $0x8FFFFFFF  }
0x98: {  	s19 =	sld [smem:$0x3FDB];
	_ =	sdelay $0x1  }
0x99: {  	s20 =	simm.s32 $_scs_section_size  }
0x9a: {  	s4 =	simm.s32 $_size__tile_overlayer_lowered;
	s5 =	simm.s32 $_tile_overlayer_lowered  }
0x9b: {  	s6 =	simm.s32 $0x1BFF;
	s21 =	sshll.u32 s5, $0x1;
	s3 =	sadd.s32 s20, s19  }
0x9c: {  	s22 =	simm.s32 $0x0;
	s4 =	sshll.u32 s4, $0x1;
	s5 =	sadd.s32 s21, s3  }
0x9d: {  	[timem:s22], [sflag:s6] =	dma.local [hbm:s5], s4  }
0x9e: {  	_ =	swait.ge [sflag:s6], s4  }
0x9f: {  	s4 =	ssub.s32 $0x0, s4;
	[sflag:s6] =	ssyncset.done $0x0  }
0xa0: {  	[sflag:s6] =	ssyncadd.s32 s4;
	_ =	sdelay $0x1  }
0xa1: {  	s23 =	simm.s32 $0x1B8B  }
0xa2: {  	_ =	swait.ge [sflag:s23], $0x1  }
0xa3: {  	[sflag:s23] =	ssyncset.done $0x0  }
0xa4: {  	[sflag:s23] =	ssyncadd.s32 $0xFFFFFFFF  }
0xa5: {  	s4 =	sld [smem:$0x0]  }
0xa6: {  	s5 =	sand.u32 $0xFFFFFFFE, s1  }
0xa7: {  	p0 =	sne.s32 s1, s5  }
0xa8: {  	s5 =	sshll.u32 @p0 s5, $0xE  }
0xa9: {  	s5 =	sadd.s32 @p0 $0x11B8D, s5;
	s6 =	sshll.u32 @p0 s4, $0x11  }
0xaa: {  	s5 =	sor.u32 @p0 s6, s5  }
0xab: {  	[sflag:s5] =	ssyncadd.remote.s32 @p0 $0x1;
	_ =	sdelay $0x1  }
0xac: {  	s5 =	simm.s32 @p0 $0x1B8D  }
0xad: {  	_ =	swait.eq @p0 [sflag:s5], $0x1  }
0xae: {  	[sflag:s5] =	ssyncadd.s32 @p0 $0xFFFFFFFF  }
0xaf: {  	s6 =	sshll.u32 @!p0 s1, $0xE  }
0xb0: {  	s6 =	sor.u32 @!p0 $0x4000, s6;
	s5 =	simm.s32 @!p0 $0x1B8D  }
0xb1: {  	s4 =	sshll.u32 @!p0 s4, $0x11;
	s6 =	sadd.s32 @!p0 $0x11B8D, s6;
	_ =	swait.eq @!p0 [sflag:s5], $0x1  }
0xb2: {  	s4 =	sor.u32 @!p0 s4, s6;
	[sflag:s5] =	ssyncadd.s32 @!p0 $0xFFFFFFFF  }
0xb3: {  	s25 =	simm.s32 $0x1B8E;
	s24 =	sld [smem:$0x3FFE];
	[sflag:s4] =	ssyncadd.remote.s32 @!p0 $0x1  }
0xb4: {  	s26 =	simm.s32 $execute0_lowered;
	[smem:$0x3FD2] =	sst s25  }
0xb5: {  	s5 =	sshll.u32 s26, $0x1;
	_ =	strace $0x80000049;
	[dreg:$0x1] =	wrdreg $0xFFFFFFFF  }
0xb6: {  	s28 =	simm.s32 $_size_execute0_lowered;
	s3 =	sadd.s32 s3, s5;
	[dreg:$0x0] =	wrdreg $0x0  }
0xb7: {  	s5 =	sshll.u32 s28, $0x1;
	[dreg:$0x2] =	wrdreg s3  }
0xb8: {  	[dreg:$0x3] =	wrdreg s5  }
0xb9: {  	[dreg:$0x4] =	wrdreg $0xC0  }
0xba: {  	_ =	task [dreg:s22], $0x5FFFF  }
0xbb: {  	[dreg:$0x1] =	wrdreg $0xFFFFFFFF  }
0xbc: {  	[dreg:$0x0] =	wrdreg $0x60  }
0xbd: {  	[dreg:$0x2] =	wrdreg s24  }
0xbe: {  	[dreg:$0x3] =	wrdreg $0xA8000  }
0xbf: {  	[dreg:$0x4] =	wrdreg $0x9  }
0xc0: {  	_ =	task.clear_ibuf [dreg:s22], $0x5FFFF;
	_ =	strace $0x90000049  }
0xc1: {  	s29 =	simm.s32 $0x9;
	_ =	strace $0x8000004B  }
0xc2: {  	_ =	swait.ge [sflag:s29], $0x1  }
0xc3: {  	[sflag:s29] =	ssyncadd.s32 $0xFFFFFFFF  }
0xc4: {  	_ =	strace $0x9000004B  }
0xc5: {  	_ =	sfence  }
0xc6: {  	s30 =	sld [smem:$0x0];
	_ =	sdelay $0x2  }
0xc7: {  	s31 =	sshll.u32 s1, $0xD;
	s1 =	sshrl.u32 s1, $0x2  }
0xc8: {  	s4 =	sand.u32 $0x4000, s31;
	s1 =	sadd.s32 s1, s30  }
0xc9: {  	s0 =	sor.u32 s4, s0;
	s1 =	sshll.u32 s1, $0x11  }
0xca: {  	s0 =	sor.u32 s1, s0  }
0xcb: {  	s0 =	sadd.s32 $0x8F2B, s0  }
0xcc: {  	[sflag:s0] =	ssyncadd.remote.s32 $0x1  }
0xcd: {  	_ =	sfence.sel $0xFFFF  }
0xce: {  	[dreg:$0x0] =	wrdreg $0xFFFFFFFF;
	(pc) =	sbr.abs _section_cstart, $3  }
0xcf: {  	[dreg:$0x1] =	wrdreg $0xFFFFFFFF  }
0xd0: {  	_ =	task.clear_ibuf [dreg:s22], $0x2FFFF;
	_ =	strace $0x9FFFFFFF  }
0xd1: {  	(tm) =	ssettm $0x7FFFFFFF  }
tec
execute0_lowered:
.L_overlay_start_1:
0x0: {  	(tag) =	ssettag $0x1  }
0x1: {  	s1 =	srdreg.scid;
	s4 =	rddreg [dreg:$0x0]  }
0x2: {  	s0 =	stileid.u32;
	s2 =	rddreg [dreg:$0x1];
	s3 =	simm.s32 $0x0  }
0x3: {  	s19 =	simm.s32 $0x2800;
	s20 =	simm.s32 $0x1;
	s21 =	simm.s32 $0x0  }
0x4: {  	s6 =	sand.u32 $0x1, s1;
	s1 =	rddreg [dreg:$0x2];
	s7 =	smul.u32 $0x4F000, s0  }
0x5: {  	s28 =	sshll.u32 s0, $0x1;
	[smem:$0x7FF] =	sst s3;
	s9 =	smul.u32 $0x13C00, s0  }
0x6: {  	s14 =	sadd.s32 $0x83200, s4;
	s5 =	sor.u32 s6, s28;
	s16 =	smul.u32 $0x13C000, s6  }
0x7: {  	_ =	strace $0x8000004A;
	s29 =	ssub.s32 $0x2, s6;
	s5 =	smul.u32 $0x500, s5  }
0x8: {  	s30 =	sshrl.u32 s29, $0x1;
	s7 =	sshrl.u32 s7, $0x2;
	s11 =	sadd.s32 $0x4000, s9  }
0x9: {  	s12 =	sadd.s32 $0x8000, s9;
	s13 =	sadd.s32 $0xC000, s9;
	s17 =	sadd.s32 $0x10000, s9  }
0xa: {  	s15 =	ssub.s32 s29, s30;
	s6 =	sadd.s32 s12, s2;
	s8 =	sadd.s32 s17, s2  }
0xb: {  	s18 =	sadd.s32 s9, s16;
	s12 =	sadd.s32 s16, s12;
	s10 =	sadd.s32 s5, s4  }
0xc: {  	s4 =	sadd.s32 s7, s2;
	s5 =	sadd.s32 s11, s2;
	s7 =	sadd.s32 s13, s2  }
0xd: {  	s11 =	sadd.s32 s16, s11;
	s31 =	sshrl.u32 s18, $0x3;
	s12 =	sshrl.u32 s12, $0x3  }
0xe: {  	s13 =	sadd.s32 s16, s13;
	s16 =	sadd.s32 s16, s17;
	s15 =	smax.u32 s15, $0x1  }
0xf: {  	s17 =	simm.s32 $0x2;
	s18 =	simm.s32 $0x80;
	s9 =	sadd.s32 $0x2A200, s10  }
0x10: {  	s11 =	sshrl.u32 s11, $0x3;
	s10 =	sadd.s32 s14, s31;
	s12 =	sadd.s32 s14, s12  }
0x11: {  	s13 =	sshrl.u32 s13, $0x3;
	s16 =	sshrl.u32 s16, $0x3;
	s11 =	sadd.s32 s14, s11  }
0x12: {  	v0 =	vimm.f32 $0.0e+00;
	v1 =	vimm.f32 $1.000000000e+00;
	s13 =	sadd.s32 s14, s13;
	s14 =	sadd.s32 s14, s16;
	s16 =	simm.s32 $0x6800  }
.LBB2_1:
0x13: {  	s22 =	simm.s32 $0x0  }
.LBB2_2:
0x14: {  	p0 =	sne.s32 s22, $0xFE00  }
.Ltmp0:
0x15: {  	_ = 	snop;
	(pc) =	sbr.rel @p0 .LBB2_2-.Ltmp0, $3  }
0x16: {  	_ =	sdelay $0x1  }
0x17: {  	s23 =	sshra.s32 s22, $0x2  }
0x18: {  	s22 =	sadd.s32 $0x200, s22;
	[tilespmem:s23+$0x6800] =	vst v0  }
0x19: {  	s22 =	simm.s32 $0x200;
	s23 =	simm.s32 $0x0  }
.LBB2_4:
0x1a: {  	p0 =	sne.s32 s22, $0xFE00;
	[tilespmem:s23+$0x2800] =	vst v1;
	s23 =	smov.u32 s22;
	s22 =	sadd.s32 $0x200, s22  }
.Ltmp1:
0x1b: {  	(pc) =	sbr.rel @p0 .LBB2_4-.Ltmp1, $2  }
0x1c: {  	_ =	sdelay $0x2  }
0x1d: {  	s23 =	sshra.s32 s23, $0x2  }
0x1e: {  	[tilespmem:s23+$0x2800] =	vst v1  }
0x1f: {  	[spmem:s4] =	stream.linear.scatter [tilespmem:s16], [sflag:$0x2], $0x4000, $0x38;
	[tilespmem:$0xCF80] =	vst v63  }
0x20: {  	_ =	swait.ge [sflag:s17], $0x4000  }
0x21: {  	[sflag:s17] =	ssyncset.done $0x0  }
0x22: {  	[sflag:s17] =	ssyncadd.s32 $0xFFFFC000  }
0x23: {  	[spmem:s5] =	stream.linear.scatter [tilespmem:s16], [sflag:$0x2], $0x4000, $0x38;
	[tilespmem:$0xCF80] =	vst v63  }
0x24: {  	_ =	swait.ge [sflag:s17], $0x4000  }
0x25: {  	[sflag:s17] =	ssyncset.done $0x0  }
0x26: {  	[sflag:s17] =	ssyncadd.s32 $0xFFFFC000  }
0x27: {  	[spmem:s6] =	stream.linear.scatter [tilespmem:s16], [sflag:$0x2], $0x4000, $0x38;
	[tilespmem:$0xCF80] =	vst v63  }
0x28: {  	_ =	swait.ge [sflag:s17], $0x4000  }
0x29: {  	[sflag:s17] =	ssyncset.done $0x0  }
0x2a: {  	[sflag:s17] =	ssyncadd.s32 $0xFFFFC000  }
0x2b: {  	[spmem:s7] =	stream.linear.scatter [tilespmem:s16], [sflag:$0x2], $0x4000, $0x38;
	[tilespmem:$0xCF80] =	vst v63  }
0x2c: {  	_ =	swait.ge [sflag:s17], $0x4000  }
0x2d: {  	[sflag:s17] =	ssyncset.done $0x0  }
0x2e: {  	[sflag:s17] =	ssyncadd.s32 $0xFFFFC000  }
0x2f: {  	[spmem:s8] =	stream.linear.scatter [tilespmem:s16], [sflag:$0x2], $0x3C00, $0x38;
	[tilespmem:$0xCF80] =	vst v63  }
0x30: {  	_ =	swait.ge [sflag:s17], $0x3C00  }
0x31: {  	[sflag:s17] =	ssyncset.done $0x0  }
0x32: {  	[sflag:s17] =	ssyncadd.s32 $0xFFFFC400  }
0x33: {  	s22 =	simm.s32 $0x0;
	[bflag:$0x0] =	sbarrier.arrive $0xFFFF  }
0x34: {  	[tilespmem:s22], [sflag:$0x2] =	stream.linear.gather [hbm4b:s9+s22], $0x2800, $0x38;
	[tilespmem:$0xCF80] =	vst v63  }
0x35: {  	_ =	swait.ge [sflag:s17], $0x2800  }
0x36: {  	[sflag:s17] =	ssyncset.done $0x0  }
0x37: {  	[sflag:s17] =	ssyncadd.s32 $0xFFFFD800  }
.LBB2_6:
0x38: {  	p0 =	sne.s32 s22, $0x9E00  }
.Ltmp2:
0x39: {  	_ = 	snop;
	(pc) =	sbr.rel @p0 .LBB2_6-.Ltmp2, $3  }
0x3a: {  	_ =	sdelay $0x1  }
0x3b: {  	s23 =	sshra.s32 s22, $0x2;
	s22 =	sadd.s32 $0x200, s22  }
0x3c: {  	[spmem:s2] =	stream.indirect.scatter.add.f32 [tilespmem:s19], [sflag:$0x1], $0x10, s23, s18, $0xb8;
	[tilespmem:$0xCF80] =	vst v63  }
0x3d: {  	_ =	swait.ge [sflag:s20], $0x800  }
0x3e: {  	s22 =	simm.s32 $0x4F;
	[sflag:s20] =	ssyncset.done $0x0  }
.LBB2_8:
0x3f: {  	p0 =	sne.s32 s22, $0x1;
	s22 =	sadd.s32 $0xFFFFFFFF, s22;
	[sflag:s20] =	ssyncadd.s32 $0xFFFFF800  }
.Ltmp3:
0x40: {  	(pc) =	sbr.rel @p0 .LBB2_8-.Ltmp3, $3  }
0x41: {  	_ =	sdelay $0x1  }
0x42: {  	_ =	swait.ge [sflag:s20], $0x800  }
0x43: {  	[sflag:s20] =	ssyncset.done $0x0  }
0x44: {  	[sflag:s20] =	ssyncadd.s32 $0xFFFFF800  }
0x45: {  	[bflag:$0x0] =	sbarrier.arrive $0xFFFF  }
0x46: {  	[tilespmem:s16], [sflag:$0x2] =	stream.linear.gather [spmem:s4], $0x4000, $0x38;
	[tilespmem:$0xCF80] =	vst v63  }
0x47: {  	_ =	swait.ge [sflag:s17], $0x4000  }
0x48: {  	[sflag:s17] =	ssyncset.done $0x0  }
0x49: {  	[sflag:s17] =	ssyncadd.s32 $0xFFFFC000  }
0x4a: {  	[hbm4b:s10+s3] =	stream.linear.scatter [tilespmem:s16], [sflag:$0x2], $0x4000, $0x38;
	[tilespmem:$0xCF80] =	vst v63  }
0x4b: {  	_ =	swait.ge [sflag:s17], $0x4000  }
0x4c: {  	[sflag:s17] =	ssyncset.done $0x0  }
0x4d: {  	[sflag:s17] =	ssyncadd.s32 $0xFFFFC000  }
0x4e: {  	[tilespmem:s16], [sflag:$0x2] =	stream.linear.gather [spmem:s5], $0x4000, $0x38;
	[tilespmem:$0xCF80] =	vst v63  }
0x4f: {  	_ =	swait.ge [sflag:s17], $0x4000  }
0x50: {  	[sflag:s17] =	ssyncset.done $0x0  }
0x51: {  	[sflag:s17] =	ssyncadd.s32 $0xFFFFC000  }
0x52: {  	[hbm4b:s11+s3] =	stream.linear.scatter [tilespmem:s16], [sflag:$0x2], $0x4000, $0x38;
	[tilespmem:$0xCF80] =	vst v63  }
0x53: {  	_ =	swait.ge [sflag:s17], $0x4000  }
0x54: {  	[sflag:s17] =	ssyncset.done $0x0  }
0x55: {  	[sflag:s17] =	ssyncadd.s32 $0xFFFFC000  }
0x56: {  	[tilespmem:s16], [sflag:$0x2] =	stream.linear.gather [spmem:s6], $0x4000, $0x38;
	[tilespmem:$0xCF80] =	vst v63  }
0x57: {  	_ =	swait.ge [sflag:s17], $0x4000  }
0x58: {  	[sflag:s17] =	ssyncset.done $0x0  }
0x59: {  	[sflag:s17] =	ssyncadd.s32 $0xFFFFC000  }
0x5a: {  	[hbm4b:s12+s3] =	stream.linear.scatter [tilespmem:s16], [sflag:$0x2], $0x4000, $0x38;
	[tilespmem:$0xCF80] =	vst v63  }
0x5b: {  	_ =	swait.ge [sflag:s17], $0x4000  }
0x5c: {  	[sflag:s17] =	ssyncset.done $0x0  }
0x5d: {  	[sflag:s17] =	ssyncadd.s32 $0xFFFFC000  }
0x5e: {  	[tilespmem:s16], [sflag:$0x2] =	stream.linear.gather [spmem:s7], $0x4000, $0x38;
	[tilespmem:$0xCF80] =	vst v63  }
0x5f: {  	_ =	swait.ge [sflag:s17], $0x4000  }
0x60: {  	[sflag:s17] =	ssyncset.done $0x0  }
0x61: {  	[sflag:s17] =	ssyncadd.s32 $0xFFFFC000  }
0x62: {  	[hbm4b:s13+s3] =	stream.linear.scatter [tilespmem:s16], [sflag:$0x2], $0x4000, $0x38;
	[tilespmem:$0xCF80] =	vst v63  }
0x63: {  	_ =	swait.ge [sflag:s17], $0x4000  }
0x64: {  	[sflag:s17] =	ssyncset.done $0x0  }
0x65: {  	[sflag:s17] =	ssyncadd.s32 $0xFFFFC000  }
0x66: {  	[tilespmem:s16], [sflag:$0x2] =	stream.linear.gather [spmem:s8], $0x3C00, $0x38;
	[tilespmem:$0xCF80] =	vst v63  }
0x67: {  	s21 =	sadd.s32 $0x1, s21;
	_ =	swait.ge [sflag:s17], $0x3C00  }
0x68: {  	p0 =	sne.s32 s21, s15;
	[sflag:s17] =	ssyncset.done $0x0  }
.Ltmp4:
0x69: {  	[sflag:s17] =	ssyncadd.s32 $0xFFFFC400;
	(pc) =	sbr.rel @p0 .LBB2_1-.Ltmp4, $4  }
0x6a: {  	[hbm4b:s14+s3] =	stream.linear.scatter [tilespmem:s16], [sflag:$0x2], $0x3C00, $0x38;
	[tilespmem:$0xCF80] =	vst v63  }
0x6b: {  	_ =	swait.ge [sflag:s17], $0x3C00  }
0x6c: {  	[sflag:s17] =	ssyncset.done $0x0  }
0x6d: {  	[sflag:s17] =	ssyncadd.s32 $0xFFFFC400  }
0x6e: {  	_ =	sfence.sel $0x180000  }
0x6f: {  	[bflag:$0x0] =	sbarrier.arrive $0xFFFF  }
0x70: {  	p0 =	sne.s32 s0, $0x0;
	_ =	strace $0x9000004A  }
0x71: {  	s0 =	sadd.s32 @!p0 $0x100000, s1;
	[bflag:$0x2] =	sbarrier.arrive $0xFFFF  }
0x72: {  	[sflag:s0] =	ssyncadd.tile.s32 @!p0 $0x1;
	_ =	shalt  }
.Lfunc_end2:
_tile_overlayer_lowered:
.L_overlay_start_2:
0x73: {  	(tag) =	ssettag $0x2  }
0x74: {  	s0 =	rddreg [dreg:$0x0];
	s2 =	stileid.u32  }
0x75: {  	s1 =	rddreg [dreg:$0x1];
	p0 =	sne.s32 s2, $0x0  }
0x76: {  	s3 =	rddreg [dreg:$0x2];
	[bflag:$0x3] =	sbarrier.arrive $0xFFFF;
	s2 =	simm.s32 @!p0 $0x1C02  }
0x77: {  	[timem:s3], [sflag:s2] =	dma.local @!p0 [hbm:s0], s1  }
0x78: {  	s0 =	simm.s32 @!p0 $0x2  }
0x79: {  	_ =	swait.ge @!p0 [sflag:s0], s1  }
0x7a: {  	s1 =	ssub.s32 @!p0 $0x0, s1;
	[sflag:s0] =	ssyncset.done @!p0 $0x0  }
0x7b: {  	[sflag:s0] =	ssyncadd.s32 @!p0 s1  }
0x7c: {  	[bflag:$0x3] =	sbarrier.arrive $0xFFFF  }
0x7d: {  	_ =	shalt  }

</sc_bundles>
